<compile_context>
chip_gen: v7x
topology: tpu7x:2x2x1
jax: 0.10.2.dev20260603
libtpu: 0.0.44.dev20260713+nightly
codegen_flags: <defaults>
</compile_context>

<pallas_src>
import functools

import jax
import jax.numpy as jnp
from jax import lax
from jax.experimental import pallas as pl
from jax.experimental.pallas import tpu as pltpu
from jax.experimental.pallas import tpu_sc as plsc

_TEMP = 0.05
_K = 6
_NEG = -1e30
_POS = 1e30
_IMAX = 2**31 - 1



def _extract_max(vals, idxs, k):
    outv, outi = [], []
    v = vals
    for _ in range(k):
        mx = jnp.max(v, axis=1, keepdims=True)
        cand = jnp.where(v == mx, idxs, _IMAX)
        amin = jnp.min(cand, axis=1, keepdims=True)
        outv.append(mx)
        outi.append(amin)
        v = jnp.where(cand == amin, _NEG, v)
    return jnp.concatenate(outv, axis=1), jnp.concatenate(outi, axis=1)


def _main_body(x_ref, im_ref, s_out, v6_out, i6_out,
               s_s, a1_s, i1_s, *, nsteps, tile, C, B, k):
    i = pl.program_id(0)

    @pl.when(i == 0)
    def _init():
        slot = jax.lax.broadcasted_iota(jnp.int32, (B, tile), 1)
        s_s[...] = jnp.zeros((B, 1), jnp.float32)
        a1_s[...] = jnp.full((B, tile), _NEG, jnp.float32)
        i1_s[...] = -(slot + 1)

    x = x_ref[...]
    xn = x * (jax.lax.rsqrt(jnp.sum(x * x, axis=1, keepdims=True)) / _TEMP)
    logits = jax.lax.dot_general(
        xn, im_ref[...], (((1,), (1,)), ((), ())),
        preferred_element_type=jnp.float32)
    cols = jax.lax.broadcasted_iota(jnp.int32, (B, tile), 1) + i * tile
    logits = jnp.where(cols < C, logits, _NEG)

    s_s[...] += jnp.sum(jnp.exp(logits), axis=1, keepdims=True)

    a1 = a1_s[...]
    c1 = logits > a1
    a1_s[...] = jnp.where(c1, logits, a1)
    i1_s[...] = jnp.where(c1, cols, i1_s[...])

    @pl.when(i == nsteps - 1)
    def _fin():
        v6, i6 = _extract_max(a1_s[...], i1_s[...], k)
        s_out[...] = s_s[...]
        v6_out[...] = jnp.concatenate(
            [v6, jnp.zeros((B, 8 - k), jnp.float32)], axis=1)
        i6_out[...] = jnp.concatenate(
            [i6, jnp.full((B, 8 - k), -1, jnp.int32)], axis=1)


def _tc_main(x, im):
    B, F = x.shape
    C = im.shape[0]
    tile = 2048
    nsteps = (C + tile - 1) // tile
    body = functools.partial(_main_body, nsteps=nsteps, tile=tile,
                             C=C, B=B, k=_K)
    f32, i32 = jnp.float32, jnp.int32
    return pl.pallas_call(
        body,
        grid=(nsteps,),
        in_specs=[
            pl.BlockSpec((B, F), lambda i: (0, 0)),
            pl.BlockSpec((tile, F), lambda i: (i, 0)),
        ],
        out_specs=[
            pl.BlockSpec((B, 1), lambda i: (0, 0)),
            pl.BlockSpec((B, 8), lambda i: (0, 0)),
            pl.BlockSpec((B, 8), lambda i: (0, 0)),
        ],
        out_shape=[
            jax.ShapeDtypeStruct((B, 1), f32),
            jax.ShapeDtypeStruct((B, 8), f32),
            jax.ShapeDtypeStruct((B, 8), i32),
        ],
        scratch_shapes=[
            pltpu.VMEM((B, 1), f32),
            pltpu.VMEM((B, tile), f32),
            pltpu.VMEM((B, tile), i32),
        ],
    )(x, im)



def _sc_body(dist_hbm, tail_hbm, t_hbm, im_hbm, out_hbm,
             buf0, buf1, tail_v, rows_v, t_v, accv, acci,
             sem0, sem1, semg, *, B, C, rpw, nc, k, phases):
    wid = lax.axis_index("s") * nc + lax.axis_index("c")
    base = wid * rpw
    pltpu.sync_copy(t_hbm.at[pl.ds(base * 1, rpw)], t_v)
    t_vec = t_v[...]
    lanes = jax.lax.broadcasted_iota(jnp.int32, (16,), 0)
    cw = 1408
    nt = cw // 128
    nch = (C // 128 * 128) // cw
    tailw = C - nch * cw
    nblk = rpw // 8

    def proc_chunk(buf, rowblk, c):
        def row_fold(rr, _):
            ab = ((rowblk * 8 + rr) * phases) * 16
            a = [accv[pl.ds(ab + u * 16, 16)] for u in range(phases)]
            a += [acci[pl.ds(ab + u * 16, 16)] for u in range(phases)]

            def t_fold(tt, cr):
                al = list(cr)
                ids0 = lanes + (c * cw + tt * 128)
                for u in range(8):
                    v = buf[rr, pl.ds(tt * 128 + u * 16, 16)]
                    ids = ids0 + (u * 16) if u else ids0
                    uu = u % phases
                    cnd = v < al[uu]
                    al[uu] = jnp.where(cnd, v, al[uu])
                    al[phases + uu] = jnp.where(cnd, ids, al[phases + uu])
                return tuple(al)

            a = list(lax.fori_loop(0, nt, t_fold, tuple(a)))
            for u in range(phases):
                accv[pl.ds(ab + u * 16, 16)] = a[u]
                acci[pl.ds(ab + u * 16, 16)] = a[phases + u]
            return 0

        lax.fori_loop(0, 8, row_fold, 0)

    for blk in range(nblk):
        rowblk = blk
        rb = base + blk * 8

        def init_row(rr, _):
            ab = ((rowblk * 8 + rr) * phases) * 16
            for u in range(phases):
                accv[pl.ds(ab + u * 16, 16)] = jnp.full((16,), _POS,
                                                        jnp.float32)
                acci[pl.ds(ab + u * 16, 16)] = jnp.full((16,), -1, jnp.int32)
            return 0
        lax.fori_loop(0, 8, init_row, 0)

        pltpu.async_copy(dist_hbm.at[pl.ds(rb, 8), pl.ds(0, cw)], buf0, sem0)

        def pair_body(j, _):
            c0 = 2 * j
            pltpu.async_copy(
                dist_hbm.at[pl.ds(rb, 8), pl.ds((c0 + 1) * cw, cw)],
                buf1, sem1)
            pltpu.make_async_copy(dist_hbm.at[pl.ds(0, 8), pl.ds(0, cw)],
                                  buf0, sem0).wait()
            proc_chunk(buf0, rowblk, c0)
            nxt = jnp.minimum((c0 + 2) * cw, (nch - 1) * cw)
            pltpu.async_copy(dist_hbm.at[pl.ds(rb, 8), pl.ds(nxt, cw)],
                             buf0, sem0)
            pltpu.make_async_copy(dist_hbm.at[pl.ds(0, 8), pl.ds(0, cw)],
                                  buf1, sem1).wait()
            proc_chunk(buf1, rowblk, c0 + 1)
            return 0

        lax.fori_loop(0, nch // 2, pair_body, 0)
        pltpu.make_async_copy(dist_hbm.at[pl.ds(0, 8), pl.ds(0, cw)],
                              buf0, sem0).wait()
        proc_chunk(buf0, rowblk, nch - 1)

        pltpu.sync_copy(tail_hbm.at[pl.ds(rb * tailw, 8 * tailw)], tail_v)

        def tail_fold(rr, _):
            ab = ((rowblk * 8 + rr) * phases) * 16
            a = [accv[pl.ds(ab + u * 16, 16)] for u in range(phases)]
            a += [acci[pl.ds(ab + u * 16, 16)] for u in range(phases)]
            for u in range(tailw // 16):
                v = tail_v[pl.ds(rr * tailw + u * 16, 16)]
                ids = lanes + (nch * cw + u * 16)
                uu = u % phases
                cnd = v < a[uu]
                a[uu] = jnp.where(cnd, v, a[uu])
                a[phases + uu] = jnp.where(cnd, ids, a[phases + uu])
            for u in range(phases):
                accv[pl.ds(ab + u * 16, 16)] = a[u]
                acci[pl.ds(ab + u * 16, 16)] = a[phases + u]
            return 0

        lax.fori_loop(0, 8, tail_fold, 0)

    def fin_row(r, _carry):
        grow = base + r
        ab = (r * phases) * 16
        ms = [accv[pl.ds(ab + u * 16, 16)] for u in range(phases)]
        js = [acci[pl.ds(ab + u * 16, 16)] for u in range(phases)]

        t_r = jnp.max(jnp.where(lanes == r, t_vec, 0))
        gvec = jnp.zeros((16,), jnp.int32) + t_r
        for kk in range(k):
            vmin = ms[0]
            for l in range(1, phases):
                vmin = jnp.minimum(vmin, ms[l])
            gmin = jnp.min(vmin)
            cmin = jnp.where(ms[0] == gmin, js[0], _IMAX)
            for l in range(1, phases):
                cmin = jnp.minimum(cmin,
                                   jnp.where(ms[l] == gmin, js[l], _IMAX))
            gidx = jnp.min(cmin)
            for l in range(phases):
                hit = (ms[l] == gmin) & (js[l] == gidx)
                ms[l] = jnp.where(hit, _POS, ms[l])
            gvec = jnp.where(lanes == (kk + 1), gidx, gvec)

        pltpu.async_copy(im_hbm.at[gvec], rows_v, semg).wait()
        pltpu.sync_copy(rows_v.at[pl.ds(0, 8)], out_hbm.at[grow])
        return 0

    lax.fori_loop(0, rpw, fin_row, 0)


def _sc_dist_gather(dist, t, im):
    B, C = dist.shape
    F = im.shape[1]
    info = plsc.get_sparse_core_info()
    nc, ns = info.num_cores, info.num_subcores
    nw = nc * ns
    rpw = B // nw
    phases = 8
    cw = 1408
    tailw = C - (C // 128 * 128) // cw * cw
    nblk = rpw // 8
    tail = dist[:, C - tailw:].reshape(-1)
    mesh = plsc.VectorSubcoreMesh(core_axis_name="c", subcore_axis_name="s")
    body = functools.partial(_sc_body, B=B, C=C, rpw=rpw,
                             nc=nc, k=_K, phases=phases)
    run = pl.kernel(
        body,
        out_type=jax.ShapeDtypeStruct((B, 8, F), jnp.float32),
        mesh=mesh,
        scratch_types=[
            pltpu.VMEM((8, cw), jnp.float32),
            pltpu.VMEM((8, cw), jnp.float32),
            pltpu.VMEM((8 * tailw,), jnp.float32),
            pltpu.VMEM((16, F), jnp.float32),
            pltpu.VMEM((rpw,), jnp.int32),
            pltpu.VMEM((rpw * phases * 16,), jnp.float32),
            pltpu.VMEM((rpw * phases * 16,), jnp.int32),
            pltpu.SemaphoreType.DMA,
            pltpu.SemaphoreType.DMA,
            pltpu.SemaphoreType.DMA,
        ],
        compiler_params=pltpu.CompilerParams(use_tc_tiling_on_sc=True,
                                             needs_layout_passes=False),
    )
    return run(dist, tail, t, im)



def _epi_body(x_ref, t_ref, s_ref, v6_ref, i6_ref, g_ref,
              out_lvl, out_sm, out_base, *, B, F, k):
    x = x_ref[...]
    scale = jax.lax.rsqrt(jnp.sum(x * x, axis=1, keepdims=True)) / _TEMP
    g = g_ref[...]
    dots = [jnp.sum(x * g[:, j * F:(j + 1) * F], axis=1, keepdims=True)
            for j in range(k + 1)]
    gt = dots[0] * scale
    r6 = sum(dots[1:]) * scale
    lse = jnp.log(s_ref[...])
    t = t_ref[...]
    in6 = jnp.sum(jnp.where(i6_ref[...] == t, 1.0, 0.0),
                  axis=1, keepdims=True)
    s6 = jnp.sum(v6_ref[...], axis=1, keepdims=True)
    inv_k = 1.0 / k
    dot_sm = (s6 - in6 * gt) * inv_k + gt
    w_sm = 2.0 - in6 * inv_k
    dot_lvl = dot_sm + r6 * inv_k
    w_lvl = 3.0 - in6 * inv_k
    out_lvl[...] = jnp.mean(w_lvl * lse - dot_lvl, axis=0, keepdims=True)
    out_sm[...] = jnp.mean(w_sm * lse - dot_sm, axis=0, keepdims=True)
    out_base[...] = jnp.mean(lse - gt, axis=0, keepdims=True)


def _epilogue(x, t, s, v6, i6, g):
    B, F = x.shape
    body = functools.partial(_epi_body, B=B, F=F, k=_K)
    f32 = jnp.float32
    return pl.pallas_call(
        body,
        grid=(1,),
        in_specs=[
            pl.BlockSpec((B, F), lambda i: (0, 0)),
            pl.BlockSpec((B, 1), lambda i: (0, 0)),
            pl.BlockSpec((B, 1), lambda i: (0, 0)),
            pl.BlockSpec((B, 8), lambda i: (0, 0)),
            pl.BlockSpec((B, 8), lambda i: (0, 0)),
            pl.BlockSpec((B, 8 * F), lambda i: (0, 0)),
        ],
        out_specs=[pl.BlockSpec((1, 1), lambda i: (0, 0))] * 3,
        out_shape=[jax.ShapeDtypeStruct((1, 1), f32)] * 3,
    )(x, t, s, v6, i6, g)


def kernel(inputs, targets, dist, epoch, im):
    B = inputs.shape[0] // 2
    F = inputs.shape[1]
    x = inputs[B:]
    t32 = targets[B:].astype(jnp.int32)
    s, v6, i6 = _tc_main(x, im)
    g = _sc_dist_gather(dist, t32, im)
    l_lvl, l_sm, l_base = _epilogue(x, t32.reshape(B, 1), s, v6, i6,
                                    g.reshape(B, 8 * F))
    loss = jnp.where(epoch > 49, l_lvl[0, 0],
                     jnp.where(epoch > 1, l_sm[0, 0], l_base[0, 0]))
    return loss

# --- scband reference (transcript-rebuilt; emitter-appended) ---
"""Pipeline reference for scband-instance-memory-loss-82721070121636 (READ-ONLY COPY).

The authoritative reference and input builder live on the scoring server;
editing this copy changes nothing except your own understanding.
"""

import jax, jax.numpy as jnp
import numpy as np

TEMP = 0.05
KNN = 6


def setup_inputs(seed: int = 0) -> dict:
    key = jax.random.key(seed)
    k1, k2, k3, k4 = jax.random.split(key, 4)
    inputs = jax.random.normal(k1, (1024, 128), dtype=jnp.float32)
    targets = jax.random.randint(k2, (1024,), 0, 100000, dtype=jnp.int64 if jax.config.jax_enable_x64 else jnp.int32).astype(jnp.int32)
    dist = jax.random.uniform(k3, (512, 100000), dtype=jnp.float32)
    im = jax.random.normal(k4, (100000, 128), dtype=jnp.float32)
    im = im / jnp.linalg.norm(im, axis=1, keepdims=True)
    return {"inputs": inputs, "targets": targets, "dist": dist, "epoch": 60, "im": im}


def _smooth_hot_with_levels(logits, targets, dist, k):
    B, C = logits.shape
    rows = jnp.arange(B)
    # torch: sort descending, take top-k columns, scatter softmax(ones)=1/k weights
    _, idx_top = jax.lax.top_k(logits, k)
    w = jnp.full((B, k), 1.0 / k, dtype=logits.dtype)
    onehot = jnp.zeros((B, C), dtype=logits.dtype)
    onehot = onehot.at[rows[:, None], idx_top].set(w)
    onehot = onehot.at[rows, targets].set(1.0)
    # rerank: sort dist ascending, take first k
    _, idx_rr = jax.lax.top_k(-dist, k)
    onehot_rr = jnp.zeros((B, C), dtype=logits.dtype)
    onehot_rr = onehot_rr.at[rows[:, None], idx_rr].set(1.0 / k)
    return onehot + onehot_rr


def _smooth_hot(logits, targets, k):
    B, C = logits.shape
    rows = jnp.arange(B)
    _, idx_top = jax.lax.top_k(logits, k)
    w = jnp.full((B, k), 1.0 / k, dtype=logits.dtype)
    onehot = jnp.zeros((B, C), dtype=logits.dtype)
    onehot = onehot.at[rows[:, None], idx_top].set(w)
    onehot = onehot.at[rows, targets].set(1.0)
    return onehot


def reference(inputs, targets, dist, epoch, im):
    # InstanceMemoryLoss.forward (feat tensor passed directly as inputs['feat'])
    feat = inputs / jnp.linalg.norm(inputs, axis=1, keepdims=True)
    B = feat.shape[0]
    x = feat[B // 2:]
    t = targets[B // 2:]
    # InstanceMemory.forward: inputs.mm(features.t())
    tgt_feat = x @ im.T
    tgt_feat = tgt_feat / TEMP
    log_p = jax.nn.log_softmax(tgt_feat, axis=1)
    loss_base = -jnp.take_along_axis(log_p, t[:, None], axis=1).mean()
    if KNN > 0:
        onehot_lvl = jax.lax.stop_gradient(_smooth_hot_with_levels(tgt_feat, t, dist, KNN))
        loss_lvl = (-(onehot_lvl * log_p)).sum(axis=1).mean(axis=0)
        onehot_sm = jax.lax.stop_gradient(_smooth_hot(tgt_feat, t, KNN))
        loss_sm = (-(onehot_sm * log_p)).sum(axis=1).mean(axis=0)
        loss = jnp.where(epoch > 49, loss_lvl, jnp.where(epoch > 1, loss_sm, loss_base))
    else:
        loss = loss_base
    return loss

if __name__ == "__main__":
    import jax
    _d = setup_inputs()
    print(jax.jit(kernel)(*tuple(_d.values())))

</pallas_src>

<mosaic_0001>
#map = affine_map<(d0, d1) -> (0, 0)>
#map1 = affine_map<(d0, d1) -> (0)>
#map2 = affine_map<(d0, d1) -> (0, 0, 0)>
module attributes {stable_mosaic.version = 14 : i64} {
  func.func @_sc_body(%arg0: i32, %arg1: i32, %arg2: memref<512x100000xf32, #tpu.memory_space<hbm>>, %arg3: memref<16384xf32, #tpu.memory_space<hbm>>, %arg4: memref<512xi32, #tpu.memory_space<hbm>>, %arg5: memref<100000x128xf32, #tpu.memory_space<hbm>>, %arg6: memref<512x8x128xf32, #tpu.memory_space<hbm>>, %arg7: memref<8x1408xf32, #tpu.memory_space<vmem>>, %arg8: memref<8x1408xf32, #tpu.memory_space<vmem>>, %arg9: memref<256xf32, #tpu.memory_space<vmem>>, %arg10: memref<16x128xf32, #tpu.memory_space<vmem>>, %arg11: memref<16xi32, #tpu.memory_space<vmem>>, %arg12: memref<2048xf32, #tpu.memory_space<vmem>>, %arg13: memref<2048xi32, #tpu.memory_space<vmem>>, %arg14: memref<!tpu.dma_semaphore, #tpu.memory_space<semaphore_mem>>, %arg15: memref<!tpu.dma_semaphore, #tpu.memory_space<semaphore_mem>>, %arg16: memref<!tpu.dma_semaphore, #tpu.memory_space<semaphore_mem>>) attributes {dimension_semantics = [#tpu.dimension_semantics<core_parallel>, #tpu.dimension_semantics<subcore_parallel>], iteration_bounds = array<i64: 2, 16>, scalar_prefetch = 0 : i64, scratch_operands = 10 : i64, tpu.core_type = #tpu.core_type<sc_vector_subcore>, window_params = [{transform_indices = #map}, {transform_indices = #map1}, {transform_indices = #map1}, {transform_indices = #map}, {transform_indices = #map2}]} {
    %mul3A = arith.constant 2 : i32
    %mul3A_0 = arith.muli %arg1, %mul3A : i32
    %add3A = arith.addi %mul3A_0, %arg0 : i32
    %mul3A_1 = arith.constant 16 : i32
    %mul3A_2 = arith.muli %add3A, %mul3A_1 : i32
    %mul3A_3 = arith.constant 1 : i32
    %mul3A_4 = arith.muli %mul3A_2, %mul3A_3 : i32
    "tpu.region"() ({
      %run_scoped3A = tpu.sem_alloc : memref<!tpu.dma_semaphore, #tpu.memory_space<semaphore_mem>>
      %dma_start3A_94 = tpu.memref_slice %arg4[%mul3A_4] : memref<512xi32, #tpu.memory_space<hbm>> -> memref<16xi32, #tpu.memory_space<hbm>>
      %dma_start3A_95 = tpu.memref_slice %arg4[%mul3A_4] : memref<512xi32, #tpu.memory_space<hbm>> -> memref<16xi32, #tpu.memory_space<hbm>>
      tpu.enqueue_dma source(%dma_start3A_95 : memref<16xi32, #tpu.memory_space<hbm>>) target(%arg11 : memref<16xi32, #tpu.memory_space<vmem>>) target_semaphore(%run_scoped3A : memref<!tpu.dma_semaphore, #tpu.memory_space<semaphore_mem>>)
      %dma_wait3A_96 = tpu.memref_slice %arg4[%mul3A_4] : memref<512xi32, #tpu.memory_space<hbm>> -> memref<16xi32, #tpu.memory_space<hbm>>
      %dma_wait3A_97 = tpu.memref_slice %arg4[%mul3A_4] : memref<512xi32, #tpu.memory_space<hbm>> -> memref<16xi32, #tpu.memory_space<hbm>>
      tpu.wait_dma2 semaphore(%run_scoped3A : memref<!tpu.dma_semaphore, #tpu.memory_space<semaphore_mem>>) src(%dma_wait3A_97 : memref<16xi32, #tpu.memory_space<hbm>>) dst(%arg11 : memref<16xi32, #tpu.memory_space<vmem>>)
      tpu.yield
    }) : () -> ()
    %get3A = arith.constant 0 : index
    %get3A_5 = tpu.vector_load %arg11[%get3A] {strides = array<i32>} : memref<16xi32, #tpu.memory_space<vmem>>, vector<16xi32>,
    %iota3A = tpu.iota {dimensions = array<i32: 0>} : vector<16xi32>
    %add3A_6 = arith.constant 0 : i32
    %add3A_7 = arith.addi %mul3A_2, %add3A_6 : i32
    %scan3A = arith.constant 0 : i32
    %scan3A_8 = arith.constant 0 : i32
    %scan3A_9 = arith.constant 8 : i32
    %scan3A_10 = arith.addi %scan3A_8, %scan3A_9 : i32
    %scan3A_11 = arith.constant 1 : i32
    %scan3A_12 = scf.for %scan3A_94 = %scan3A_8 to %scan3A_10 step %scan3A_11 iter_args(%scan3A_95 = %scan3A) -> (i32)  : i32 {
      %add3A_96 = arith.constant 0 : i32
      %add3A_97 = arith.addi %add3A_96, %scan3A_94 : i32
      %mul3A_98 = arith.constant 8 : i32
      %mul3A_99 = arith.muli %add3A_97, %mul3A_98 : i32
      %mul3A_100 = arith.constant 16 : i32
      %mul3A_101 = arith.muli %mul3A_99, %mul3A_100 : i32
      %broadcast_in_dim3A = arith.constant 1.000000e+30 : f32
      %broadcast_in_dim3A_102 = vector.broadcast %broadcast_in_dim3A : f32 to vector<16xf32>
      %add3A_103 = arith.constant 0 : i32
      %add3A_104 = arith.addi %mul3A_101, %add3A_103 : i32
      %swap3A = arith.index_cast %add3A_104 : i32 to index
      %swap3A_105 = tpu.vector_load %arg12[%swap3A] {strides = array<i32>} : memref<2048xf32, #tpu.memory_space<vmem>>, vector<16xf32>,
      tpu.vector_store %arg12[%swap3A], %broadcast_in_dim3A_102 {strides = array<i32>} : memref<2048xf32, #tpu.memory_space<vmem>>, vector<16xf32>,
      %broadcast_in_dim3A_106 = arith.constant -1 : i32
      %broadcast_in_dim3A_107 = vector.broadcast %broadcast_in_dim3A_106 : i32 to vector<16xi32>
      %add3A_108 = arith.constant 0 : i32
      %add3A_109 = arith.addi %mul3A_101, %add3A_108 : i32
      %swap3A_110 = arith.index_cast %add3A_109 : i32 to index
      %swap3A_111 = tpu.vector_load %arg13[%swap3A_110] {strides = array<i32>} : memref<2048xi32, #tpu.memory_space<vmem>>, vector<16xi32>,
      tpu.vector_store %arg13[%swap3A_110], %broadcast_in_dim3A_107 {strides = array<i32>} : memref<2048xi32, #tpu.memory_space<vmem>>, vector<16xi32>,
      %broadcast_in_dim3A_112 = arith.constant 1.000000e+30 : f32
      %broadcast_in_dim3A_113 = vector.broadcast %broadcast_in_dim3A_112 : f32 to vector<16xf32>
      %add3A_114 = arith.constant 16 : i32
      %add3A_115 = arith.addi %mul3A_101, %add3A_114 : i32
      %swap3A_116 = arith.index_cast %add3A_115 : i32 to index
      %swap3A_117 = tpu.vector_load %arg12[%swap3A_116] {strides = array<i32>} : memref<2048xf32, #tpu.memory_space<vmem>>, vector<16xf32>,
      tpu.vector_store %arg12[%swap3A_116], %broadcast_in_dim3A_113 {strides = array<i32>} : memref<2048xf32, #tpu.memory_space<vmem>>, vector<16xf32>,
      %broadcast_in_dim3A_118 = arith.constant -1 : i32
      %broadcast_in_dim3A_119 = vector.broadcast %broadcast_in_dim3A_118 : i32 to vector<16xi32>
      %add3A_120 = arith.constant 16 : i32
      %add3A_121 = arith.addi %mul3A_101, %add3A_120 : i32
      %swap3A_122 = arith.index_cast %add3A_121 : i32 to index
      %swap3A_123 = tpu.vector_load %arg13[%swap3A_122] {strides = array<i32>} : memref<2048xi32, #tpu.memory_space<vmem>>, vector<16xi32>,
      tpu.vector_store %arg13[%swap3A_122], %broadcast_in_dim3A_119 {strides = array<i32>} : memref<2048xi32, #tpu.memory_space<vmem>>, vector<16xi32>,
      %broadcast_in_dim3A_124 = arith.constant 1.000000e+30 : f32
      %broadcast_in_dim3A_125 = vector.broadcast %broadcast_in_dim3A_124 : f32 to vector<16xf32>
      %add3A_126 = arith.constant 32 : i32
      %add3A_127 = arith.addi %mul3A_101, %add3A_126 : i32
      %swap3A_128 = arith.index_cast %add3A_127 : i32 to index
      %swap3A_129 = tpu.vector_load %arg12[%swap3A_128] {strides = array<i32>} : memref<2048xf32, #tpu.memory_space<vmem>>, vector<16xf32>,
      tpu.vector_store %arg12[%swap3A_128], %broadcast_in_dim3A_125 {strides = array<i32>} : memref<2048xf32, #tpu.memory_space<vmem>>, vector<16xf32>,
      %broadcast_in_dim3A_130 = arith.constant -1 : i32
      %broadcast_in_dim3A_131 = vector.broadcast %broadcast_in_dim3A_130 : i32 to vector<16xi32>
      %add3A_132 = arith.constant 32 : i32
      %add3A_133 = arith.addi %mul3A_101, %add3A_132 : i32
      %swap3A_134 = arith.index_cast %add3A_133 : i32 to index
      %swap3A_135 = tpu.vector_load %arg13[%swap3A_134] {strides = array<i32>} : memref<2048xi32, #tpu.memory_space<vmem>>, vector<16xi32>,
      tpu.vector_store %arg13[%swap3A_134], %broadcast_in_dim3A_131 {strides = array<i32>} : memref<2048xi32, #tpu.memory_space<vmem>>, vector<16xi32>,
      %broadcast_in_dim3A_136 = arith.constant 1.000000e+30 : f32
      %broadcast_in_dim3A_137 = vector.broadcast %broadcast_in_dim3A_136 : f32 to vector<16xf32>
      %add3A_138 = arith.constant 48 : i32
      %add3A_139 = arith.addi %mul3A_101, %add3A_138 : i32
      %swap3A_140 = arith.index_cast %add3A_139 : i32 to index
      %swap3A_141 = tpu.vector_load %arg12[%swap3A_140] {strides = array<i32>} : memref<2048xf32, #tpu.memory_space<vmem>>, vector<16xf32>,
      tpu.vector_store %arg12[%swap3A_140], %broadcast_in_dim3A_137 {strides = array<i32>} : memref<2048xf32, #tpu.memory_space<vmem>>, vector<16xf32>,
      %broadcast_in_dim3A_142 = arith.constant -1 : i32
      %broadcast_in_dim3A_143 = vector.broadcast %broadcast_in_dim3A_142 : i32 to vector<16xi32>
      %add3A_144 = arith.constant 48 : i32
      %add3A_145 = arith.addi %mul3A_101, %add3A_144 : i32
      %swap3A_146 = arith.index_cast %add3A_145 : i32 to index
      %swap3A_147 = tpu.vector_load %arg13[%swap3A_146] {strides = array<i32>} : memref<2048xi32, #tpu.memory_space<vmem>>, vector<16xi32>,
      tpu.vector_store %arg13[%swap3A_146], %broadcast_in_dim3A_143 {strides = array<i32>} : memref<2048xi32, #tpu.memory_space<vmem>>, vector<16xi32>,
      %broadcast_in_dim3A_148 = arith.constant 1.000000e+30 : f32
      %broadcast_in_dim3A_149 = vector.broadcast %broadcast_in_dim3A_148 : f32 to vector<16xf32>
      %add3A_150 = arith.constant 64 : i32
      %add3A_151 = arith.addi %mul3A_101, %add3A_150 : i32
      %swap3A_152 = arith.index_cast %add3A_151 : i32 to index
      %swap3A_153 = tpu.vector_load %arg12[%swap3A_152] {strides = array<i32>} : memref<2048xf32, #tpu.memory_space<vmem>>, vector<16xf32>,
      tpu.vector_store %arg12[%swap3A_152], %broadcast_in_dim3A_149 {strides = array<i32>} : memref<2048xf32, #tpu.memory_space<vmem>>, vector<16xf32>,
      %broadcast_in_dim3A_154 = arith.constant -1 : i32
      %broadcast_in_dim3A_155 = vector.broadcast %broadcast_in_dim3A_154 : i32 to vector<16xi32>
      %add3A_156 = arith.constant 64 : i32
      %add3A_157 = arith.addi %mul3A_101, %add3A_156 : i32
      %swap3A_158 = arith.index_cast %add3A_157 : i32 to index
      %swap3A_159 = tpu.vector_load %arg13[%swap3A_158] {strides = array<i32>} : memref<2048xi32, #tpu.memory_space<vmem>>, vector<16xi32>,
      tpu.vector_store %arg13[%swap3A_158], %broadcast_in_dim3A_155 {strides = array<i32>} : memref<2048xi32, #tpu.memory_space<vmem>>, vector<16xi32>,
      %broadcast_in_dim3A_160 = arith.constant 1.000000e+30 : f32
      %broadcast_in_dim3A_161 = vector.broadcast %broadcast_in_dim3A_160 : f32 to vector<16xf32>
      %add3A_162 = arith.constant 80 : i32
      %add3A_163 = arith.addi %mul3A_101, %add3A_162 : i32
      %swap3A_164 = arith.index_cast %add3A_163 : i32 to index
      %swap3A_165 = tpu.vector_load %arg12[%swap3A_164] {strides = array<i32>} : memref<2048xf32, #tpu.memory_space<vmem>>, vector<16xf32>,
      tpu.vector_store %arg12[%swap3A_164], %broadcast_in_dim3A_161 {strides = array<i32>} : memref<2048xf32, #tpu.memory_space<vmem>>, vector<16xf32>,
      %broadcast_in_dim3A_166 = arith.constant -1 : i32
      %broadcast_in_dim3A_167 = vector.broadcast %broadcast_in_dim3A_166 : i32 to vector<16xi32>
      %add3A_168 = arith.constant 80 : i32
      %add3A_169 = arith.addi %mul3A_101, %add3A_168 : i32
      %swap3A_170 = arith.index_cast %add3A_169 : i32 to index
      %swap3A_171 = tpu.vector_load %arg13[%swap3A_170] {strides = array<i32>} : memref<2048xi32, #tpu.memory_space<vmem>>, vector<16xi32>,
      tpu.vector_store %arg13[%swap3A_170], %broadcast_in_dim3A_167 {strides = array<i32>} : memref<2048xi32, #tpu.memory_space<vmem>>, vector<16xi32>,
      %broadcast_in_dim3A_172 = arith.constant 1.000000e+30 : f32
      %broadcast_in_dim3A_173 = vector.broadcast %broadcast_in_dim3A_172 : f32 to vector<16xf32>
      %add3A_174 = arith.constant 96 : i32
      %add3A_175 = arith.addi %mul3A_101, %add3A_174 : i32
      %swap3A_176 = arith.index_cast %add3A_175 : i32 to index
      %swap3A_177 = tpu.vector_load %arg12[%swap3A_176] {strides = array<i32>} : memref<2048xf32, #tpu.memory_space<vmem>>, vector<16xf32>,
      tpu.vector_store %arg12[%swap3A_176], %broadcast_in_dim3A_173 {strides = array<i32>} : memref<2048xf32, #tpu.memory_space<vmem>>, vector<16xf32>,
      %broadcast_in_dim3A_178 = arith.constant -1 : i32
      %broadcast_in_dim3A_179 = vector.broadcast %broadcast_in_dim3A_178 : i32 to vector<16xi32>
      %add3A_180 = arith.constant 96 : i32
      %add3A_181 = arith.addi %mul3A_101, %add3A_180 : i32
      %swap3A_182 = arith.index_cast %add3A_181 : i32 to index
      %swap3A_183 = tpu.vector_load %arg13[%swap3A_182] {strides = array<i32>} : memref<2048xi32, #tpu.memory_space<vmem>>, vector<16xi32>,
      tpu.vector_store %arg13[%swap3A_182], %broadcast_in_dim3A_179 {strides = array<i32>} : memref<2048xi32, #tpu.memory_space<vmem>>, vector<16xi32>,
      %broadcast_in_dim3A_184 = arith.constant 1.000000e+30 : f32
      %broadcast_in_dim3A_185 = vector.broadcast %broadcast_in_dim3A_184 : f32 to vector<16xf32>
      %add3A_186 = arith.constant 112 : i32
      %add3A_187 = arith.addi %mul3A_101, %add3A_186 : i32
      %swap3A_188 = arith.index_cast %add3A_187 : i32 to index
      %swap3A_189 = tpu.vector_load %arg12[%swap3A_188] {strides = array<i32>} : memref<2048xf32, #tpu.memory_space<vmem>>, vector<16xf32>,
      tpu.vector_store %arg12[%swap3A_188], %broadcast_in_dim3A_185 {strides = array<i32>} : memref<2048xf32, #tpu.memory_space<vmem>>, vector<16xf32>,
      %broadcast_in_dim3A_190 = arith.constant -1 : i32
      %broadcast_in_dim3A_191 = vector.broadcast %broadcast_in_dim3A_190 : i32 to vector<16xi32>
      %add3A_192 = arith.constant 112 : i32
      %add3A_193 = arith.addi %mul3A_101, %add3A_192 : i32
      %swap3A_194 = arith.index_cast %add3A_193 : i32 to index
      %swap3A_195 = tpu.vector_load %arg13[%swap3A_194] {strides = array<i32>} : memref<2048xi32, #tpu.memory_space<vmem>>, vector<16xi32>,
      tpu.vector_store %arg13[%swap3A_194], %broadcast_in_dim3A_191 {strides = array<i32>} : memref<2048xi32, #tpu.memory_space<vmem>>, vector<16xi32>,
      %scan3A_196 = arith.constant 0 : i32
      scf.yield %scan3A_196 : i32
    }
    %scan3A_13 = arith.constant 8 : i32
    %dma_start3A = arith.constant 0 : i32
    %dma_start3A_14 = tpu.memref_slice %arg2[%add3A_7, %dma_start3A] : memref<512x100000xf32, #tpu.memory_space<hbm>> -> memref<8x1408xf32, #tpu.memory_space<hbm>>
    %dma_start3A_15 = arith.constant 0 : i32
    %dma_start3A_16 = tpu.memref_slice %arg2[%add3A_7, %dma_start3A_15] : memref<512x100000xf32, #tpu.memory_space<hbm>> -> memref<8x1408xf32, #tpu.memory_space<hbm>>
    tpu.enqueue_dma source(%dma_start3A_16 : memref<8x1408xf32, #tpu.memory_space<hbm>>) target(%arg7 : memref<8x1408xf32, #tpu.memory_space<vmem>>) target_semaphore(%arg14 : memref<!tpu.dma_semaphore, #tpu.memory_space<semaphore_mem>>)
    %scan3A_17 = arith.constant 0 : i32
    %scan3A_18 = arith.constant 0 : i32
    %scan3A_19 = arith.constant 35 : i32
    %scan3A_20 = arith.addi %scan3A_18, %scan3A_19 : i32
    %scan3A_21 = arith.constant 1 : i32
    %scan3A_22 = scf.for %scan3A_94 = %scan3A_18 to %scan3A_20 step %scan3A_21 iter_args(%scan3A_95 = %scan3A_17) -> (i32)  : i32 {
      %mul3A_96 = arith.constant 2 : i32
      %mul3A_97 = arith.muli %mul3A_96, %scan3A_94 : i32
      %add3A_98 = arith.constant 1 : i32
      %add3A_99 = arith.addi %mul3A_97, %add3A_98 : i32
      %mul3A_100 = arith.constant 1408 : i32
      %mul3A_101 = arith.muli %add3A_99, %mul3A_100 : i32
      %dma_start3A_102 = tpu.memref_slice %arg2[%add3A_7, %mul3A_101] : memref<512x100000xf32, #tpu.memory_space<hbm>> -> memref<8x1408xf32, #tpu.memory_space<hbm>>
      %dma_start3A_103 = tpu.memref_slice %arg2[%add3A_7, %mul3A_101] : memref<512x100000xf32, #tpu.memory_space<hbm>> -> memref<8x1408xf32, #tpu.memory_space<hbm>>
      tpu.enqueue_dma source(%dma_start3A_103 : memref<8x1408xf32, #tpu.memory_space<hbm>>) target(%arg8 : memref<8x1408xf32, #tpu.memory_space<vmem>>) target_semaphore(%arg15 : memref<!tpu.dma_semaphore, #tpu.memory_space<semaphore_mem>>)
      %dma_wait3A_104 = arith.constant 0 : i32
      %dma_wait3A_105 = arith.constant 0 : i32
      %dma_wait3A_106 = tpu.memref_slice %arg2[%dma_wait3A_104, %dma_wait3A_105] : memref<512x100000xf32, #tpu.memory_space<hbm>> -> memref<8x1408xf32, #tpu.memory_space<hbm>>
      %dma_wait3A_107 = arith.constant 0 : i32
      %dma_wait3A_108 = arith.constant 0 : i32
      %dma_wait3A_109 = tpu.memref_slice %arg2[%dma_wait3A_107, %dma_wait3A_108] : memref<512x100000xf32, #tpu.memory_space<hbm>> -> memref<8x1408xf32, #tpu.memory_space<hbm>>
      tpu.wait_dma2 semaphore(%arg14 : memref<!tpu.dma_semaphore, #tpu.memory_space<semaphore_mem>>) src(%dma_wait3A_109 : memref<8x1408xf32, #tpu.memory_space<hbm>>) dst(%arg7 : memref<8x1408xf32, #tpu.memory_space<vmem>>)
      %scan3A_110 = arith.constant 0 : i32
      %scan3A_111 = arith.constant 0 : i32
      %scan3A_112 = arith.constant 8 : i32
      %scan3A_113 = arith.addi %scan3A_111, %scan3A_112 : i32
      %scan3A_114 = arith.constant 1 : i32
      %scan3A_115 = scf.for %scan3A_140 = %scan3A_111 to %scan3A_113 step %scan3A_114 iter_args(%scan3A_141 = %scan3A_110) -> (i32)  : i32 {
        %add3A_142 = arith.constant 0 : i32
        %add3A_143 = arith.addi %add3A_142, %scan3A_140 : i32
        %mul3A_144 = arith.constant 8 : i32
        %mul3A_145 = arith.muli %add3A_143, %mul3A_144 : i32
        %mul3A_146 = arith.constant 16 : i32
        %mul3A_147 = arith.muli %mul3A_145, %mul3A_146 : i32
        %add3A_148 = arith.constant 0 : i32
        %add3A_149 = arith.addi %mul3A_147, %add3A_148 : i32
        %get3A_150 = arith.index_cast %add3A_149 : i32 to index
        %get3A_151 = tpu.vector_load %arg12[%get3A_150] {strides = array<i32>} : memref<2048xf32, #tpu.memory_space<vmem>>, vector<16xf32>,
        %add3A_152 = arith.constant 16 : i32
        %add3A_153 = arith.addi %mul3A_147, %add3A_152 : i32
        %get3A_154 = arith.index_cast %add3A_153 : i32 to index
        %get3A_155 = tpu.vector_load %arg12[%get3A_154] {strides = array<i32>} : memref<2048xf32, #tpu.memory_space<vmem>>, vector<16xf32>,
        %add3A_156 = arith.constant 32 : i32
        %add3A_157 = arith.addi %mul3A_147, %add3A_156 : i32
        %get3A_158 = arith.index_cast %add3A_157 : i32 to index
        %get3A_159 = tpu.vector_load %arg12[%get3A_158] {strides = array<i32>} : memref<2048xf32, #tpu.memory_space<vmem>>, vector<16xf32>,
        %add3A_160 = arith.constant 48 : i32
        %add3A_161 = arith.addi %mul3A_147, %add3A_160 : i32
        %get3A_162 = arith.index_cast %add3A_161 : i32 to index
        %get3A_163 = tpu.vector_load %arg12[%get3A_162] {strides = array<i32>} : memref<2048xf32, #tpu.memory_space<vmem>>, vector<16xf32>,
        %add3A_164 = arith.constant 64 : i32
        %add3A_165 = arith.addi %mul3A_147, %add3A_164 : i32
        %get3A_166 = arith.index_cast %add3A_165 : i32 to index
        %get3A_167 = tpu.vector_load %arg12[%get3A_166] {strides = array<i32>} : memref<2048xf32, #tpu.memory_space<vmem>>, vector<16xf32>,
        %add3A_168 = arith.constant 80 : i32
        %add3A_169 = arith.addi %mul3A_147, %add3A_168 : i32
        %get3A_170 = arith.index_cast %add3A_169 : i32 to index
        %get3A_171 = tpu.vector_load %arg12[%get3A_170] {strides = array<i32>} : memref<2048xf32, #tpu.memory_space<vmem>>, vector<16xf32>,
        %add3A_172 = arith.constant 96 : i32
        %add3A_173 = arith.addi %mul3A_147, %add3A_172 : i32
        %get3A_174 = arith.index_cast %add3A_173 : i32 to index
        %get3A_175 = tpu.vector_load %arg12[%get3A_174] {strides = array<i32>} : memref<2048xf32, #tpu.memory_space<vmem>>, vector<16xf32>,
        %add3A_176 = arith.constant 112 : i32
        %add3A_177 = arith.addi %mul3A_147, %add3A_176 : i32
        %get3A_178 = arith.index_cast %add3A_177 : i32 to index
        %get3A_179 = tpu.vector_load %arg12[%get3A_178] {strides = array<i32>} : memref<2048xf32, #tpu.memory_space<vmem>>, vector<16xf32>,
        %add3A_180 = arith.constant 0 : i32
        %add3A_181 = arith.addi %mul3A_147, %add3A_180 : i32
        %get3A_182 = arith.index_cast %add3A_181 : i32 to index
        %get3A_183 = tpu.vector_load %arg13[%get3A_182] {strides = array<i32>} : memref<2048xi32, #tpu.memory_space<vmem>>, vector<16xi32>,
        %add3A_184 = arith.constant 16 : i32
        %add3A_185 = arith.addi %mul3A_147, %add3A_184 : i32
        %get3A_186 = arith.index_cast %add3A_185 : i32 to index
        %get3A_187 = tpu.vector_load %arg13[%get3A_186] {strides = array<i32>} : memref<2048xi32, #tpu.memory_space<vmem>>, vector<16xi32>,
        %add3A_188 = arith.constant 32 : i32
        %add3A_189 = arith.addi %mul3A_147, %add3A_188 : i32
        %get3A_190 = arith.index_cast %add3A_189 : i32 to index
        %get3A_191 = tpu.vector_load %arg13[%get3A_190] {strides = array<i32>} : memref<2048xi32, #tpu.memory_space<vmem>>, vector<16xi32>,
        %add3A_192 = arith.constant 48 : i32
        %add3A_193 = arith.addi %mul3A_147, %add3A_192 : i32
        %get3A_194 = arith.index_cast %add3A_193 : i32 to index
        %get3A_195 = tpu.vector_load %arg13[%get3A_194] {strides = array<i32>} : memref<2048xi32, #tpu.memory_space<vmem>>, vector<16xi32>,
        %add3A_196 = arith.constant 64 : i32
        %add3A_197 = arith.addi %mul3A_147, %add3A_196 : i32
        %get3A_198 = arith.index_cast %add3A_197 : i32 to index
        %get3A_199 = tpu.vector_load %arg13[%get3A_198] {strides = array<i32>} : memref<2048xi32, #tpu.memory_space<vmem>>, vector<16xi32>,
        %add3A_200 = arith.constant 80 : i32
        %add3A_201 = arith.addi %mul3A_147, %add3A_200 : i32
        %get3A_202 = arith.index_cast %add3A_201 : i32 to index
        %get3A_203 = tpu.vector_load %arg13[%get3A_202] {strides = array<i32>} : memref<2048xi32, #tpu.memory_space<vmem>>, vector<16xi32>,
        %add3A_204 = arith.constant 96 : i32
        %add3A_205 = arith.addi %mul3A_147, %add3A_204 : i32
        %get3A_206 = arith.index_cast %add3A_205 : i32 to index
        %get3A_207 = tpu.vector_load %arg13[%get3A_206] {strides = array<i32>} : memref<2048xi32, #tpu.memory_space<vmem>>, vector<16xi32>,
        %add3A_208 = arith.constant 112 : i32
        %add3A_209 = arith.addi %mul3A_147, %add3A_208 : i32
        %get3A_210 = arith.index_cast %add3A_209 : i32 to index
        %get3A_211 = tpu.vector_load %arg13[%get3A_210] {strides = array<i32>} : memref<2048xi32, #tpu.memory_space<vmem>>, vector<16xi32>,
        %scan3A_212 = arith.constant 0 : i32
        %scan3A_213 = arith.constant 11 : i32
        %scan3A_214 = arith.addi %scan3A_212, %scan3A_213 : i32
        %scan3A_215 = arith.constant 1 : i32
        %scan3A_216:16 = scf.for %scan3A_282 = %scan3A_212 to %scan3A_214 step %scan3A_215 iter_args(%scan3A_283 = %get3A_151, %scan3A_284 = %get3A_155, %scan3A_285 = %get3A_159, %scan3A_286 = %get3A_163, %scan3A_287 = %get3A_167, %scan3A_288 = %get3A_171, %scan3A_289 = %get3A_175, %scan3A_290 = %get3A_179, %scan3A_291 = %get3A_183, %scan3A_292 = %get3A_187, %scan3A_293 = %get3A_191, %scan3A_294 = %get3A_195, %scan3A_295 = %get3A_199, %scan3A_296 = %get3A_203, %scan3A_297 = %get3A_207, %scan3A_298 = %get3A_211) -> (vector<16xf32>, vector<16xf32>, vector<16xf32>, vector<16xf32>, vector<16xf32>, vector<16xf32>, vector<16xf32>, vector<16xf32>, vector<16xi32>, vector<16xi32>, vector<16xi32>, vector<16xi32>, vector<16xi32>, vector<16xi32>, vector<16xi32>, vector<16xi32>)  : i32 {
          %mul3A_299 = arith.constant 1408 : i32
          %mul3A_300 = arith.muli %mul3A_97, %mul3A_299 : i32
          %mul3A_301 = arith.constant 128 : i32
          %mul3A_302 = arith.muli %scan3A_282, %mul3A_301 : i32
          %add3A_303 = arith.addi %mul3A_300, %mul3A_302 : i32
          %add3A_304 = vector.broadcast %add3A_303 : i32 to vector<16xi32>
          %add3A_305 = arith.addi %iota3A, %add3A_304 : vector<16xi32>
          %mul3A_306 = arith.constant 128 : i32
          %mul3A_307 = arith.muli %scan3A_282, %mul3A_306 : i32
          %add3A_308 = arith.constant 0 : i32
          %add3A_309 = arith.addi %mul3A_307, %add3A_308 : i32
          %get3A_310 = arith.index_cast %scan3A_140 : i32 to index
          %get3A_311 = arith.index_cast %add3A_309 : i32 to index
          %get3A_312 = tpu.vector_load %arg7[%get3A_310, %get3A_311] {strides = array<i32>} : memref<8x1408xf32, #tpu.memory_space<vmem>>, vector<16xf32>,
          %lt3A = arith.cmpf olt, %get3A_312, %scan3A_283 : vector<16xf32>
          %select_n3A = arith.select %lt3A, %get3A_312, %scan3A_283 : vector<16xi1>, vector<16xf32>
          %select_n3A_313 = arith.select %lt3A, %add3A_305, %scan3A_291 : vector<16xi1>, vector<16xi32>
          %mul3A_314 = arith.constant 128 : i32
          %mul3A_315 = arith.muli %scan3A_282, %mul3A_314 : i32
          %add3A_316 = arith.constant 16 : i32
          %add3A_317 = arith.addi %mul3A_315, %add3A_316 : i32
          %get3A_318 = arith.index_cast %scan3A_140 : i32 to index
          %get3A_319 = arith.index_cast %add3A_317 : i32 to index
          %get3A_320 = tpu.vector_load %arg7[%get3A_318, %get3A_319] {strides = array<i32>} : memref<8x1408xf32, #tpu.memory_space<vmem>>, vector<16xf32>,
          %add3A_321 = arith.constant 16 : i32
          %add3A_322 = vector.broadcast %add3A_321 : i32 to vector<16xi32>
          %add3A_323 = arith.addi %add3A_305, %add3A_322 : vector<16xi32>
          %lt3A_324 = arith.cmpf olt, %get3A_320, %scan3A_284 : vector<16xf32>
          %select_n3A_325 = arith.select %lt3A_324, %get3A_320, %scan3A_284 : vector<16xi1>, vector<16xf32>
          %select_n3A_326 = arith.select %lt3A_324, %add3A_323, %scan3A_292 : vector<16xi1>, vector<16xi32>
          %mul3A_327 = arith.constant 128 : i32
          %mul3A_328 = arith.muli %scan3A_282, %mul3A_327 : i32
          %add3A_329 = arith.constant 32 : i32
          %add3A_330 = arith.addi %mul3A_328, %add3A_329 : i32
          %get3A_331 = arith.index_cast %scan3A_140 : i32 to index
          %get3A_332 = arith.index_cast %add3A_330 : i32 to index
          %get3A_333 = tpu.vector_load %arg7[%get3A_331, %get3A_332] {strides = array<i32>} : memref<8x1408xf32, #tpu.memory_space<vmem>>, vector<16xf32>,
          %add3A_334 = arith.constant 32 : i32
          %add3A_335 = vector.broadcast %add3A_334 : i32 to vector<16xi32>
          %add3A_336 = arith.addi %add3A_305, %add3A_335 : vector<16xi32>
          %lt3A_337 = arith.cmpf olt, %get3A_333, %scan3A_285 : vector<16xf32>
          %select_n3A_338 = arith.select %lt3A_337, %get3A_333, %scan3A_285 : vector<16xi1>, vector<16xf32>
          %select_n3A_339 = arith.select %lt3A_337, %add3A_336, %scan3A_293 : vector<16xi1>, vector<16xi32>
          %mul3A_340 = arith.constant 128 : i32
          %mul3A_341 = arith.muli %scan3A_282, %mul3A_340 : i32
          %add3A_342 = arith.constant 48 : i32
          %add3A_343 = arith.addi %mul3A_341, %add3A_342 : i32
          %get3A_344 = arith.index_cast %scan3A_140 : i32 to index
          %get3A_345 = arith.index_cast %add3A_343 : i32 to index
          %get3A_346 = tpu.vector_load %arg7[%get3A_344, %get3A_345] {strides = array<i32>} : memref<8x1408xf32, #tpu.memory_space<vmem>>, vector<16xf32>,
          %add3A_347 = arith.constant 48 : i32
          %add3A_348 = vector.broadcast %add3A_347 : i32 to vector<16xi32>
          %add3A_349 = arith.addi %add3A_305, %add3A_348 : vector<16xi32>
          %lt3A_350 = arith.cmpf olt, %get3A_346, %scan3A_286 : vector<16xf32>
          %select_n3A_351 = arith.select %lt3A_350, %get3A_346, %scan3A_286 : vector<16xi1>, vector<16xf32>
          %select_n3A_352 = arith.select %lt3A_350, %add3A_349, %scan3A_294 : vector<16xi1>, vector<16xi32>
          %mul3A_353 = arith.constant 128 : i32
          %mul3A_354 = arith.muli %scan3A_282, %mul3A_353 : i32
          %add3A_355 = arith.constant 64 : i32
          %add3A_356 = arith.addi %mul3A_354, %add3A_355 : i32
          %get3A_357 = arith.index_cast %scan3A_140 : i32 to index
          %get3A_358 = arith.index_cast %add3A_356 : i32 to index
          %get3A_359 = tpu.vector_load %arg7[%get3A_357, %get3A_358] {strides = array<i32>} : memref<8x1408xf32, #tpu.memory_space<vmem>>, vector<16xf32>,
          %add3A_360 = arith.constant 64 : i32
          %add3A_361 = vector.broadcast %add3A_360 : i32 to vector<16xi32>
          %add3A_362 = arith.addi %add3A_305, %add3A_361 : vector<16xi32>
          %lt3A_363 = arith.cmpf olt, %get3A_359, %scan3A_287 : vector<16xf32>
          %select_n3A_364 = arith.select %lt3A_363, %get3A_359, %scan3A_287 : vector<16xi1>, vector<16xf32>
          %select_n3A_365 = arith.select %lt3A_363, %add3A_362, %scan3A_295 : vector<16xi1>, vector<16xi32>
          %mul3A_366 = arith.constant 128 : i32
          %mul3A_367 = arith.muli %scan3A_282, %mul3A_366 : i32
          %add3A_368 = arith.constant 80 : i32
          %add3A_369 = arith.addi %mul3A_367, %add3A_368 : i32
          %get3A_370 = arith.index_cast %scan3A_140 : i32 to index
          %get3A_371 = arith.index_cast %add3A_369 : i32 to index
          %get3A_372 = tpu.vector_load %arg7[%get3A_370, %get3A_371] {strides = array<i32>} : memref<8x1408xf32, #tpu.memory_space<vmem>>, vector<16xf32>,
          %add3A_373 = arith.constant 80 : i32
          %add3A_374 = vector.broadcast %add3A_373 : i32 to vector<16xi32>
          %add3A_375 = arith.addi %add3A_305, %add3A_374 : vector<16xi32>
          %lt3A_376 = arith.cmpf olt, %get3A_372, %scan3A_288 : vector<16xf32>
          %select_n3A_377 = arith.select %lt3A_376, %get3A_372, %scan3A_288 : vector<16xi1>, vector<16xf32>
          %select_n3A_378 = arith.select %lt3A_376, %add3A_375, %scan3A_296 : vector<16xi1>, vector<16xi32>
          %mul3A_379 = arith.constant 128 : i32
          %mul3A_380 = arith.muli %scan3A_282, %mul3A_379 : i32
          %add3A_381 = arith.constant 96 : i32
          %add3A_382 = arith.addi %mul3A_380, %add3A_381 : i32
          %get3A_383 = arith.index_cast %scan3A_140 : i32 to index
          %get3A_384 = arith.index_cast %add3A_382 : i32 to index
          %get3A_385 = tpu.vector_load %arg7[%get3A_383, %get3A_384] {strides = array<i32>} : memref<8x1408xf32, #tpu.memory_space<vmem>>, vector<16xf32>,
          %add3A_386 = arith.constant 96 : i32
          %add3A_387 = vector.broadcast %add3A_386 : i32 to vector<16xi32>
          %add3A_388 = arith.addi %add3A_305, %add3A_387 : vector<16xi32>
          %lt3A_389 = arith.cmpf olt, %get3A_385, %scan3A_289 : vector<16xf32>
          %select_n3A_390 = arith.select %lt3A_389, %get3A_385, %scan3A_289 : vector<16xi1>, vector<16xf32>
          %select_n3A_391 = arith.select %lt3A_389, %add3A_388, %scan3A_297 : vector<16xi1>, vector<16xi32>
          %mul3A_392 = arith.constant 128 : i32
          %mul3A_393 = arith.muli %scan3A_282, %mul3A_392 : i32
          %add3A_394 = arith.constant 112 : i32
          %add3A_395 = arith.addi %mul3A_393, %add3A_394 : i32
          %get3A_396 = arith.index_cast %scan3A_140 : i32 to index
          %get3A_397 = arith.index_cast %add3A_395 : i32 to index
          %get3A_398 = tpu.vector_load %arg7[%get3A_396, %get3A_397] {strides = array<i32>} : memref<8x1408xf32, #tpu.memory_space<vmem>>, vector<16xf32>,
          %add3A_399 = arith.constant 112 : i32
          %add3A_400 = vector.broadcast %add3A_399 : i32 to vector<16xi32>
          %add3A_401 = arith.addi %add3A_305, %add3A_400 : vector<16xi32>
          %lt3A_402 = arith.cmpf olt, %get3A_398, %scan3A_290 : vector<16xf32>
          %select_n3A_403 = arith.select %lt3A_402, %get3A_398, %scan3A_290 : vector<16xi1>, vector<16xf32>
          %select_n3A_404 = arith.select %lt3A_402, %add3A_401, %scan3A_298 : vector<16xi1>, vector<16xi32>
          scf.yield %select_n3A, %select_n3A_325, %select_n3A_338, %select_n3A_351, %select_n3A_364, %select_n3A_377, %select_n3A_390, %select_n3A_403, %select_n3A_313, %select_n3A_326, %select_n3A_339, %select_n3A_352, %select_n3A_365, %select_n3A_378, %select_n3A_391, %select_n3A_404 : vector<16xf32>, vector<16xf32>, vector<16xf32>, vector<16xf32>, vector<16xf32>, vector<16xf32>, vector<16xf32>, vector<16xf32>, vector<16xi32>, vector<16xi32>, vector<16xi32>, vector<16xi32>, vector<16xi32>, vector<16xi32>, vector<16xi32>, vector<16xi32>
        }
        %scan3A_217 = arith.constant 11 : i32
        %add3A_218 = arith.constant 0 : i32
        %add3A_219 = arith.addi %mul3A_147, %add3A_218 : i32
        %swap3A = arith.index_cast %add3A_219 : i32 to index
        %swap3A_220 = tpu.vector_load %arg12[%swap3A] {strides = array<i32>} : memref<2048xf32, #tpu.memory_space<vmem>>, vector<16xf32>,
        tpu.vector_store %arg12[%swap3A], %scan3A_216#0 {strides = array<i32>} : memref<2048xf32, #tpu.memory_space<vmem>>, vector<16xf32>,
        %add3A_221 = arith.constant 0 : i32
        %add3A_222 = arith.addi %mul3A_147, %add3A_221 : i32
        %swap3A_223 = arith.index_cast %add3A_222 : i32 to index
        %swap3A_224 = tpu.vector_load %arg13[%swap3A_223] {strides = array<i32>} : memref<2048xi32, #tpu.memory_space<vmem>>, vector<16xi32>,
        tpu.vector_store %arg13[%swap3A_223], %scan3A_216#8 {strides = array<i32>} : memref<2048xi32, #tpu.memory_space<vmem>>, vector<16xi32>,
        %add3A_225 = arith.constant 16 : i32
        %add3A_226 = arith.addi %mul3A_147, %add3A_225 : i32
        %swap3A_227 = arith.index_cast %add3A_226 : i32 to index
        %swap3A_228 = tpu.vector_load %arg12[%swap3A_227] {strides = array<i32>} : memref<2048xf32, #tpu.memory_space<vmem>>, vector<16xf32>,
        tpu.vector_store %arg12[%swap3A_227], %scan3A_216#1 {strides = array<i32>} : memref<2048xf32, #tpu.memory_space<vmem>>, vector<16xf32>,
        %add3A_229 = arith.constant 16 : i32
        %add3A_230 = arith.addi %mul3A_147, %add3A_229 : i32
        %swap3A_231 = arith.index_cast %add3A_230 : i32 to index
        %swap3A_232 = tpu.vector_load %arg13[%swap3A_231] {strides = array<i32>} : memref<2048xi32, #tpu.memory_space<vmem>>, vector<16xi32>,
        tpu.vector_store %arg13[%swap3A_231], %scan3A_216#9 {strides = array<i32>} : memref<2048xi32, #tpu.memory_space<vmem>>, vector<16xi32>,
        %add3A_233 = arith.constant 32 : i32
        %add3A_234 = arith.addi %mul3A_147, %add3A_233 : i32
        %swap3A_235 = arith.index_cast %add3A_234 : i32 to index
        %swap3A_236 = tpu.vector_load %arg12[%swap3A_235] {strides = array<i32>} : memref<2048xf32, #tpu.memory_space<vmem>>, vector<16xf32>,
        tpu.vector_store %arg12[%swap3A_235], %scan3A_216#2 {strides = array<i32>} : memref<2048xf32, #tpu.memory_space<vmem>>, vector<16xf32>,
        %add3A_237 = arith.constant 32 : i32
        %add3A_238 = arith.addi %mul3A_147, %add3A_237 : i32
        %swap3A_239 = arith.index_cast %add3A_238 : i32 to index
        %swap3A_240 = tpu.vector_load %arg13[%swap3A_239] {strides = array<i32>} : memref<2048xi32, #tpu.memory_space<vmem>>, vector<16xi32>,
        tpu.vector_store %arg13[%swap3A_239], %scan3A_216#10 {strides = array<i32>} : memref<2048xi32, #tpu.memory_space<vmem>>, vector<16xi32>,
        %add3A_241 = arith.constant 48 : i32
        %add3A_242 = arith.addi %mul3A_147, %add3A_241 : i32
        %swap3A_243 = arith.index_cast %add3A_242 : i32 to index
        %swap3A_244 = tpu.vector_load %arg12[%swap3A_243] {strides = array<i32>} : memref<2048xf32, #tpu.memory_space<vmem>>, vector<16xf32>,
        tpu.vector_store %arg12[%swap3A_243], %scan3A_216#3 {strides = array<i32>} : memref<2048xf32, #tpu.memory_space<vmem>>, vector<16xf32>,
        %add3A_245 = arith.constant 48 : i32
        %add3A_246 = arith.addi %mul3A_147, %add3A_245 : i32
        %swap3A_247 = arith.index_cast %add3A_246 : i32 to index
        %swap3A_248 = tpu.vector_load %arg13[%swap3A_247] {strides = array<i32>} : memref<2048xi32, #tpu.memory_space<vmem>>, vector<16xi32>,
        tpu.vector_store %arg13[%swap3A_247], %scan3A_216#11 {strides = array<i32>} : memref<2048xi32, #tpu.memory_space<vmem>>, vector<16xi32>,
        %add3A_249 = arith.constant 64 : i32
        %add3A_250 = arith.addi %mul3A_147, %add3A_249 : i32
        %swap3A_251 = arith.index_cast %add3A_250 : i32 to index
        %swap3A_252 = tpu.vector_load %arg12[%swap3A_251] {strides = array<i32>} : memref<2048xf32, #tpu.memory_space<vmem>>, vector<16xf32>,
        tpu.vector_store %arg12[%swap3A_251], %scan3A_216#4 {strides = array<i32>} : memref<2048xf32, #tpu.memory_space<vmem>>, vector<16xf32>,
        %add3A_253 = arith.constant 64 : i32
        %add3A_254 = arith.addi %mul3A_147, %add3A_253 : i32
        %swap3A_255 = arith.index_cast %add3A_254 : i32 to index
        %swap3A_256 = tpu.vector_load %arg13[%swap3A_255] {strides = array<i32>} : memref<2048xi32, #tpu.memory_space<vmem>>, vector<16xi32>,
        tpu.vector_store %arg13[%swap3A_255], %scan3A_216#12 {strides = array<i32>} : memref<2048xi32, #tpu.memory_space<vmem>>, vector<16xi32>,
        %add3A_257 = arith.constant 80 : i32
        %add3A_258 = arith.addi %mul3A_147, %add3A_257 : i32
        %swap3A_259 = arith.index_cast %add3A_258 : i32 to index
        %swap3A_260 = tpu.vector_load %arg12[%swap3A_259] {strides = array<i32>} : memref<2048xf32, #tpu.memory_space<vmem>>, vector<16xf32>,
        tpu.vector_store %arg12[%swap3A_259], %scan3A_216#5 {strides = array<i32>} : memref<2048xf32, #tpu.memory_space<vmem>>, vector<16xf32>,
        %add3A_261 = arith.constant 80 : i32
        %add3A_262 = arith.addi %mul3A_147, %add3A_261 : i32
        %swap3A_263 = arith.index_cast %add3A_262 : i32 to index
        %swap3A_264 = tpu.vector_load %arg13[%swap3A_263] {strides = array<i32>} : memref<2048xi32, #tpu.memory_space<vmem>>, vector<16xi32>,
        tpu.vector_store %arg13[%swap3A_263], %scan3A_216#13 {strides = array<i32>} : memref<2048xi32, #tpu.memory_space<vmem>>, vector<16xi32>,
        %add3A_265 = arith.constant 96 : i32
        %add3A_266 = arith.addi %mul3A_147, %add3A_265 : i32
        %swap3A_267 = arith.index_cast %add3A_266 : i32 to index
        %swap3A_268 = tpu.vector_load %arg12[%swap3A_267] {strides = array<i32>} : memref<2048xf32, #tpu.memory_space<vmem>>, vector<16xf32>,
        tpu.vector_store %arg12[%swap3A_267], %scan3A_216#6 {strides = array<i32>} : memref<2048xf32, #tpu.memory_space<vmem>>, vector<16xf32>,
        %add3A_269 = arith.constant 96 : i32
        %add3A_270 = arith.addi %mul3A_147, %add3A_269 : i32
        %swap3A_271 = arith.index_cast %add3A_270 : i32 to index
        %swap3A_272 = tpu.vector_load %arg13[%swap3A_271] {strides = array<i32>} : memref<2048xi32, #tpu.memory_space<vmem>>, vector<16xi32>,
        tpu.vector_store %arg13[%swap3A_271], %scan3A_216#14 {strides = array<i32>} : memref<2048xi32, #tpu.memory_space<vmem>>, vector<16xi32>,
        %add3A_273 = arith.constant 112 : i32
        %add3A_274 = arith.addi %mul3A_147, %add3A_273 : i32
        %swap3A_275 = arith.index_cast %add3A_274 : i32 to index
        %swap3A_276 = tpu.vector_load %arg12[%swap3A_275] {strides = array<i32>} : memref<2048xf32, #tpu.memory_space<vmem>>, vector<16xf32>,
        tpu.vector_store %arg12[%swap3A_275], %scan3A_216#7 {strides = array<i32>} : memref<2048xf32, #tpu.memory_space<vmem>>, vector<16xf32>,
        %add3A_277 = arith.constant 112 : i32
        %add3A_278 = arith.addi %mul3A_147, %add3A_277 : i32
        %swap3A_279 = arith.index_cast %add3A_278 : i32 to index
        %swap3A_280 = tpu.vector_load %arg13[%swap3A_279] {strides = array<i32>} : memref<2048xi32, #tpu.memory_space<vmem>>, vector<16xi32>,
        tpu.vector_store %arg13[%swap3A_279], %scan3A_216#15 {strides = array<i32>} : memref<2048xi32, #tpu.memory_space<vmem>>, vector<16xi32>,
        %scan3A_281 = arith.constant 0 : i32
        scf.yield %scan3A_281 : i32
      }
      %scan3A_116 = arith.constant 8 : i32
      %add3A_117 = arith.constant 2 : i32
      %add3A_118 = arith.addi %mul3A_97, %add3A_117 : i32
      %mul3A_119 = arith.constant 1408 : i32
      %mul3A_120 = arith.muli %add3A_118, %mul3A_119 : i32
      %min3A = arith.constant 98560 : i32
      %min3A_121 = arith.minsi %mul3A_120, %min3A : i32
      %dma_start3A_122 = tpu.memref_slice %arg2[%add3A_7, %min3A_121] : memref<512x100000xf32, #tpu.memory_space<hbm>> -> memref<8x1408xf32, #tpu.memory_space<hbm>>
      %dma_start3A_123 = tpu.memref_slice %arg2[%add3A_7, %min3A_121] : memref<512x100000xf32, #tpu.memory_space<hbm>> -> memref<8x1408xf32, #tpu.memory_space<hbm>>
      tpu.enqueue_dma source(%dma_start3A_123 : memref<8x1408xf32, #tpu.memory_space<hbm>>) target(%arg7 : memref<8x1408xf32, #tpu.memory_space<vmem>>) target_semaphore(%arg14 : memref<!tpu.dma_semaphore, #tpu.memory_space<semaphore_mem>>)
      %dma_wait3A_124 = arith.constant 0 : i32
      %dma_wait3A_125 = arith.constant 0 : i32
      %dma_wait3A_126 = tpu.memref_slice %arg2[%dma_wait3A_124, %dma_wait3A_125] : memref<512x100000xf32, #tpu.memory_space<hbm>> -> memref<8x1408xf32, #tpu.memory_space<hbm>>
      %dma_wait3A_127 = arith.constant 0 : i32
      %dma_wait3A_128 = arith.constant 0 : i32
      %dma_wait3A_129 = tpu.memref_slice %arg2[%dma_wait3A_127, %dma_wait3A_128] : memref<512x100000xf32, #tpu.memory_space<hbm>> -> memref<8x1408xf32, #tpu.memory_space<hbm>>
      tpu.wait_dma2 semaphore(%arg15 : memref<!tpu.dma_semaphore, #tpu.memory_space<semaphore_mem>>) src(%dma_wait3A_129 : memref<8x1408xf32, #tpu.memory_space<hbm>>) dst(%arg8 : memref<8x1408xf32, #tpu.memory_space<vmem>>)
      %add3A_130 = arith.constant 1 : i32
      %add3A_131 = arith.addi %mul3A_97, %add3A_130 : i32
      %scan3A_132 = arith.constant 0 : i32
      %scan3A_133 = arith.constant 0 : i32
      %scan3A_134 = arith.constant 8 : i32
      %scan3A_135 = arith.addi %scan3A_133, %scan3A_134 : i32
      %scan3A_136 = arith.constant 1 : i32
      %scan3A_137 = scf.for %scan3A_140 = %scan3A_133 to %scan3A_135 step %scan3A_136 iter_args(%scan3A_141 = %scan3A_132) -> (i32)  : i32 {
        %add3A_142 = arith.constant 0 : i32
        %add3A_143 = arith.addi %add3A_142, %scan3A_140 : i32
        %mul3A_144 = arith.constant 8 : i32
        %mul3A_145 = arith.muli %add3A_143, %mul3A_144 : i32
        %mul3A_146 = arith.constant 16 : i32
        %mul3A_147 = arith.muli %mul3A_145, %mul3A_146 : i32
        %add3A_148 = arith.constant 0 : i32
        %add3A_149 = arith.addi %mul3A_147, %add3A_148 : i32
        %get3A_150 = arith.index_cast %add3A_149 : i32 to index
        %get3A_151 = tpu.vector_load %arg12[%get3A_150] {strides = array<i32>} : memref<2048xf32, #tpu.memory_space<vmem>>, vector<16xf32>,
        %add3A_152 = arith.constant 16 : i32
        %add3A_153 = arith.addi %mul3A_147, %add3A_152 : i32
        %get3A_154 = arith.index_cast %add3A_153 : i32 to index
        %get3A_155 = tpu.vector_load %arg12[%get3A_154] {strides = array<i32>} : memref<2048xf32, #tpu.memory_space<vmem>>, vector<16xf32>,
        %add3A_156 = arith.constant 32 : i32
        %add3A_157 = arith.addi %mul3A_147, %add3A_156 : i32
        %get3A_158 = arith.index_cast %add3A_157 : i32 to index
        %get3A_159 = tpu.vector_load %arg12[%get3A_158] {strides = array<i32>} : memref<2048xf32, #tpu.memory_space<vmem>>, vector<16xf32>,
        %add3A_160 = arith.constant 48 : i32
        %add3A_161 = arith.addi %mul3A_147, %add3A_160 : i32
        %get3A_162 = arith.index_cast %add3A_161 : i32 to index
        %get3A_163 = tpu.vector_load %arg12[%get3A_162] {strides = array<i32>} : memref<2048xf32, #tpu.memory_space<vmem>>, vector<16xf32>,
        %add3A_164 = arith.constant 64 : i32
        %add3A_165 = arith.addi %mul3A_147, %add3A_164 : i32
        %get3A_166 = arith.index_cast %add3A_165 : i32 to index
        %get3A_167 = tpu.vector_load %arg12[%get3A_166] {strides = array<i32>} : memref<2048xf32, #tpu.memory_space<vmem>>, vector<16xf32>,
        %add3A_168 = arith.constant 80 : i32
        %add3A_169 = arith.addi %mul3A_147, %add3A_168 : i32
        %get3A_170 = arith.index_cast %add3A_169 : i32 to index
        %get3A_171 = tpu.vector_load %arg12[%get3A_170] {strides = array<i32>} : memref<2048xf32, #tpu.memory_space<vmem>>, vector<16xf32>,
        %add3A_172 = arith.constant 96 : i32
        %add3A_173 = arith.addi %mul3A_147, %add3A_172 : i32
        %get3A_174 = arith.index_cast %add3A_173 : i32 to index
        %get3A_175 = tpu.vector_load %arg12[%get3A_174] {strides = array<i32>} : memref<2048xf32, #tpu.memory_space<vmem>>, vector<16xf32>,
        %add3A_176 = arith.constant 112 : i32
        %add3A_177 = arith.addi %mul3A_147, %add3A_176 : i32
        %get3A_178 = arith.index_cast %add3A_177 : i32 to index
        %get3A_179 = tpu.vector_load %arg12[%get3A_178] {strides = array<i32>} : memref<2048xf32, #tpu.memory_space<vmem>>, vector<16xf32>,
        %add3A_180 = arith.constant 0 : i32
        %add3A_181 = arith.addi %mul3A_147, %add3A_180 : i32
        %get3A_182 = arith.index_cast %add3A_181 : i32 to index
        %get3A_183 = tpu.vector_load %arg13[%get3A_182] {strides = array<i32>} : memref<2048xi32, #tpu.memory_space<vmem>>, vector<16xi32>,
        %add3A_184 = arith.constant 16 : i32
        %add3A_185 = arith.addi %mul3A_147, %add3A_184 : i32
        %get3A_186 = arith.index_cast %add3A_185 : i32 to index
        %get3A_187 = tpu.vector_load %arg13[%get3A_186] {strides = array<i32>} : memref<2048xi32, #tpu.memory_space<vmem>>, vector<16xi32>,
        %add3A_188 = arith.constant 32 : i32
        %add3A_189 = arith.addi %mul3A_147, %add3A_188 : i32
        %get3A_190 = arith.index_cast %add3A_189 : i32 to index
        %get3A_191 = tpu.vector_load %arg13[%get3A_190] {strides = array<i32>} : memref<2048xi32, #tpu.memory_space<vmem>>, vector<16xi32>,
        %add3A_192 = arith.constant 48 : i32
        %add3A_193 = arith.addi %mul3A_147, %add3A_192 : i32
        %get3A_194 = arith.index_cast %add3A_193 : i32 to index
        %get3A_195 = tpu.vector_load %arg13[%get3A_194] {strides = array<i32>} : memref<2048xi32, #tpu.memory_space<vmem>>, vector<16xi32>,
        %add3A_196 = arith.constant 64 : i32
        %add3A_197 = arith.addi %mul3A_147, %add3A_196 : i32
        %get3A_198 = arith.index_cast %add3A_197 : i32 to index
        %get3A_199 = tpu.vector_load %arg13[%get3A_198] {strides = array<i32>} : memref<2048xi32, #tpu.memory_space<vmem>>, vector<16xi32>,
        %add3A_200 = arith.constant 80 : i32
        %add3A_201 = arith.addi %mul3A_147, %add3A_200 : i32
        %get3A_202 = arith.index_cast %add3A_201 : i32 to index
        %get3A_203 = tpu.vector_load %arg13[%get3A_202] {strides = array<i32>} : memref<2048xi32, #tpu.memory_space<vmem>>, vector<16xi32>,
        %add3A_204 = arith.constant 96 : i32
        %add3A_205 = arith.addi %mul3A_147, %add3A_204 : i32
        %get3A_206 = arith.index_cast %add3A_205 : i32 to index
        %get3A_207 = tpu.vector_load %arg13[%get3A_206] {strides = array<i32>} : memref<2048xi32, #tpu.memory_space<vmem>>, vector<16xi32>,
        %add3A_208 = arith.constant 112 : i32
        %add3A_209 = arith.addi %mul3A_147, %add3A_208 : i32
        %get3A_210 = arith.index_cast %add3A_209 : i32 to index
        %get3A_211 = tpu.vector_load %arg13[%get3A_210] {strides = array<i32>} : memref<2048xi32, #tpu.memory_space<vmem>>, vector<16xi32>,
        %scan3A_212 = arith.constant 0 : i32
        %scan3A_213 = arith.constant 11 : i32
        %scan3A_214 = arith.addi %scan3A_212, %scan3A_213 : i32
        %scan3A_215 = arith.constant 1 : i32
        %scan3A_216:16 = scf.for %scan3A_282 = %scan3A_212 to %scan3A_214 step %scan3A_215 iter_args(%scan3A_283 = %get3A_151, %scan3A_284 = %get3A_155, %scan3A_285 = %get3A_159, %scan3A_286 = %get3A_163, %scan3A_287 = %get3A_167, %scan3A_288 = %get3A_171, %scan3A_289 = %get3A_175, %scan3A_290 = %get3A_179, %scan3A_291 = %get3A_183, %scan3A_292 = %get3A_187, %scan3A_293 = %get3A_191, %scan3A_294 = %get3A_195, %scan3A_295 = %get3A_199, %scan3A_296 = %get3A_203, %scan3A_297 = %get3A_207, %scan3A_298 = %get3A_211) -> (vector<16xf32>, vector<16xf32>, vector<16xf32>, vector<16xf32>, vector<16xf32>, vector<16xf32>, vector<16xf32>, vector<16xf32>, vector<16xi32>, vector<16xi32>, vector<16xi32>, vector<16xi32>, vector<16xi32>, vector<16xi32>, vector<16xi32>, vector<16xi32>)  : i32 {
          %mul3A_299 = arith.constant 1408 : i32
          %mul3A_300 = arith.muli %add3A_131, %mul3A_299 : i32
          %mul3A_301 = arith.constant 128 : i32
          %mul3A_302 = arith.muli %scan3A_282, %mul3A_301 : i32
          %add3A_303 = arith.addi %mul3A_300, %mul3A_302 : i32
          %add3A_304 = vector.broadcast %add3A_303 : i32 to vector<16xi32>
          %add3A_305 = arith.addi %iota3A, %add3A_304 : vector<16xi32>
          %mul3A_306 = arith.constant 128 : i32
          %mul3A_307 = arith.muli %scan3A_282, %mul3A_306 : i32
          %add3A_308 = arith.constant 0 : i32
          %add3A_309 = arith.addi %mul3A_307, %add3A_308 : i32
          %get3A_310 = arith.index_cast %scan3A_140 : i32 to index
          %get3A_311 = arith.index_cast %add3A_309 : i32 to index
          %get3A_312 = tpu.vector_load %arg8[%get3A_310, %get3A_311] {strides = array<i32>} : memref<8x1408xf32, #tpu.memory_space<vmem>>, vector<16xf32>,
          %lt3A = arith.cmpf olt, %get3A_312, %scan3A_283 : vector<16xf32>
          %select_n3A = arith.select %lt3A, %get3A_312, %scan3A_283 : vector<16xi1>, vector<16xf32>
          %select_n3A_313 = arith.select %lt3A, %add3A_305, %scan3A_291 : vector<16xi1>, vector<16xi32>
          %mul3A_314 = arith.constant 128 : i32
          %mul3A_315 = arith.muli %scan3A_282, %mul3A_314 : i32
          %add3A_316 = arith.constant 16 : i32
          %add3A_317 = arith.addi %mul3A_315, %add3A_316 : i32
          %get3A_318 = arith.index_cast %scan3A_140 : i32 to index
          %get3A_319 = arith.index_cast %add3A_317 : i32 to index
          %get3A_320 = tpu.vector_load %arg8[%get3A_318, %get3A_319] {strides = array<i32>} : memref<8x1408xf32, #tpu.memory_space<vmem>>, vector<16xf32>,
          %add3A_321 = arith.constant 16 : i32
          %add3A_322 = vector.broadcast %add3A_321 : i32 to vector<16xi32>
          %add3A_323 = arith.addi %add3A_305, %add3A_322 : vector<16xi32>
          %lt3A_324 = arith.cmpf olt, %get3A_320, %scan3A_284 : vector<16xf32>
          %select_n3A_325 = arith.select %lt3A_324, %get3A_320, %scan3A_284 : vector<16xi1>, vector<16xf32>
          %select_n3A_326 = arith.select %lt3A_324, %add3A_323, %scan3A_292 : vector<16xi1>, vector<16xi32>
          %mul3A_327 = arith.constant 128 : i32
          %mul3A_328 = arith.muli %scan3A_282, %mul3A_327 : i32
          %add3A_329 = arith.constant 32 : i32
          %add3A_330 = arith.addi %mul3A_328, %add3A_329 : i32
          %get3A_331 = arith.index_cast %scan3A_140 : i32 to index
          %get3A_332 = arith.index_cast %add3A_330 : i32 to index
          %get3A_333 = tpu.vector_load %arg8[%get3A_331, %get3A_332] {strides = array<i32>} : memref<8x1408xf32, #tpu.memory_space<vmem>>, vector<16xf32>,
          %add3A_334 = arith.constant 32 : i32
          %add3A_335 = vector.broadcast %add3A_334 : i32 to vector<16xi32>
          %add3A_336 = arith.addi %add3A_305, %add3A_335 : vector<16xi32>
          %lt3A_337 = arith.cmpf olt, %get3A_333, %scan3A_285 : vector<16xf32>
          %select_n3A_338 = arith.select %lt3A_337, %get3A_333, %scan3A_285 : vector<16xi1>, vector<16xf32>
          %select_n3A_339 = arith.select %lt3A_337, %add3A_336, %scan3A_293 : vector<16xi1>, vector<16xi32>
          %mul3A_340 = arith.constant 128 : i32
          %mul3A_341 = arith.muli %scan3A_282, %mul3A_340 : i32
          %add3A_342 = arith.constant 48 : i32
          %add3A_343 = arith.addi %mul3A_341, %add3A_342 : i32
          %get3A_344 = arith.index_cast %scan3A_140 : i32 to index
          %get3A_345 = arith.index_cast %add3A_343 : i32 to index
          %get3A_346 = tpu.vector_load %arg8[%get3A_344, %get3A_345] {strides = array<i32>} : memref<8x1408xf32, #tpu.memory_space<vmem>>, vector<16xf32>,
          %add3A_347 = arith.constant 48 : i32
          %add3A_348 = vector.broadcast %add3A_347 : i32 to vector<16xi32>
          %add3A_349 = arith.addi %add3A_305, %add3A_348 : vector<16xi32>
          %lt3A_350 = arith.cmpf olt, %get3A_346, %scan3A_286 : vector<16xf32>
          %select_n3A_351 = arith.select %lt3A_350, %get3A_346, %scan3A_286 : vector<16xi1>, vector<16xf32>
          %select_n3A_352 = arith.select %lt3A_350, %add3A_349, %scan3A_294 : vector<16xi1>, vector<16xi32>
          %mul3A_353 = arith.constant 128 : i32
          %mul3A_354 = arith.muli %scan3A_282, %mul3A_353 : i32
          %add3A_355 = arith.constant 64 : i32
          %add3A_356 = arith.addi %mul3A_354, %add3A_355 : i32
          %get3A_357 = arith.index_cast %scan3A_140 : i32 to index
          %get3A_358 = arith.index_cast %add3A_356 : i32 to index
          %get3A_359 = tpu.vector_load %arg8[%get3A_357, %get3A_358] {strides = array<i32>} : memref<8x1408xf32, #tpu.memory_space<vmem>>, vector<16xf32>,
          %add3A_360 = arith.constant 64 : i32
          %add3A_361 = vector.broadcast %add3A_360 : i32 to vector<16xi32>
          %add3A_362 = arith.addi %add3A_305, %add3A_361 : vector<16xi32>
          %lt3A_363 = arith.cmpf olt, %get3A_359, %scan3A_287 : vector<16xf32>
          %select_n3A_364 = arith.select %lt3A_363, %get3A_359, %scan3A_287 : vector<16xi1>, vector<16xf32>
          %select_n3A_365 = arith.select %lt3A_363, %add3A_362, %scan3A_295 : vector<16xi1>, vector<16xi32>
          %mul3A_366 = arith.constant 128 : i32
          %mul3A_367 = arith.muli %scan3A_282, %mul3A_366 : i32
          %add3A_368 = arith.constant 80 : i32
          %add3A_369 = arith.addi %mul3A_367, %add3A_368 : i32
          %get3A_370 = arith.index_cast %scan3A_140 : i32 to index
          %get3A_371 = arith.index_cast %add3A_369 : i32 to index
          %get3A_372 = tpu.vector_load %arg8[%get3A_370, %get3A_371] {strides = array<i32>} : memref<8x1408xf32, #tpu.memory_space<vmem>>, vector<16xf32>,
          %add3A_373 = arith.constant 80 : i32
          %add3A_374 = vector.broadcast %add3A_373 : i32 to vector<16xi32>
          %add3A_375 = arith.addi %add3A_305, %add3A_374 : vector<16xi32>
          %lt3A_376 = arith.cmpf olt, %get3A_372, %scan3A_288 : vector<16xf32>
          %select_n3A_377 = arith.select %lt3A_376, %get3A_372, %scan3A_288 : vector<16xi1>, vector<16xf32>
          %select_n3A_378 = arith.select %lt3A_376, %add3A_375, %scan3A_296 : vector<16xi1>, vector<16xi32>
          %mul3A_379 = arith.constant 128 : i32
          %mul3A_380 = arith.muli %scan3A_282, %mul3A_379 : i32
          %add3A_381 = arith.constant 96 : i32
          %add3A_382 = arith.addi %mul3A_380, %add3A_381 : i32
          %get3A_383 = arith.index_cast %scan3A_140 : i32 to index
          %get3A_384 = arith.index_cast %add3A_382 : i32 to index
          %get3A_385 = tpu.vector_load %arg8[%get3A_383, %get3A_384] {strides = array<i32>} : memref<8x1408xf32, #tpu.memory_space<vmem>>, vector<16xf32>,
          %add3A_386 = arith.constant 96 : i32
          %add3A_387 = vector.broadcast %add3A_386 : i32 to vector<16xi32>
          %add3A_388 = arith.addi %add3A_305, %add3A_387 : vector<16xi32>
          %lt3A_389 = arith.cmpf olt, %get3A_385, %scan3A_289 : vector<16xf32>
          %select_n3A_390 = arith.select %lt3A_389, %get3A_385, %scan3A_289 : vector<16xi1>, vector<16xf32>
          %select_n3A_391 = arith.select %lt3A_389, %add3A_388, %scan3A_297 : vector<16xi1>, vector<16xi32>
          %mul3A_392 = arith.constant 128 : i32
          %mul3A_393 = arith.muli %scan3A_282, %mul3A_392 : i32
          %add3A_394 = arith.constant 112 : i32
          %add3A_395 = arith.addi %mul3A_393, %add3A_394 : i32
          %get3A_396 = arith.index_cast %scan3A_140 : i32 to index
          %get3A_397 = arith.index_cast %add3A_395 : i32 to index
          %get3A_398 = tpu.vector_load %arg8[%get3A_396, %get3A_397] {strides = array<i32>} : memref<8x1408xf32, #tpu.memory_space<vmem>>, vector<16xf32>,
          %add3A_399 = arith.constant 112 : i32
          %add3A_400 = vector.broadcast %add3A_399 : i32 to vector<16xi32>
          %add3A_401 = arith.addi %add3A_305, %add3A_400 : vector<16xi32>
          %lt3A_402 = arith.cmpf olt, %get3A_398, %scan3A_290 : vector<16xf32>
          %select_n3A_403 = arith.select %lt3A_402, %get3A_398, %scan3A_290 : vector<16xi1>, vector<16xf32>
          %select_n3A_404 = arith.select %lt3A_402, %add3A_401, %scan3A_298 : vector<16xi1>, vector<16xi32>
          scf.yield %select_n3A, %select_n3A_325, %select_n3A_338, %select_n3A_351, %select_n3A_364, %select_n3A_377, %select_n3A_390, %select_n3A_403, %select_n3A_313, %select_n3A_326, %select_n3A_339, %select_n3A_352, %select_n3A_365, %select_n3A_378, %select_n3A_391, %select_n3A_404 : vector<16xf32>, vector<16xf32>, vector<16xf32>, vector<16xf32>, vector<16xf32>, vector<16xf32>, vector<16xf32>, vector<16xf32>, vector<16xi32>, vector<16xi32>, vector<16xi32>, vector<16xi32>, vector<16xi32>, vector<16xi32>, vector<16xi32>, vector<16xi32>
        }
        %scan3A_217 = arith.constant 11 : i32
        %add3A_218 = arith.constant 0 : i32
        %add3A_219 = arith.addi %mul3A_147, %add3A_218 : i32
        %swap3A = arith.index_cast %add3A_219 : i32 to index
        %swap3A_220 = tpu.vector_load %arg12[%swap3A] {strides = array<i32>} : memref<2048xf32, #tpu.memory_space<vmem>>, vector<16xf32>,
        tpu.vector_store %arg12[%swap3A], %scan3A_216#0 {strides = array<i32>} : memref<2048xf32, #tpu.memory_space<vmem>>, vector<16xf32>,
        %add3A_221 = arith.constant 0 : i32
        %add3A_222 = arith.addi %mul3A_147, %add3A_221 : i32
        %swap3A_223 = arith.index_cast %add3A_222 : i32 to index
        %swap3A_224 = tpu.vector_load %arg13[%swap3A_223] {strides = array<i32>} : memref<2048xi32, #tpu.memory_space<vmem>>, vector<16xi32>,
        tpu.vector_store %arg13[%swap3A_223], %scan3A_216#8 {strides = array<i32>} : memref<2048xi32, #tpu.memory_space<vmem>>, vector<16xi32>,
        %add3A_225 = arith.constant 16 : i32
        %add3A_226 = arith.addi %mul3A_147, %add3A_225 : i32
        %swap3A_227 = arith.index_cast %add3A_226 : i32 to index
        %swap3A_228 = tpu.vector_load %arg12[%swap3A_227] {strides = array<i32>} : memref<2048xf32, #tpu.memory_space<vmem>>, vector<16xf32>,
        tpu.vector_store %arg12[%swap3A_227], %scan3A_216#1 {strides = array<i32>} : memref<2048xf32, #tpu.memory_space<vmem>>, vector<16xf32>,
        %add3A_229 = arith.constant 16 : i32
        %add3A_230 = arith.addi %mul3A_147, %add3A_229 : i32
        %swap3A_231 = arith.index_cast %add3A_230 : i32 to index
        %swap3A_232 = tpu.vector_load %arg13[%swap3A_231] {strides = array<i32>} : memref<2048xi32, #tpu.memory_space<vmem>>, vector<16xi32>,
        tpu.vector_store %arg13[%swap3A_231], %scan3A_216#9 {strides = array<i32>} : memref<2048xi32, #tpu.memory_space<vmem>>, vector<16xi32>,
        %add3A_233 = arith.constant 32 : i32
        %add3A_234 = arith.addi %mul3A_147, %add3A_233 : i32
        %swap3A_235 = arith.index_cast %add3A_234 : i32 to index
        %swap3A_236 = tpu.vector_load %arg12[%swap3A_235] {strides = array<i32>} : memref<2048xf32, #tpu.memory_space<vmem>>, vector<16xf32>,
        tpu.vector_store %arg12[%swap3A_235], %scan3A_216#2 {strides = array<i32>} : memref<2048xf32, #tpu.memory_space<vmem>>, vector<16xf32>,
        %add3A_237 = arith.constant 32 : i32
        %add3A_238 = arith.addi %mul3A_147, %add3A_237 : i32
        %swap3A_239 = arith.index_cast %add3A_238 : i32 to index
        %swap3A_240 = tpu.vector_load %arg13[%swap3A_239] {strides = array<i32>} : memref<2048xi32, #tpu.memory_space<vmem>>, vector<16xi32>,
        tpu.vector_store %arg13[%swap3A_239], %scan3A_216#10 {strides = array<i32>} : memref<2048xi32, #tpu.memory_space<vmem>>, vector<16xi32>,
        %add3A_241 = arith.constant 48 : i32
        %add3A_242 = arith.addi %mul3A_147, %add3A_241 : i32
        %swap3A_243 = arith.index_cast %add3A_242 : i32 to index
        %swap3A_244 = tpu.vector_load %arg12[%swap3A_243] {strides = array<i32>} : memref<2048xf32, #tpu.memory_space<vmem>>, vector<16xf32>,
        tpu.vector_store %arg12[%swap3A_243], %scan3A_216#3 {strides = array<i32>} : memref<2048xf32, #tpu.memory_space<vmem>>, vector<16xf32>,
        %add3A_245 = arith.constant 48 : i32
        %add3A_246 = arith.addi %mul3A_147, %add3A_245 : i32
        %swap3A_247 = arith.index_cast %add3A_246 : i32 to index
        %swap3A_248 = tpu.vector_load %arg13[%swap3A_247] {strides = array<i32>} : memref<2048xi32, #tpu.memory_space<vmem>>, vector<16xi32>,
        tpu.vector_store %arg13[%swap3A_247], %scan3A_216#11 {strides = array<i32>} : memref<2048xi32, #tpu.memory_space<vmem>>, vector<16xi32>,
        %add3A_249 = arith.constant 64 : i32
        %add3A_250 = arith.addi %mul3A_147, %add3A_249 : i32
        %swap3A_251 = arith.index_cast %add3A_250 : i32 to index
        %swap3A_252 = tpu.vector_load %arg12[%swap3A_251] {strides = array<i32>} : memref<2048xf32, #tpu.memory_space<vmem>>, vector<16xf32>,
        tpu.vector_store %arg12[%swap3A_251], %scan3A_216#4 {strides = array<i32>} : memref<2048xf32, #tpu.memory_space<vmem>>, vector<16xf32>,
        %add3A_253 = arith.constant 64 : i32
        %add3A_254 = arith.addi %mul3A_147, %add3A_253 : i32
        %swap3A_255 = arith.index_cast %add3A_254 : i32 to index
        %swap3A_256 = tpu.vector_load %arg13[%swap3A_255] {strides = array<i32>} : memref<2048xi32, #tpu.memory_space<vmem>>, vector<16xi32>,
        tpu.vector_store %arg13[%swap3A_255], %scan3A_216#12 {strides = array<i32>} : memref<2048xi32, #tpu.memory_space<vmem>>, vector<16xi32>,
        %add3A_257 = arith.constant 80 : i32
        %add3A_258 = arith.addi %mul3A_147, %add3A_257 : i32
        %swap3A_259 = arith.index_cast %add3A_258 : i32 to index
        %swap3A_260 = tpu.vector_load %arg12[%swap3A_259] {strides = array<i32>} : memref<2048xf32, #tpu.memory_space<vmem>>, vector<16xf32>,
        tpu.vector_store %arg12[%swap3A_259], %scan3A_216#5 {strides = array<i32>} : memref<2048xf32, #tpu.memory_space<vmem>>, vector<16xf32>,
        %add3A_261 = arith.constant 80 : i32
        %add3A_262 = arith.addi %mul3A_147, %add3A_261 : i32
        %swap3A_263 = arith.index_cast %add3A_262 : i32 to index
        %swap3A_264 = tpu.vector_load %arg13[%swap3A_263] {strides = array<i32>} : memref<2048xi32, #tpu.memory_space<vmem>>, vector<16xi32>,
        tpu.vector_store %arg13[%swap3A_263], %scan3A_216#13 {strides = array<i32>} : memref<2048xi32, #tpu.memory_space<vmem>>, vector<16xi32>,
        %add3A_265 = arith.constant 96 : i32
        %add3A_266 = arith.addi %mul3A_147, %add3A_265 : i32
        %swap3A_267 = arith.index_cast %add3A_266 : i32 to index
        %swap3A_268 = tpu.vector_load %arg12[%swap3A_267] {strides = array<i32>} : memref<2048xf32, #tpu.memory_space<vmem>>, vector<16xf32>,
        tpu.vector_store %arg12[%swap3A_267], %scan3A_216#6 {strides = array<i32>} : memref<2048xf32, #tpu.memory_space<vmem>>, vector<16xf32>,
        %add3A_269 = arith.constant 96 : i32
        %add3A_270 = arith.addi %mul3A_147, %add3A_269 : i32
        %swap3A_271 = arith.index_cast %add3A_270 : i32 to index
        %swap3A_272 = tpu.vector_load %arg13[%swap3A_271] {strides = array<i32>} : memref<2048xi32, #tpu.memory_space<vmem>>, vector<16xi32>,
        tpu.vector_store %arg13[%swap3A_271], %scan3A_216#14 {strides = array<i32>} : memref<2048xi32, #tpu.memory_space<vmem>>, vector<16xi32>,
        %add3A_273 = arith.constant 112 : i32
        %add3A_274 = arith.addi %mul3A_147, %add3A_273 : i32
        %swap3A_275 = arith.index_cast %add3A_274 : i32 to index
        %swap3A_276 = tpu.vector_load %arg12[%swap3A_275] {strides = array<i32>} : memref<2048xf32, #tpu.memory_space<vmem>>, vector<16xf32>,
        tpu.vector_store %arg12[%swap3A_275], %scan3A_216#7 {strides = array<i32>} : memref<2048xf32, #tpu.memory_space<vmem>>, vector<16xf32>,
        %add3A_277 = arith.constant 112 : i32
        %add3A_278 = arith.addi %mul3A_147, %add3A_277 : i32
        %swap3A_279 = arith.index_cast %add3A_278 : i32 to index
        %swap3A_280 = tpu.vector_load %arg13[%swap3A_279] {strides = array<i32>} : memref<2048xi32, #tpu.memory_space<vmem>>, vector<16xi32>,
        tpu.vector_store %arg13[%swap3A_279], %scan3A_216#15 {strides = array<i32>} : memref<2048xi32, #tpu.memory_space<vmem>>, vector<16xi32>,
        %scan3A_281 = arith.constant 0 : i32
        scf.yield %scan3A_281 : i32
      }
      %scan3A_138 = arith.constant 8 : i32
      %scan3A_139 = arith.constant 0 : i32
      scf.yield %scan3A_139 : i32
    }
    %scan3A_23 = arith.constant 35 : i32
    %dma_wait3A = arith.constant 0 : i32
    %dma_wait3A_24 = arith.constant 0 : i32
    %dma_wait3A_25 = tpu.memref_slice %arg2[%dma_wait3A, %dma_wait3A_24] : memref<512x100000xf32, #tpu.memory_space<hbm>> -> memref<8x1408xf32, #tpu.memory_space<hbm>>
    %dma_wait3A_26 = arith.constant 0 : i32
    %dma_wait3A_27 = arith.constant 0 : i32
    %dma_wait3A_28 = tpu.memref_slice %arg2[%dma_wait3A_26, %dma_wait3A_27] : memref<512x100000xf32, #tpu.memory_space<hbm>> -> memref<8x1408xf32, #tpu.memory_space<hbm>>
    tpu.wait_dma2 semaphore(%arg14 : memref<!tpu.dma_semaphore, #tpu.memory_space<semaphore_mem>>) src(%dma_wait3A_28 : memref<8x1408xf32, #tpu.memory_space<hbm>>) dst(%arg7 : memref<8x1408xf32, #tpu.memory_space<vmem>>)
    %scan3A_29 = arith.constant 0 : i32
    %scan3A_30 = arith.constant 0 : i32
    %scan3A_31 = arith.constant 8 : i32
    %scan3A_32 = arith.addi %scan3A_30, %scan3A_31 : i32
    %scan3A_33 = arith.constant 1 : i32
    %scan3A_34 = scf.for %scan3A_94 = %scan3A_30 to %scan3A_32 step %scan3A_33 iter_args(%scan3A_95 = %scan3A_29) -> (i32)  : i32 {
      %add3A_96 = arith.constant 0 : i32
      %add3A_97 = arith.addi %add3A_96, %scan3A_94 : i32
      %mul3A_98 = arith.constant 8 : i32
      %mul3A_99 = arith.muli %add3A_97, %mul3A_98 : i32
      %mul3A_100 = arith.constant 16 : i32
      %mul3A_101 = arith.muli %mul3A_99, %mul3A_100 : i32
      %add3A_102 = arith.constant 0 : i32
      %add3A_103 = arith.addi %mul3A_101, %add3A_102 : i32
      %get3A_104 = arith.index_cast %add3A_103 : i32 to index
      %get3A_105 = tpu.vector_load %arg12[%get3A_104] {strides = array<i32>} : memref<2048xf32, #tpu.memory_space<vmem>>, vector<16xf32>,
      %add3A_106 = arith.constant 16 : i32
      %add3A_107 = arith.addi %mul3A_101, %add3A_106 : i32
      %get3A_108 = arith.index_cast %add3A_107 : i32 to index
      %get3A_109 = tpu.vector_load %arg12[%get3A_108] {strides = array<i32>} : memref<2048xf32, #tpu.memory_space<vmem>>, vector<16xf32>,
      %add3A_110 = arith.constant 32 : i32
      %add3A_111 = arith.addi %mul3A_101, %add3A_110 : i32
      %get3A_112 = arith.index_cast %add3A_111 : i32 to index
      %get3A_113 = tpu.vector_load %arg12[%get3A_112] {strides = array<i32>} : memref<2048xf32, #tpu.memory_space<vmem>>, vector<16xf32>,
      %add3A_114 = arith.constant 48 : i32
      %add3A_115 = arith.addi %mul3A_101, %add3A_114 : i32
      %get3A_116 = arith.index_cast %add3A_115 : i32 to index
      %get3A_117 = tpu.vector_load %arg12[%get3A_116] {strides = array<i32>} : memref<2048xf32, #tpu.memory_space<vmem>>, vector<16xf32>,
      %add3A_118 = arith.constant 64 : i32
      %add3A_119 = arith.addi %mul3A_101, %add3A_118 : i32
      %get3A_120 = arith.index_cast %add3A_119 : i32 to index
      %get3A_121 = tpu.vector_load %arg12[%get3A_120] {strides = array<i32>} : memref<2048xf32, #tpu.memory_space<vmem>>, vector<16xf32>,
      %add3A_122 = arith.constant 80 : i32
      %add3A_123 = arith.addi %mul3A_101, %add3A_122 : i32
      %get3A_124 = arith.index_cast %add3A_123 : i32 to index
      %get3A_125 = tpu.vector_load %arg12[%get3A_124] {strides = array<i32>} : memref<2048xf32, #tpu.memory_space<vmem>>, vector<16xf32>,
      %add3A_126 = arith.constant 96 : i32
      %add3A_127 = arith.addi %mul3A_101, %add3A_126 : i32
      %get3A_128 = arith.index_cast %add3A_127 : i32 to index
      %get3A_129 = tpu.vector_load %arg12[%get3A_128] {strides = array<i32>} : memref<2048xf32, #tpu.memory_space<vmem>>, vector<16xf32>,
      %add3A_130 = arith.constant 112 : i32
      %add3A_131 = arith.addi %mul3A_101, %add3A_130 : i32
      %get3A_132 = arith.index_cast %add3A_131 : i32 to index
      %get3A_133 = tpu.vector_load %arg12[%get3A_132] {strides = array<i32>} : memref<2048xf32, #tpu.memory_space<vmem>>, vector<16xf32>,
      %add3A_134 = arith.constant 0 : i32
      %add3A_135 = arith.addi %mul3A_101, %add3A_134 : i32
      %get3A_136 = arith.index_cast %add3A_135 : i32 to index
      %get3A_137 = tpu.vector_load %arg13[%get3A_136] {strides = array<i32>} : memref<2048xi32, #tpu.memory_space<vmem>>, vector<16xi32>,
      %add3A_138 = arith.constant 16 : i32
      %add3A_139 = arith.addi %mul3A_101, %add3A_138 : i32
      %get3A_140 = arith.index_cast %add3A_139 : i32 to index
      %get3A_141 = tpu.vector_load %arg13[%get3A_140] {strides = array<i32>} : memref<2048xi32, #tpu.memory_space<vmem>>, vector<16xi32>,
      %add3A_142 = arith.constant 32 : i32
      %add3A_143 = arith.addi %mul3A_101, %add3A_142 : i32
      %get3A_144 = arith.index_cast %add3A_143 : i32 to index
      %get3A_145 = tpu.vector_load %arg13[%get3A_144] {strides = array<i32>} : memref<2048xi32, #tpu.memory_space<vmem>>, vector<16xi32>,
      %add3A_146 = arith.constant 48 : i32
      %add3A_147 = arith.addi %mul3A_101, %add3A_146 : i32
      %get3A_148 = arith.index_cast %add3A_147 : i32 to index
      %get3A_149 = tpu.vector_load %arg13[%get3A_148] {strides = array<i32>} : memref<2048xi32, #tpu.memory_space<vmem>>, vector<16xi32>,
      %add3A_150 = arith.constant 64 : i32
      %add3A_151 = arith.addi %mul3A_101, %add3A_150 : i32
      %get3A_152 = arith.index_cast %add3A_151 : i32 to index
      %get3A_153 = tpu.vector_load %arg13[%get3A_152] {strides = array<i32>} : memref<2048xi32, #tpu.memory_space<vmem>>, vector<16xi32>,
      %add3A_154 = arith.constant 80 : i32
      %add3A_155 = arith.addi %mul3A_101, %add3A_154 : i32
      %get3A_156 = arith.index_cast %add3A_155 : i32 to index
      %get3A_157 = tpu.vector_load %arg13[%get3A_156] {strides = array<i32>} : memref<2048xi32, #tpu.memory_space<vmem>>, vector<16xi32>,
      %add3A_158 = arith.constant 96 : i32
      %add3A_159 = arith.addi %mul3A_101, %add3A_158 : i32
      %get3A_160 = arith.index_cast %add3A_159 : i32 to index
      %get3A_161 = tpu.vector_load %arg13[%get3A_160] {strides = array<i32>} : memref<2048xi32, #tpu.memory_space<vmem>>, vector<16xi32>,
      %add3A_162 = arith.constant 112 : i32
      %add3A_163 = arith.addi %mul3A_101, %add3A_162 : i32
      %get3A_164 = arith.index_cast %add3A_163 : i32 to index
      %get3A_165 = tpu.vector_load %arg13[%get3A_164] {strides = array<i32>} : memref<2048xi32, #tpu.memory_space<vmem>>, vector<16xi32>,
      %scan3A_166 = arith.constant 0 : i32
      %scan3A_167 = arith.constant 11 : i32
      %scan3A_168 = arith.addi %scan3A_166, %scan3A_167 : i32
      %scan3A_169 = arith.constant 1 : i32
      %scan3A_170:16 = scf.for %scan3A_236 = %scan3A_166 to %scan3A_168 step %scan3A_169 iter_args(%scan3A_237 = %get3A_105, %scan3A_238 = %get3A_109, %scan3A_239 = %get3A_113, %scan3A_240 = %get3A_117, %scan3A_241 = %get3A_121, %scan3A_242 = %get3A_125, %scan3A_243 = %get3A_129, %scan3A_244 = %get3A_133, %scan3A_245 = %get3A_137, %scan3A_246 = %get3A_141, %scan3A_247 = %get3A_145, %scan3A_248 = %get3A_149, %scan3A_249 = %get3A_153, %scan3A_250 = %get3A_157, %scan3A_251 = %get3A_161, %scan3A_252 = %get3A_165) -> (vector<16xf32>, vector<16xf32>, vector<16xf32>, vector<16xf32>, vector<16xf32>, vector<16xf32>, vector<16xf32>, vector<16xf32>, vector<16xi32>, vector<16xi32>, vector<16xi32>, vector<16xi32>, vector<16xi32>, vector<16xi32>, vector<16xi32>, vector<16xi32>)  : i32 {
        %mul3A_253 = arith.constant 128 : i32
        %mul3A_254 = arith.muli %scan3A_236, %mul3A_253 : i32
        %add3A_255 = arith.constant 98560 : i32
        %add3A_256 = arith.addi %add3A_255, %mul3A_254 : i32
        %add3A_257 = vector.broadcast %add3A_256 : i32 to vector<16xi32>
        %add3A_258 = arith.addi %iota3A, %add3A_257 : vector<16xi32>
        %mul3A_259 = arith.constant 128 : i32
        %mul3A_260 = arith.muli %scan3A_236, %mul3A_259 : i32
        %add3A_261 = arith.constant 0 : i32
        %add3A_262 = arith.addi %mul3A_260, %add3A_261 : i32
        %get3A_263 = arith.index_cast %scan3A_94 : i32 to index
        %get3A_264 = arith.index_cast %add3A_262 : i32 to index
        %get3A_265 = tpu.vector_load %arg7[%get3A_263, %get3A_264] {strides = array<i32>} : memref<8x1408xf32, #tpu.memory_space<vmem>>, vector<16xf32>,
        %lt3A = arith.cmpf olt, %get3A_265, %scan3A_237 : vector<16xf32>
        %select_n3A = arith.select %lt3A, %get3A_265, %scan3A_237 : vector<16xi1>, vector<16xf32>
        %select_n3A_266 = arith.select %lt3A, %add3A_258, %scan3A_245 : vector<16xi1>, vector<16xi32>
        %mul3A_267 = arith.constant 128 : i32
        %mul3A_268 = arith.muli %scan3A_236, %mul3A_267 : i32
        %add3A_269 = arith.constant 16 : i32
        %add3A_270 = arith.addi %mul3A_268, %add3A_269 : i32
        %get3A_271 = arith.index_cast %scan3A_94 : i32 to index
        %get3A_272 = arith.index_cast %add3A_270 : i32 to index
        %get3A_273 = tpu.vector_load %arg7[%get3A_271, %get3A_272] {strides = array<i32>} : memref<8x1408xf32, #tpu.memory_space<vmem>>, vector<16xf32>,
        %add3A_274 = arith.constant 16 : i32
        %add3A_275 = vector.broadcast %add3A_274 : i32 to vector<16xi32>
        %add3A_276 = arith.addi %add3A_258, %add3A_275 : vector<16xi32>
        %lt3A_277 = arith.cmpf olt, %get3A_273, %scan3A_238 : vector<16xf32>
        %select_n3A_278 = arith.select %lt3A_277, %get3A_273, %scan3A_238 : vector<16xi1>, vector<16xf32>
        %select_n3A_279 = arith.select %lt3A_277, %add3A_276, %scan3A_246 : vector<16xi1>, vector<16xi32>
        %mul3A_280 = arith.constant 128 : i32
        %mul3A_281 = arith.muli %scan3A_236, %mul3A_280 : i32
        %add3A_282 = arith.constant 32 : i32
        %add3A_283 = arith.addi %mul3A_281, %add3A_282 : i32
        %get3A_284 = arith.index_cast %scan3A_94 : i32 to index
        %get3A_285 = arith.index_cast %add3A_283 : i32 to index
        %get3A_286 = tpu.vector_load %arg7[%get3A_284, %get3A_285] {strides = array<i32>} : memref<8x1408xf32, #tpu.memory_space<vmem>>, vector<16xf32>,
        %add3A_287 = arith.constant 32 : i32
        %add3A_288 = vector.broadcast %add3A_287 : i32 to vector<16xi32>
        %add3A_289 = arith.addi %add3A_258, %add3A_288 : vector<16xi32>
        %lt3A_290 = arith.cmpf olt, %get3A_286, %scan3A_239 : vector<16xf32>
        %select_n3A_291 = arith.select %lt3A_290, %get3A_286, %scan3A_239 : vector<16xi1>, vector<16xf32>
        %select_n3A_292 = arith.select %lt3A_290, %add3A_289, %scan3A_247 : vector<16xi1>, vector<16xi32>
        %mul3A_293 = arith.constant 128 : i32
        %mul3A_294 = arith.muli %scan3A_236, %mul3A_293 : i32
        %add3A_295 = arith.constant 48 : i32
        %add3A_296 = arith.addi %mul3A_294, %add3A_295 : i32
        %get3A_297 = arith.index_cast %scan3A_94 : i32 to index
        %get3A_298 = arith.index_cast %add3A_296 : i32 to index
        %get3A_299 = tpu.vector_load %arg7[%get3A_297, %get3A_298] {strides = array<i32>} : memref<8x1408xf32, #tpu.memory_space<vmem>>, vector<16xf32>,
        %add3A_300 = arith.constant 48 : i32
        %add3A_301 = vector.broadcast %add3A_300 : i32 to vector<16xi32>
        %add3A_302 = arith.addi %add3A_258, %add3A_301 : vector<16xi32>
        %lt3A_303 = arith.cmpf olt, %get3A_299, %scan3A_240 : vector<16xf32>
        %select_n3A_304 = arith.select %lt3A_303, %get3A_299, %scan3A_240 : vector<16xi1>, vector<16xf32>
        %select_n3A_305 = arith.select %lt3A_303, %add3A_302, %scan3A_248 : vector<16xi1>, vector<16xi32>
        %mul3A_306 = arith.constant 128 : i32
        %mul3A_307 = arith.muli %scan3A_236, %mul3A_306 : i32
        %add3A_308 = arith.constant 64 : i32
        %add3A_309 = arith.addi %mul3A_307, %add3A_308 : i32
        %get3A_310 = arith.index_cast %scan3A_94 : i32 to index
        %get3A_311 = arith.index_cast %add3A_309 : i32 to index
        %get3A_312 = tpu.vector_load %arg7[%get3A_310, %get3A_311] {strides = array<i32>} : memref<8x1408xf32, #tpu.memory_space<vmem>>, vector<16xf32>,
        %add3A_313 = arith.constant 64 : i32
        %add3A_314 = vector.broadcast %add3A_313 : i32 to vector<16xi32>
        %add3A_315 = arith.addi %add3A_258, %add3A_314 : vector<16xi32>
        %lt3A_316 = arith.cmpf olt, %get3A_312, %scan3A_241 : vector<16xf32>
        %select_n3A_317 = arith.select %lt3A_316, %get3A_312, %scan3A_241 : vector<16xi1>, vector<16xf32>
        %select_n3A_318 = arith.select %lt3A_316, %add3A_315, %scan3A_249 : vector<16xi1>, vector<16xi32>
        %mul3A_319 = arith.constant 128 : i32
        %mul3A_320 = arith.muli %scan3A_236, %mul3A_319 : i32
        %add3A_321 = arith.constant 80 : i32
        %add3A_322 = arith.addi %mul3A_320, %add3A_321 : i32
        %get3A_323 = arith.index_cast %scan3A_94 : i32 to index
        %get3A_324 = arith.index_cast %add3A_322 : i32 to index
        %get3A_325 = tpu.vector_load %arg7[%get3A_323, %get3A_324] {strides = array<i32>} : memref<8x1408xf32, #tpu.memory_space<vmem>>, vector<16xf32>,
        %add3A_326 = arith.constant 80 : i32
        %add3A_327 = vector.broadcast %add3A_326 : i32 to vector<16xi32>
        %add3A_328 = arith.addi %add3A_258, %add3A_327 : vector<16xi32>
        %lt3A_329 = arith.cmpf olt, %get3A_325, %scan3A_242 : vector<16xf32>
        %select_n3A_330 = arith.select %lt3A_329, %get3A_325, %scan3A_242 : vector<16xi1>, vector<16xf32>
        %select_n3A_331 = arith.select %lt3A_329, %add3A_328, %scan3A_250 : vector<16xi1>, vector<16xi32>
        %mul3A_332 = arith.constant 128 : i32
        %mul3A_333 = arith.muli %scan3A_236, %mul3A_332 : i32
        %add3A_334 = arith.constant 96 : i32
        %add3A_335 = arith.addi %mul3A_333, %add3A_334 : i32
        %get3A_336 = arith.index_cast %scan3A_94 : i32 to index
        %get3A_337 = arith.index_cast %add3A_335 : i32 to index
        %get3A_338 = tpu.vector_load %arg7[%get3A_336, %get3A_337] {strides = array<i32>} : memref<8x1408xf32, #tpu.memory_space<vmem>>, vector<16xf32>,
        %add3A_339 = arith.constant 96 : i32
        %add3A_340 = vector.broadcast %add3A_339 : i32 to vector<16xi32>
        %add3A_341 = arith.addi %add3A_258, %add3A_340 : vector<16xi32>
        %lt3A_342 = arith.cmpf olt, %get3A_338, %scan3A_243 : vector<16xf32>
        %select_n3A_343 = arith.select %lt3A_342, %get3A_338, %scan3A_243 : vector<16xi1>, vector<16xf32>
        %select_n3A_344 = arith.select %lt3A_342, %add3A_341, %scan3A_251 : vector<16xi1>, vector<16xi32>
        %mul3A_345 = arith.constant 128 : i32
        %mul3A_346 = arith.muli %scan3A_236, %mul3A_345 : i32
        %add3A_347 = arith.constant 112 : i32
        %add3A_348 = arith.addi %mul3A_346, %add3A_347 : i32
        %get3A_349 = arith.index_cast %scan3A_94 : i32 to index
        %get3A_350 = arith.index_cast %add3A_348 : i32 to index
        %get3A_351 = tpu.vector_load %arg7[%get3A_349, %get3A_350] {strides = array<i32>} : memref<8x1408xf32, #tpu.memory_space<vmem>>, vector<16xf32>,
        %add3A_352 = arith.constant 112 : i32
        %add3A_353 = vector.broadcast %add3A_352 : i32 to vector<16xi32>
        %add3A_354 = arith.addi %add3A_258, %add3A_353 : vector<16xi32>
        %lt3A_355 = arith.cmpf olt, %get3A_351, %scan3A_244 : vector<16xf32>
        %select_n3A_356 = arith.select %lt3A_355, %get3A_351, %scan3A_244 : vector<16xi1>, vector<16xf32>
        %select_n3A_357 = arith.select %lt3A_355, %add3A_354, %scan3A_252 : vector<16xi1>, vector<16xi32>
        scf.yield %select_n3A, %select_n3A_278, %select_n3A_291, %select_n3A_304, %select_n3A_317, %select_n3A_330, %select_n3A_343, %select_n3A_356, %select_n3A_266, %select_n3A_279, %select_n3A_292, %select_n3A_305, %select_n3A_318, %select_n3A_331, %select_n3A_344, %select_n3A_357 : vector<16xf32>, vector<16xf32>, vector<16xf32>, vector<16xf32>, vector<16xf32>, vector<16xf32>, vector<16xf32>, vector<16xf32>, vector<16xi32>, vector<16xi32>, vector<16xi32>, vector<16xi32>, vector<16xi32>, vector<16xi32>, vector<16xi32>, vector<16xi32>
      }
      %scan3A_171 = arith.constant 11 : i32
      %add3A_172 = arith.constant 0 : i32
      %add3A_173 = arith.addi %mul3A_101, %add3A_172 : i32
      %swap3A = arith.index_cast %add3A_173 : i32 to index
      %swap3A_174 = tpu.vector_load %arg12[%swap3A] {strides = array<i32>} : memref<2048xf32, #tpu.memory_space<vmem>>, vector<16xf32>,
      tpu.vector_store %arg12[%swap3A], %scan3A_170#0 {strides = array<i32>} : memref<2048xf32, #tpu.memory_space<vmem>>, vector<16xf32>,
      %add3A_175 = arith.constant 0 : i32
      %add3A_176 = arith.addi %mul3A_101, %add3A_175 : i32
      %swap3A_177 = arith.index_cast %add3A_176 : i32 to index
      %swap3A_178 = tpu.vector_load %arg13[%swap3A_177] {strides = array<i32>} : memref<2048xi32, #tpu.memory_space<vmem>>, vector<16xi32>,
      tpu.vector_store %arg13[%swap3A_177], %scan3A_170#8 {strides = array<i32>} : memref<2048xi32, #tpu.memory_space<vmem>>, vector<16xi32>,
      %add3A_179 = arith.constant 16 : i32
      %add3A_180 = arith.addi %mul3A_101, %add3A_179 : i32
      %swap3A_181 = arith.index_cast %add3A_180 : i32 to index
      %swap3A_182 = tpu.vector_load %arg12[%swap3A_181] {strides = array<i32>} : memref<2048xf32, #tpu.memory_space<vmem>>, vector<16xf32>,
      tpu.vector_store %arg12[%swap3A_181], %scan3A_170#1 {strides = array<i32>} : memref<2048xf32, #tpu.memory_space<vmem>>, vector<16xf32>,
      %add3A_183 = arith.constant 16 : i32
      %add3A_184 = arith.addi %mul3A_101, %add3A_183 : i32
      %swap3A_185 = arith.index_cast %add3A_184 : i32 to index
      %swap3A_186 = tpu.vector_load %arg13[%swap3A_185] {strides = array<i32>} : memref<2048xi32, #tpu.memory_space<vmem>>, vector<16xi32>,
      tpu.vector_store %arg13[%swap3A_185], %scan3A_170#9 {strides = array<i32>} : memref<2048xi32, #tpu.memory_space<vmem>>, vector<16xi32>,
      %add3A_187 = arith.constant 32 : i32
      %add3A_188 = arith.addi %mul3A_101, %add3A_187 : i32
      %swap3A_189 = arith.index_cast %add3A_188 : i32 to index
      %swap3A_190 = tpu.vector_load %arg12[%swap3A_189] {strides = array<i32>} : memref<2048xf32, #tpu.memory_space<vmem>>, vector<16xf32>,
      tpu.vector_store %arg12[%swap3A_189], %scan3A_170#2 {strides = array<i32>} : memref<2048xf32, #tpu.memory_space<vmem>>, vector<16xf32>,
      %add3A_191 = arith.constant 32 : i32
      %add3A_192 = arith.addi %mul3A_101, %add3A_191 : i32
      %swap3A_193 = arith.index_cast %add3A_192 : i32 to index
      %swap3A_194 = tpu.vector_load %arg13[%swap3A_193] {strides = array<i32>} : memref<2048xi32, #tpu.memory_space<vmem>>, vector<16xi32>,
      tpu.vector_store %arg13[%swap3A_193], %scan3A_170#10 {strides = array<i32>} : memref<2048xi32, #tpu.memory_space<vmem>>, vector<16xi32>,
      %add3A_195 = arith.constant 48 : i32
      %add3A_196 = arith.addi %mul3A_101, %add3A_195 : i32
      %swap3A_197 = arith.index_cast %add3A_196 : i32 to index
      %swap3A_198 = tpu.vector_load %arg12[%swap3A_197] {strides = array<i32>} : memref<2048xf32, #tpu.memory_space<vmem>>, vector<16xf32>,
      tpu.vector_store %arg12[%swap3A_197], %scan3A_170#3 {strides = array<i32>} : memref<2048xf32, #tpu.memory_space<vmem>>, vector<16xf32>,
      %add3A_199 = arith.constant 48 : i32
      %add3A_200 = arith.addi %mul3A_101, %add3A_199 : i32
      %swap3A_201 = arith.index_cast %add3A_200 : i32 to index
      %swap3A_202 = tpu.vector_load %arg13[%swap3A_201] {strides = array<i32>} : memref<2048xi32, #tpu.memory_space<vmem>>, vector<16xi32>,
      tpu.vector_store %arg13[%swap3A_201], %scan3A_170#11 {strides = array<i32>} : memref<2048xi32, #tpu.memory_space<vmem>>, vector<16xi32>,
      %add3A_203 = arith.constant 64 : i32
      %add3A_204 = arith.addi %mul3A_101, %add3A_203 : i32
      %swap3A_205 = arith.index_cast %add3A_204 : i32 to index
      %swap3A_206 = tpu.vector_load %arg12[%swap3A_205] {strides = array<i32>} : memref<2048xf32, #tpu.memory_space<vmem>>, vector<16xf32>,
      tpu.vector_store %arg12[%swap3A_205], %scan3A_170#4 {strides = array<i32>} : memref<2048xf32, #tpu.memory_space<vmem>>, vector<16xf32>,
      %add3A_207 = arith.constant 64 : i32
      %add3A_208 = arith.addi %mul3A_101, %add3A_207 : i32
      %swap3A_209 = arith.index_cast %add3A_208 : i32 to index
      %swap3A_210 = tpu.vector_load %arg13[%swap3A_209] {strides = array<i32>} : memref<2048xi32, #tpu.memory_space<vmem>>, vector<16xi32>,
      tpu.vector_store %arg13[%swap3A_209], %scan3A_170#12 {strides = array<i32>} : memref<2048xi32, #tpu.memory_space<vmem>>, vector<16xi32>,
      %add3A_211 = arith.constant 80 : i32
      %add3A_212 = arith.addi %mul3A_101, %add3A_211 : i32
      %swap3A_213 = arith.index_cast %add3A_212 : i32 to index
      %swap3A_214 = tpu.vector_load %arg12[%swap3A_213] {strides = array<i32>} : memref<2048xf32, #tpu.memory_space<vmem>>, vector<16xf32>,
      tpu.vector_store %arg12[%swap3A_213], %scan3A_170#5 {strides = array<i32>} : memref<2048xf32, #tpu.memory_space<vmem>>, vector<16xf32>,
      %add3A_215 = arith.constant 80 : i32
      %add3A_216 = arith.addi %mul3A_101, %add3A_215 : i32
      %swap3A_217 = arith.index_cast %add3A_216 : i32 to index
      %swap3A_218 = tpu.vector_load %arg13[%swap3A_217] {strides = array<i32>} : memref<2048xi32, #tpu.memory_space<vmem>>, vector<16xi32>,
      tpu.vector_store %arg13[%swap3A_217], %scan3A_170#13 {strides = array<i32>} : memref<2048xi32, #tpu.memory_space<vmem>>, vector<16xi32>,
      %add3A_219 = arith.constant 96 : i32
      %add3A_220 = arith.addi %mul3A_101, %add3A_219 : i32
      %swap3A_221 = arith.index_cast %add3A_220 : i32 to index
      %swap3A_222 = tpu.vector_load %arg12[%swap3A_221] {strides = array<i32>} : memref<2048xf32, #tpu.memory_space<vmem>>, vector<16xf32>,
      tpu.vector_store %arg12[%swap3A_221], %scan3A_170#6 {strides = array<i32>} : memref<2048xf32, #tpu.memory_space<vmem>>, vector<16xf32>,
      %add3A_223 = arith.constant 96 : i32
      %add3A_224 = arith.addi %mul3A_101, %add3A_223 : i32
      %swap3A_225 = arith.index_cast %add3A_224 : i32 to index
      %swap3A_226 = tpu.vector_load %arg13[%swap3A_225] {strides = array<i32>} : memref<2048xi32, #tpu.memory_space<vmem>>, vector<16xi32>,
      tpu.vector_store %arg13[%swap3A_225], %scan3A_170#14 {strides = array<i32>} : memref<2048xi32, #tpu.memory_space<vmem>>, vector<16xi32>,
      %add3A_227 = arith.constant 112 : i32
      %add3A_228 = arith.addi %mul3A_101, %add3A_227 : i32
      %swap3A_229 = arith.index_cast %add3A_228 : i32 to index
      %swap3A_230 = tpu.vector_load %arg12[%swap3A_229] {strides = array<i32>} : memref<2048xf32, #tpu.memory_space<vmem>>, vector<16xf32>,
      tpu.vector_store %arg12[%swap3A_229], %scan3A_170#7 {strides = array<i32>} : memref<2048xf32, #tpu.memory_space<vmem>>, vector<16xf32>,
      %add3A_231 = arith.constant 112 : i32
      %add3A_232 = arith.addi %mul3A_101, %add3A_231 : i32
      %swap3A_233 = arith.index_cast %add3A_232 : i32 to index
      %swap3A_234 = tpu.vector_load %arg13[%swap3A_233] {strides = array<i32>} : memref<2048xi32, #tpu.memory_space<vmem>>, vector<16xi32>,
      tpu.vector_store %arg13[%swap3A_233], %scan3A_170#15 {strides = array<i32>} : memref<2048xi32, #tpu.memory_space<vmem>>, vector<16xi32>,
      %scan3A_235 = arith.constant 0 : i32
      scf.yield %scan3A_235 : i32
    }
    %scan3A_35 = arith.constant 8 : i32
    %mul3A_36 = arith.constant 32 : i32
    %mul3A_37 = arith.muli %add3A_7, %mul3A_36 : i32
    "tpu.region"() ({
      %run_scoped3A = tpu.sem_alloc : memref<!tpu.dma_semaphore, #tpu.memory_space<semaphore_mem>>
      %dma_start3A_94 = tpu.memref_slice %arg3[%mul3A_37] : memref<16384xf32, #tpu.memory_space<hbm>> -> memref<256xf32, #tpu.memory_space<hbm>>
      %dma_start3A_95 = tpu.memref_slice %arg3[%mul3A_37] : memref<16384xf32, #tpu.memory_space<hbm>> -> memref<256xf32, #tpu.memory_space<hbm>>
      tpu.enqueue_dma source(%dma_start3A_95 : memref<256xf32, #tpu.memory_space<hbm>>) target(%arg9 : memref<256xf32, #tpu.memory_space<vmem>>) target_semaphore(%run_scoped3A : memref<!tpu.dma_semaphore, #tpu.memory_space<semaphore_mem>>)
      %dma_wait3A_96 = tpu.memref_slice %arg3[%mul3A_37] : memref<16384xf32, #tpu.memory_space<hbm>> -> memref<256xf32, #tpu.memory_space<hbm>>
      %dma_wait3A_97 = tpu.memref_slice %arg3[%mul3A_37] : memref<16384xf32, #tpu.memory_space<hbm>> -> memref<256xf32, #tpu.memory_space<hbm>>
      tpu.wait_dma2 semaphore(%run_scoped3A : memref<!tpu.dma_semaphore, #tpu.memory_space<semaphore_mem>>) src(%dma_wait3A_97 : memref<256xf32, #tpu.memory_space<hbm>>) dst(%arg9 : memref<256xf32, #tpu.memory_space<vmem>>)
      tpu.yield
    }) : () -> ()
    %scan3A_38 = arith.constant 0 : i32
    %scan3A_39 = arith.constant 0 : i32
    %scan3A_40 = arith.constant 8 : i32
    %scan3A_41 = arith.addi %scan3A_39, %scan3A_40 : i32
    %scan3A_42 = arith.constant 1 : i32
    %scan3A_43 = scf.for %scan3A_94 = %scan3A_39 to %scan3A_41 step %scan3A_42 iter_args(%scan3A_95 = %scan3A_38) -> (i32)  : i32 {
      %add3A_96 = arith.constant 0 : i32
      %add3A_97 = arith.addi %add3A_96, %scan3A_94 : i32
      %mul3A_98 = arith.constant 8 : i32
      %mul3A_99 = arith.muli %add3A_97, %mul3A_98 : i32
      %mul3A_100 = arith.constant 16 : i32
      %mul3A_101 = arith.muli %mul3A_99, %mul3A_100 : i32
      %add3A_102 = arith.constant 0 : i32
      %add3A_103 = arith.addi %mul3A_101, %add3A_102 : i32
      %get3A_104 = arith.index_cast %add3A_103 : i32 to index
      %get3A_105 = tpu.vector_load %arg12[%get3A_104] {strides = array<i32>} : memref<2048xf32, #tpu.memory_space<vmem>>, vector<16xf32>,
      %add3A_106 = arith.constant 16 : i32
      %add3A_107 = arith.addi %mul3A_101, %add3A_106 : i32
      %get3A_108 = arith.index_cast %add3A_107 : i32 to index
      %get3A_109 = tpu.vector_load %arg12[%get3A_108] {strides = array<i32>} : memref<2048xf32, #tpu.memory_space<vmem>>, vector<16xf32>,
      %add3A_110 = arith.constant 32 : i32
      %add3A_111 = arith.addi %mul3A_101, %add3A_110 : i32
      %get3A_112 = arith.index_cast %add3A_111 : i32 to index
      %get3A_113 = tpu.vector_load %arg12[%get3A_112] {strides = array<i32>} : memref<2048xf32, #tpu.memory_space<vmem>>, vector<16xf32>,
      %add3A_114 = arith.constant 48 : i32
      %add3A_115 = arith.addi %mul3A_101, %add3A_114 : i32
      %get3A_116 = arith.index_cast %add3A_115 : i32 to index
      %get3A_117 = tpu.vector_load %arg12[%get3A_116] {strides = array<i32>} : memref<2048xf32, #tpu.memory_space<vmem>>, vector<16xf32>,
      %add3A_118 = arith.constant 64 : i32
      %add3A_119 = arith.addi %mul3A_101, %add3A_118 : i32
      %get3A_120 = arith.index_cast %add3A_119 : i32 to index
      %get3A_121 = tpu.vector_load %arg12[%get3A_120] {strides = array<i32>} : memref<2048xf32, #tpu.memory_space<vmem>>, vector<16xf32>,
      %add3A_122 = arith.constant 80 : i32
      %add3A_123 = arith.addi %mul3A_101, %add3A_122 : i32
      %get3A_124 = arith.index_cast %add3A_123 : i32 to index
      %get3A_125 = tpu.vector_load %arg12[%get3A_124] {strides = array<i32>} : memref<2048xf32, #tpu.memory_space<vmem>>, vector<16xf32>,
      %add3A_126 = arith.constant 96 : i32
      %add3A_127 = arith.addi %mul3A_101, %add3A_126 : i32
      %get3A_128 = arith.index_cast %add3A_127 : i32 to index
      %get3A_129 = tpu.vector_load %arg12[%get3A_128] {strides = array<i32>} : memref<2048xf32, #tpu.memory_space<vmem>>, vector<16xf32>,
      %add3A_130 = arith.constant 112 : i32
      %add3A_131 = arith.addi %mul3A_101, %add3A_130 : i32
      %get3A_132 = arith.index_cast %add3A_131 : i32 to index
      %get3A_133 = tpu.vector_load %arg12[%get3A_132] {strides = array<i32>} : memref<2048xf32, #tpu.memory_space<vmem>>, vector<16xf32>,
      %add3A_134 = arith.constant 0 : i32
      %add3A_135 = arith.addi %mul3A_101, %add3A_134 : i32
      %get3A_136 = arith.index_cast %add3A_135 : i32 to index
      %get3A_137 = tpu.vector_load %arg13[%get3A_136] {strides = array<i32>} : memref<2048xi32, #tpu.memory_space<vmem>>, vector<16xi32>,
      %add3A_138 = arith.constant 16 : i32
      %add3A_139 = arith.addi %mul3A_101, %add3A_138 : i32
      %get3A_140 = arith.index_cast %add3A_139 : i32 to index
      %get3A_141 = tpu.vector_load %arg13[%get3A_140] {strides = array<i32>} : memref<2048xi32, #tpu.memory_space<vmem>>, vector<16xi32>,
      %add3A_142 = arith.constant 32 : i32
      %add3A_143 = arith.addi %mul3A_101, %add3A_142 : i32
      %get3A_144 = arith.index_cast %add3A_143 : i32 to index
      %get3A_145 = tpu.vector_load %arg13[%get3A_144] {strides = array<i32>} : memref<2048xi32, #tpu.memory_space<vmem>>, vector<16xi32>,
      %add3A_146 = arith.constant 48 : i32
      %add3A_147 = arith.addi %mul3A_101, %add3A_146 : i32
      %get3A_148 = arith.index_cast %add3A_147 : i32 to index
      %get3A_149 = tpu.vector_load %arg13[%get3A_148] {strides = array<i32>} : memref<2048xi32, #tpu.memory_space<vmem>>, vector<16xi32>,
      %add3A_150 = arith.constant 64 : i32
      %add3A_151 = arith.addi %mul3A_101, %add3A_150 : i32
      %get3A_152 = arith.index_cast %add3A_151 : i32 to index
      %get3A_153 = tpu.vector_load %arg13[%get3A_152] {strides = array<i32>} : memref<2048xi32, #tpu.memory_space<vmem>>, vector<16xi32>,
      %add3A_154 = arith.constant 80 : i32
      %add3A_155 = arith.addi %mul3A_101, %add3A_154 : i32
      %get3A_156 = arith.index_cast %add3A_155 : i32 to index
      %get3A_157 = tpu.vector_load %arg13[%get3A_156] {strides = array<i32>} : memref<2048xi32, #tpu.memory_space<vmem>>, vector<16xi32>,
      %add3A_158 = arith.constant 96 : i32
      %add3A_159 = arith.addi %mul3A_101, %add3A_158 : i32
      %get3A_160 = arith.index_cast %add3A_159 : i32 to index
      %get3A_161 = tpu.vector_load %arg13[%get3A_160] {strides = array<i32>} : memref<2048xi32, #tpu.memory_space<vmem>>, vector<16xi32>,
      %add3A_162 = arith.constant 112 : i32
      %add3A_163 = arith.addi %mul3A_101, %add3A_162 : i32
      %get3A_164 = arith.index_cast %add3A_163 : i32 to index
      %get3A_165 = tpu.vector_load %arg13[%get3A_164] {strides = array<i32>} : memref<2048xi32, #tpu.memory_space<vmem>>, vector<16xi32>,
      %mul3A_166 = arith.constant 32 : i32
      %mul3A_167 = arith.muli %scan3A_94, %mul3A_166 : i32
      %add3A_168 = arith.constant 0 : i32
      %add3A_169 = arith.addi %mul3A_167, %add3A_168 : i32
      %get3A_170 = arith.index_cast %add3A_169 : i32 to index
      %get3A_171 = tpu.vector_load %arg9[%get3A_170] {strides = array<i32>} : memref<256xf32, #tpu.memory_space<vmem>>, vector<16xf32>,
      %add3A_172 = arith.constant 99968 : i32
      %add3A_173 = vector.broadcast %add3A_172 : i32 to vector<16xi32>
      %add3A_174 = arith.addi %iota3A, %add3A_173 : vector<16xi32>
      %lt3A = arith.cmpf olt, %get3A_171, %get3A_105 : vector<16xf32>
      %select_n3A = arith.select %lt3A, %get3A_171, %get3A_105 : vector<16xi1>, vector<16xf32>
      %select_n3A_175 = arith.select %lt3A, %add3A_174, %get3A_137 : vector<16xi1>, vector<16xi32>
      %mul3A_176 = arith.constant 32 : i32
      %mul3A_177 = arith.muli %scan3A_94, %mul3A_176 : i32
      %add3A_178 = arith.constant 16 : i32
      %add3A_179 = arith.addi %mul3A_177, %add3A_178 : i32
      %get3A_180 = arith.index_cast %add3A_179 : i32 to index
      %get3A_181 = tpu.vector_load %arg9[%get3A_180] {strides = array<i32>} : memref<256xf32, #tpu.memory_space<vmem>>, vector<16xf32>,
      %add3A_182 = arith.constant 99984 : i32
      %add3A_183 = vector.broadcast %add3A_182 : i32 to vector<16xi32>
      %add3A_184 = arith.addi %iota3A, %add3A_183 : vector<16xi32>
      %lt3A_185 = arith.cmpf olt, %get3A_181, %get3A_109 : vector<16xf32>
      %select_n3A_186 = arith.select %lt3A_185, %get3A_181, %get3A_109 : vector<16xi1>, vector<16xf32>
      %select_n3A_187 = arith.select %lt3A_185, %add3A_184, %get3A_141 : vector<16xi1>, vector<16xi32>
      %add3A_188 = arith.constant 0 : i32
      %add3A_189 = arith.addi %mul3A_101, %add3A_188 : i32
      %swap3A = arith.index_cast %add3A_189 : i32 to index
      %swap3A_190 = tpu.vector_load %arg12[%swap3A] {strides = array<i32>} : memref<2048xf32, #tpu.memory_space<vmem>>, vector<16xf32>,
      tpu.vector_store %arg12[%swap3A], %select_n3A {strides = array<i32>} : memref<2048xf32, #tpu.memory_space<vmem>>, vector<16xf32>,
      %add3A_191 = arith.constant 0 : i32
      %add3A_192 = arith.addi %mul3A_101, %add3A_191 : i32
      %swap3A_193 = arith.index_cast %add3A_192 : i32 to index
      %swap3A_194 = tpu.vector_load %arg13[%swap3A_193] {strides = array<i32>} : memref<2048xi32, #tpu.memory_space<vmem>>, vector<16xi32>,
      tpu.vector_store %arg13[%swap3A_193], %select_n3A_175 {strides = array<i32>} : memref<2048xi32, #tpu.memory_space<vmem>>, vector<16xi32>,
      %add3A_195 = arith.constant 16 : i32
      %add3A_196 = arith.addi %mul3A_101, %add3A_195 : i32
      %swap3A_197 = arith.index_cast %add3A_196 : i32 to index
      %swap3A_198 = tpu.vector_load %arg12[%swap3A_197] {strides = array<i32>} : memref<2048xf32, #tpu.memory_space<vmem>>, vector<16xf32>,
      tpu.vector_store %arg12[%swap3A_197], %select_n3A_186 {strides = array<i32>} : memref<2048xf32, #tpu.memory_space<vmem>>, vector<16xf32>,
      %add3A_199 = arith.constant 16 : i32
      %add3A_200 = arith.addi %mul3A_101, %add3A_199 : i32
      %swap3A_201 = arith.index_cast %add3A_200 : i32 to index
      %swap3A_202 = tpu.vector_load %arg13[%swap3A_201] {strides = array<i32>} : memref<2048xi32, #tpu.memory_space<vmem>>, vector<16xi32>,
      tpu.vector_store %arg13[%swap3A_201], %select_n3A_187 {strides = array<i32>} : memref<2048xi32, #tpu.memory_space<vmem>>, vector<16xi32>,
      %add3A_203 = arith.constant 32 : i32
      %add3A_204 = arith.addi %mul3A_101, %add3A_203 : i32
      %swap3A_205 = arith.index_cast %add3A_204 : i32 to index
      %swap3A_206 = tpu.vector_load %arg12[%swap3A_205] {strides = array<i32>} : memref<2048xf32, #tpu.memory_space<vmem>>, vector<16xf32>,
      tpu.vector_store %arg12[%swap3A_205], %get3A_113 {strides = array<i32>} : memref<2048xf32, #tpu.memory_space<vmem>>, vector<16xf32>,
      %add3A_207 = arith.constant 32 : i32
      %add3A_208 = arith.addi %mul3A_101, %add3A_207 : i32
      %swap3A_209 = arith.index_cast %add3A_208 : i32 to index
      %swap3A_210 = tpu.vector_load %arg13[%swap3A_209] {strides = array<i32>} : memref<2048xi32, #tpu.memory_space<vmem>>, vector<16xi32>,
      tpu.vector_store %arg13[%swap3A_209], %get3A_145 {strides = array<i32>} : memref<2048xi32, #tpu.memory_space<vmem>>, vector<16xi32>,
      %add3A_211 = arith.constant 48 : i32
      %add3A_212 = arith.addi %mul3A_101, %add3A_211 : i32
      %swap3A_213 = arith.index_cast %add3A_212 : i32 to index
      %swap3A_214 = tpu.vector_load %arg12[%swap3A_213] {strides = array<i32>} : memref<2048xf32, #tpu.memory_space<vmem>>, vector<16xf32>,
      tpu.vector_store %arg12[%swap3A_213], %get3A_117 {strides = array<i32>} : memref<2048xf32, #tpu.memory_space<vmem>>, vector<16xf32>,
      %add3A_215 = arith.constant 48 : i32
      %add3A_216 = arith.addi %mul3A_101, %add3A_215 : i32
      %swap3A_217 = arith.index_cast %add3A_216 : i32 to index
      %swap3A_218 = tpu.vector_load %arg13[%swap3A_217] {strides = array<i32>} : memref<2048xi32, #tpu.memory_space<vmem>>, vector<16xi32>,
      tpu.vector_store %arg13[%swap3A_217], %get3A_149 {strides = array<i32>} : memref<2048xi32, #tpu.memory_space<vmem>>, vector<16xi32>,
      %add3A_219 = arith.constant 64 : i32
      %add3A_220 = arith.addi %mul3A_101, %add3A_219 : i32
      %swap3A_221 = arith.index_cast %add3A_220 : i32 to index
      %swap3A_222 = tpu.vector_load %arg12[%swap3A_221] {strides = array<i32>} : memref<2048xf32, #tpu.memory_space<vmem>>, vector<16xf32>,
      tpu.vector_store %arg12[%swap3A_221], %get3A_121 {strides = array<i32>} : memref<2048xf32, #tpu.memory_space<vmem>>, vector<16xf32>,
      %add3A_223 = arith.constant 64 : i32
      %add3A_224 = arith.addi %mul3A_101, %add3A_223 : i32
      %swap3A_225 = arith.index_cast %add3A_224 : i32 to index
      %swap3A_226 = tpu.vector_load %arg13[%swap3A_225] {strides = array<i32>} : memref<2048xi32, #tpu.memory_space<vmem>>, vector<16xi32>,
      tpu.vector_store %arg13[%swap3A_225], %get3A_153 {strides = array<i32>} : memref<2048xi32, #tpu.memory_space<vmem>>, vector<16xi32>,
      %add3A_227 = arith.constant 80 : i32
      %add3A_228 = arith.addi %mul3A_101, %add3A_227 : i32
      %swap3A_229 = arith.index_cast %add3A_228 : i32 to index
      %swap3A_230 = tpu.vector_load %arg12[%swap3A_229] {strides = array<i32>} : memref<2048xf32, #tpu.memory_space<vmem>>, vector<16xf32>,
      tpu.vector_store %arg12[%swap3A_229], %get3A_125 {strides = array<i32>} : memref<2048xf32, #tpu.memory_space<vmem>>, vector<16xf32>,
      %add3A_231 = arith.constant 80 : i32
      %add3A_232 = arith.addi %mul3A_101, %add3A_231 : i32
      %swap3A_233 = arith.index_cast %add3A_232 : i32 to index
      %swap3A_234 = tpu.vector_load %arg13[%swap3A_233] {strides = array<i32>} : memref<2048xi32, #tpu.memory_space<vmem>>, vector<16xi32>,
      tpu.vector_store %arg13[%swap3A_233], %get3A_157 {strides = array<i32>} : memref<2048xi32, #tpu.memory_space<vmem>>, vector<16xi32>,
      %add3A_235 = arith.constant 96 : i32
      %add3A_236 = arith.addi %mul3A_101, %add3A_235 : i32
      %swap3A_237 = arith.index_cast %add3A_236 : i32 to index
      %swap3A_238 = tpu.vector_load %arg12[%swap3A_237] {strides = array<i32>} : memref<2048xf32, #tpu.memory_space<vmem>>, vector<16xf32>,
      tpu.vector_store %arg12[%swap3A_237], %get3A_129 {strides = array<i32>} : memref<2048xf32, #tpu.memory_space<vmem>>, vector<16xf32>,
      %add3A_239 = arith.constant 96 : i32
      %add3A_240 = arith.addi %mul3A_101, %add3A_239 : i32
      %swap3A_241 = arith.index_cast %add3A_240 : i32 to index
      %swap3A_242 = tpu.vector_load %arg13[%swap3A_241] {strides = array<i32>} : memref<2048xi32, #tpu.memory_space<vmem>>, vector<16xi32>,
      tpu.vector_store %arg13[%swap3A_241], %get3A_161 {strides = array<i32>} : memref<2048xi32, #tpu.memory_space<vmem>>, vector<16xi32>,
      %add3A_243 = arith.constant 112 : i32
      %add3A_244 = arith.addi %mul3A_101, %add3A_243 : i32
      %swap3A_245 = arith.index_cast %add3A_244 : i32 to index
      %swap3A_246 = tpu.vector_load %arg12[%swap3A_245] {strides = array<i32>} : memref<2048xf32, #tpu.memory_space<vmem>>, vector<16xf32>,
      tpu.vector_store %arg12[%swap3A_245], %get3A_133 {strides = array<i32>} : memref<2048xf32, #tpu.memory_space<vmem>>, vector<16xf32>,
      %add3A_247 = arith.constant 112 : i32
      %add3A_248 = arith.addi %mul3A_101, %add3A_247 : i32
      %swap3A_249 = arith.index_cast %add3A_248 : i32 to index
      %swap3A_250 = tpu.vector_load %arg13[%swap3A_249] {strides = array<i32>} : memref<2048xi32, #tpu.memory_space<vmem>>, vector<16xi32>,
      tpu.vector_store %arg13[%swap3A_249], %get3A_165 {strides = array<i32>} : memref<2048xi32, #tpu.memory_space<vmem>>, vector<16xi32>,
      %scan3A_251 = arith.constant 0 : i32
      scf.yield %scan3A_251 : i32
    }
    %scan3A_44 = arith.constant 8 : i32
    %add3A_45 = arith.constant 8 : i32
    %add3A_46 = arith.addi %mul3A_2, %add3A_45 : i32
    %scan3A_47 = arith.constant 0 : i32
    %scan3A_48 = arith.constant 0 : i32
    %scan3A_49 = arith.constant 8 : i32
    %scan3A_50 = arith.addi %scan3A_48, %scan3A_49 : i32
    %scan3A_51 = arith.constant 1 : i32
    %scan3A_52 = scf.for %scan3A_94 = %scan3A_48 to %scan3A_50 step %scan3A_51 iter_args(%scan3A_95 = %scan3A_47) -> (i32)  : i32 {
      %add3A_96 = arith.constant 8 : i32
      %add3A_97 = arith.addi %add3A_96, %scan3A_94 : i32
      %mul3A_98 = arith.constant 8 : i32
      %mul3A_99 = arith.muli %add3A_97, %mul3A_98 : i32
      %mul3A_100 = arith.constant 16 : i32
      %mul3A_101 = arith.muli %mul3A_99, %mul3A_100 : i32
      %broadcast_in_dim3A = arith.constant 1.000000e+30 : f32
      %broadcast_in_dim3A_102 = vector.broadcast %broadcast_in_dim3A : f32 to vector<16xf32>
      %add3A_103 = arith.constant 0 : i32
      %add3A_104 = arith.addi %mul3A_101, %add3A_103 : i32
      %swap3A = arith.index_cast %add3A_104 : i32 to index
      %swap3A_105 = tpu.vector_load %arg12[%swap3A] {strides = array<i32>} : memref<2048xf32, #tpu.memory_space<vmem>>, vector<16xf32>,
      tpu.vector_store %arg12[%swap3A], %broadcast_in_dim3A_102 {strides = array<i32>} : memref<2048xf32, #tpu.memory_space<vmem>>, vector<16xf32>,
      %broadcast_in_dim3A_106 = arith.constant -1 : i32
      %broadcast_in_dim3A_107 = vector.broadcast %broadcast_in_dim3A_106 : i32 to vector<16xi32>
      %add3A_108 = arith.constant 0 : i32
      %add3A_109 = arith.addi %mul3A_101, %add3A_108 : i32
      %swap3A_110 = arith.index_cast %add3A_109 : i32 to index
      %swap3A_111 = tpu.vector_load %arg13[%swap3A_110] {strides = array<i32>} : memref<2048xi32, #tpu.memory_space<vmem>>, vector<16xi32>,
      tpu.vector_store %arg13[%swap3A_110], %broadcast_in_dim3A_107 {strides = array<i32>} : memref<2048xi32, #tpu.memory_space<vmem>>, vector<16xi32>,
      %broadcast_in_dim3A_112 = arith.constant 1.000000e+30 : f32
      %broadcast_in_dim3A_113 = vector.broadcast %broadcast_in_dim3A_112 : f32 to vector<16xf32>
      %add3A_114 = arith.constant 16 : i32
      %add3A_115 = arith.addi %mul3A_101, %add3A_114 : i32
      %swap3A_116 = arith.index_cast %add3A_115 : i32 to index
      %swap3A_117 = tpu.vector_load %arg12[%swap3A_116] {strides = array<i32>} : memref<2048xf32, #tpu.memory_space<vmem>>, vector<16xf32>,
      tpu.vector_store %arg12[%swap3A_116], %broadcast_in_dim3A_113 {strides = array<i32>} : memref<2048xf32, #tpu.memory_space<vmem>>, vector<16xf32>,
      %broadcast_in_dim3A_118 = arith.constant -1 : i32
      %broadcast_in_dim3A_119 = vector.broadcast %broadcast_in_dim3A_118 : i32 to vector<16xi32>
      %add3A_120 = arith.constant 16 : i32
      %add3A_121 = arith.addi %mul3A_101, %add3A_120 : i32
      %swap3A_122 = arith.index_cast %add3A_121 : i32 to index
      %swap3A_123 = tpu.vector_load %arg13[%swap3A_122] {strides = array<i32>} : memref<2048xi32, #tpu.memory_space<vmem>>, vector<16xi32>,
      tpu.vector_store %arg13[%swap3A_122], %broadcast_in_dim3A_119 {strides = array<i32>} : memref<2048xi32, #tpu.memory_space<vmem>>, vector<16xi32>,
      %broadcast_in_dim3A_124 = arith.constant 1.000000e+30 : f32
      %broadcast_in_dim3A_125 = vector.broadcast %broadcast_in_dim3A_124 : f32 to vector<16xf32>
      %add3A_126 = arith.constant 32 : i32
      %add3A_127 = arith.addi %mul3A_101, %add3A_126 : i32
      %swap3A_128 = arith.index_cast %add3A_127 : i32 to index
      %swap3A_129 = tpu.vector_load %arg12[%swap3A_128] {strides = array<i32>} : memref<2048xf32, #tpu.memory_space<vmem>>, vector<16xf32>,
      tpu.vector_store %arg12[%swap3A_128], %broadcast_in_dim3A_125 {strides = array<i32>} : memref<2048xf32, #tpu.memory_space<vmem>>, vector<16xf32>,
      %broadcast_in_dim3A_130 = arith.constant -1 : i32
      %broadcast_in_dim3A_131 = vector.broadcast %broadcast_in_dim3A_130 : i32 to vector<16xi32>
      %add3A_132 = arith.constant 32 : i32
      %add3A_133 = arith.addi %mul3A_101, %add3A_132 : i32
      %swap3A_134 = arith.index_cast %add3A_133 : i32 to index
      %swap3A_135 = tpu.vector_load %arg13[%swap3A_134] {strides = array<i32>} : memref<2048xi32, #tpu.memory_space<vmem>>, vector<16xi32>,
      tpu.vector_store %arg13[%swap3A_134], %broadcast_in_dim3A_131 {strides = array<i32>} : memref<2048xi32, #tpu.memory_space<vmem>>, vector<16xi32>,
      %broadcast_in_dim3A_136 = arith.constant 1.000000e+30 : f32
      %broadcast_in_dim3A_137 = vector.broadcast %broadcast_in_dim3A_136 : f32 to vector<16xf32>
      %add3A_138 = arith.constant 48 : i32
      %add3A_139 = arith.addi %mul3A_101, %add3A_138 : i32
      %swap3A_140 = arith.index_cast %add3A_139 : i32 to index
      %swap3A_141 = tpu.vector_load %arg12[%swap3A_140] {strides = array<i32>} : memref<2048xf32, #tpu.memory_space<vmem>>, vector<16xf32>,
      tpu.vector_store %arg12[%swap3A_140], %broadcast_in_dim3A_137 {strides = array<i32>} : memref<2048xf32, #tpu.memory_space<vmem>>, vector<16xf32>,
      %broadcast_in_dim3A_142 = arith.constant -1 : i32
      %broadcast_in_dim3A_143 = vector.broadcast %broadcast_in_dim3A_142 : i32 to vector<16xi32>
      %add3A_144 = arith.constant 48 : i32
      %add3A_145 = arith.addi %mul3A_101, %add3A_144 : i32
      %swap3A_146 = arith.index_cast %add3A_145 : i32 to index
      %swap3A_147 = tpu.vector_load %arg13[%swap3A_146] {strides = array<i32>} : memref<2048xi32, #tpu.memory_space<vmem>>, vector<16xi32>,
      tpu.vector_store %arg13[%swap3A_146], %broadcast_in_dim3A_143 {strides = array<i32>} : memref<2048xi32, #tpu.memory_space<vmem>>, vector<16xi32>,
      %broadcast_in_dim3A_148 = arith.constant 1.000000e+30 : f32
      %broadcast_in_dim3A_149 = vector.broadcast %broadcast_in_dim3A_148 : f32 to vector<16xf32>
      %add3A_150 = arith.constant 64 : i32
      %add3A_151 = arith.addi %mul3A_101, %add3A_150 : i32
      %swap3A_152 = arith.index_cast %add3A_151 : i32 to index
      %swap3A_153 = tpu.vector_load %arg12[%swap3A_152] {strides = array<i32>} : memref<2048xf32, #tpu.memory_space<vmem>>, vector<16xf32>,
      tpu.vector_store %arg12[%swap3A_152], %broadcast_in_dim3A_149 {strides = array<i32>} : memref<2048xf32, #tpu.memory_space<vmem>>, vector<16xf32>,
      %broadcast_in_dim3A_154 = arith.constant -1 : i32
      %broadcast_in_dim3A_155 = vector.broadcast %broadcast_in_dim3A_154 : i32 to vector<16xi32>
      %add3A_156 = arith.constant 64 : i32
      %add3A_157 = arith.addi %mul3A_101, %add3A_156 : i32
      %swap3A_158 = arith.index_cast %add3A_157 : i32 to index
      %swap3A_159 = tpu.vector_load %arg13[%swap3A_158] {strides = array<i32>} : memref<2048xi32, #tpu.memory_space<vmem>>, vector<16xi32>,
      tpu.vector_store %arg13[%swap3A_158], %broadcast_in_dim3A_155 {strides = array<i32>} : memref<2048xi32, #tpu.memory_space<vmem>>, vector<16xi32>,
      %broadcast_in_dim3A_160 = arith.constant 1.000000e+30 : f32
      %broadcast_in_dim3A_161 = vector.broadcast %broadcast_in_dim3A_160 : f32 to vector<16xf32>
      %add3A_162 = arith.constant 80 : i32
      %add3A_163 = arith.addi %mul3A_101, %add3A_162 : i32
      %swap3A_164 = arith.index_cast %add3A_163 : i32 to index
      %swap3A_165 = tpu.vector_load %arg12[%swap3A_164] {strides = array<i32>} : memref<2048xf32, #tpu.memory_space<vmem>>, vector<16xf32>,
      tpu.vector_store %arg12[%swap3A_164], %broadcast_in_dim3A_161 {strides = array<i32>} : memref<2048xf32, #tpu.memory_space<vmem>>, vector<16xf32>,
      %broadcast_in_dim3A_166 = arith.constant -1 : i32
      %broadcast_in_dim3A_167 = vector.broadcast %broadcast_in_dim3A_166 : i32 to vector<16xi32>
      %add3A_168 = arith.constant 80 : i32
      %add3A_169 = arith.addi %mul3A_101, %add3A_168 : i32
      %swap3A_170 = arith.index_cast %add3A_169 : i32 to index
      %swap3A_171 = tpu.vector_load %arg13[%swap3A_170] {strides = array<i32>} : memref<2048xi32, #tpu.memory_space<vmem>>, vector<16xi32>,
      tpu.vector_store %arg13[%swap3A_170], %broadcast_in_dim3A_167 {strides = array<i32>} : memref<2048xi32, #tpu.memory_space<vmem>>, vector<16xi32>,
      %broadcast_in_dim3A_172 = arith.constant 1.000000e+30 : f32
      %broadcast_in_dim3A_173 = vector.broadcast %broadcast_in_dim3A_172 : f32 to vector<16xf32>
      %add3A_174 = arith.constant 96 : i32
      %add3A_175 = arith.addi %mul3A_101, %add3A_174 : i32
      %swap3A_176 = arith.index_cast %add3A_175 : i32 to index
      %swap3A_177 = tpu.vector_load %arg12[%swap3A_176] {strides = array<i32>} : memref<2048xf32, #tpu.memory_space<vmem>>, vector<16xf32>,
      tpu.vector_store %arg12[%swap3A_176], %broadcast_in_dim3A_173 {strides = array<i32>} : memref<2048xf32, #tpu.memory_space<vmem>>, vector<16xf32>,
      %broadcast_in_dim3A_178 = arith.constant -1 : i32
      %broadcast_in_dim3A_179 = vector.broadcast %broadcast_in_dim3A_178 : i32 to vector<16xi32>
      %add3A_180 = arith.constant 96 : i32
      %add3A_181 = arith.addi %mul3A_101, %add3A_180 : i32
      %swap3A_182 = arith.index_cast %add3A_181 : i32 to index
      %swap3A_183 = tpu.vector_load %arg13[%swap3A_182] {strides = array<i32>} : memref<2048xi32, #tpu.memory_space<vmem>>, vector<16xi32>,
      tpu.vector_store %arg13[%swap3A_182], %broadcast_in_dim3A_179 {strides = array<i32>} : memref<2048xi32, #tpu.memory_space<vmem>>, vector<16xi32>,
      %broadcast_in_dim3A_184 = arith.constant 1.000000e+30 : f32
      %broadcast_in_dim3A_185 = vector.broadcast %broadcast_in_dim3A_184 : f32 to vector<16xf32>
      %add3A_186 = arith.constant 112 : i32
      %add3A_187 = arith.addi %mul3A_101, %add3A_186 : i32
      %swap3A_188 = arith.index_cast %add3A_187 : i32 to index
      %swap3A_189 = tpu.vector_load %arg12[%swap3A_188] {strides = array<i32>} : memref<2048xf32, #tpu.memory_space<vmem>>, vector<16xf32>,
      tpu.vector_store %arg12[%swap3A_188], %broadcast_in_dim3A_185 {strides = array<i32>} : memref<2048xf32, #tpu.memory_space<vmem>>, vector<16xf32>,
      %broadcast_in_dim3A_190 = arith.constant -1 : i32
      %broadcast_in_dim3A_191 = vector.broadcast %broadcast_in_dim3A_190 : i32 to vector<16xi32>
      %add3A_192 = arith.constant 112 : i32
      %add3A_193 = arith.addi %mul3A_101, %add3A_192 : i32
      %swap3A_194 = arith.index_cast %add3A_193 : i32 to index
      %swap3A_195 = tpu.vector_load %arg13[%swap3A_194] {strides = array<i32>} : memref<2048xi32, #tpu.memory_space<vmem>>, vector<16xi32>,
      tpu.vector_store %arg13[%swap3A_194], %broadcast_in_dim3A_191 {strides = array<i32>} : memref<2048xi32, #tpu.memory_space<vmem>>, vector<16xi32>,
      %scan3A_196 = arith.constant 0 : i32
      scf.yield %scan3A_196 : i32
    }
    %scan3A_53 = arith.constant 8 : i32
    %dma_start3A_54 = arith.constant 0 : i32
    %dma_start3A_55 = tpu.memref_slice %arg2[%add3A_46, %dma_start3A_54] : memref<512x100000xf32, #tpu.memory_space<hbm>> -> memref<8x1408xf32, #tpu.memory_space<hbm>>
    %dma_start3A_56 = arith.constant 0 : i32
    %dma_start3A_57 = tpu.memref_slice %arg2[%add3A_46, %dma_start3A_56] : memref<512x100000xf32, #tpu.memory_space<hbm>> -> memref<8x1408xf32, #tpu.memory_space<hbm>>
    tpu.enqueue_dma source(%dma_start3A_57 : memref<8x1408xf32, #tpu.memory_space<hbm>>) target(%arg7 : memref<8x1408xf32, #tpu.memory_space<vmem>>) target_semaphore(%arg14 : memref<!tpu.dma_semaphore, #tpu.memory_space<semaphore_mem>>)
    %scan3A_58 = arith.constant 0 : i32
    %scan3A_59 = arith.constant 0 : i32
    %scan3A_60 = arith.constant 35 : i32
    %scan3A_61 = arith.addi %scan3A_59, %scan3A_60 : i32
    %scan3A_62 = arith.constant 1 : i32
    %scan3A_63 = scf.for %scan3A_94 = %scan3A_59 to %scan3A_61 step %scan3A_62 iter_args(%scan3A_95 = %scan3A_58) -> (i32)  : i32 {
      %mul3A_96 = arith.constant 2 : i32
      %mul3A_97 = arith.muli %mul3A_96, %scan3A_94 : i32
      %add3A_98 = arith.constant 1 : i32
      %add3A_99 = arith.addi %mul3A_97, %add3A_98 : i32
      %mul3A_100 = arith.constant 1408 : i32
      %mul3A_101 = arith.muli %add3A_99, %mul3A_100 : i32
      %dma_start3A_102 = tpu.memref_slice %arg2[%add3A_46, %mul3A_101] : memref<512x100000xf32, #tpu.memory_space<hbm>> -> memref<8x1408xf32, #tpu.memory_space<hbm>>
      %dma_start3A_103 = tpu.memref_slice %arg2[%add3A_46, %mul3A_101] : memref<512x100000xf32, #tpu.memory_space<hbm>> -> memref<8x1408xf32, #tpu.memory_space<hbm>>
      tpu.enqueue_dma source(%dma_start3A_103 : memref<8x1408xf32, #tpu.memory_space<hbm>>) target(%arg8 : memref<8x1408xf32, #tpu.memory_space<vmem>>) target_semaphore(%arg15 : memref<!tpu.dma_semaphore, #tpu.memory_space<semaphore_mem>>)
      %dma_wait3A_104 = arith.constant 0 : i32
      %dma_wait3A_105 = arith.constant 0 : i32
      %dma_wait3A_106 = tpu.memref_slice %arg2[%dma_wait3A_104, %dma_wait3A_105] : memref<512x100000xf32, #tpu.memory_space<hbm>> -> memref<8x1408xf32, #tpu.memory_space<hbm>>
      %dma_wait3A_107 = arith.constant 0 : i32
      %dma_wait3A_108 = arith.constant 0 : i32
      %dma_wait3A_109 = tpu.memref_slice %arg2[%dma_wait3A_107, %dma_wait3A_108] : memref<512x100000xf32, #tpu.memory_space<hbm>> -> memref<8x1408xf32, #tpu.memory_space<hbm>>
      tpu.wait_dma2 semaphore(%arg14 : memref<!tpu.dma_semaphore, #tpu.memory_space<semaphore_mem>>) src(%dma_wait3A_109 : memref<8x1408xf32, #tpu.memory_space<hbm>>) dst(%arg7 : memref<8x1408xf32, #tpu.memory_space<vmem>>)
      %scan3A_110 = arith.constant 0 : i32
      %scan3A_111 = arith.constant 0 : i32
      %scan3A_112 = arith.constant 8 : i32
      %scan3A_113 = arith.addi %scan3A_111, %scan3A_112 : i32
      %scan3A_114 = arith.constant 1 : i32
      %scan3A_115 = scf.for %scan3A_140 = %scan3A_111 to %scan3A_113 step %scan3A_114 iter_args(%scan3A_141 = %scan3A_110) -> (i32)  : i32 {
        %add3A_142 = arith.constant 8 : i32
        %add3A_143 = arith.addi %add3A_142, %scan3A_140 : i32
        %mul3A_144 = arith.constant 8 : i32
        %mul3A_145 = arith.muli %add3A_143, %mul3A_144 : i32
        %mul3A_146 = arith.constant 16 : i32
        %mul3A_147 = arith.muli %mul3A_145, %mul3A_146 : i32
        %add3A_148 = arith.constant 0 : i32
        %add3A_149 = arith.addi %mul3A_147, %add3A_148 : i32
        %get3A_150 = arith.index_cast %add3A_149 : i32 to index
        %get3A_151 = tpu.vector_load %arg12[%get3A_150] {strides = array<i32>} : memref<2048xf32, #tpu.memory_space<vmem>>, vector<16xf32>,
        %add3A_152 = arith.constant 16 : i32
        %add3A_153 = arith.addi %mul3A_147, %add3A_152 : i32
        %get3A_154 = arith.index_cast %add3A_153 : i32 to index
        %get3A_155 = tpu.vector_load %arg12[%get3A_154] {strides = array<i32>} : memref<2048xf32, #tpu.memory_space<vmem>>, vector<16xf32>,
        %add3A_156 = arith.constant 32 : i32
        %add3A_157 = arith.addi %mul3A_147, %add3A_156 : i32
        %get3A_158 = arith.index_cast %add3A_157 : i32 to index
        %get3A_159 = tpu.vector_load %arg12[%get3A_158] {strides = array<i32>} : memref<2048xf32, #tpu.memory_space<vmem>>, vector<16xf32>,
        %add3A_160 = arith.constant 48 : i32
        %add3A_161 = arith.addi %mul3A_147, %add3A_160 : i32
        %get3A_162 = arith.index_cast %add3A_161 : i32 to index
        %get3A_163 = tpu.vector_load %arg12[%get3A_162] {strides = array<i32>} : memref<2048xf32, #tpu.memory_space<vmem>>, vector<16xf32>,
        %add3A_164 = arith.constant 64 : i32
        %add3A_165 = arith.addi %mul3A_147, %add3A_164 : i32
        %get3A_166 = arith.index_cast %add3A_165 : i32 to index
        %get3A_167 = tpu.vector_load %arg12[%get3A_166] {strides = array<i32>} : memref<2048xf32, #tpu.memory_space<vmem>>, vector<16xf32>,
        %add3A_168 = arith.constant 80 : i32
        %add3A_169 = arith.addi %mul3A_147, %add3A_168 : i32
        %get3A_170 = arith.index_cast %add3A_169 : i32 to index
        %get3A_171 = tpu.vector_load %arg12[%get3A_170] {strides = array<i32>} : memref<2048xf32, #tpu.memory_space<vmem>>, vector<16xf32>,
        %add3A_172 = arith.constant 96 : i32
        %add3A_173 = arith.addi %mul3A_147, %add3A_172 : i32
        %get3A_174 = arith.index_cast %add3A_173 : i32 to index
        %get3A_175 = tpu.vector_load %arg12[%get3A_174] {strides = array<i32>} : memref<2048xf32, #tpu.memory_space<vmem>>, vector<16xf32>,
        %add3A_176 = arith.constant 112 : i32
        %add3A_177 = arith.addi %mul3A_147, %add3A_176 : i32
        %get3A_178 = arith.index_cast %add3A_177 : i32 to index
        %get3A_179 = tpu.vector_load %arg12[%get3A_178] {strides = array<i32>} : memref<2048xf32, #tpu.memory_space<vmem>>, vector<16xf32>,
        %add3A_180 = arith.constant 0 : i32
        %add3A_181 = arith.addi %mul3A_147, %add3A_180 : i32
        %get3A_182 = arith.index_cast %add3A_181 : i32 to index
        %get3A_183 = tpu.vector_load %arg13[%get3A_182] {strides = array<i32>} : memref<2048xi32, #tpu.memory_space<vmem>>, vector<16xi32>,
        %add3A_184 = arith.constant 16 : i32
        %add3A_185 = arith.addi %mul3A_147, %add3A_184 : i32
        %get3A_186 = arith.index_cast %add3A_185 : i32 to index
        %get3A_187 = tpu.vector_load %arg13[%get3A_186] {strides = array<i32>} : memref<2048xi32, #tpu.memory_space<vmem>>, vector<16xi32>,
        %add3A_188 = arith.constant 32 : i32
        %add3A_189 = arith.addi %mul3A_147, %add3A_188 : i32
        %get3A_190 = arith.index_cast %add3A_189 : i32 to index
        %get3A_191 = tpu.vector_load %arg13[%get3A_190] {strides = array<i32>} : memref<2048xi32, #tpu.memory_space<vmem>>, vector<16xi32>,
        %add3A_192 = arith.constant 48 : i32
        %add3A_193 = arith.addi %mul3A_147, %add3A_192 : i32
        %get3A_194 = arith.index_cast %add3A_193 : i32 to index
        %get3A_195 = tpu.vector_load %arg13[%get3A_194] {strides = array<i32>} : memref<2048xi32, #tpu.memory_space<vmem>>, vector<16xi32>,
        %add3A_196 = arith.constant 64 : i32
        %add3A_197 = arith.addi %mul3A_147, %add3A_196 : i32
        %get3A_198 = arith.index_cast %add3A_197 : i32 to index
        %get3A_199 = tpu.vector_load %arg13[%get3A_198] {strides = array<i32>} : memref<2048xi32, #tpu.memory_space<vmem>>, vector<16xi32>,
        %add3A_200 = arith.constant 80 : i32
        %add3A_201 = arith.addi %mul3A_147, %add3A_200 : i32
        %get3A_202 = arith.index_cast %add3A_201 : i32 to index
        %get3A_203 = tpu.vector_load %arg13[%get3A_202] {strides = array<i32>} : memref<2048xi32, #tpu.memory_space<vmem>>, vector<16xi32>,
        %add3A_204 = arith.constant 96 : i32
        %add3A_205 = arith.addi %mul3A_147, %add3A_204 : i32
        %get3A_206 = arith.index_cast %add3A_205 : i32 to index
        %get3A_207 = tpu.vector_load %arg13[%get3A_206] {strides = array<i32>} : memref<2048xi32, #tpu.memory_space<vmem>>, vector<16xi32>,
        %add3A_208 = arith.constant 112 : i32
        %add3A_209 = arith.addi %mul3A_147, %add3A_208 : i32
        %get3A_210 = arith.index_cast %add3A_209 : i32 to index
        %get3A_211 = tpu.vector_load %arg13[%get3A_210] {strides = array<i32>} : memref<2048xi32, #tpu.memory_space<vmem>>, vector<16xi32>,
        %scan3A_212 = arith.constant 0 : i32
        %scan3A_213 = arith.constant 11 : i32
        %scan3A_214 = arith.addi %scan3A_212, %scan3A_213 : i32
        %scan3A_215 = arith.constant 1 : i32
        %scan3A_216:16 = scf.for %scan3A_282 = %scan3A_212 to %scan3A_214 step %scan3A_215 iter_args(%scan3A_283 = %get3A_151, %scan3A_284 = %get3A_155, %scan3A_285 = %get3A_159, %scan3A_286 = %get3A_163, %scan3A_287 = %get3A_167, %scan3A_288 = %get3A_171, %scan3A_289 = %get3A_175, %scan3A_290 = %get3A_179, %scan3A_291 = %get3A_183, %scan3A_292 = %get3A_187, %scan3A_293 = %get3A_191, %scan3A_294 = %get3A_195, %scan3A_295 = %get3A_199, %scan3A_296 = %get3A_203, %scan3A_297 = %get3A_207, %scan3A_298 = %get3A_211) -> (vector<16xf32>, vector<16xf32>, vector<16xf32>, vector<16xf32>, vector<16xf32>, vector<16xf32>, vector<16xf32>, vector<16xf32>, vector<16xi32>, vector<16xi32>, vector<16xi32>, vector<16xi32>, vector<16xi32>, vector<16xi32>, vector<16xi32>, vector<16xi32>)  : i32 {
          %mul3A_299 = arith.constant 1408 : i32
          %mul3A_300 = arith.muli %mul3A_97, %mul3A_299 : i32
          %mul3A_301 = arith.constant 128 : i32
          %mul3A_302 = arith.muli %scan3A_282, %mul3A_301 : i32
          %add3A_303 = arith.addi %mul3A_300, %mul3A_302 : i32
          %add3A_304 = vector.broadcast %add3A_303 : i32 to vector<16xi32>
          %add3A_305 = arith.addi %iota3A, %add3A_304 : vector<16xi32>
          %mul3A_306 = arith.constant 128 : i32
          %mul3A_307 = arith.muli %scan3A_282, %mul3A_306 : i32
          %add3A_308 = arith.constant 0 : i32
          %add3A_309 = arith.addi %mul3A_307, %add3A_308 : i32
          %get3A_310 = arith.index_cast %scan3A_140 : i32 to index
          %get3A_311 = arith.index_cast %add3A_309 : i32 to index
          %get3A_312 = tpu.vector_load %arg7[%get3A_310, %get3A_311] {strides = array<i32>} : memref<8x1408xf32, #tpu.memory_space<vmem>>, vector<16xf32>,
          %lt3A = arith.cmpf olt, %get3A_312, %scan3A_283 : vector<16xf32>
          %select_n3A = arith.select %lt3A, %get3A_312, %scan3A_283 : vector<16xi1>, vector<16xf32>
          %select_n3A_313 = arith.select %lt3A, %add3A_305, %scan3A_291 : vector<16xi1>, vector<16xi32>
          %mul3A_314 = arith.constant 128 : i32
          %mul3A_315 = arith.muli %scan3A_282, %mul3A_314 : i32
          %add3A_316 = arith.constant 16 : i32
          %add3A_317 = arith.addi %mul3A_315, %add3A_316 : i32
          %get3A_318 = arith.index_cast %scan3A_140 : i32 to index
          %get3A_319 = arith.index_cast %add3A_317 : i32 to index
          %get3A_320 = tpu.vector_load %arg7[%get3A_318, %get3A_319] {strides = array<i32>} : memref<8x1408xf32, #tpu.memory_space<vmem>>, vector<16xf32>,
          %add3A_321 = arith.constant 16 : i32
          %add3A_322 = vector.broadcast %add3A_321 : i32 to vector<16xi32>
          %add3A_323 = arith.addi %add3A_305, %add3A_322 : vector<16xi32>
          %lt3A_324 = arith.cmpf olt, %get3A_320, %scan3A_284 : vector<16xf32>
          %select_n3A_325 = arith.select %lt3A_324, %get3A_320, %scan3A_284 : vector<16xi1>, vector<16xf32>
          %select_n3A_326 = arith.select %lt3A_324, %add3A_323, %scan3A_292 : vector<16xi1>, vector<16xi32>
          %mul3A_327 = arith.constant 128 : i32
          %mul3A_328 = arith.muli %scan3A_282, %mul3A_327 : i32
          %add3A_329 = arith.constant 32 : i32
          %add3A_330 = arith.addi %mul3A_328, %add3A_329 : i32
          %get3A_331 = arith.index_cast %scan3A_140 : i32 to index
          %get3A_332 = arith.index_cast %add3A_330 : i32 to index
          %get3A_333 = tpu.vector_load %arg7[%get3A_331, %get3A_332] {strides = array<i32>} : memref<8x1408xf32, #tpu.memory_space<vmem>>, vector<16xf32>,
          %add3A_334 = arith.constant 32 : i32
          %add3A_335 = vector.broadcast %add3A_334 : i32 to vector<16xi32>
          %add3A_336 = arith.addi %add3A_305, %add3A_335 : vector<16xi32>
          %lt3A_337 = arith.cmpf olt, %get3A_333, %scan3A_285 : vector<16xf32>
          %select_n3A_338 = arith.select %lt3A_337, %get3A_333, %scan3A_285 : vector<16xi1>, vector<16xf32>
          %select_n3A_339 = arith.select %lt3A_337, %add3A_336, %scan3A_293 : vector<16xi1>, vector<16xi32>
          %mul3A_340 = arith.constant 128 : i32
          %mul3A_341 = arith.muli %scan3A_282, %mul3A_340 : i32
          %add3A_342 = arith.constant 48 : i32
          %add3A_343 = arith.addi %mul3A_341, %add3A_342 : i32
          %get3A_344 = arith.index_cast %scan3A_140 : i32 to index
          %get3A_345 = arith.index_cast %add3A_343 : i32 to index
          %get3A_346 = tpu.vector_load %arg7[%get3A_344, %get3A_345] {strides = array<i32>} : memref<8x1408xf32, #tpu.memory_space<vmem>>, vector<16xf32>,
          %add3A_347 = arith.constant 48 : i32
          %add3A_348 = vector.broadcast %add3A_347 : i32 to vector<16xi32>
          %add3A_349 = arith.addi %add3A_305, %add3A_348 : vector<16xi32>
          %lt3A_350 = arith.cmpf olt, %get3A_346, %scan3A_286 : vector<16xf32>
          %select_n3A_351 = arith.select %lt3A_350, %get3A_346, %scan3A_286 : vector<16xi1>, vector<16xf32>
          %select_n3A_352 = arith.select %lt3A_350, %add3A_349, %scan3A_294 : vector<16xi1>, vector<16xi32>
          %mul3A_353 = arith.constant 128 : i32
          %mul3A_354 = arith.muli %scan3A_282, %mul3A_353 : i32
          %add3A_355 = arith.constant 64 : i32
          %add3A_356 = arith.addi %mul3A_354, %add3A_355 : i32
          %get3A_357 = arith.index_cast %scan3A_140 : i32 to index
          %get3A_358 = arith.index_cast %add3A_356 : i32 to index
          %get3A_359 = tpu.vector_load %arg7[%get3A_357, %get3A_358] {strides = array<i32>} : memref<8x1408xf32, #tpu.memory_space<vmem>>, vector<16xf32>,
          %add3A_360 = arith.constant 64 : i32
          %add3A_361 = vector.broadcast %add3A_360 : i32 to vector<16xi32>
          %add3A_362 = arith.addi %add3A_305, %add3A_361 : vector<16xi32>
          %lt3A_363 = arith.cmpf olt, %get3A_359, %scan3A_287 : vector<16xf32>
          %select_n3A_364 = arith.select %lt3A_363, %get3A_359, %scan3A_287 : vector<16xi1>, vector<16xf32>
          %select_n3A_365 = arith.select %lt3A_363, %add3A_362, %scan3A_295 : vector<16xi1>, vector<16xi32>
          %mul3A_366 = arith.constant 128 : i32
          %mul3A_367 = arith.muli %scan3A_282, %mul3A_366 : i32
          %add3A_368 = arith.constant 80 : i32
          %add3A_369 = arith.addi %mul3A_367, %add3A_368 : i32
          %get3A_370 = arith.index_cast %scan3A_140 : i32 to index
          %get3A_371 = arith.index_cast %add3A_369 : i32 to index
          %get3A_372 = tpu.vector_load %arg7[%get3A_370, %get3A_371] {strides = array<i32>} : memref<8x1408xf32, #tpu.memory_space<vmem>>, vector<16xf32>,
          %add3A_373 = arith.constant 80 : i32
          %add3A_374 = vector.broadcast %add3A_373 : i32 to vector<16xi32>
          %add3A_375 = arith.addi %add3A_305, %add3A_374 : vector<16xi32>
          %lt3A_376 = arith.cmpf olt, %get3A_372, %scan3A_288 : vector<16xf32>
          %select_n3A_377 = arith.select %lt3A_376, %get3A_372, %scan3A_288 : vector<16xi1>, vector<16xf32>
          %select_n3A_378 = arith.select %lt3A_376, %add3A_375, %scan3A_296 : vector<16xi1>, vector<16xi32>
          %mul3A_379 = arith.constant 128 : i32
          %mul3A_380 = arith.muli %scan3A_282, %mul3A_379 : i32
          %add3A_381 = arith.constant 96 : i32
          %add3A_382 = arith.addi %mul3A_380, %add3A_381 : i32
          %get3A_383 = arith.index_cast %scan3A_140 : i32 to index
          %get3A_384 = arith.index_cast %add3A_382 : i32 to index
          %get3A_385 = tpu.vector_load %arg7[%get3A_383, %get3A_384] {strides = array<i32>} : memref<8x1408xf32, #tpu.memory_space<vmem>>, vector<16xf32>,
          %add3A_386 = arith.constant 96 : i32
          %add3A_387 = vector.broadcast %add3A_386 : i32 to vector<16xi32>
          %add3A_388 = arith.addi %add3A_305, %add3A_387 : vector<16xi32>
          %lt3A_389 = arith.cmpf olt, %get3A_385, %scan3A_289 : vector<16xf32>
          %select_n3A_390 = arith.select %lt3A_389, %get3A_385, %scan3A_289 : vector<16xi1>, vector<16xf32>
          %select_n3A_391 = arith.select %lt3A_389, %add3A_388, %scan3A_297 : vector<16xi1>, vector<16xi32>
          %mul3A_392 = arith.constant 128 : i32
          %mul3A_393 = arith.muli %scan3A_282, %mul3A_392 : i32
          %add3A_394 = arith.constant 112 : i32
          %add3A_395 = arith.addi %mul3A_393, %add3A_394 : i32
          %get3A_396 = arith.index_cast %scan3A_140 : i32 to index
          %get3A_397 = arith.index_cast %add3A_395 : i32 to index
          %get3A_398 = tpu.vector_load %arg7[%get3A_396, %get3A_397] {strides = array<i32>} : memref<8x1408xf32, #tpu.memory_space<vmem>>, vector<16xf32>,
          %add3A_399 = arith.constant 112 : i32
          %add3A_400 = vector.broadcast %add3A_399 : i32 to vector<16xi32>
          %add3A_401 = arith.addi %add3A_305, %add3A_400 : vector<16xi32>
          %lt3A_402 = arith.cmpf olt, %get3A_398, %scan3A_290 : vector<16xf32>
          %select_n3A_403 = arith.select %lt3A_402, %get3A_398, %scan3A_290 : vector<16xi1>, vector<16xf32>
          %select_n3A_404 = arith.select %lt3A_402, %add3A_401, %scan3A_298 : vector<16xi1>, vector<16xi32>
          scf.yield %select_n3A, %select_n3A_325, %select_n3A_338, %select_n3A_351, %select_n3A_364, %select_n3A_377, %select_n3A_390, %select_n3A_403, %select_n3A_313, %select_n3A_326, %select_n3A_339, %select_n3A_352, %select_n3A_365, %select_n3A_378, %select_n3A_391, %select_n3A_404 : vector<16xf32>, vector<16xf32>, vector<16xf32>, vector<16xf32>, vector<16xf32>, vector<16xf32>, vector<16xf32>, vector<16xf32>, vector<16xi32>, vector<16xi32>, vector<16xi32>, vector<16xi32>, vector<16xi32>, vector<16xi32>, vector<16xi32>, vector<16xi32>
        }
        %scan3A_217 = arith.constant 11 : i32
        %add3A_218 = arith.constant 0 : i32
        %add3A_219 = arith.addi %mul3A_147, %add3A_218 : i32
        %swap3A = arith.index_cast %add3A_219 : i32 to index
        %swap3A_220 = tpu.vector_load %arg12[%swap3A] {strides = array<i32>} : memref<2048xf32, #tpu.memory_space<vmem>>, vector<16xf32>,
        tpu.vector_store %arg12[%swap3A], %scan3A_216#0 {strides = array<i32>} : memref<2048xf32, #tpu.memory_space<vmem>>, vector<16xf32>,
        %add3A_221 = arith.constant 0 : i32
        %add3A_222 = arith.addi %mul3A_147, %add3A_221 : i32
        %swap3A_223 = arith.index_cast %add3A_222 : i32 to index
        %swap3A_224 = tpu.vector_load %arg13[%swap3A_223] {strides = array<i32>} : memref<2048xi32, #tpu.memory_space<vmem>>, vector<16xi32>,
        tpu.vector_store %arg13[%swap3A_223], %scan3A_216#8 {strides = array<i32>} : memref<2048xi32, #tpu.memory_space<vmem>>, vector<16xi32>,
        %add3A_225 = arith.constant 16 : i32
        %add3A_226 = arith.addi %mul3A_147, %add3A_225 : i32
        %swap3A_227 = arith.index_cast %add3A_226 : i32 to index
        %swap3A_228 = tpu.vector_load %arg12[%swap3A_227] {strides = array<i32>} : memref<2048xf32, #tpu.memory_space<vmem>>, vector<16xf32>,
        tpu.vector_store %arg12[%swap3A_227], %scan3A_216#1 {strides = array<i32>} : memref<2048xf32, #tpu.memory_space<vmem>>, vector<16xf32>,
        %add3A_229 = arith.constant 16 : i32
        %add3A_230 = arith.addi %mul3A_147, %add3A_229 : i32
        %swap3A_231 = arith.index_cast %add3A_230 : i32 to index
        %swap3A_232 = tpu.vector_load %arg13[%swap3A_231] {strides = array<i32>} : memref<2048xi32, #tpu.memory_space<vmem>>, vector<16xi32>,
        tpu.vector_store %arg13[%swap3A_231], %scan3A_216#9 {strides = array<i32>} : memref<2048xi32, #tpu.memory_space<vmem>>, vector<16xi32>,
        %add3A_233 = arith.constant 32 : i32
        %add3A_234 = arith.addi %mul3A_147, %add3A_233 : i32
        %swap3A_235 = arith.index_cast %add3A_234 : i32 to index
        %swap3A_236 = tpu.vector_load %arg12[%swap3A_235] {strides = array<i32>} : memref<2048xf32, #tpu.memory_space<vmem>>, vector<16xf32>,
        tpu.vector_store %arg12[%swap3A_235], %scan3A_216#2 {strides = array<i32>} : memref<2048xf32, #tpu.memory_space<vmem>>, vector<16xf32>,
        %add3A_237 = arith.constant 32 : i32
        %add3A_238 = arith.addi %mul3A_147, %add3A_237 : i32
        %swap3A_239 = arith.index_cast %add3A_238 : i32 to index
        %swap3A_240 = tpu.vector_load %arg13[%swap3A_239] {strides = array<i32>} : memref<2048xi32, #tpu.memory_space<vmem>>, vector<16xi32>,
        tpu.vector_store %arg13[%swap3A_239], %scan3A_216#10 {strides = array<i32>} : memref<2048xi32, #tpu.memory_space<vmem>>, vector<16xi32>,
        %add3A_241 = arith.constant 48 : i32
        %add3A_242 = arith.addi %mul3A_147, %add3A_241 : i32
        %swap3A_243 = arith.index_cast %add3A_242 : i32 to index
        %swap3A_244 = tpu.vector_load %arg12[%swap3A_243] {strides = array<i32>} : memref<2048xf32, #tpu.memory_space<vmem>>, vector<16xf32>,
        tpu.vector_store %arg12[%swap3A_243], %scan3A_216#3 {strides = array<i32>} : memref<2048xf32, #tpu.memory_space<vmem>>, vector<16xf32>,
        %add3A_245 = arith.constant 48 : i32
        %add3A_246 = arith.addi %mul3A_147, %add3A_245 : i32
        %swap3A_247 = arith.index_cast %add3A_246 : i32 to index
        %swap3A_248 = tpu.vector_load %arg13[%swap3A_247] {strides = array<i32>} : memref<2048xi32, #tpu.memory_space<vmem>>, vector<16xi32>,
        tpu.vector_store %arg13[%swap3A_247], %scan3A_216#11 {strides = array<i32>} : memref<2048xi32, #tpu.memory_space<vmem>>, vector<16xi32>,
        %add3A_249 = arith.constant 64 : i32
        %add3A_250 = arith.addi %mul3A_147, %add3A_249 : i32
        %swap3A_251 = arith.index_cast %add3A_250 : i32 to index
        %swap3A_252 = tpu.vector_load %arg12[%swap3A_251] {strides = array<i32>} : memref<2048xf32, #tpu.memory_space<vmem>>, vector<16xf32>,
        tpu.vector_store %arg12[%swap3A_251], %scan3A_216#4 {strides = array<i32>} : memref<2048xf32, #tpu.memory_space<vmem>>, vector<16xf32>,
        %add3A_253 = arith.constant 64 : i32
        %add3A_254 = arith.addi %mul3A_147, %add3A_253 : i32
        %swap3A_255 = arith.index_cast %add3A_254 : i32 to index
        %swap3A_256 = tpu.vector_load %arg13[%swap3A_255] {strides = array<i32>} : memref<2048xi32, #tpu.memory_space<vmem>>, vector<16xi32>,
        tpu.vector_store %arg13[%swap3A_255], %scan3A_216#12 {strides = array<i32>} : memref<2048xi32, #tpu.memory_space<vmem>>, vector<16xi32>,
        %add3A_257 = arith.constant 80 : i32
        %add3A_258 = arith.addi %mul3A_147, %add3A_257 : i32
        %swap3A_259 = arith.index_cast %add3A_258 : i32 to index
        %swap3A_260 = tpu.vector_load %arg12[%swap3A_259] {strides = array<i32>} : memref<2048xf32, #tpu.memory_space<vmem>>, vector<16xf32>,
        tpu.vector_store %arg12[%swap3A_259], %scan3A_216#5 {strides = array<i32>} : memref<2048xf32, #tpu.memory_space<vmem>>, vector<16xf32>,
        %add3A_261 = arith.constant 80 : i32
        %add3A_262 = arith.addi %mul3A_147, %add3A_261 : i32
        %swap3A_263 = arith.index_cast %add3A_262 : i32 to index
        %swap3A_264 = tpu.vector_load %arg13[%swap3A_263] {strides = array<i32>} : memref<2048xi32, #tpu.memory_space<vmem>>, vector<16xi32>,
        tpu.vector_store %arg13[%swap3A_263], %scan3A_216#13 {strides = array<i32>} : memref<2048xi32, #tpu.memory_space<vmem>>, vector<16xi32>,
        %add3A_265 = arith.constant 96 : i32
        %add3A_266 = arith.addi %mul3A_147, %add3A_265 : i32
        %swap3A_267 = arith.index_cast %add3A_266 : i32 to index
        %swap3A_268 = tpu.vector_load %arg12[%swap3A_267] {strides = array<i32>} : memref<2048xf32, #tpu.memory_space<vmem>>, vector<16xf32>,
        tpu.vector_store %arg12[%swap3A_267], %scan3A_216#6 {strides = array<i32>} : memref<2048xf32, #tpu.memory_space<vmem>>, vector<16xf32>,
        %add3A_269 = arith.constant 96 : i32
        %add3A_270 = arith.addi %mul3A_147, %add3A_269 : i32
        %swap3A_271 = arith.index_cast %add3A_270 : i32 to index
        %swap3A_272 = tpu.vector_load %arg13[%swap3A_271] {strides = array<i32>} : memref<2048xi32, #tpu.memory_space<vmem>>, vector<16xi32>,
        tpu.vector_store %arg13[%swap3A_271], %scan3A_216#14 {strides = array<i32>} : memref<2048xi32, #tpu.memory_space<vmem>>, vector<16xi32>,
        %add3A_273 = arith.constant 112 : i32
        %add3A_274 = arith.addi %mul3A_147, %add3A_273 : i32
        %swap3A_275 = arith.index_cast %add3A_274 : i32 to index
        %swap3A_276 = tpu.vector_load %arg12[%swap3A_275] {strides = array<i32>} : memref<2048xf32, #tpu.memory_space<vmem>>, vector<16xf32>,
        tpu.vector_store %arg12[%swap3A_275], %scan3A_216#7 {strides = array<i32>} : memref<2048xf32, #tpu.memory_space<vmem>>, vector<16xf32>,
        %add3A_277 = arith.constant 112 : i32
        %add3A_278 = arith.addi %mul3A_147, %add3A_277 : i32
        %swap3A_279 = arith.index_cast %add3A_278 : i32 to index
        %swap3A_280 = tpu.vector_load %arg13[%swap3A_279] {strides = array<i32>} : memref<2048xi32, #tpu.memory_space<vmem>>, vector<16xi32>,
        tpu.vector_store %arg13[%swap3A_279], %scan3A_216#15 {strides = array<i32>} : memref<2048xi32, #tpu.memory_space<vmem>>, vector<16xi32>,
        %scan3A_281 = arith.constant 0 : i32
        scf.yield %scan3A_281 : i32
      }
      %scan3A_116 = arith.constant 8 : i32
      %add3A_117 = arith.constant 2 : i32
      %add3A_118 = arith.addi %mul3A_97, %add3A_117 : i32
      %mul3A_119 = arith.constant 1408 : i32
      %mul3A_120 = arith.muli %add3A_118, %mul3A_119 : i32
      %min3A = arith.constant 98560 : i32
      %min3A_121 = arith.minsi %mul3A_120, %min3A : i32
      %dma_start3A_122 = tpu.memref_slice %arg2[%add3A_46, %min3A_121] : memref<512x100000xf32, #tpu.memory_space<hbm>> -> memref<8x1408xf32, #tpu.memory_space<hbm>>
      %dma_start3A_123 = tpu.memref_slice %arg2[%add3A_46, %min3A_121] : memref<512x100000xf32, #tpu.memory_space<hbm>> -> memref<8x1408xf32, #tpu.memory_space<hbm>>
      tpu.enqueue_dma source(%dma_start3A_123 : memref<8x1408xf32, #tpu.memory_space<hbm>>) target(%arg7 : memref<8x1408xf32, #tpu.memory_space<vmem>>) target_semaphore(%arg14 : memref<!tpu.dma_semaphore, #tpu.memory_space<semaphore_mem>>)
      %dma_wait3A_124 = arith.constant 0 : i32
      %dma_wait3A_125 = arith.constant 0 : i32
      %dma_wait3A_126 = tpu.memref_slice %arg2[%dma_wait3A_124, %dma_wait3A_125] : memref<512x100000xf32, #tpu.memory_space<hbm>> -> memref<8x1408xf32, #tpu.memory_space<hbm>>
      %dma_wait3A_127 = arith.constant 0 : i32
      %dma_wait3A_128 = arith.constant 0 : i32
      %dma_wait3A_129 = tpu.memref_slice %arg2[%dma_wait3A_127, %dma_wait3A_128] : memref<512x100000xf32, #tpu.memory_space<hbm>> -> memref<8x1408xf32, #tpu.memory_space<hbm>>
      tpu.wait_dma2 semaphore(%arg15 : memref<!tpu.dma_semaphore, #tpu.memory_space<semaphore_mem>>) src(%dma_wait3A_129 : memref<8x1408xf32, #tpu.memory_space<hbm>>) dst(%arg8 : memref<8x1408xf32, #tpu.memory_space<vmem>>)
      %add3A_130 = arith.constant 1 : i32
      %add3A_131 = arith.addi %mul3A_97, %add3A_130 : i32
      %scan3A_132 = arith.constant 0 : i32
      %scan3A_133 = arith.constant 0 : i32
      %scan3A_134 = arith.constant 8 : i32
      %scan3A_135 = arith.addi %scan3A_133, %scan3A_134 : i32
      %scan3A_136 = arith.constant 1 : i32
      %scan3A_137 = scf.for %scan3A_140 = %scan3A_133 to %scan3A_135 step %scan3A_136 iter_args(%scan3A_141 = %scan3A_132) -> (i32)  : i32 {
        %add3A_142 = arith.constant 8 : i32
        %add3A_143 = arith.addi %add3A_142, %scan3A_140 : i32
        %mul3A_144 = arith.constant 8 : i32
        %mul3A_145 = arith.muli %add3A_143, %mul3A_144 : i32
        %mul3A_146 = arith.constant 16 : i32
        %mul3A_147 = arith.muli %mul3A_145, %mul3A_146 : i32
        %add3A_148 = arith.constant 0 : i32
        %add3A_149 = arith.addi %mul3A_147, %add3A_148 : i32
        %get3A_150 = arith.index_cast %add3A_149 : i32 to index
        %get3A_151 = tpu.vector_load %arg12[%get3A_150] {strides = array<i32>} : memref<2048xf32, #tpu.memory_space<vmem>>, vector<16xf32>,
        %add3A_152 = arith.constant 16 : i32
        %add3A_153 = arith.addi %mul3A_147, %add3A_152 : i32
        %get3A_154 = arith.index_cast %add3A_153 : i32 to index
        %get3A_155 = tpu.vector_load %arg12[%get3A_154] {strides = array<i32>} : memref<2048xf32, #tpu.memory_space<vmem>>, vector<16xf32>,
        %add3A_156 = arith.constant 32 : i32
        %add3A_157 = arith.addi %mul3A_147, %add3A_156 : i32
        %get3A_158 = arith.index_cast %add3A_157 : i32 to index
        %get3A_159 = tpu.vector_load %arg12[%get3A_158] {strides = array<i32>} : memref<2048xf32, #tpu.memory_space<vmem>>, vector<16xf32>,
        %add3A_160 = arith.constant 48 : i32
        %add3A_161 = arith.addi %mul3A_147, %add3A_160 : i32
        %get3A_162 = arith.index_cast %add3A_161 : i32 to index
        %get3A_163 = tpu.vector_load %arg12[%get3A_162] {strides = array<i32>} : memref<2048xf32, #tpu.memory_space<vmem>>, vector<16xf32>,
        %add3A_164 = arith.constant 64 : i32
        %add3A_165 = arith.addi %mul3A_147, %add3A_164 : i32
        %get3A_166 = arith.index_cast %add3A_165 : i32 to index
        %get3A_167 = tpu.vector_load %arg12[%get3A_166] {strides = array<i32>} : memref<2048xf32, #tpu.memory_space<vmem>>, vector<16xf32>,
        %add3A_168 = arith.constant 80 : i32
        %add3A_169 = arith.addi %mul3A_147, %add3A_168 : i32
        %get3A_170 = arith.index_cast %add3A_169 : i32 to index
        %get3A_171 = tpu.vector_load %arg12[%get3A_170] {strides = array<i32>} : memref<2048xf32, #tpu.memory_space<vmem>>, vector<16xf32>,
        %add3A_172 = arith.constant 96 : i32
        %add3A_173 = arith.addi %mul3A_147, %add3A_172 : i32
        %get3A_174 = arith.index_cast %add3A_173 : i32 to index
        %get3A_175 = tpu.vector_load %arg12[%get3A_174] {strides = array<i32>} : memref<2048xf32, #tpu.memory_space<vmem>>, vector<16xf32>,
        %add3A_176 = arith.constant 112 : i32
        %add3A_177 = arith.addi %mul3A_147, %add3A_176 : i32
        %get3A_178 = arith.index_cast %add3A_177 : i32 to index
        %get3A_179 = tpu.vector_load %arg12[%get3A_178] {strides = array<i32>} : memref<2048xf32, #tpu.memory_space<vmem>>, vector<16xf32>,
        %add3A_180 = arith.constant 0 : i32
        %add3A_181 = arith.addi %mul3A_147, %add3A_180 : i32
        %get3A_182 = arith.index_cast %add3A_181 : i32 to index
        %get3A_183 = tpu.vector_load %arg13[%get3A_182] {strides = array<i32>} : memref<2048xi32, #tpu.memory_space<vmem>>, vector<16xi32>,
        %add3A_184 = arith.constant 16 : i32
        %add3A_185 = arith.addi %mul3A_147, %add3A_184 : i32
        %get3A_186 = arith.index_cast %add3A_185 : i32 to index
        %get3A_187 = tpu.vector_load %arg13[%get3A_186] {strides = array<i32>} : memref<2048xi32, #tpu.memory_space<vmem>>, vector<16xi32>,
        %add3A_188 = arith.constant 32 : i32
        %add3A_189 = arith.addi %mul3A_147, %add3A_188 : i32
        %get3A_190 = arith.index_cast %add3A_189 : i32 to index
        %get3A_191 = tpu.vector_load %arg13[%get3A_190] {strides = array<i32>} : memref<2048xi32, #tpu.memory_space<vmem>>, vector<16xi32>,
        %add3A_192 = arith.constant 48 : i32
        %add3A_193 = arith.addi %mul3A_147, %add3A_192 : i32
        %get3A_194 = arith.index_cast %add3A_193 : i32 to index
        %get3A_195 = tpu.vector_load %arg13[%get3A_194] {strides = array<i32>} : memref<2048xi32, #tpu.memory_space<vmem>>, vector<16xi32>,
        %add3A_196 = arith.constant 64 : i32
        %add3A_197 = arith.addi %mul3A_147, %add3A_196 : i32
        %get3A_198 = arith.index_cast %add3A_197 : i32 to index
        %get3A_199 = tpu.vector_load %arg13[%get3A_198] {strides = array<i32>} : memref<2048xi32, #tpu.memory_space<vmem>>, vector<16xi32>,
        %add3A_200 = arith.constant 80 : i32
        %add3A_201 = arith.addi %mul3A_147, %add3A_200 : i32
        %get3A_202 = arith.index_cast %add3A_201 : i32 to index
        %get3A_203 = tpu.vector_load %arg13[%get3A_202] {strides = array<i32>} : memref<2048xi32, #tpu.memory_space<vmem>>, vector<16xi32>,
        %add3A_204 = arith.constant 96 : i32
        %add3A_205 = arith.addi %mul3A_147, %add3A_204 : i32
        %get3A_206 = arith.index_cast %add3A_205 : i32 to index
        %get3A_207 = tpu.vector_load %arg13[%get3A_206] {strides = array<i32>} : memref<2048xi32, #tpu.memory_space<vmem>>, vector<16xi32>,
        %add3A_208 = arith.constant 112 : i32
        %add3A_209 = arith.addi %mul3A_147, %add3A_208 : i32
        %get3A_210 = arith.index_cast %add3A_209 : i32 to index
        %get3A_211 = tpu.vector_load %arg13[%get3A_210] {strides = array<i32>} : memref<2048xi32, #tpu.memory_space<vmem>>, vector<16xi32>,
        %scan3A_212 = arith.constant 0 : i32
        %scan3A_213 = arith.constant 11 : i32
        %scan3A_214 = arith.addi %scan3A_212, %scan3A_213 : i32
        %scan3A_215 = arith.constant 1 : i32
        %scan3A_216:16 = scf.for %scan3A_282 = %scan3A_212 to %scan3A_214 step %scan3A_215 iter_args(%scan3A_283 = %get3A_151, %scan3A_284 = %get3A_155, %scan3A_285 = %get3A_159, %scan3A_286 = %get3A_163, %scan3A_287 = %get3A_167, %scan3A_288 = %get3A_171, %scan3A_289 = %get3A_175, %scan3A_290 = %get3A_179, %scan3A_291 = %get3A_183, %scan3A_292 = %get3A_187, %scan3A_293 = %get3A_191, %scan3A_294 = %get3A_195, %scan3A_295 = %get3A_199, %scan3A_296 = %get3A_203, %scan3A_297 = %get3A_207, %scan3A_298 = %get3A_211) -> (vector<16xf32>, vector<16xf32>, vector<16xf32>, vector<16xf32>, vector<16xf32>, vector<16xf32>, vector<16xf32>, vector<16xf32>, vector<16xi32>, vector<16xi32>, vector<16xi32>, vector<16xi32>, vector<16xi32>, vector<16xi32>, vector<16xi32>, vector<16xi32>)  : i32 {
          %mul3A_299 = arith.constant 1408 : i32
          %mul3A_300 = arith.muli %add3A_131, %mul3A_299 : i32
          %mul3A_301 = arith.constant 128 : i32
          %mul3A_302 = arith.muli %scan3A_282, %mul3A_301 : i32
          %add3A_303 = arith.addi %mul3A_300, %mul3A_302 : i32
          %add3A_304 = vector.broadcast %add3A_303 : i32 to vector<16xi32>
          %add3A_305 = arith.addi %iota3A, %add3A_304 : vector<16xi32>
          %mul3A_306 = arith.constant 128 : i32
          %mul3A_307 = arith.muli %scan3A_282, %mul3A_306 : i32
          %add3A_308 = arith.constant 0 : i32
          %add3A_309 = arith.addi %mul3A_307, %add3A_308 : i32
          %get3A_310 = arith.index_cast %scan3A_140 : i32 to index
          %get3A_311 = arith.index_cast %add3A_309 : i32 to index
          %get3A_312 = tpu.vector_load %arg8[%get3A_310, %get3A_311] {strides = array<i32>} : memref<8x1408xf32, #tpu.memory_space<vmem>>, vector<16xf32>,
          %lt3A = arith.cmpf olt, %get3A_312, %scan3A_283 : vector<16xf32>
          %select_n3A = arith.select %lt3A, %get3A_312, %scan3A_283 : vector<16xi1>, vector<16xf32>
          %select_n3A_313 = arith.select %lt3A, %add3A_305, %scan3A_291 : vector<16xi1>, vector<16xi32>
          %mul3A_314 = arith.constant 128 : i32
          %mul3A_315 = arith.muli %scan3A_282, %mul3A_314 : i32
          %add3A_316 = arith.constant 16 : i32
          %add3A_317 = arith.addi %mul3A_315, %add3A_316 : i32
          %get3A_318 = arith.index_cast %scan3A_140 : i32 to index
          %get3A_319 = arith.index_cast %add3A_317 : i32 to index
          %get3A_320 = tpu.vector_load %arg8[%get3A_318, %get3A_319] {strides = array<i32>} : memref<8x1408xf32, #tpu.memory_space<vmem>>, vector<16xf32>,
          %add3A_321 = arith.constant 16 : i32
          %add3A_322 = vector.broadcast %add3A_321 : i32 to vector<16xi32>
          %add3A_323 = arith.addi %add3A_305, %add3A_322 : vector<16xi32>
          %lt3A_324 = arith.cmpf olt, %get3A_320, %scan3A_284 : vector<16xf32>
          %select_n3A_325 = arith.select %lt3A_324, %get3A_320, %scan3A_284 : vector<16xi1>, vector<16xf32>
          %select_n3A_326 = arith.select %lt3A_324, %add3A_323, %scan3A_292 : vector<16xi1>, vector<16xi32>
          %mul3A_327 = arith.constant 128 : i32
          %mul3A_328 = arith.muli %scan3A_282, %mul3A_327 : i32
          %add3A_329 = arith.constant 32 : i32
          %add3A_330 = arith.addi %mul3A_328, %add3A_329 : i32
          %get3A_331 = arith.index_cast %scan3A_140 : i32 to index
          %get3A_332 = arith.index_cast %add3A_330 : i32 to index
          %get3A_333 = tpu.vector_load %arg8[%get3A_331, %get3A_332] {strides = array<i32>} : memref<8x1408xf32, #tpu.memory_space<vmem>>, vector<16xf32>,
          %add3A_334 = arith.constant 32 : i32
          %add3A_335 = vector.broadcast %add3A_334 : i32 to vector<16xi32>
          %add3A_336 = arith.addi %add3A_305, %add3A_335 : vector<16xi32>
          %lt3A_337 = arith.cmpf olt, %get3A_333, %scan3A_285 : vector<16xf32>
          %select_n3A_338 = arith.select %lt3A_337, %get3A_333, %scan3A_285 : vector<16xi1>, vector<16xf32>
          %select_n3A_339 = arith.select %lt3A_337, %add3A_336, %scan3A_293 : vector<16xi1>, vector<16xi32>
          %mul3A_340 = arith.constant 128 : i32
          %mul3A_341 = arith.muli %scan3A_282, %mul3A_340 : i32
          %add3A_342 = arith.constant 48 : i32
          %add3A_343 = arith.addi %mul3A_341, %add3A_342 : i32
          %get3A_344 = arith.index_cast %scan3A_140 : i32 to index
          %get3A_345 = arith.index_cast %add3A_343 : i32 to index
          %get3A_346 = tpu.vector_load %arg8[%get3A_344, %get3A_345] {strides = array<i32>} : memref<8x1408xf32, #tpu.memory_space<vmem>>, vector<16xf32>,
          %add3A_347 = arith.constant 48 : i32
          %add3A_348 = vector.broadcast %add3A_347 : i32 to vector<16xi32>
          %add3A_349 = arith.addi %add3A_305, %add3A_348 : vector<16xi32>
          %lt3A_350 = arith.cmpf olt, %get3A_346, %scan3A_286 : vector<16xf32>
          %select_n3A_351 = arith.select %lt3A_350, %get3A_346, %scan3A_286 : vector<16xi1>, vector<16xf32>
          %select_n3A_352 = arith.select %lt3A_350, %add3A_349, %scan3A_294 : vector<16xi1>, vector<16xi32>
          %mul3A_353 = arith.constant 128 : i32
          %mul3A_354 = arith.muli %scan3A_282, %mul3A_353 : i32
          %add3A_355 = arith.constant 64 : i32
          %add3A_356 = arith.addi %mul3A_354, %add3A_355 : i32
          %get3A_357 = arith.index_cast %scan3A_140 : i32 to index
          %get3A_358 = arith.index_cast %add3A_356 : i32 to index
          %get3A_359 = tpu.vector_load %arg8[%get3A_357, %get3A_358] {strides = array<i32>} : memref<8x1408xf32, #tpu.memory_space<vmem>>, vector<16xf32>,
          %add3A_360 = arith.constant 64 : i32
          %add3A_361 = vector.broadcast %add3A_360 : i32 to vector<16xi32>
          %add3A_362 = arith.addi %add3A_305, %add3A_361 : vector<16xi32>
          %lt3A_363 = arith.cmpf olt, %get3A_359, %scan3A_287 : vector<16xf32>
          %select_n3A_364 = arith.select %lt3A_363, %get3A_359, %scan3A_287 : vector<16xi1>, vector<16xf32>
          %select_n3A_365 = arith.select %lt3A_363, %add3A_362, %scan3A_295 : vector<16xi1>, vector<16xi32>
          %mul3A_366 = arith.constant 128 : i32
          %mul3A_367 = arith.muli %scan3A_282, %mul3A_366 : i32
          %add3A_368 = arith.constant 80 : i32
          %add3A_369 = arith.addi %mul3A_367, %add3A_368 : i32
          %get3A_370 = arith.index_cast %scan3A_140 : i32 to index
          %get3A_371 = arith.index_cast %add3A_369 : i32 to index
          %get3A_372 = tpu.vector_load %arg8[%get3A_370, %get3A_371] {strides = array<i32>} : memref<8x1408xf32, #tpu.memory_space<vmem>>, vector<16xf32>,
          %add3A_373 = arith.constant 80 : i32
          %add3A_374 = vector.broadcast %add3A_373 : i32 to vector<16xi32>
          %add3A_375 = arith.addi %add3A_305, %add3A_374 : vector<16xi32>
          %lt3A_376 = arith.cmpf olt, %get3A_372, %scan3A_288 : vector<16xf32>
          %select_n3A_377 = arith.select %lt3A_376, %get3A_372, %scan3A_288 : vector<16xi1>, vector<16xf32>
          %select_n3A_378 = arith.select %lt3A_376, %add3A_375, %scan3A_296 : vector<16xi1>, vector<16xi32>
          %mul3A_379 = arith.constant 128 : i32
          %mul3A_380 = arith.muli %scan3A_282, %mul3A_379 : i32
          %add3A_381 = arith.constant 96 : i32
          %add3A_382 = arith.addi %mul3A_380, %add3A_381 : i32
          %get3A_383 = arith.index_cast %scan3A_140 : i32 to index
          %get3A_384 = arith.index_cast %add3A_382 : i32 to index
          %get3A_385 = tpu.vector_load %arg8[%get3A_383, %get3A_384] {strides = array<i32>} : memref<8x1408xf32, #tpu.memory_space<vmem>>, vector<16xf32>,
          %add3A_386 = arith.constant 96 : i32
          %add3A_387 = vector.broadcast %add3A_386 : i32 to vector<16xi32>
          %add3A_388 = arith.addi %add3A_305, %add3A_387 : vector<16xi32>
          %lt3A_389 = arith.cmpf olt, %get3A_385, %scan3A_289 : vector<16xf32>
          %select_n3A_390 = arith.select %lt3A_389, %get3A_385, %scan3A_289 : vector<16xi1>, vector<16xf32>
          %select_n3A_391 = arith.select %lt3A_389, %add3A_388, %scan3A_297 : vector<16xi1>, vector<16xi32>
          %mul3A_392 = arith.constant 128 : i32
          %mul3A_393 = arith.muli %scan3A_282, %mul3A_392 : i32
          %add3A_394 = arith.constant 112 : i32
          %add3A_395 = arith.addi %mul3A_393, %add3A_394 : i32
          %get3A_396 = arith.index_cast %scan3A_140 : i32 to index
          %get3A_397 = arith.index_cast %add3A_395 : i32 to index
          %get3A_398 = tpu.vector_load %arg8[%get3A_396, %get3A_397] {strides = array<i32>} : memref<8x1408xf32, #tpu.memory_space<vmem>>, vector<16xf32>,
          %add3A_399 = arith.constant 112 : i32
          %add3A_400 = vector.broadcast %add3A_399 : i32 to vector<16xi32>
          %add3A_401 = arith.addi %add3A_305, %add3A_400 : vector<16xi32>
          %lt3A_402 = arith.cmpf olt, %get3A_398, %scan3A_290 : vector<16xf32>
          %select_n3A_403 = arith.select %lt3A_402, %get3A_398, %scan3A_290 : vector<16xi1>, vector<16xf32>
          %select_n3A_404 = arith.select %lt3A_402, %add3A_401, %scan3A_298 : vector<16xi1>, vector<16xi32>
          scf.yield %select_n3A, %select_n3A_325, %select_n3A_338, %select_n3A_351, %select_n3A_364, %select_n3A_377, %select_n3A_390, %select_n3A_403, %select_n3A_313, %select_n3A_326, %select_n3A_339, %select_n3A_352, %select_n3A_365, %select_n3A_378, %select_n3A_391, %select_n3A_404 : vector<16xf32>, vector<16xf32>, vector<16xf32>, vector<16xf32>, vector<16xf32>, vector<16xf32>, vector<16xf32>, vector<16xf32>, vector<16xi32>, vector<16xi32>, vector<16xi32>, vector<16xi32>, vector<16xi32>, vector<16xi32>, vector<16xi32>, vector<16xi32>
        }
        %scan3A_217 = arith.constant 11 : i32
        %add3A_218 = arith.constant 0 : i32
        %add3A_219 = arith.addi %mul3A_147, %add3A_218 : i32
        %swap3A = arith.index_cast %add3A_219 : i32 to index
        %swap3A_220 = tpu.vector_load %arg12[%swap3A] {strides = array<i32>} : memref<2048xf32, #tpu.memory_space<vmem>>, vector<16xf32>,
        tpu.vector_store %arg12[%swap3A], %scan3A_216#0 {strides = array<i32>} : memref<2048xf32, #tpu.memory_space<vmem>>, vector<16xf32>,
        %add3A_221 = arith.constant 0 : i32
        %add3A_222 = arith.addi %mul3A_147, %add3A_221 : i32
        %swap3A_223 = arith.index_cast %add3A_222 : i32 to index
        %swap3A_224 = tpu.vector_load %arg13[%swap3A_223] {strides = array<i32>} : memref<2048xi32, #tpu.memory_space<vmem>>, vector<16xi32>,
        tpu.vector_store %arg13[%swap3A_223], %scan3A_216#8 {strides = array<i32>} : memref<2048xi32, #tpu.memory_space<vmem>>, vector<16xi32>,
        %add3A_225 = arith.constant 16 : i32
        %add3A_226 = arith.addi %mul3A_147, %add3A_225 : i32
        %swap3A_227 = arith.index_cast %add3A_226 : i32 to index
        %swap3A_228 = tpu.vector_load %arg12[%swap3A_227] {strides = array<i32>} : memref<2048xf32, #tpu.memory_space<vmem>>, vector<16xf32>,
        tpu.vector_store %arg12[%swap3A_227], %scan3A_216#1 {strides = array<i32>} : memref<2048xf32, #tpu.memory_space<vmem>>, vector<16xf32>,
        %add3A_229 = arith.constant 16 : i32
        %add3A_230 = arith.addi %mul3A_147, %add3A_229 : i32
        %swap3A_231 = arith.index_cast %add3A_230 : i32 to index
        %swap3A_232 = tpu.vector_load %arg13[%swap3A_231] {strides = array<i32>} : memref<2048xi32, #tpu.memory_space<vmem>>, vector<16xi32>,
        tpu.vector_store %arg13[%swap3A_231], %scan3A_216#9 {strides = array<i32>} : memref<2048xi32, #tpu.memory_space<vmem>>, vector<16xi32>,
        %add3A_233 = arith.constant 32 : i32
        %add3A_234 = arith.addi %mul3A_147, %add3A_233 : i32
        %swap3A_235 = arith.index_cast %add3A_234 : i32 to index
        %swap3A_236 = tpu.vector_load %arg12[%swap3A_235] {strides = array<i32>} : memref<2048xf32, #tpu.memory_space<vmem>>, vector<16xf32>,
        tpu.vector_store %arg12[%swap3A_235], %scan3A_216#2 {strides = array<i32>} : memref<2048xf32, #tpu.memory_space<vmem>>, vector<16xf32>,
        %add3A_237 = arith.constant 32 : i32
        %add3A_238 = arith.addi %mul3A_147, %add3A_237 : i32
        %swap3A_239 = arith.index_cast %add3A_238 : i32 to index
        %swap3A_240 = tpu.vector_load %arg13[%swap3A_239] {strides = array<i32>} : memref<2048xi32, #tpu.memory_space<vmem>>, vector<16xi32>,
        tpu.vector_store %arg13[%swap3A_239], %scan3A_216#10 {strides = array<i32>} : memref<2048xi32, #tpu.memory_space<vmem>>, vector<16xi32>,
        %add3A_241 = arith.constant 48 : i32
        %add3A_242 = arith.addi %mul3A_147, %add3A_241 : i32
        %swap3A_243 = arith.index_cast %add3A_242 : i32 to index
        %swap3A_244 = tpu.vector_load %arg12[%swap3A_243] {strides = array<i32>} : memref<2048xf32, #tpu.memory_space<vmem>>, vector<16xf32>,
        tpu.vector_store %arg12[%swap3A_243], %scan3A_216#3 {strides = array<i32>} : memref<2048xf32, #tpu.memory_space<vmem>>, vector<16xf32>,
        %add3A_245 = arith.constant 48 : i32
        %add3A_246 = arith.addi %mul3A_147, %add3A_245 : i32
        %swap3A_247 = arith.index_cast %add3A_246 : i32 to index
        %swap3A_248 = tpu.vector_load %arg13[%swap3A_247] {strides = array<i32>} : memref<2048xi32, #tpu.memory_space<vmem>>, vector<16xi32>,
        tpu.vector_store %arg13[%swap3A_247], %scan3A_216#11 {strides = array<i32>} : memref<2048xi32, #tpu.memory_space<vmem>>, vector<16xi32>,
        %add3A_249 = arith.constant 64 : i32
        %add3A_250 = arith.addi %mul3A_147, %add3A_249 : i32
        %swap3A_251 = arith.index_cast %add3A_250 : i32 to index
        %swap3A_252 = tpu.vector_load %arg12[%swap3A_251] {strides = array<i32>} : memref<2048xf32, #tpu.memory_space<vmem>>, vector<16xf32>,
        tpu.vector_store %arg12[%swap3A_251], %scan3A_216#4 {strides = array<i32>} : memref<2048xf32, #tpu.memory_space<vmem>>, vector<16xf32>,
        %add3A_253 = arith.constant 64 : i32
        %add3A_254 = arith.addi %mul3A_147, %add3A_253 : i32
        %swap3A_255 = arith.index_cast %add3A_254 : i32 to index
        %swap3A_256 = tpu.vector_load %arg13[%swap3A_255] {strides = array<i32>} : memref<2048xi32, #tpu.memory_space<vmem>>, vector<16xi32>,
        tpu.vector_store %arg13[%swap3A_255], %scan3A_216#12 {strides = array<i32>} : memref<2048xi32, #tpu.memory_space<vmem>>, vector<16xi32>,
        %add3A_257 = arith.constant 80 : i32
        %add3A_258 = arith.addi %mul3A_147, %add3A_257 : i32
        %swap3A_259 = arith.index_cast %add3A_258 : i32 to index
        %swap3A_260 = tpu.vector_load %arg12[%swap3A_259] {strides = array<i32>} : memref<2048xf32, #tpu.memory_space<vmem>>, vector<16xf32>,
        tpu.vector_store %arg12[%swap3A_259], %scan3A_216#5 {strides = array<i32>} : memref<2048xf32, #tpu.memory_space<vmem>>, vector<16xf32>,
        %add3A_261 = arith.constant 80 : i32
        %add3A_262 = arith.addi %mul3A_147, %add3A_261 : i32
        %swap3A_263 = arith.index_cast %add3A_262 : i32 to index
        %swap3A_264 = tpu.vector_load %arg13[%swap3A_263] {strides = array<i32>} : memref<2048xi32, #tpu.memory_space<vmem>>, vector<16xi32>,
        tpu.vector_store %arg13[%swap3A_263], %scan3A_216#13 {strides = array<i32>} : memref<2048xi32, #tpu.memory_space<vmem>>, vector<16xi32>,
        %add3A_265 = arith.constant 96 : i32
        %add3A_266 = arith.addi %mul3A_147, %add3A_265 : i32
        %swap3A_267 = arith.index_cast %add3A_266 : i32 to index
        %swap3A_268 = tpu.vector_load %arg12[%swap3A_267] {strides = array<i32>} : memref<2048xf32, #tpu.memory_space<vmem>>, vector<16xf32>,
        tpu.vector_store %arg12[%swap3A_267], %scan3A_216#6 {strides = array<i32>} : memref<2048xf32, #tpu.memory_space<vmem>>, vector<16xf32>,
        %add3A_269 = arith.constant 96 : i32
        %add3A_270 = arith.addi %mul3A_147, %add3A_269 : i32
        %swap3A_271 = arith.index_cast %add3A_270 : i32 to index
        %swap3A_272 = tpu.vector_load %arg13[%swap3A_271] {strides = array<i32>} : memref<2048xi32, #tpu.memory_space<vmem>>, vector<16xi32>,
        tpu.vector_store %arg13[%swap3A_271], %scan3A_216#14 {strides = array<i32>} : memref<2048xi32, #tpu.memory_space<vmem>>, vector<16xi32>,
        %add3A_273 = arith.constant 112 : i32
        %add3A_274 = arith.addi %mul3A_147, %add3A_273 : i32
        %swap3A_275 = arith.index_cast %add3A_274 : i32 to index
        %swap3A_276 = tpu.vector_load %arg12[%swap3A_275] {strides = array<i32>} : memref<2048xf32, #tpu.memory_space<vmem>>, vector<16xf32>,
        tpu.vector_store %arg12[%swap3A_275], %scan3A_216#7 {strides = array<i32>} : memref<2048xf32, #tpu.memory_space<vmem>>, vector<16xf32>,
        %add3A_277 = arith.constant 112 : i32
        %add3A_278 = arith.addi %mul3A_147, %add3A_277 : i32
        %swap3A_279 = arith.index_cast %add3A_278 : i32 to index
        %swap3A_280 = tpu.vector_load %arg13[%swap3A_279] {strides = array<i32>} : memref<2048xi32, #tpu.memory_space<vmem>>, vector<16xi32>,
        tpu.vector_store %arg13[%swap3A_279], %scan3A_216#15 {strides = array<i32>} : memref<2048xi32, #tpu.memory_space<vmem>>, vector<16xi32>,
        %scan3A_281 = arith.constant 0 : i32
        scf.yield %scan3A_281 : i32
      }
      %scan3A_138 = arith.constant 8 : i32
      %scan3A_139 = arith.constant 0 : i32
      scf.yield %scan3A_139 : i32
    }
    %scan3A_64 = arith.constant 35 : i32
    %dma_wait3A_65 = arith.constant 0 : i32
    %dma_wait3A_66 = arith.constant 0 : i32
    %dma_wait3A_67 = tpu.memref_slice %arg2[%dma_wait3A_65, %dma_wait3A_66] : memref<512x100000xf32, #tpu.memory_space<hbm>> -> memref<8x1408xf32, #tpu.memory_space<hbm>>
    %dma_wait3A_68 = arith.constant 0 : i32
    %dma_wait3A_69 = arith.constant 0 : i32
    %dma_wait3A_70 = tpu.memref_slice %arg2[%dma_wait3A_68, %dma_wait3A_69] : memref<512x100000xf32, #tpu.memory_space<hbm>> -> memref<8x1408xf32, #tpu.memory_space<hbm>>
    tpu.wait_dma2 semaphore(%arg14 : memref<!tpu.dma_semaphore, #tpu.memory_space<semaphore_mem>>) src(%dma_wait3A_70 : memref<8x1408xf32, #tpu.memory_space<hbm>>) dst(%arg7 : memref<8x1408xf32, #tpu.memory_space<vmem>>)
    %scan3A_71 = arith.constant 0 : i32
    %scan3A_72 = arith.constant 0 : i32
    %scan3A_73 = arith.constant 8 : i32
    %scan3A_74 = arith.addi %scan3A_72, %scan3A_73 : i32
    %scan3A_75 = arith.constant 1 : i32
    %scan3A_76 = scf.for %scan3A_94 = %scan3A_72 to %scan3A_74 step %scan3A_75 iter_args(%scan3A_95 = %scan3A_71) -> (i32)  : i32 {
      %add3A_96 = arith.constant 8 : i32
      %add3A_97 = arith.addi %add3A_96, %scan3A_94 : i32
      %mul3A_98 = arith.constant 8 : i32
      %mul3A_99 = arith.muli %add3A_97, %mul3A_98 : i32
      %mul3A_100 = arith.constant 16 : i32
      %mul3A_101 = arith.muli %mul3A_99, %mul3A_100 : i32
      %add3A_102 = arith.constant 0 : i32
      %add3A_103 = arith.addi %mul3A_101, %add3A_102 : i32
      %get3A_104 = arith.index_cast %add3A_103 : i32 to index
      %get3A_105 = tpu.vector_load %arg12[%get3A_104] {strides = array<i32>} : memref<2048xf32, #tpu.memory_space<vmem>>, vector<16xf32>,
      %add3A_106 = arith.constant 16 : i32
      %add3A_107 = arith.addi %mul3A_101, %add3A_106 : i32
      %get3A_108 = arith.index_cast %add3A_107 : i32 to index
      %get3A_109 = tpu.vector_load %arg12[%get3A_108] {strides = array<i32>} : memref<2048xf32, #tpu.memory_space<vmem>>, vector<16xf32>,
      %add3A_110 = arith.constant 32 : i32
      %add3A_111 = arith.addi %mul3A_101, %add3A_110 : i32
      %get3A_112 = arith.index_cast %add3A_111 : i32 to index
      %get3A_113 = tpu.vector_load %arg12[%get3A_112] {strides = array<i32>} : memref<2048xf32, #tpu.memory_space<vmem>>, vector<16xf32>,
      %add3A_114 = arith.constant 48 : i32
      %add3A_115 = arith.addi %mul3A_101, %add3A_114 : i32
      %get3A_116 = arith.index_cast %add3A_115 : i32 to index
      %get3A_117 = tpu.vector_load %arg12[%get3A_116] {strides = array<i32>} : memref<2048xf32, #tpu.memory_space<vmem>>, vector<16xf32>,
      %add3A_118 = arith.constant 64 : i32
      %add3A_119 = arith.addi %mul3A_101, %add3A_118 : i32
      %get3A_120 = arith.index_cast %add3A_119 : i32 to index
      %get3A_121 = tpu.vector_load %arg12[%get3A_120] {strides = array<i32>} : memref<2048xf32, #tpu.memory_space<vmem>>, vector<16xf32>,
      %add3A_122 = arith.constant 80 : i32
      %add3A_123 = arith.addi %mul3A_101, %add3A_122 : i32
      %get3A_124 = arith.index_cast %add3A_123 : i32 to index
      %get3A_125 = tpu.vector_load %arg12[%get3A_124] {strides = array<i32>} : memref<2048xf32, #tpu.memory_space<vmem>>, vector<16xf32>,
      %add3A_126 = arith.constant 96 : i32
      %add3A_127 = arith.addi %mul3A_101, %add3A_126 : i32
      %get3A_128 = arith.index_cast %add3A_127 : i32 to index
      %get3A_129 = tpu.vector_load %arg12[%get3A_128] {strides = array<i32>} : memref<2048xf32, #tpu.memory_space<vmem>>, vector<16xf32>,
      %add3A_130 = arith.constant 112 : i32
      %add3A_131 = arith.addi %mul3A_101, %add3A_130 : i32
      %get3A_132 = arith.index_cast %add3A_131 : i32 to index
      %get3A_133 = tpu.vector_load %arg12[%get3A_132] {strides = array<i32>} : memref<2048xf32, #tpu.memory_space<vmem>>, vector<16xf32>,
      %add3A_134 = arith.constant 0 : i32
      %add3A_135 = arith.addi %mul3A_101, %add3A_134 : i32
      %get3A_136 = arith.index_cast %add3A_135 : i32 to index
      %get3A_137 = tpu.vector_load %arg13[%get3A_136] {strides = array<i32>} : memref<2048xi32, #tpu.memory_space<vmem>>, vector<16xi32>,
      %add3A_138 = arith.constant 16 : i32
      %add3A_139 = arith.addi %mul3A_101, %add3A_138 : i32
      %get3A_140 = arith.index_cast %add3A_139 : i32 to index
      %get3A_141 = tpu.vector_load %arg13[%get3A_140] {strides = array<i32>} : memref<2048xi32, #tpu.memory_space<vmem>>, vector<16xi32>,
      %add3A_142 = arith.constant 32 : i32
      %add3A_143 = arith.addi %mul3A_101, %add3A_142 : i32
      %get3A_144 = arith.index_cast %add3A_143 : i32 to index
      %get3A_145 = tpu.vector_load %arg13[%get3A_144] {strides = array<i32>} : memref<2048xi32, #tpu.memory_space<vmem>>, vector<16xi32>,
      %add3A_146 = arith.constant 48 : i32
      %add3A_147 = arith.addi %mul3A_101, %add3A_146 : i32
      %get3A_148 = arith.index_cast %add3A_147 : i32 to index
      %get3A_149 = tpu.vector_load %arg13[%get3A_148] {strides = array<i32>} : memref<2048xi32, #tpu.memory_space<vmem>>, vector<16xi32>,
      %add3A_150 = arith.constant 64 : i32
      %add3A_151 = arith.addi %mul3A_101, %add3A_150 : i32
      %get3A_152 = arith.index_cast %add3A_151 : i32 to index
      %get3A_153 = tpu.vector_load %arg13[%get3A_152] {strides = array<i32>} : memref<2048xi32, #tpu.memory_space<vmem>>, vector<16xi32>,
      %add3A_154 = arith.constant 80 : i32
      %add3A_155 = arith.addi %mul3A_101, %add3A_154 : i32
      %get3A_156 = arith.index_cast %add3A_155 : i32 to index
      %get3A_157 = tpu.vector_load %arg13[%get3A_156] {strides = array<i32>} : memref<2048xi32, #tpu.memory_space<vmem>>, vector<16xi32>,
      %add3A_158 = arith.constant 96 : i32
      %add3A_159 = arith.addi %mul3A_101, %add3A_158 : i32
      %get3A_160 = arith.index_cast %add3A_159 : i32 to index
      %get3A_161 = tpu.vector_load %arg13[%get3A_160] {strides = array<i32>} : memref<2048xi32, #tpu.memory_space<vmem>>, vector<16xi32>,
      %add3A_162 = arith.constant 112 : i32
      %add3A_163 = arith.addi %mul3A_101, %add3A_162 : i32
      %get3A_164 = arith.index_cast %add3A_163 : i32 to index
      %get3A_165 = tpu.vector_load %arg13[%get3A_164] {strides = array<i32>} : memref<2048xi32, #tpu.memory_space<vmem>>, vector<16xi32>,
      %scan3A_166 = arith.constant 0 : i32
      %scan3A_167 = arith.constant 11 : i32
      %scan3A_168 = arith.addi %scan3A_166, %scan3A_167 : i32
      %scan3A_169 = arith.constant 1 : i32
      %scan3A_170:16 = scf.for %scan3A_236 = %scan3A_166 to %scan3A_168 step %scan3A_169 iter_args(%scan3A_237 = %get3A_105, %scan3A_238 = %get3A_109, %scan3A_239 = %get3A_113, %scan3A_240 = %get3A_117, %scan3A_241 = %get3A_121, %scan3A_242 = %get3A_125, %scan3A_243 = %get3A_129, %scan3A_244 = %get3A_133, %scan3A_245 = %get3A_137, %scan3A_246 = %get3A_141, %scan3A_247 = %get3A_145, %scan3A_248 = %get3A_149, %scan3A_249 = %get3A_153, %scan3A_250 = %get3A_157, %scan3A_251 = %get3A_161, %scan3A_252 = %get3A_165) -> (vector<16xf32>, vector<16xf32>, vector<16xf32>, vector<16xf32>, vector<16xf32>, vector<16xf32>, vector<16xf32>, vector<16xf32>, vector<16xi32>, vector<16xi32>, vector<16xi32>, vector<16xi32>, vector<16xi32>, vector<16xi32>, vector<16xi32>, vector<16xi32>)  : i32 {
        %mul3A_253 = arith.constant 128 : i32
        %mul3A_254 = arith.muli %scan3A_236, %mul3A_253 : i32
        %add3A_255 = arith.constant 98560 : i32
        %add3A_256 = arith.addi %add3A_255, %mul3A_254 : i32
        %add3A_257 = vector.broadcast %add3A_256 : i32 to vector<16xi32>
        %add3A_258 = arith.addi %iota3A, %add3A_257 : vector<16xi32>
        %mul3A_259 = arith.constant 128 : i32
        %mul3A_260 = arith.muli %scan3A_236, %mul3A_259 : i32
        %add3A_261 = arith.constant 0 : i32
        %add3A_262 = arith.addi %mul3A_260, %add3A_261 : i32
        %get3A_263 = arith.index_cast %scan3A_94 : i32 to index
        %get3A_264 = arith.index_cast %add3A_262 : i32 to index
        %get3A_265 = tpu.vector_load %arg7[%get3A_263, %get3A_264] {strides = array<i32>} : memref<8x1408xf32, #tpu.memory_space<vmem>>, vector<16xf32>,
        %lt3A = arith.cmpf olt, %get3A_265, %scan3A_237 : vector<16xf32>
        %select_n3A = arith.select %lt3A, %get3A_265, %scan3A_237 : vector<16xi1>, vector<16xf32>
        %select_n3A_266 = arith.select %lt3A, %add3A_258, %scan3A_245 : vector<16xi1>, vector<16xi32>
        %mul3A_267 = arith.constant 128 : i32
        %mul3A_268 = arith.muli %scan3A_236, %mul3A_267 : i32
        %add3A_269 = arith.constant 16 : i32
        %add3A_270 = arith.addi %mul3A_268, %add3A_269 : i32
        %get3A_271 = arith.index_cast %scan3A_94 : i32 to index
        %get3A_272 = arith.index_cast %add3A_270 : i32 to index
        %get3A_273 = tpu.vector_load %arg7[%get3A_271, %get3A_272] {strides = array<i32>} : memref<8x1408xf32, #tpu.memory_space<vmem>>, vector<16xf32>,
        %add3A_274 = arith.constant 16 : i32
        %add3A_275 = vector.broadcast %add3A_274 : i32 to vector<16xi32>
        %add3A_276 = arith.addi %add3A_258, %add3A_275 : vector<16xi32>
        %lt3A_277 = arith.cmpf olt, %get3A_273, %scan3A_238 : vector<16xf32>
        %select_n3A_278 = arith.select %lt3A_277, %get3A_273, %scan3A_238 : vector<16xi1>, vector<16xf32>
        %select_n3A_279 = arith.select %lt3A_277, %add3A_276, %scan3A_246 : vector<16xi1>, vector<16xi32>
        %mul3A_280 = arith.constant 128 : i32
        %mul3A_281 = arith.muli %scan3A_236, %mul3A_280 : i32
        %add3A_282 = arith.constant 32 : i32
        %add3A_283 = arith.addi %mul3A_281, %add3A_282 : i32
        %get3A_284 = arith.index_cast %scan3A_94 : i32 to index
        %get3A_285 = arith.index_cast %add3A_283 : i32 to index
        %get3A_286 = tpu.vector_load %arg7[%get3A_284, %get3A_285] {strides = array<i32>} : memref<8x1408xf32, #tpu.memory_space<vmem>>, vector<16xf32>,
        %add3A_287 = arith.constant 32 : i32
        %add3A_288 = vector.broadcast %add3A_287 : i32 to vector<16xi32>
        %add3A_289 = arith.addi %add3A_258, %add3A_288 : vector<16xi32>
        %lt3A_290 = arith.cmpf olt, %get3A_286, %scan3A_239 : vector<16xf32>
        %select_n3A_291 = arith.select %lt3A_290, %get3A_286, %scan3A_239 : vector<16xi1>, vector<16xf32>
        %select_n3A_292 = arith.select %lt3A_290, %add3A_289, %scan3A_247 : vector<16xi1>, vector<16xi32>
        %mul3A_293 = arith.constant 128 : i32
        %mul3A_294 = arith.muli %scan3A_236, %mul3A_293 : i32
        %add3A_295 = arith.constant 48 : i32
        %add3A_296 = arith.addi %mul3A_294, %add3A_295 : i32
        %get3A_297 = arith.index_cast %scan3A_94 : i32 to index
        %get3A_298 = arith.index_cast %add3A_296 : i32 to index
        %get3A_299 = tpu.vector_load %arg7[%get3A_297, %get3A_298] {strides = array<i32>} : memref<8x1408xf32, #tpu.memory_space<vmem>>, vector<16xf32>,
        %add3A_300 = arith.constant 48 : i32
        %add3A_301 = vector.broadcast %add3A_300 : i32 to vector<16xi32>
        %add3A_302 = arith.addi %add3A_258, %add3A_301 : vector<16xi32>
        %lt3A_303 = arith.cmpf olt, %get3A_299, %scan3A_240 : vector<16xf32>
        %select_n3A_304 = arith.select %lt3A_303, %get3A_299, %scan3A_240 : vector<16xi1>, vector<16xf32>
        %select_n3A_305 = arith.select %lt3A_303, %add3A_302, %scan3A_248 : vector<16xi1>, vector<16xi32>
        %mul3A_306 = arith.constant 128 : i32
        %mul3A_307 = arith.muli %scan3A_236, %mul3A_306 : i32
        %add3A_308 = arith.constant 64 : i32
        %add3A_309 = arith.addi %mul3A_307, %add3A_308 : i32
        %get3A_310 = arith.index_cast %scan3A_94 : i32 to index
        %get3A_311 = arith.index_cast %add3A_309 : i32 to index
        %get3A_312 = tpu.vector_load %arg7[%get3A_310, %get3A_311] {strides = array<i32>} : memref<8x1408xf32, #tpu.memory_space<vmem>>, vector<16xf32>,
        %add3A_313 = arith.constant 64 : i32
        %add3A_314 = vector.broadcast %add3A_313 : i32 to vector<16xi32>
        %add3A_315 = arith.addi %add3A_258, %add3A_314 : vector<16xi32>
        %lt3A_316 = arith.cmpf olt, %get3A_312, %scan3A_241 : vector<16xf32>
        %select_n3A_317 = arith.select %lt3A_316, %get3A_312, %scan3A_241 : vector<16xi1>, vector<16xf32>
        %select_n3A_318 = arith.select %lt3A_316, %add3A_315, %scan3A_249 : vector<16xi1>, vector<16xi32>
        %mul3A_319 = arith.constant 128 : i32
        %mul3A_320 = arith.muli %scan3A_236, %mul3A_319 : i32
        %add3A_321 = arith.constant 80 : i32
        %add3A_322 = arith.addi %mul3A_320, %add3A_321 : i32
        %get3A_323 = arith.index_cast %scan3A_94 : i32 to index
        %get3A_324 = arith.index_cast %add3A_322 : i32 to index
        %get3A_325 = tpu.vector_load %arg7[%get3A_323, %get3A_324] {strides = array<i32>} : memref<8x1408xf32, #tpu.memory_space<vmem>>, vector<16xf32>,
        %add3A_326 = arith.constant 80 : i32
        %add3A_327 = vector.broadcast %add3A_326 : i32 to vector<16xi32>
        %add3A_328 = arith.addi %add3A_258, %add3A_327 : vector<16xi32>
        %lt3A_329 = arith.cmpf olt, %get3A_325, %scan3A_242 : vector<16xf32>
        %select_n3A_330 = arith.select %lt3A_329, %get3A_325, %scan3A_242 : vector<16xi1>, vector<16xf32>
        %select_n3A_331 = arith.select %lt3A_329, %add3A_328, %scan3A_250 : vector<16xi1>, vector<16xi32>
        %mul3A_332 = arith.constant 128 : i32
        %mul3A_333 = arith.muli %scan3A_236, %mul3A_332 : i32
        %add3A_334 = arith.constant 96 : i32
        %add3A_335 = arith.addi %mul3A_333, %add3A_334 : i32
        %get3A_336 = arith.index_cast %scan3A_94 : i32 to index
        %get3A_337 = arith.index_cast %add3A_335 : i32 to index
        %get3A_338 = tpu.vector_load %arg7[%get3A_336, %get3A_337] {strides = array<i32>} : memref<8x1408xf32, #tpu.memory_space<vmem>>, vector<16xf32>,
        %add3A_339 = arith.constant 96 : i32
        %add3A_340 = vector.broadcast %add3A_339 : i32 to vector<16xi32>
        %add3A_341 = arith.addi %add3A_258, %add3A_340 : vector<16xi32>
        %lt3A_342 = arith.cmpf olt, %get3A_338, %scan3A_243 : vector<16xf32>
        %select_n3A_343 = arith.select %lt3A_342, %get3A_338, %scan3A_243 : vector<16xi1>, vector<16xf32>
        %select_n3A_344 = arith.select %lt3A_342, %add3A_341, %scan3A_251 : vector<16xi1>, vector<16xi32>
        %mul3A_345 = arith.constant 128 : i32
        %mul3A_346 = arith.muli %scan3A_236, %mul3A_345 : i32
        %add3A_347 = arith.constant 112 : i32
        %add3A_348 = arith.addi %mul3A_346, %add3A_347 : i32
        %get3A_349 = arith.index_cast %scan3A_94 : i32 to index
        %get3A_350 = arith.index_cast %add3A_348 : i32 to index
        %get3A_351 = tpu.vector_load %arg7[%get3A_349, %get3A_350] {strides = array<i32>} : memref<8x1408xf32, #tpu.memory_space<vmem>>, vector<16xf32>,
        %add3A_352 = arith.constant 112 : i32
        %add3A_353 = vector.broadcast %add3A_352 : i32 to vector<16xi32>
        %add3A_354 = arith.addi %add3A_258, %add3A_353 : vector<16xi32>
        %lt3A_355 = arith.cmpf olt, %get3A_351, %scan3A_244 : vector<16xf32>
        %select_n3A_356 = arith.select %lt3A_355, %get3A_351, %scan3A_244 : vector<16xi1>, vector<16xf32>
        %select_n3A_357 = arith.select %lt3A_355, %add3A_354, %scan3A_252 : vector<16xi1>, vector<16xi32>
        scf.yield %select_n3A, %select_n3A_278, %select_n3A_291, %select_n3A_304, %select_n3A_317, %select_n3A_330, %select_n3A_343, %select_n3A_356, %select_n3A_266, %select_n3A_279, %select_n3A_292, %select_n3A_305, %select_n3A_318, %select_n3A_331, %select_n3A_344, %select_n3A_357 : vector<16xf32>, vector<16xf32>, vector<16xf32>, vector<16xf32>, vector<16xf32>, vector<16xf32>, vector<16xf32>, vector<16xf32>, vector<16xi32>, vector<16xi32>, vector<16xi32>, vector<16xi32>, vector<16xi32>, vector<16xi32>, vector<16xi32>, vector<16xi32>
      }
      %scan3A_171 = arith.constant 11 : i32
      %add3A_172 = arith.constant 0 : i32
      %add3A_173 = arith.addi %mul3A_101, %add3A_172 : i32
      %swap3A = arith.index_cast %add3A_173 : i32 to index
      %swap3A_174 = tpu.vector_load %arg12[%swap3A] {strides = array<i32>} : memref<2048xf32, #tpu.memory_space<vmem>>, vector<16xf32>,
      tpu.vector_store %arg12[%swap3A], %scan3A_170#0 {strides = array<i32>} : memref<2048xf32, #tpu.memory_space<vmem>>, vector<16xf32>,
      %add3A_175 = arith.constant 0 : i32
      %add3A_176 = arith.addi %mul3A_101, %add3A_175 : i32
      %swap3A_177 = arith.index_cast %add3A_176 : i32 to index
      %swap3A_178 = tpu.vector_load %arg13[%swap3A_177] {strides = array<i32>} : memref<2048xi32, #tpu.memory_space<vmem>>, vector<16xi32>,
      tpu.vector_store %arg13[%swap3A_177], %scan3A_170#8 {strides = array<i32>} : memref<2048xi32, #tpu.memory_space<vmem>>, vector<16xi32>,
      %add3A_179 = arith.constant 16 : i32
      %add3A_180 = arith.addi %mul3A_101, %add3A_179 : i32
      %swap3A_181 = arith.index_cast %add3A_180 : i32 to index
      %swap3A_182 = tpu.vector_load %arg12[%swap3A_181] {strides = array<i32>} : memref<2048xf32, #tpu.memory_space<vmem>>, vector<16xf32>,
      tpu.vector_store %arg12[%swap3A_181], %scan3A_170#1 {strides = array<i32>} : memref<2048xf32, #tpu.memory_space<vmem>>, vector<16xf32>,
      %add3A_183 = arith.constant 16 : i32
      %add3A_184 = arith.addi %mul3A_101, %add3A_183 : i32
      %swap3A_185 = arith.index_cast %add3A_184 : i32 to index
      %swap3A_186 = tpu.vector_load %arg13[%swap3A_185] {strides = array<i32>} : memref<2048xi32, #tpu.memory_space<vmem>>, vector<16xi32>,
      tpu.vector_store %arg13[%swap3A_185], %scan3A_170#9 {strides = array<i32>} : memref<2048xi32, #tpu.memory_space<vmem>>, vector<16xi32>,
      %add3A_187 = arith.constant 32 : i32
      %add3A_188 = arith.addi %mul3A_101, %add3A_187 : i32
      %swap3A_189 = arith.index_cast %add3A_188 : i32 to index
      %swap3A_190 = tpu.vector_load %arg12[%swap3A_189] {strides = array<i32>} : memref<2048xf32, #tpu.memory_space<vmem>>, vector<16xf32>,
      tpu.vector_store %arg12[%swap3A_189], %scan3A_170#2 {strides = array<i32>} : memref<2048xf32, #tpu.memory_space<vmem>>, vector<16xf32>,
      %add3A_191 = arith.constant 32 : i32
      %add3A_192 = arith.addi %mul3A_101, %add3A_191 : i32
      %swap3A_193 = arith.index_cast %add3A_192 : i32 to index
      %swap3A_194 = tpu.vector_load %arg13[%swap3A_193] {strides = array<i32>} : memref<2048xi32, #tpu.memory_space<vmem>>, vector<16xi32>,
      tpu.vector_store %arg13[%swap3A_193], %scan3A_170#10 {strides = array<i32>} : memref<2048xi32, #tpu.memory_space<vmem>>, vector<16xi32>,
      %add3A_195 = arith.constant 48 : i32
      %add3A_196 = arith.addi %mul3A_101, %add3A_195 : i32
      %swap3A_197 = arith.index_cast %add3A_196 : i32 to index
      %swap3A_198 = tpu.vector_load %arg12[%swap3A_197] {strides = array<i32>} : memref<2048xf32, #tpu.memory_space<vmem>>, vector<16xf32>,
      tpu.vector_store %arg12[%swap3A_197], %scan3A_170#3 {strides = array<i32>} : memref<2048xf32, #tpu.memory_space<vmem>>, vector<16xf32>,
      %add3A_199 = arith.constant 48 : i32
      %add3A_200 = arith.addi %mul3A_101, %add3A_199 : i32
      %swap3A_201 = arith.index_cast %add3A_200 : i32 to index
      %swap3A_202 = tpu.vector_load %arg13[%swap3A_201] {strides = array<i32>} : memref<2048xi32, #tpu.memory_space<vmem>>, vector<16xi32>,
      tpu.vector_store %arg13[%swap3A_201], %scan3A_170#11 {strides = array<i32>} : memref<2048xi32, #tpu.memory_space<vmem>>, vector<16xi32>,
      %add3A_203 = arith.constant 64 : i32
      %add3A_204 = arith.addi %mul3A_101, %add3A_203 : i32
      %swap3A_205 = arith.index_cast %add3A_204 : i32 to index
      %swap3A_206 = tpu.vector_load %arg12[%swap3A_205] {strides = array<i32>} : memref<2048xf32, #tpu.memory_space<vmem>>, vector<16xf32>,
      tpu.vector_store %arg12[%swap3A_205], %scan3A_170#4 {strides = array<i32>} : memref<2048xf32, #tpu.memory_space<vmem>>, vector<16xf32>,
      %add3A_207 = arith.constant 64 : i32
      %add3A_208 = arith.addi %mul3A_101, %add3A_207 : i32
      %swap3A_209 = arith.index_cast %add3A_208 : i32 to index
      %swap3A_210 = tpu.vector_load %arg13[%swap3A_209] {strides = array<i32>} : memref<2048xi32, #tpu.memory_space<vmem>>, vector<16xi32>,
      tpu.vector_store %arg13[%swap3A_209], %scan3A_170#12 {strides = array<i32>} : memref<2048xi32, #tpu.memory_space<vmem>>, vector<16xi32>,
      %add3A_211 = arith.constant 80 : i32
      %add3A_212 = arith.addi %mul3A_101, %add3A_211 : i32
      %swap3A_213 = arith.index_cast %add3A_212 : i32 to index
      %swap3A_214 = tpu.vector_load %arg12[%swap3A_213] {strides = array<i32>} : memref<2048xf32, #tpu.memory_space<vmem>>, vector<16xf32>,
      tpu.vector_store %arg12[%swap3A_213], %scan3A_170#5 {strides = array<i32>} : memref<2048xf32, #tpu.memory_space<vmem>>, vector<16xf32>,
      %add3A_215 = arith.constant 80 : i32
      %add3A_216 = arith.addi %mul3A_101, %add3A_215 : i32
      %swap3A_217 = arith.index_cast %add3A_216 : i32 to index
      %swap3A_218 = tpu.vector_load %arg13[%swap3A_217] {strides = array<i32>} : memref<2048xi32, #tpu.memory_space<vmem>>, vector<16xi32>,
      tpu.vector_store %arg13[%swap3A_217], %scan3A_170#13 {strides = array<i32>} : memref<2048xi32, #tpu.memory_space<vmem>>, vector<16xi32>,
      %add3A_219 = arith.constant 96 : i32
      %add3A_220 = arith.addi %mul3A_101, %add3A_219 : i32
      %swap3A_221 = arith.index_cast %add3A_220 : i32 to index
      %swap3A_222 = tpu.vector_load %arg12[%swap3A_221] {strides = array<i32>} : memref<2048xf32, #tpu.memory_space<vmem>>, vector<16xf32>,
      tpu.vector_store %arg12[%swap3A_221], %scan3A_170#6 {strides = array<i32>} : memref<2048xf32, #tpu.memory_space<vmem>>, vector<16xf32>,
      %add3A_223 = arith.constant 96 : i32
      %add3A_224 = arith.addi %mul3A_101, %add3A_223 : i32
      %swap3A_225 = arith.index_cast %add3A_224 : i32 to index
      %swap3A_226 = tpu.vector_load %arg13[%swap3A_225] {strides = array<i32>} : memref<2048xi32, #tpu.memory_space<vmem>>, vector<16xi32>,
      tpu.vector_store %arg13[%swap3A_225], %scan3A_170#14 {strides = array<i32>} : memref<2048xi32, #tpu.memory_space<vmem>>, vector<16xi32>,
      %add3A_227 = arith.constant 112 : i32
      %add3A_228 = arith.addi %mul3A_101, %add3A_227 : i32
      %swap3A_229 = arith.index_cast %add3A_228 : i32 to index
      %swap3A_230 = tpu.vector_load %arg12[%swap3A_229] {strides = array<i32>} : memref<2048xf32, #tpu.memory_space<vmem>>, vector<16xf32>,
      tpu.vector_store %arg12[%swap3A_229], %scan3A_170#7 {strides = array<i32>} : memref<2048xf32, #tpu.memory_space<vmem>>, vector<16xf32>,
      %add3A_231 = arith.constant 112 : i32
      %add3A_232 = arith.addi %mul3A_101, %add3A_231 : i32
      %swap3A_233 = arith.index_cast %add3A_232 : i32 to index
      %swap3A_234 = tpu.vector_load %arg13[%swap3A_233] {strides = array<i32>} : memref<2048xi32, #tpu.memory_space<vmem>>, vector<16xi32>,
      tpu.vector_store %arg13[%swap3A_233], %scan3A_170#15 {strides = array<i32>} : memref<2048xi32, #tpu.memory_space<vmem>>, vector<16xi32>,
      %scan3A_235 = arith.constant 0 : i32
      scf.yield %scan3A_235 : i32
    }
    %scan3A_77 = arith.constant 8 : i32
    %mul3A_78 = arith.constant 32 : i32
    %mul3A_79 = arith.muli %add3A_46, %mul3A_78 : i32
    "tpu.region"() ({
      %run_scoped3A = tpu.sem_alloc : memref<!tpu.dma_semaphore, #tpu.memory_space<semaphore_mem>>
      %dma_start3A_94 = tpu.memref_slice %arg3[%mul3A_79] : memref<16384xf32, #tpu.memory_space<hbm>> -> memref<256xf32, #tpu.memory_space<hbm>>
      %dma_start3A_95 = tpu.memref_slice %arg3[%mul3A_79] : memref<16384xf32, #tpu.memory_space<hbm>> -> memref<256xf32, #tpu.memory_space<hbm>>
      tpu.enqueue_dma source(%dma_start3A_95 : memref<256xf32, #tpu.memory_space<hbm>>) target(%arg9 : memref<256xf32, #tpu.memory_space<vmem>>) target_semaphore(%run_scoped3A : memref<!tpu.dma_semaphore, #tpu.memory_space<semaphore_mem>>)
      %dma_wait3A_96 = tpu.memref_slice %arg3[%mul3A_79] : memref<16384xf32, #tpu.memory_space<hbm>> -> memref<256xf32, #tpu.memory_space<hbm>>
      %dma_wait3A_97 = tpu.memref_slice %arg3[%mul3A_79] : memref<16384xf32, #tpu.memory_space<hbm>> -> memref<256xf32, #tpu.memory_space<hbm>>
      tpu.wait_dma2 semaphore(%run_scoped3A : memref<!tpu.dma_semaphore, #tpu.memory_space<semaphore_mem>>) src(%dma_wait3A_97 : memref<256xf32, #tpu.memory_space<hbm>>) dst(%arg9 : memref<256xf32, #tpu.memory_space<vmem>>)
      tpu.yield
    }) : () -> ()
    %scan3A_80 = arith.constant 0 : i32
    %scan3A_81 = arith.constant 0 : i32
    %scan3A_82 = arith.constant 8 : i32
    %scan3A_83 = arith.addi %scan3A_81, %scan3A_82 : i32
    %scan3A_84 = arith.constant 1 : i32
    %scan3A_85 = scf.for %scan3A_94 = %scan3A_81 to %scan3A_83 step %scan3A_84 iter_args(%scan3A_95 = %scan3A_80) -> (i32)  : i32 {
      %add3A_96 = arith.constant 8 : i32
      %add3A_97 = arith.addi %add3A_96, %scan3A_94 : i32
      %mul3A_98 = arith.constant 8 : i32
      %mul3A_99 = arith.muli %add3A_97, %mul3A_98 : i32
      %mul3A_100 = arith.constant 16 : i32
      %mul3A_101 = arith.muli %mul3A_99, %mul3A_100 : i32
      %add3A_102 = arith.constant 0 : i32
      %add3A_103 = arith.addi %mul3A_101, %add3A_102 : i32
      %get3A_104 = arith.index_cast %add3A_103 : i32 to index
      %get3A_105 = tpu.vector_load %arg12[%get3A_104] {strides = array<i32>} : memref<2048xf32, #tpu.memory_space<vmem>>, vector<16xf32>,
      %add3A_106 = arith.constant 16 : i32
      %add3A_107 = arith.addi %mul3A_101, %add3A_106 : i32
      %get3A_108 = arith.index_cast %add3A_107 : i32 to index
      %get3A_109 = tpu.vector_load %arg12[%get3A_108] {strides = array<i32>} : memref<2048xf32, #tpu.memory_space<vmem>>, vector<16xf32>,
      %add3A_110 = arith.constant 32 : i32
      %add3A_111 = arith.addi %mul3A_101, %add3A_110 : i32
      %get3A_112 = arith.index_cast %add3A_111 : i32 to index
      %get3A_113 = tpu.vector_load %arg12[%get3A_112] {strides = array<i32>} : memref<2048xf32, #tpu.memory_space<vmem>>, vector<16xf32>,
      %add3A_114 = arith.constant 48 : i32
      %add3A_115 = arith.addi %mul3A_101, %add3A_114 : i32
      %get3A_116 = arith.index_cast %add3A_115 : i32 to index
      %get3A_117 = tpu.vector_load %arg12[%get3A_116] {strides = array<i32>} : memref<2048xf32, #tpu.memory_space<vmem>>, vector<16xf32>,
      %add3A_118 = arith.constant 64 : i32
      %add3A_119 = arith.addi %mul3A_101, %add3A_118 : i32
      %get3A_120 = arith.index_cast %add3A_119 : i32 to index
      %get3A_121 = tpu.vector_load %arg12[%get3A_120] {strides = array<i32>} : memref<2048xf32, #tpu.memory_space<vmem>>, vector<16xf32>,
      %add3A_122 = arith.constant 80 : i32
      %add3A_123 = arith.addi %mul3A_101, %add3A_122 : i32
      %get3A_124 = arith.index_cast %add3A_123 : i32 to index
      %get3A_125 = tpu.vector_load %arg12[%get3A_124] {strides = array<i32>} : memref<2048xf32, #tpu.memory_space<vmem>>, vector<16xf32>,
      %add3A_126 = arith.constant 96 : i32
      %add3A_127 = arith.addi %mul3A_101, %add3A_126 : i32
      %get3A_128 = arith.index_cast %add3A_127 : i32 to index
      %get3A_129 = tpu.vector_load %arg12[%get3A_128] {strides = array<i32>} : memref<2048xf32, #tpu.memory_space<vmem>>, vector<16xf32>,
      %add3A_130 = arith.constant 112 : i32
      %add3A_131 = arith.addi %mul3A_101, %add3A_130 : i32
      %get3A_132 = arith.index_cast %add3A_131 : i32 to index
      %get3A_133 = tpu.vector_load %arg12[%get3A_132] {strides = array<i32>} : memref<2048xf32, #tpu.memory_space<vmem>>, vector<16xf32>,
      %add3A_134 = arith.constant 0 : i32
      %add3A_135 = arith.addi %mul3A_101, %add3A_134 : i32
      %get3A_136 = arith.index_cast %add3A_135 : i32 to index
      %get3A_137 = tpu.vector_load %arg13[%get3A_136] {strides = array<i32>} : memref<2048xi32, #tpu.memory_space<vmem>>, vector<16xi32>,
      %add3A_138 = arith.constant 16 : i32
      %add3A_139 = arith.addi %mul3A_101, %add3A_138 : i32
      %get3A_140 = arith.index_cast %add3A_139 : i32 to index
      %get3A_141 = tpu.vector_load %arg13[%get3A_140] {strides = array<i32>} : memref<2048xi32, #tpu.memory_space<vmem>>, vector<16xi32>,
      %add3A_142 = arith.constant 32 : i32
      %add3A_143 = arith.addi %mul3A_101, %add3A_142 : i32
      %get3A_144 = arith.index_cast %add3A_143 : i32 to index
      %get3A_145 = tpu.vector_load %arg13[%get3A_144] {strides = array<i32>} : memref<2048xi32, #tpu.memory_space<vmem>>, vector<16xi32>,
      %add3A_146 = arith.constant 48 : i32
      %add3A_147 = arith.addi %mul3A_101, %add3A_146 : i32
      %get3A_148 = arith.index_cast %add3A_147 : i32 to index
      %get3A_149 = tpu.vector_load %arg13[%get3A_148] {strides = array<i32>} : memref<2048xi32, #tpu.memory_space<vmem>>, vector<16xi32>,
      %add3A_150 = arith.constant 64 : i32
      %add3A_151 = arith.addi %mul3A_101, %add3A_150 : i32
      %get3A_152 = arith.index_cast %add3A_151 : i32 to index
      %get3A_153 = tpu.vector_load %arg13[%get3A_152] {strides = array<i32>} : memref<2048xi32, #tpu.memory_space<vmem>>, vector<16xi32>,
      %add3A_154 = arith.constant 80 : i32
      %add3A_155 = arith.addi %mul3A_101, %add3A_154 : i32
      %get3A_156 = arith.index_cast %add3A_155 : i32 to index
      %get3A_157 = tpu.vector_load %arg13[%get3A_156] {strides = array<i32>} : memref<2048xi32, #tpu.memory_space<vmem>>, vector<16xi32>,
      %add3A_158 = arith.constant 96 : i32
      %add3A_159 = arith.addi %mul3A_101, %add3A_158 : i32
      %get3A_160 = arith.index_cast %add3A_159 : i32 to index
      %get3A_161 = tpu.vector_load %arg13[%get3A_160] {strides = array<i32>} : memref<2048xi32, #tpu.memory_space<vmem>>, vector<16xi32>,
      %add3A_162 = arith.constant 112 : i32
      %add3A_163 = arith.addi %mul3A_101, %add3A_162 : i32
      %get3A_164 = arith.index_cast %add3A_163 : i32 to index
      %get3A_165 = tpu.vector_load %arg13[%get3A_164] {strides = array<i32>} : memref<2048xi32, #tpu.memory_space<vmem>>, vector<16xi32>,
      %mul3A_166 = arith.constant 32 : i32
      %mul3A_167 = arith.muli %scan3A_94, %mul3A_166 : i32
      %add3A_168 = arith.constant 0 : i32
      %add3A_169 = arith.addi %mul3A_167, %add3A_168 : i32
      %get3A_170 = arith.index_cast %add3A_169 : i32 to index
      %get3A_171 = tpu.vector_load %arg9[%get3A_170] {strides = array<i32>} : memref<256xf32, #tpu.memory_space<vmem>>, vector<16xf32>,
      %add3A_172 = arith.constant 99968 : i32
      %add3A_173 = vector.broadcast %add3A_172 : i32 to vector<16xi32>
      %add3A_174 = arith.addi %iota3A, %add3A_173 : vector<16xi32>
      %lt3A = arith.cmpf olt, %get3A_171, %get3A_105 : vector<16xf32>
      %select_n3A = arith.select %lt3A, %get3A_171, %get3A_105 : vector<16xi1>, vector<16xf32>
      %select_n3A_175 = arith.select %lt3A, %add3A_174, %get3A_137 : vector<16xi1>, vector<16xi32>
      %mul3A_176 = arith.constant 32 : i32
      %mul3A_177 = arith.muli %scan3A_94, %mul3A_176 : i32
      %add3A_178 = arith.constant 16 : i32
      %add3A_179 = arith.addi %mul3A_177, %add3A_178 : i32
      %get3A_180 = arith.index_cast %add3A_179 : i32 to index
      %get3A_181 = tpu.vector_load %arg9[%get3A_180] {strides = array<i32>} : memref<256xf32, #tpu.memory_space<vmem>>, vector<16xf32>,
      %add3A_182 = arith.constant 99984 : i32
      %add3A_183 = vector.broadcast %add3A_182 : i32 to vector<16xi32>
      %add3A_184 = arith.addi %iota3A, %add3A_183 : vector<16xi32>
      %lt3A_185 = arith.cmpf olt, %get3A_181, %get3A_109 : vector<16xf32>
      %select_n3A_186 = arith.select %lt3A_185, %get3A_181, %get3A_109 : vector<16xi1>, vector<16xf32>
      %select_n3A_187 = arith.select %lt3A_185, %add3A_184, %get3A_141 : vector<16xi1>, vector<16xi32>
      %add3A_188 = arith.constant 0 : i32
      %add3A_189 = arith.addi %mul3A_101, %add3A_188 : i32
      %swap3A = arith.index_cast %add3A_189 : i32 to index
      %swap3A_190 = tpu.vector_load %arg12[%swap3A] {strides = array<i32>} : memref<2048xf32, #tpu.memory_space<vmem>>, vector<16xf32>,
      tpu.vector_store %arg12[%swap3A], %select_n3A {strides = array<i32>} : memref<2048xf32, #tpu.memory_space<vmem>>, vector<16xf32>,
      %add3A_191 = arith.constant 0 : i32
      %add3A_192 = arith.addi %mul3A_101, %add3A_191 : i32
      %swap3A_193 = arith.index_cast %add3A_192 : i32 to index
      %swap3A_194 = tpu.vector_load %arg13[%swap3A_193] {strides = array<i32>} : memref<2048xi32, #tpu.memory_space<vmem>>, vector<16xi32>,
      tpu.vector_store %arg13[%swap3A_193], %select_n3A_175 {strides = array<i32>} : memref<2048xi32, #tpu.memory_space<vmem>>, vector<16xi32>,
      %add3A_195 = arith.constant 16 : i32
      %add3A_196 = arith.addi %mul3A_101, %add3A_195 : i32
      %swap3A_197 = arith.index_cast %add3A_196 : i32 to index
      %swap3A_198 = tpu.vector_load %arg12[%swap3A_197] {strides = array<i32>} : memref<2048xf32, #tpu.memory_space<vmem>>, vector<16xf32>,
      tpu.vector_store %arg12[%swap3A_197], %select_n3A_186 {strides = array<i32>} : memref<2048xf32, #tpu.memory_space<vmem>>, vector<16xf32>,
      %add3A_199 = arith.constant 16 : i32
      %add3A_200 = arith.addi %mul3A_101, %add3A_199 : i32
      %swap3A_201 = arith.index_cast %add3A_200 : i32 to index
      %swap3A_202 = tpu.vector_load %arg13[%swap3A_201] {strides = array<i32>} : memref<2048xi32, #tpu.memory_space<vmem>>, vector<16xi32>,
      tpu.vector_store %arg13[%swap3A_201], %select_n3A_187 {strides = array<i32>} : memref<2048xi32, #tpu.memory_space<vmem>>, vector<16xi32>,
      %add3A_203 = arith.constant 32 : i32
      %add3A_204 = arith.addi %mul3A_101, %add3A_203 : i32
      %swap3A_205 = arith.index_cast %add3A_204 : i32 to index
      %swap3A_206 = tpu.vector_load %arg12[%swap3A_205] {strides = array<i32>} : memref<2048xf32, #tpu.memory_space<vmem>>, vector<16xf32>,
      tpu.vector_store %arg12[%swap3A_205], %get3A_113 {strides = array<i32>} : memref<2048xf32, #tpu.memory_space<vmem>>, vector<16xf32>,
      %add3A_207 = arith.constant 32 : i32
      %add3A_208 = arith.addi %mul3A_101, %add3A_207 : i32
      %swap3A_209 = arith.index_cast %add3A_208 : i32 to index
      %swap3A_210 = tpu.vector_load %arg13[%swap3A_209] {strides = array<i32>} : memref<2048xi32, #tpu.memory_space<vmem>>, vector<16xi32>,
      tpu.vector_store %arg13[%swap3A_209], %get3A_145 {strides = array<i32>} : memref<2048xi32, #tpu.memory_space<vmem>>, vector<16xi32>,
      %add3A_211 = arith.constant 48 : i32
      %add3A_212 = arith.addi %mul3A_101, %add3A_211 : i32
      %swap3A_213 = arith.index_cast %add3A_212 : i32 to index
      %swap3A_214 = tpu.vector_load %arg12[%swap3A_213] {strides = array<i32>} : memref<2048xf32, #tpu.memory_space<vmem>>, vector<16xf32>,
      tpu.vector_store %arg12[%swap3A_213], %get3A_117 {strides = array<i32>} : memref<2048xf32, #tpu.memory_space<vmem>>, vector<16xf32>,
      %add3A_215 = arith.constant 48 : i32
      %add3A_216 = arith.addi %mul3A_101, %add3A_215 : i32
      %swap3A_217 = arith.index_cast %add3A_216 : i32 to index
      %swap3A_218 = tpu.vector_load %arg13[%swap3A_217] {strides = array<i32>} : memref<2048xi32, #tpu.memory_space<vmem>>, vector<16xi32>,
      tpu.vector_store %arg13[%swap3A_217], %get3A_149 {strides = array<i32>} : memref<2048xi32, #tpu.memory_space<vmem>>, vector<16xi32>,
      %add3A_219 = arith.constant 64 : i32
      %add3A_220 = arith.addi %mul3A_101, %add3A_219 : i32
      %swap3A_221 = arith.index_cast %add3A_220 : i32 to index
      %swap3A_222 = tpu.vector_load %arg12[%swap3A_221] {strides = array<i32>} : memref<2048xf32, #tpu.memory_space<vmem>>, vector<16xf32>,
      tpu.vector_store %arg12[%swap3A_221], %get3A_121 {strides = array<i32>} : memref<2048xf32, #tpu.memory_space<vmem>>, vector<16xf32>,
      %add3A_223 = arith.constant 64 : i32
      %add3A_224 = arith.addi %mul3A_101, %add3A_223 : i32
      %swap3A_225 = arith.index_cast %add3A_224 : i32 to index
      %swap3A_226 = tpu.vector_load %arg13[%swap3A_225] {strides = array<i32>} : memref<2048xi32, #tpu.memory_space<vmem>>, vector<16xi32>,
      tpu.vector_store %arg13[%swap3A_225], %get3A_153 {strides = array<i32>} : memref<2048xi32, #tpu.memory_space<vmem>>, vector<16xi32>,
      %add3A_227 = arith.constant 80 : i32
      %add3A_228 = arith.addi %mul3A_101, %add3A_227 : i32
      %swap3A_229 = arith.index_cast %add3A_228 : i32 to index
      %swap3A_230 = tpu.vector_load %arg12[%swap3A_229] {strides = array<i32>} : memref<2048xf32, #tpu.memory_space<vmem>>, vector<16xf32>,
      tpu.vector_store %arg12[%swap3A_229], %get3A_125 {strides = array<i32>} : memref<2048xf32, #tpu.memory_space<vmem>>, vector<16xf32>,
      %add3A_231 = arith.constant 80 : i32
      %add3A_232 = arith.addi %mul3A_101, %add3A_231 : i32
      %swap3A_233 = arith.index_cast %add3A_232 : i32 to index
      %swap3A_234 = tpu.vector_load %arg13[%swap3A_233] {strides = array<i32>} : memref<2048xi32, #tpu.memory_space<vmem>>, vector<16xi32>,
      tpu.vector_store %arg13[%swap3A_233], %get3A_157 {strides = array<i32>} : memref<2048xi32, #tpu.memory_space<vmem>>, vector<16xi32>,
      %add3A_235 = arith.constant 96 : i32
      %add3A_236 = arith.addi %mul3A_101, %add3A_235 : i32
      %swap3A_237 = arith.index_cast %add3A_236 : i32 to index
      %swap3A_238 = tpu.vector_load %arg12[%swap3A_237] {strides = array<i32>} : memref<2048xf32, #tpu.memory_space<vmem>>, vector<16xf32>,
      tpu.vector_store %arg12[%swap3A_237], %get3A_129 {strides = array<i32>} : memref<2048xf32, #tpu.memory_space<vmem>>, vector<16xf32>,
      %add3A_239 = arith.constant 96 : i32
      %add3A_240 = arith.addi %mul3A_101, %add3A_239 : i32
      %swap3A_241 = arith.index_cast %add3A_240 : i32 to index
      %swap3A_242 = tpu.vector_load %arg13[%swap3A_241] {strides = array<i32>} : memref<2048xi32, #tpu.memory_space<vmem>>, vector<16xi32>,
      tpu.vector_store %arg13[%swap3A_241], %get3A_161 {strides = array<i32>} : memref<2048xi32, #tpu.memory_space<vmem>>, vector<16xi32>,
      %add3A_243 = arith.constant 112 : i32
      %add3A_244 = arith.addi %mul3A_101, %add3A_243 : i32
      %swap3A_245 = arith.index_cast %add3A_244 : i32 to index
      %swap3A_246 = tpu.vector_load %arg12[%swap3A_245] {strides = array<i32>} : memref<2048xf32, #tpu.memory_space<vmem>>, vector<16xf32>,
      tpu.vector_store %arg12[%swap3A_245], %get3A_133 {strides = array<i32>} : memref<2048xf32, #tpu.memory_space<vmem>>, vector<16xf32>,
      %add3A_247 = arith.constant 112 : i32
      %add3A_248 = arith.addi %mul3A_101, %add3A_247 : i32
      %swap3A_249 = arith.index_cast %add3A_248 : i32 to index
      %swap3A_250 = tpu.vector_load %arg13[%swap3A_249] {strides = array<i32>} : memref<2048xi32, #tpu.memory_space<vmem>>, vector<16xi32>,
      tpu.vector_store %arg13[%swap3A_249], %get3A_165 {strides = array<i32>} : memref<2048xi32, #tpu.memory_space<vmem>>, vector<16xi32>,
      %scan3A_251 = arith.constant 0 : i32
      scf.yield %scan3A_251 : i32
    }
    %scan3A_86 = arith.constant 8 : i32
    %scan3A_87 = arith.constant 0 : i32
    %scan3A_88 = arith.constant 0 : i32
    %scan3A_89 = arith.constant 16 : i32
    %scan3A_90 = arith.addi %scan3A_88, %scan3A_89 : i32
    %scan3A_91 = arith.constant 1 : i32
    %scan3A_92 = scf.for %scan3A_94 = %scan3A_88 to %scan3A_90 step %scan3A_91 iter_args(%scan3A_95 = %scan3A_87) -> (i32)  : i32 {
      %add3A_96 = arith.addi %mul3A_2, %scan3A_94 : i32
      %mul3A_97 = arith.constant 8 : i32
      %mul3A_98 = arith.muli %scan3A_94, %mul3A_97 : i32
      %mul3A_99 = arith.constant 16 : i32
      %mul3A_100 = arith.muli %mul3A_98, %mul3A_99 : i32
      %add3A_101 = arith.constant 0 : i32
      %add3A_102 = arith.addi %mul3A_100, %add3A_101 : i32
      %get3A_103 = arith.index_cast %add3A_102 : i32 to index
      %get3A_104 = tpu.vector_load %arg12[%get3A_103] {strides = array<i32>} : memref<2048xf32, #tpu.memory_space<vmem>>, vector<16xf32>,
      %add3A_105 = arith.constant 16 : i32
      %add3A_106 = arith.addi %mul3A_100, %add3A_105 : i32
      %get3A_107 = arith.index_cast %add3A_106 : i32 to index
      %get3A_108 = tpu.vector_load %arg12[%get3A_107] {strides = array<i32>} : memref<2048xf32, #tpu.memory_space<vmem>>, vector<16xf32>,
      %add3A_109 = arith.constant 32 : i32
      %add3A_110 = arith.addi %mul3A_100, %add3A_109 : i32
      %get3A_111 = arith.index_cast %add3A_110 : i32 to index
      %get3A_112 = tpu.vector_load %arg12[%get3A_111] {strides = array<i32>} : memref<2048xf32, #tpu.memory_space<vmem>>, vector<16xf32>,
      %add3A_113 = arith.constant 48 : i32
      %add3A_114 = arith.addi %mul3A_100, %add3A_113 : i32
      %get3A_115 = arith.index_cast %add3A_114 : i32 to index
      %get3A_116 = tpu.vector_load %arg12[%get3A_115] {strides = array<i32>} : memref<2048xf32, #tpu.memory_space<vmem>>, vector<16xf32>,
      %add3A_117 = arith.constant 64 : i32
      %add3A_118 = arith.addi %mul3A_100, %add3A_117 : i32
      %get3A_119 = arith.index_cast %add3A_118 : i32 to index
      %get3A_120 = tpu.vector_load %arg12[%get3A_119] {strides = array<i32>} : memref<2048xf32, #tpu.memory_space<vmem>>, vector<16xf32>,
      %add3A_121 = arith.constant 80 : i32
      %add3A_122 = arith.addi %mul3A_100, %add3A_121 : i32
      %get3A_123 = arith.index_cast %add3A_122 : i32 to index
      %get3A_124 = tpu.vector_load %arg12[%get3A_123] {strides = array<i32>} : memref<2048xf32, #tpu.memory_space<vmem>>, vector<16xf32>,
      %add3A_125 = arith.constant 96 : i32
      %add3A_126 = arith.addi %mul3A_100, %add3A_125 : i32
      %get3A_127 = arith.index_cast %add3A_126 : i32 to index
      %get3A_128 = tpu.vector_load %arg12[%get3A_127] {strides = array<i32>} : memref<2048xf32, #tpu.memory_space<vmem>>, vector<16xf32>,
      %add3A_129 = arith.constant 112 : i32
      %add3A_130 = arith.addi %mul3A_100, %add3A_129 : i32
      %get3A_131 = arith.index_cast %add3A_130 : i32 to index
      %get3A_132 = tpu.vector_load %arg12[%get3A_131] {strides = array<i32>} : memref<2048xf32, #tpu.memory_space<vmem>>, vector<16xf32>,
      %add3A_133 = arith.constant 0 : i32
      %add3A_134 = arith.addi %mul3A_100, %add3A_133 : i32
      %get3A_135 = arith.index_cast %add3A_134 : i32 to index
      %get3A_136 = tpu.vector_load %arg13[%get3A_135] {strides = array<i32>} : memref<2048xi32, #tpu.memory_space<vmem>>, vector<16xi32>,
      %add3A_137 = arith.constant 16 : i32
      %add3A_138 = arith.addi %mul3A_100, %add3A_137 : i32
      %get3A_139 = arith.index_cast %add3A_138 : i32 to index
      %get3A_140 = tpu.vector_load %arg13[%get3A_139] {strides = array<i32>} : memref<2048xi32, #tpu.memory_space<vmem>>, vector<16xi32>,
      %add3A_141 = arith.constant 32 : i32
      %add3A_142 = arith.addi %mul3A_100, %add3A_141 : i32
      %get3A_143 = arith.index_cast %add3A_142 : i32 to index
      %get3A_144 = tpu.vector_load %arg13[%get3A_143] {strides = array<i32>} : memref<2048xi32, #tpu.memory_space<vmem>>, vector<16xi32>,
      %add3A_145 = arith.constant 48 : i32
      %add3A_146 = arith.addi %mul3A_100, %add3A_145 : i32
      %get3A_147 = arith.index_cast %add3A_146 : i32 to index
      %get3A_148 = tpu.vector_load %arg13[%get3A_147] {strides = array<i32>} : memref<2048xi32, #tpu.memory_space<vmem>>, vector<16xi32>,
      %add3A_149 = arith.constant 64 : i32
      %add3A_150 = arith.addi %mul3A_100, %add3A_149 : i32
      %get3A_151 = arith.index_cast %add3A_150 : i32 to index
      %get3A_152 = tpu.vector_load %arg13[%get3A_151] {strides = array<i32>} : memref<2048xi32, #tpu.memory_space<vmem>>, vector<16xi32>,
      %add3A_153 = arith.constant 80 : i32
      %add3A_154 = arith.addi %mul3A_100, %add3A_153 : i32
      %get3A_155 = arith.index_cast %add3A_154 : i32 to index
      %get3A_156 = tpu.vector_load %arg13[%get3A_155] {strides = array<i32>} : memref<2048xi32, #tpu.memory_space<vmem>>, vector<16xi32>,
      %add3A_157 = arith.constant 96 : i32
      %add3A_158 = arith.addi %mul3A_100, %add3A_157 : i32
      %get3A_159 = arith.index_cast %add3A_158 : i32 to index
      %get3A_160 = tpu.vector_load %arg13[%get3A_159] {strides = array<i32>} : memref<2048xi32, #tpu.memory_space<vmem>>, vector<16xi32>,
      %add3A_161 = arith.constant 112 : i32
      %add3A_162 = arith.addi %mul3A_100, %add3A_161 : i32
      %get3A_163 = arith.index_cast %add3A_162 : i32 to index
      %get3A_164 = tpu.vector_load %arg13[%get3A_163] {strides = array<i32>} : memref<2048xi32, #tpu.memory_space<vmem>>, vector<16xi32>,
      %eq3A = vector.broadcast %scan3A_94 : i32 to vector<16xi32>
      %eq3A_165 = arith.cmpi eq, %iota3A, %eq3A : vector<16xi32>
      %jit3A = arith.constant 0 : i32
      %broadcast_in_dim3A = vector.broadcast %jit3A : i32 to vector<16xi32>
      %select_n3A = arith.select %eq3A_165, %get3A_5, %broadcast_in_dim3A : vector<16xi1>, vector<16xi32>
      %reduce_max3A = arith.constant true
      %reduce_max3A_166 = vector.broadcast %reduce_max3A : i1 to vector<16xi1>
      %reduce_max3A_167 = arith.constant -2147483648 : i32
      %reduce_max3A_168 = vector.broadcast %reduce_max3A_167 : i32 to vector<16xi32>
      %reduce_max3A_169 = arith.xori %select_n3A, %reduce_max3A_168 : vector<16xi32>
      %reduce_max3A_170 = tpu.scan <max>, %reduce_max3A_169 masked %reduce_max3A_166 : vector<16xi32>, vector<16xi1> -> vector<16xi32>
      %reduce_max3A_171 = arith.xori %reduce_max3A_170, %reduce_max3A_168 : vector<16xi32>
      %reduce_max3A_172 = vector.extract %reduce_max3A_171[15] : i32 from vector<16xi32>
      %broadcast_in_dim3A_173 = arith.constant 0 : i32
      %broadcast_in_dim3A_174 = vector.broadcast %broadcast_in_dim3A_173 : i32 to vector<16xi32>
      %add3A_175 = vector.broadcast %reduce_max3A_172 : i32 to vector<16xi32>
      %add3A_176 = arith.addi %broadcast_in_dim3A_174, %add3A_175 : vector<16xi32>
      %min3A = arith.minimumf %get3A_104, %get3A_108 : vector<16xf32>
      %min3A_177 = arith.minimumf %min3A, %get3A_112 : vector<16xf32>
      %min3A_178 = arith.minimumf %min3A_177, %get3A_116 : vector<16xf32>
      %min3A_179 = arith.minimumf %min3A_178, %get3A_120 : vector<16xf32>
      %min3A_180 = arith.minimumf %min3A_179, %get3A_124 : vector<16xf32>
      %min3A_181 = arith.minimumf %min3A_180, %get3A_128 : vector<16xf32>
      %min3A_182 = arith.minimumf %min3A_181, %get3A_132 : vector<16xf32>
      %reduce_min3A = arith.constant true
      %reduce_min3A_183 = vector.broadcast %reduce_min3A : i1 to vector<16xi1>
      %reduce_min3A_184 = tpu.scan <min>, %min3A_182 masked %reduce_min3A_183 : vector<16xf32>, vector<16xi1> -> vector<16xf32>
      %reduce_min3A_185 = vector.extract %reduce_min3A_184[15] : f32 from vector<16xf32>
      %eq3A_186 = vector.broadcast %reduce_min3A_185 : f32 to vector<16xf32>
      %eq3A_187 = arith.cmpf oeq, %get3A_104, %eq3A_186 : vector<16xf32>
      %jit3A_188 = arith.constant 2147483647 : i32
      %broadcast_in_dim3A_189 = vector.broadcast %jit3A_188 : i32 to vector<16xi32>
      %select_n3A_190 = arith.select %eq3A_187, %get3A_136, %broadcast_in_dim3A_189 : vector<16xi1>, vector<16xi32>
      %eq3A_191 = vector.broadcast %reduce_min3A_185 : f32 to vector<16xf32>
      %eq3A_192 = arith.cmpf oeq, %get3A_108, %eq3A_191 : vector<16xf32>
      %jit3A_193 = arith.constant 2147483647 : i32
      %broadcast_in_dim3A_194 = vector.broadcast %jit3A_193 : i32 to vector<16xi32>
      %select_n3A_195 = arith.select %eq3A_192, %get3A_140, %broadcast_in_dim3A_194 : vector<16xi1>, vector<16xi32>
      %min3A_196 = arith.minsi %select_n3A_190, %select_n3A_195 : vector<16xi32>
      %eq3A_197 = vector.broadcast %reduce_min3A_185 : f32 to vector<16xf32>
      %eq3A_198 = arith.cmpf oeq, %get3A_112, %eq3A_197 : vector<16xf32>
      %jit3A_199 = arith.constant 2147483647 : i32
      %broadcast_in_dim3A_200 = vector.broadcast %jit3A_199 : i32 to vector<16xi32>
      %select_n3A_201 = arith.select %eq3A_198, %get3A_144, %broadcast_in_dim3A_200 : vector<16xi1>, vector<16xi32>
      %min3A_202 = arith.minsi %min3A_196, %select_n3A_201 : vector<16xi32>
      %eq3A_203 = vector.broadcast %reduce_min3A_185 : f32 to vector<16xf32>
      %eq3A_204 = arith.cmpf oeq, %get3A_116, %eq3A_203 : vector<16xf32>
      %jit3A_205 = arith.constant 2147483647 : i32
      %broadcast_in_dim3A_206 = vector.broadcast %jit3A_205 : i32 to vector<16xi32>
      %select_n3A_207 = arith.select %eq3A_204, %get3A_148, %broadcast_in_dim3A_206 : vector<16xi1>, vector<16xi32>
      %min3A_208 = arith.minsi %min3A_202, %select_n3A_207 : vector<16xi32>
      %eq3A_209 = vector.broadcast %reduce_min3A_185 : f32 to vector<16xf32>
      %eq3A_210 = arith.cmpf oeq, %get3A_120, %eq3A_209 : vector<16xf32>
      %jit3A_211 = arith.constant 2147483647 : i32
      %broadcast_in_dim3A_212 = vector.broadcast %jit3A_211 : i32 to vector<16xi32>
      %select_n3A_213 = arith.select %eq3A_210, %get3A_152, %broadcast_in_dim3A_212 : vector<16xi1>, vector<16xi32>
      %min3A_214 = arith.minsi %min3A_208, %select_n3A_213 : vector<16xi32>
      %eq3A_215 = vector.broadcast %reduce_min3A_185 : f32 to vector<16xf32>
      %eq3A_216 = arith.cmpf oeq, %get3A_124, %eq3A_215 : vector<16xf32>
      %jit3A_217 = arith.constant 2147483647 : i32
      %broadcast_in_dim3A_218 = vector.broadcast %jit3A_217 : i32 to vector<16xi32>
      %select_n3A_219 = arith.select %eq3A_216, %get3A_156, %broadcast_in_dim3A_218 : vector<16xi1>, vector<16xi32>
      %min3A_220 = arith.minsi %min3A_214, %select_n3A_219 : vector<16xi32>
      %eq3A_221 = vector.broadcast %reduce_min3A_185 : f32 to vector<16xf32>
      %eq3A_222 = arith.cmpf oeq, %get3A_128, %eq3A_221 : vector<16xf32>
      %jit3A_223 = arith.constant 2147483647 : i32
      %broadcast_in_dim3A_224 = vector.broadcast %jit3A_223 : i32 to vector<16xi32>
      %select_n3A_225 = arith.select %eq3A_222, %get3A_160, %broadcast_in_dim3A_224 : vector<16xi1>, vector<16xi32>
      %min3A_226 = arith.minsi %min3A_220, %select_n3A_225 : vector<16xi32>
      %eq3A_227 = vector.broadcast %reduce_min3A_185 : f32 to vector<16xf32>
      %eq3A_228 = arith.cmpf oeq, %get3A_132, %eq3A_227 : vector<16xf32>
      %jit3A_229 = arith.constant 2147483647 : i32
      %broadcast_in_dim3A_230 = vector.broadcast %jit3A_229 : i32 to vector<16xi32>
      %select_n3A_231 = arith.select %eq3A_228, %get3A_164, %broadcast_in_dim3A_230 : vector<16xi1>, vector<16xi32>
      %min3A_232 = arith.minsi %min3A_226, %select_n3A_231 : vector<16xi32>
      %reduce_min3A_233 = arith.constant true
      %reduce_min3A_234 = vector.broadcast %reduce_min3A_233 : i1 to vector<16xi1>
      %reduce_min3A_235 = arith.constant -2147483648 : i32
      %reduce_min3A_236 = vector.broadcast %reduce_min3A_235 : i32 to vector<16xi32>
      %reduce_min3A_237 = arith.xori %min3A_232, %reduce_min3A_236 : vector<16xi32>
      %reduce_min3A_238 = tpu.scan <min>, %reduce_min3A_237 masked %reduce_min3A_234 : vector<16xi32>, vector<16xi1> -> vector<16xi32>
      %reduce_min3A_239 = arith.xori %reduce_min3A_238, %reduce_min3A_236 : vector<16xi32>
      %reduce_min3A_240 = vector.extract %reduce_min3A_239[15] : i32 from vector<16xi32>
      %eq3A_241 = vector.broadcast %reduce_min3A_185 : f32 to vector<16xf32>
      %eq3A_242 = arith.cmpf oeq, %get3A_104, %eq3A_241 : vector<16xf32>
      %eq3A_243 = vector.broadcast %reduce_min3A_240 : i32 to vector<16xi32>
      %eq3A_244 = arith.cmpi eq, %get3A_136, %eq3A_243 : vector<16xi32>
      %and3A = arith.andi %eq3A_242, %eq3A_244 : vector<16xi1>
      %jit3A_245 = arith.constant 1.000000e+30 : f32
      %broadcast_in_dim3A_246 = vector.broadcast %jit3A_245 : f32 to vector<16xf32>
      %select_n3A_247 = arith.select %and3A, %broadcast_in_dim3A_246, %get3A_104 : vector<16xi1>, vector<16xf32>
      %eq3A_248 = vector.broadcast %reduce_min3A_185 : f32 to vector<16xf32>
      %eq3A_249 = arith.cmpf oeq, %get3A_108, %eq3A_248 : vector<16xf32>
      %eq3A_250 = vector.broadcast %reduce_min3A_240 : i32 to vector<16xi32>
      %eq3A_251 = arith.cmpi eq, %get3A_140, %eq3A_250 : vector<16xi32>
      %and3A_252 = arith.andi %eq3A_249, %eq3A_251 : vector<16xi1>
      %jit3A_253 = arith.constant 1.000000e+30 : f32
      %broadcast_in_dim3A_254 = vector.broadcast %jit3A_253 : f32 to vector<16xf32>
      %select_n3A_255 = arith.select %and3A_252, %broadcast_in_dim3A_254, %get3A_108 : vector<16xi1>, vector<16xf32>
      %eq3A_256 = vector.broadcast %reduce_min3A_185 : f32 to vector<16xf32>
      %eq3A_257 = arith.cmpf oeq, %get3A_112, %eq3A_256 : vector<16xf32>
      %eq3A_258 = vector.broadcast %reduce_min3A_240 : i32 to vector<16xi32>
      %eq3A_259 = arith.cmpi eq, %get3A_144, %eq3A_258 : vector<16xi32>
      %and3A_260 = arith.andi %eq3A_257, %eq3A_259 : vector<16xi1>
      %jit3A_261 = arith.constant 1.000000e+30 : f32
      %broadcast_in_dim3A_262 = vector.broadcast %jit3A_261 : f32 to vector<16xf32>
      %select_n3A_263 = arith.select %and3A_260, %broadcast_in_dim3A_262, %get3A_112 : vector<16xi1>, vector<16xf32>
      %eq3A_264 = vector.broadcast %reduce_min3A_185 : f32 to vector<16xf32>
      %eq3A_265 = arith.cmpf oeq, %get3A_116, %eq3A_264 : vector<16xf32>
      %eq3A_266 = vector.broadcast %reduce_min3A_240 : i32 to vector<16xi32>
      %eq3A_267 = arith.cmpi eq, %get3A_148, %eq3A_266 : vector<16xi32>
      %and3A_268 = arith.andi %eq3A_265, %eq3A_267 : vector<16xi1>
      %jit3A_269 = arith.constant 1.000000e+30 : f32
      %broadcast_in_dim3A_270 = vector.broadcast %jit3A_269 : f32 to vector<16xf32>
      %select_n3A_271 = arith.select %and3A_268, %broadcast_in_dim3A_270, %get3A_116 : vector<16xi1>, vector<16xf32>
      %eq3A_272 = vector.broadcast %reduce_min3A_185 : f32 to vector<16xf32>
      %eq3A_273 = arith.cmpf oeq, %get3A_120, %eq3A_272 : vector<16xf32>
      %eq3A_274 = vector.broadcast %reduce_min3A_240 : i32 to vector<16xi32>
      %eq3A_275 = arith.cmpi eq, %get3A_152, %eq3A_274 : vector<16xi32>
      %and3A_276 = arith.andi %eq3A_273, %eq3A_275 : vector<16xi1>
      %jit3A_277 = arith.constant 1.000000e+30 : f32
      %broadcast_in_dim3A_278 = vector.broadcast %jit3A_277 : f32 to vector<16xf32>
      %select_n3A_279 = arith.select %and3A_276, %broadcast_in_dim3A_278, %get3A_120 : vector<16xi1>, vector<16xf32>
      %eq3A_280 = vector.broadcast %reduce_min3A_185 : f32 to vector<16xf32>
      %eq3A_281 = arith.cmpf oeq, %get3A_124, %eq3A_280 : vector<16xf32>
      %eq3A_282 = vector.broadcast %reduce_min3A_240 : i32 to vector<16xi32>
      %eq3A_283 = arith.cmpi eq, %get3A_156, %eq3A_282 : vector<16xi32>
      %and3A_284 = arith.andi %eq3A_281, %eq3A_283 : vector<16xi1>
      %jit3A_285 = arith.constant 1.000000e+30 : f32
      %broadcast_in_dim3A_286 = vector.broadcast %jit3A_285 : f32 to vector<16xf32>
      %select_n3A_287 = arith.select %and3A_284, %broadcast_in_dim3A_286, %get3A_124 : vector<16xi1>, vector<16xf32>
      %eq3A_288 = vector.broadcast %reduce_min3A_185 : f32 to vector<16xf32>
      %eq3A_289 = arith.cmpf oeq, %get3A_128, %eq3A_288 : vector<16xf32>
      %eq3A_290 = vector.broadcast %reduce_min3A_240 : i32 to vector<16xi32>
      %eq3A_291 = arith.cmpi eq, %get3A_160, %eq3A_290 : vector<16xi32>
      %and3A_292 = arith.andi %eq3A_289, %eq3A_291 : vector<16xi1>
      %jit3A_293 = arith.constant 1.000000e+30 : f32
      %broadcast_in_dim3A_294 = vector.broadcast %jit3A_293 : f32 to vector<16xf32>
      %select_n3A_295 = arith.select %and3A_292, %broadcast_in_dim3A_294, %get3A_128 : vector<16xi1>, vector<16xf32>
      %eq3A_296 = vector.broadcast %reduce_min3A_185 : f32 to vector<16xf32>
      %eq3A_297 = arith.cmpf oeq, %get3A_132, %eq3A_296 : vector<16xf32>
      %eq3A_298 = vector.broadcast %reduce_min3A_240 : i32 to vector<16xi32>
      %eq3A_299 = arith.cmpi eq, %get3A_164, %eq3A_298 : vector<16xi32>
      %and3A_300 = arith.andi %eq3A_297, %eq3A_299 : vector<16xi1>
      %jit3A_301 = arith.constant 1.000000e+30 : f32
      %broadcast_in_dim3A_302 = vector.broadcast %jit3A_301 : f32 to vector<16xf32>
      %select_n3A_303 = arith.select %and3A_300, %broadcast_in_dim3A_302, %get3A_132 : vector<16xi1>, vector<16xf32>
      %eq3A_304 = arith.constant 1 : i32
      %eq3A_305 = vector.broadcast %eq3A_304 : i32 to vector<16xi32>
      %eq3A_306 = arith.cmpi eq, %iota3A, %eq3A_305 : vector<16xi32>
      %broadcast_in_dim3A_307 = vector.broadcast %reduce_min3A_240 : i32 to vector<16xi32>
      %select_n3A_308 = arith.select %eq3A_306, %broadcast_in_dim3A_307, %add3A_176 : vector<16xi1>, vector<16xi32>
      %min3A_309 = arith.minimumf %select_n3A_247, %select_n3A_255 : vector<16xf32>
      %min3A_310 = arith.minimumf %min3A_309, %select_n3A_263 : vector<16xf32>
      %min3A_311 = arith.minimumf %min3A_310, %select_n3A_271 : vector<16xf32>
      %min3A_312 = arith.minimumf %min3A_311, %select_n3A_279 : vector<16xf32>
      %min3A_313 = arith.minimumf %min3A_312, %select_n3A_287 : vector<16xf32>
      %min3A_314 = arith.minimumf %min3A_313, %select_n3A_295 : vector<16xf32>
      %min3A_315 = arith.minimumf %min3A_314, %select_n3A_303 : vector<16xf32>
      %reduce_min3A_316 = arith.constant true
      %reduce_min3A_317 = vector.broadcast %reduce_min3A_316 : i1 to vector<16xi1>
      %reduce_min3A_318 = tpu.scan <min>, %min3A_315 masked %reduce_min3A_317 : vector<16xf32>, vector<16xi1> -> vector<16xf32>
      %reduce_min3A_319 = vector.extract %reduce_min3A_318[15] : f32 from vector<16xf32>
      %eq3A_320 = vector.broadcast %reduce_min3A_319 : f32 to vector<16xf32>
      %eq3A_321 = arith.cmpf oeq, %select_n3A_247, %eq3A_320 : vector<16xf32>
      %jit3A_322 = arith.constant 2147483647 : i32
      %broadcast_in_dim3A_323 = vector.broadcast %jit3A_322 : i32 to vector<16xi32>
      %select_n3A_324 = arith.select %eq3A_321, %get3A_136, %broadcast_in_dim3A_323 : vector<16xi1>, vector<16xi32>
      %eq3A_325 = vector.broadcast %reduce_min3A_319 : f32 to vector<16xf32>
      %eq3A_326 = arith.cmpf oeq, %select_n3A_255, %eq3A_325 : vector<16xf32>
      %jit3A_327 = arith.constant 2147483647 : i32
      %broadcast_in_dim3A_328 = vector.broadcast %jit3A_327 : i32 to vector<16xi32>
      %select_n3A_329 = arith.select %eq3A_326, %get3A_140, %broadcast_in_dim3A_328 : vector<16xi1>, vector<16xi32>
      %min3A_330 = arith.minsi %select_n3A_324, %select_n3A_329 : vector<16xi32>
      %eq3A_331 = vector.broadcast %reduce_min3A_319 : f32 to vector<16xf32>
      %eq3A_332 = arith.cmpf oeq, %select_n3A_263, %eq3A_331 : vector<16xf32>
      %jit3A_333 = arith.constant 2147483647 : i32
      %broadcast_in_dim3A_334 = vector.broadcast %jit3A_333 : i32 to vector<16xi32>
      %select_n3A_335 = arith.select %eq3A_332, %get3A_144, %broadcast_in_dim3A_334 : vector<16xi1>, vector<16xi32>
      %min3A_336 = arith.minsi %min3A_330, %select_n3A_335 : vector<16xi32>
      %eq3A_337 = vector.broadcast %reduce_min3A_319 : f32 to vector<16xf32>
      %eq3A_338 = arith.cmpf oeq, %select_n3A_271, %eq3A_337 : vector<16xf32>
      %jit3A_339 = arith.constant 2147483647 : i32
      %broadcast_in_dim3A_340 = vector.broadcast %jit3A_339 : i32 to vector<16xi32>
      %select_n3A_341 = arith.select %eq3A_338, %get3A_148, %broadcast_in_dim3A_340 : vector<16xi1>, vector<16xi32>
      %min3A_342 = arith.minsi %min3A_336, %select_n3A_341 : vector<16xi32>
      %eq3A_343 = vector.broadcast %reduce_min3A_319 : f32 to vector<16xf32>
      %eq3A_344 = arith.cmpf oeq, %select_n3A_279, %eq3A_343 : vector<16xf32>
      %jit3A_345 = arith.constant 2147483647 : i32
      %broadcast_in_dim3A_346 = vector.broadcast %jit3A_345 : i32 to vector<16xi32>
      %select_n3A_347 = arith.select %eq3A_344, %get3A_152, %broadcast_in_dim3A_346 : vector<16xi1>, vector<16xi32>
      %min3A_348 = arith.minsi %min3A_342, %select_n3A_347 : vector<16xi32>
      %eq3A_349 = vector.broadcast %reduce_min3A_319 : f32 to vector<16xf32>
      %eq3A_350 = arith.cmpf oeq, %select_n3A_287, %eq3A_349 : vector<16xf32>
      %jit3A_351 = arith.constant 2147483647 : i32
      %broadcast_in_dim3A_352 = vector.broadcast %jit3A_351 : i32 to vector<16xi32>
      %select_n3A_353 = arith.select %eq3A_350, %get3A_156, %broadcast_in_dim3A_352 : vector<16xi1>, vector<16xi32>
      %min3A_354 = arith.minsi %min3A_348, %select_n3A_353 : vector<16xi32>
      %eq3A_355 = vector.broadcast %reduce_min3A_319 : f32 to vector<16xf32>
      %eq3A_356 = arith.cmpf oeq, %select_n3A_295, %eq3A_355 : vector<16xf32>
      %jit3A_357 = arith.constant 2147483647 : i32
      %broadcast_in_dim3A_358 = vector.broadcast %jit3A_357 : i32 to vector<16xi32>
      %select_n3A_359 = arith.select %eq3A_356, %get3A_160, %broadcast_in_dim3A_358 : vector<16xi1>, vector<16xi32>
      %min3A_360 = arith.minsi %min3A_354, %select_n3A_359 : vector<16xi32>
      %eq3A_361 = vector.broadcast %reduce_min3A_319 : f32 to vector<16xf32>
      %eq3A_362 = arith.cmpf oeq, %select_n3A_303, %eq3A_361 : vector<16xf32>
      %jit3A_363 = arith.constant 2147483647 : i32
      %broadcast_in_dim3A_364 = vector.broadcast %jit3A_363 : i32 to vector<16xi32>
      %select_n3A_365 = arith.select %eq3A_362, %get3A_164, %broadcast_in_dim3A_364 : vector<16xi1>, vector<16xi32>
      %min3A_366 = arith.minsi %min3A_360, %select_n3A_365 : vector<16xi32>
      %reduce_min3A_367 = arith.constant true
      %reduce_min3A_368 = vector.broadcast %reduce_min3A_367 : i1 to vector<16xi1>
      %reduce_min3A_369 = arith.constant -2147483648 : i32
      %reduce_min3A_370 = vector.broadcast %reduce_min3A_369 : i32 to vector<16xi32>
      %reduce_min3A_371 = arith.xori %min3A_366, %reduce_min3A_370 : vector<16xi32>
      %reduce_min3A_372 = tpu.scan <min>, %reduce_min3A_371 masked %reduce_min3A_368 : vector<16xi32>, vector<16xi1> -> vector<16xi32>
      %reduce_min3A_373 = arith.xori %reduce_min3A_372, %reduce_min3A_370 : vector<16xi32>
      %reduce_min3A_374 = vector.extract %reduce_min3A_373[15] : i32 from vector<16xi32>
      %eq3A_375 = vector.broadcast %reduce_min3A_319 : f32 to vector<16xf32>
      %eq3A_376 = arith.cmpf oeq, %select_n3A_247, %eq3A_375 : vector<16xf32>
      %eq3A_377 = vector.broadcast %reduce_min3A_374 : i32 to vector<16xi32>
      %eq3A_378 = arith.cmpi eq, %get3A_136, %eq3A_377 : vector<16xi32>
      %and3A_379 = arith.andi %eq3A_376, %eq3A_378 : vector<16xi1>
      %jit3A_380 = arith.constant 1.000000e+30 : f32
      %broadcast_in_dim3A_381 = vector.broadcast %jit3A_380 : f32 to vector<16xf32>
      %select_n3A_382 = arith.select %and3A_379, %broadcast_in_dim3A_381, %select_n3A_247 : vector<16xi1>, vector<16xf32>
      %eq3A_383 = vector.broadcast %reduce_min3A_319 : f32 to vector<16xf32>
      %eq3A_384 = arith.cmpf oeq, %select_n3A_255, %eq3A_383 : vector<16xf32>
      %eq3A_385 = vector.broadcast %reduce_min3A_374 : i32 to vector<16xi32>
      %eq3A_386 = arith.cmpi eq, %get3A_140, %eq3A_385 : vector<16xi32>
      %and3A_387 = arith.andi %eq3A_384, %eq3A_386 : vector<16xi1>
      %jit3A_388 = arith.constant 1.000000e+30 : f32
      %broadcast_in_dim3A_389 = vector.broadcast %jit3A_388 : f32 to vector<16xf32>
      %select_n3A_390 = arith.select %and3A_387, %broadcast_in_dim3A_389, %select_n3A_255 : vector<16xi1>, vector<16xf32>
      %eq3A_391 = vector.broadcast %reduce_min3A_319 : f32 to vector<16xf32>
      %eq3A_392 = arith.cmpf oeq, %select_n3A_263, %eq3A_391 : vector<16xf32>
      %eq3A_393 = vector.broadcast %reduce_min3A_374 : i32 to vector<16xi32>
      %eq3A_394 = arith.cmpi eq, %get3A_144, %eq3A_393 : vector<16xi32>
      %and3A_395 = arith.andi %eq3A_392, %eq3A_394 : vector<16xi1>
      %jit3A_396 = arith.constant 1.000000e+30 : f32
      %broadcast_in_dim3A_397 = vector.broadcast %jit3A_396 : f32 to vector<16xf32>
      %select_n3A_398 = arith.select %and3A_395, %broadcast_in_dim3A_397, %select_n3A_263 : vector<16xi1>, vector<16xf32>
      %eq3A_399 = vector.broadcast %reduce_min3A_319 : f32 to vector<16xf32>
      %eq3A_400 = arith.cmpf oeq, %select_n3A_271, %eq3A_399 : vector<16xf32>
      %eq3A_401 = vector.broadcast %reduce_min3A_374 : i32 to vector<16xi32>
      %eq3A_402 = arith.cmpi eq, %get3A_148, %eq3A_401 : vector<16xi32>
      %and3A_403 = arith.andi %eq3A_400, %eq3A_402 : vector<16xi1>
      %jit3A_404 = arith.constant 1.000000e+30 : f32
      %broadcast_in_dim3A_405 = vector.broadcast %jit3A_404 : f32 to vector<16xf32>
      %select_n3A_406 = arith.select %and3A_403, %broadcast_in_dim3A_405, %select_n3A_271 : vector<16xi1>, vector<16xf32>
      %eq3A_407 = vector.broadcast %reduce_min3A_319 : f32 to vector<16xf32>
      %eq3A_408 = arith.cmpf oeq, %select_n3A_279, %eq3A_407 : vector<16xf32>
      %eq3A_409 = vector.broadcast %reduce_min3A_374 : i32 to vector<16xi32>
      %eq3A_410 = arith.cmpi eq, %get3A_152, %eq3A_409 : vector<16xi32>
      %and3A_411 = arith.andi %eq3A_408, %eq3A_410 : vector<16xi1>
      %jit3A_412 = arith.constant 1.000000e+30 : f32
      %broadcast_in_dim3A_413 = vector.broadcast %jit3A_412 : f32 to vector<16xf32>
      %select_n3A_414 = arith.select %and3A_411, %broadcast_in_dim3A_413, %select_n3A_279 : vector<16xi1>, vector<16xf32>
      %eq3A_415 = vector.broadcast %reduce_min3A_319 : f32 to vector<16xf32>
      %eq3A_416 = arith.cmpf oeq, %select_n3A_287, %eq3A_415 : vector<16xf32>
      %eq3A_417 = vector.broadcast %reduce_min3A_374 : i32 to vector<16xi32>
      %eq3A_418 = arith.cmpi eq, %get3A_156, %eq3A_417 : vector<16xi32>
      %and3A_419 = arith.andi %eq3A_416, %eq3A_418 : vector<16xi1>
      %jit3A_420 = arith.constant 1.000000e+30 : f32
      %broadcast_in_dim3A_421 = vector.broadcast %jit3A_420 : f32 to vector<16xf32>
      %select_n3A_422 = arith.select %and3A_419, %broadcast_in_dim3A_421, %select_n3A_287 : vector<16xi1>, vector<16xf32>
      %eq3A_423 = vector.broadcast %reduce_min3A_319 : f32 to vector<16xf32>
      %eq3A_424 = arith.cmpf oeq, %select_n3A_295, %eq3A_423 : vector<16xf32>
      %eq3A_425 = vector.broadcast %reduce_min3A_374 : i32 to vector<16xi32>
      %eq3A_426 = arith.cmpi eq, %get3A_160, %eq3A_425 : vector<16xi32>
      %and3A_427 = arith.andi %eq3A_424, %eq3A_426 : vector<16xi1>
      %jit3A_428 = arith.constant 1.000000e+30 : f32
      %broadcast_in_dim3A_429 = vector.broadcast %jit3A_428 : f32 to vector<16xf32>
      %select_n3A_430 = arith.select %and3A_427, %broadcast_in_dim3A_429, %select_n3A_295 : vector<16xi1>, vector<16xf32>
      %eq3A_431 = vector.broadcast %reduce_min3A_319 : f32 to vector<16xf32>
      %eq3A_432 = arith.cmpf oeq, %select_n3A_303, %eq3A_431 : vector<16xf32>
      %eq3A_433 = vector.broadcast %reduce_min3A_374 : i32 to vector<16xi32>
      %eq3A_434 = arith.cmpi eq, %get3A_164, %eq3A_433 : vector<16xi32>
      %and3A_435 = arith.andi %eq3A_432, %eq3A_434 : vector<16xi1>
      %jit3A_436 = arith.constant 1.000000e+30 : f32
      %broadcast_in_dim3A_437 = vector.broadcast %jit3A_436 : f32 to vector<16xf32>
      %select_n3A_438 = arith.select %and3A_435, %broadcast_in_dim3A_437, %select_n3A_303 : vector<16xi1>, vector<16xf32>
      %eq3A_439 = arith.constant 2 : i32
      %eq3A_440 = vector.broadcast %eq3A_439 : i32 to vector<16xi32>
      %eq3A_441 = arith.cmpi eq, %iota3A, %eq3A_440 : vector<16xi32>
      %broadcast_in_dim3A_442 = vector.broadcast %reduce_min3A_374 : i32 to vector<16xi32>
      %select_n3A_443 = arith.select %eq3A_441, %broadcast_in_dim3A_442, %select_n3A_308 : vector<16xi1>, vector<16xi32>
      %min3A_444 = arith.minimumf %select_n3A_382, %select_n3A_390 : vector<16xf32>
      %min3A_445 = arith.minimumf %min3A_444, %select_n3A_398 : vector<16xf32>
      %min3A_446 = arith.minimumf %min3A_445, %select_n3A_406 : vector<16xf32>
      %min3A_447 = arith.minimumf %min3A_446, %select_n3A_414 : vector<16xf32>
      %min3A_448 = arith.minimumf %min3A_447, %select_n3A_422 : vector<16xf32>
      %min3A_449 = arith.minimumf %min3A_448, %select_n3A_430 : vector<16xf32>
      %min3A_450 = arith.minimumf %min3A_449, %select_n3A_438 : vector<16xf32>
      %reduce_min3A_451 = arith.constant true
      %reduce_min3A_452 = vector.broadcast %reduce_min3A_451 : i1 to vector<16xi1>
      %reduce_min3A_453 = tpu.scan <min>, %min3A_450 masked %reduce_min3A_452 : vector<16xf32>, vector<16xi1> -> vector<16xf32>
      %reduce_min3A_454 = vector.extract %reduce_min3A_453[15] : f32 from vector<16xf32>
      %eq3A_455 = vector.broadcast %reduce_min3A_454 : f32 to vector<16xf32>
      %eq3A_456 = arith.cmpf oeq, %select_n3A_382, %eq3A_455 : vector<16xf32>
      %jit3A_457 = arith.constant 2147483647 : i32
      %broadcast_in_dim3A_458 = vector.broadcast %jit3A_457 : i32 to vector<16xi32>
      %select_n3A_459 = arith.select %eq3A_456, %get3A_136, %broadcast_in_dim3A_458 : vector<16xi1>, vector<16xi32>
      %eq3A_460 = vector.broadcast %reduce_min3A_454 : f32 to vector<16xf32>
      %eq3A_461 = arith.cmpf oeq, %select_n3A_390, %eq3A_460 : vector<16xf32>
      %jit3A_462 = arith.constant 2147483647 : i32
      %broadcast_in_dim3A_463 = vector.broadcast %jit3A_462 : i32 to vector<16xi32>
      %select_n3A_464 = arith.select %eq3A_461, %get3A_140, %broadcast_in_dim3A_463 : vector<16xi1>, vector<16xi32>
      %min3A_465 = arith.minsi %select_n3A_459, %select_n3A_464 : vector<16xi32>
      %eq3A_466 = vector.broadcast %reduce_min3A_454 : f32 to vector<16xf32>
      %eq3A_467 = arith.cmpf oeq, %select_n3A_398, %eq3A_466 : vector<16xf32>
      %jit3A_468 = arith.constant 2147483647 : i32
      %broadcast_in_dim3A_469 = vector.broadcast %jit3A_468 : i32 to vector<16xi32>
      %select_n3A_470 = arith.select %eq3A_467, %get3A_144, %broadcast_in_dim3A_469 : vector<16xi1>, vector<16xi32>
      %min3A_471 = arith.minsi %min3A_465, %select_n3A_470 : vector<16xi32>
      %eq3A_472 = vector.broadcast %reduce_min3A_454 : f32 to vector<16xf32>
      %eq3A_473 = arith.cmpf oeq, %select_n3A_406, %eq3A_472 : vector<16xf32>
      %jit3A_474 = arith.constant 2147483647 : i32
      %broadcast_in_dim3A_475 = vector.broadcast %jit3A_474 : i32 to vector<16xi32>
      %select_n3A_476 = arith.select %eq3A_473, %get3A_148, %broadcast_in_dim3A_475 : vector<16xi1>, vector<16xi32>
      %min3A_477 = arith.minsi %min3A_471, %select_n3A_476 : vector<16xi32>
      %eq3A_478 = vector.broadcast %reduce_min3A_454 : f32 to vector<16xf32>
      %eq3A_479 = arith.cmpf oeq, %select_n3A_414, %eq3A_478 : vector<16xf32>
      %jit3A_480 = arith.constant 2147483647 : i32
      %broadcast_in_dim3A_481 = vector.broadcast %jit3A_480 : i32 to vector<16xi32>
      %select_n3A_482 = arith.select %eq3A_479, %get3A_152, %broadcast_in_dim3A_481 : vector<16xi1>, vector<16xi32>
      %min3A_483 = arith.minsi %min3A_477, %select_n3A_482 : vector<16xi32>
      %eq3A_484 = vector.broadcast %reduce_min3A_454 : f32 to vector<16xf32>
      %eq3A_485 = arith.cmpf oeq, %select_n3A_422, %eq3A_484 : vector<16xf32>
      %jit3A_486 = arith.constant 2147483647 : i32
      %broadcast_in_dim3A_487 = vector.broadcast %jit3A_486 : i32 to vector<16xi32>
      %select_n3A_488 = arith.select %eq3A_485, %get3A_156, %broadcast_in_dim3A_487 : vector<16xi1>, vector<16xi32>
      %min3A_489 = arith.minsi %min3A_483, %select_n3A_488 : vector<16xi32>
      %eq3A_490 = vector.broadcast %reduce_min3A_454 : f32 to vector<16xf32>
      %eq3A_491 = arith.cmpf oeq, %select_n3A_430, %eq3A_490 : vector<16xf32>
      %jit3A_492 = arith.constant 2147483647 : i32
      %broadcast_in_dim3A_493 = vector.broadcast %jit3A_492 : i32 to vector<16xi32>
      %select_n3A_494 = arith.select %eq3A_491, %get3A_160, %broadcast_in_dim3A_493 : vector<16xi1>, vector<16xi32>
      %min3A_495 = arith.minsi %min3A_489, %select_n3A_494 : vector<16xi32>
      %eq3A_496 = vector.broadcast %reduce_min3A_454 : f32 to vector<16xf32>
      %eq3A_497 = arith.cmpf oeq, %select_n3A_438, %eq3A_496 : vector<16xf32>
      %jit3A_498 = arith.constant 2147483647 : i32
      %broadcast_in_dim3A_499 = vector.broadcast %jit3A_498 : i32 to vector<16xi32>
      %select_n3A_500 = arith.select %eq3A_497, %get3A_164, %broadcast_in_dim3A_499 : vector<16xi1>, vector<16xi32>
      %min3A_501 = arith.minsi %min3A_495, %select_n3A_500 : vector<16xi32>
      %reduce_min3A_502 = arith.constant true
      %reduce_min3A_503 = vector.broadcast %reduce_min3A_502 : i1 to vector<16xi1>
      %reduce_min3A_504 = arith.constant -2147483648 : i32
      %reduce_min3A_505 = vector.broadcast %reduce_min3A_504 : i32 to vector<16xi32>
      %reduce_min3A_506 = arith.xori %min3A_501, %reduce_min3A_505 : vector<16xi32>
      %reduce_min3A_507 = tpu.scan <min>, %reduce_min3A_506 masked %reduce_min3A_503 : vector<16xi32>, vector<16xi1> -> vector<16xi32>
      %reduce_min3A_508 = arith.xori %reduce_min3A_507, %reduce_min3A_505 : vector<16xi32>
      %reduce_min3A_509 = vector.extract %reduce_min3A_508[15] : i32 from vector<16xi32>
      %eq3A_510 = vector.broadcast %reduce_min3A_454 : f32 to vector<16xf32>
      %eq3A_511 = arith.cmpf oeq, %select_n3A_382, %eq3A_510 : vector<16xf32>
      %eq3A_512 = vector.broadcast %reduce_min3A_509 : i32 to vector<16xi32>
      %eq3A_513 = arith.cmpi eq, %get3A_136, %eq3A_512 : vector<16xi32>
      %and3A_514 = arith.andi %eq3A_511, %eq3A_513 : vector<16xi1>
      %jit3A_515 = arith.constant 1.000000e+30 : f32
      %broadcast_in_dim3A_516 = vector.broadcast %jit3A_515 : f32 to vector<16xf32>
      %select_n3A_517 = arith.select %and3A_514, %broadcast_in_dim3A_516, %select_n3A_382 : vector<16xi1>, vector<16xf32>
      %eq3A_518 = vector.broadcast %reduce_min3A_454 : f32 to vector<16xf32>
      %eq3A_519 = arith.cmpf oeq, %select_n3A_390, %eq3A_518 : vector<16xf32>
      %eq3A_520 = vector.broadcast %reduce_min3A_509 : i32 to vector<16xi32>
      %eq3A_521 = arith.cmpi eq, %get3A_140, %eq3A_520 : vector<16xi32>
      %and3A_522 = arith.andi %eq3A_519, %eq3A_521 : vector<16xi1>
      %jit3A_523 = arith.constant 1.000000e+30 : f32
      %broadcast_in_dim3A_524 = vector.broadcast %jit3A_523 : f32 to vector<16xf32>
      %select_n3A_525 = arith.select %and3A_522, %broadcast_in_dim3A_524, %select_n3A_390 : vector<16xi1>, vector<16xf32>
      %eq3A_526 = vector.broadcast %reduce_min3A_454 : f32 to vector<16xf32>
      %eq3A_527 = arith.cmpf oeq, %select_n3A_398, %eq3A_526 : vector<16xf32>
      %eq3A_528 = vector.broadcast %reduce_min3A_509 : i32 to vector<16xi32>
      %eq3A_529 = arith.cmpi eq, %get3A_144, %eq3A_528 : vector<16xi32>
      %and3A_530 = arith.andi %eq3A_527, %eq3A_529 : vector<16xi1>
      %jit3A_531 = arith.constant 1.000000e+30 : f32
      %broadcast_in_dim3A_532 = vector.broadcast %jit3A_531 : f32 to vector<16xf32>
      %select_n3A_533 = arith.select %and3A_530, %broadcast_in_dim3A_532, %select_n3A_398 : vector<16xi1>, vector<16xf32>
      %eq3A_534 = vector.broadcast %reduce_min3A_454 : f32 to vector<16xf32>
      %eq3A_535 = arith.cmpf oeq, %select_n3A_406, %eq3A_534 : vector<16xf32>
      %eq3A_536 = vector.broadcast %reduce_min3A_509 : i32 to vector<16xi32>
      %eq3A_537 = arith.cmpi eq, %get3A_148, %eq3A_536 : vector<16xi32>
      %and3A_538 = arith.andi %eq3A_535, %eq3A_537 : vector<16xi1>
      %jit3A_539 = arith.constant 1.000000e+30 : f32
      %broadcast_in_dim3A_540 = vector.broadcast %jit3A_539 : f32 to vector<16xf32>
      %select_n3A_541 = arith.select %and3A_538, %broadcast_in_dim3A_540, %select_n3A_406 : vector<16xi1>, vector<16xf32>
      %eq3A_542 = vector.broadcast %reduce_min3A_454 : f32 to vector<16xf32>
      %eq3A_543 = arith.cmpf oeq, %select_n3A_414, %eq3A_542 : vector<16xf32>
      %eq3A_544 = vector.broadcast %reduce_min3A_509 : i32 to vector<16xi32>
      %eq3A_545 = arith.cmpi eq, %get3A_152, %eq3A_544 : vector<16xi32>
      %and3A_546 = arith.andi %eq3A_543, %eq3A_545 : vector<16xi1>
      %jit3A_547 = arith.constant 1.000000e+30 : f32
      %broadcast_in_dim3A_548 = vector.broadcast %jit3A_547 : f32 to vector<16xf32>
      %select_n3A_549 = arith.select %and3A_546, %broadcast_in_dim3A_548, %select_n3A_414 : vector<16xi1>, vector<16xf32>
      %eq3A_550 = vector.broadcast %reduce_min3A_454 : f32 to vector<16xf32>
      %eq3A_551 = arith.cmpf oeq, %select_n3A_422, %eq3A_550 : vector<16xf32>
      %eq3A_552 = vector.broadcast %reduce_min3A_509 : i32 to vector<16xi32>
      %eq3A_553 = arith.cmpi eq, %get3A_156, %eq3A_552 : vector<16xi32>
      %and3A_554 = arith.andi %eq3A_551, %eq3A_553 : vector<16xi1>
      %jit3A_555 = arith.constant 1.000000e+30 : f32
      %broadcast_in_dim3A_556 = vector.broadcast %jit3A_555 : f32 to vector<16xf32>
      %select_n3A_557 = arith.select %and3A_554, %broadcast_in_dim3A_556, %select_n3A_422 : vector<16xi1>, vector<16xf32>
      %eq3A_558 = vector.broadcast %reduce_min3A_454 : f32 to vector<16xf32>
      %eq3A_559 = arith.cmpf oeq, %select_n3A_430, %eq3A_558 : vector<16xf32>
      %eq3A_560 = vector.broadcast %reduce_min3A_509 : i32 to vector<16xi32>
      %eq3A_561 = arith.cmpi eq, %get3A_160, %eq3A_560 : vector<16xi32>
      %and3A_562 = arith.andi %eq3A_559, %eq3A_561 : vector<16xi1>
      %jit3A_563 = arith.constant 1.000000e+30 : f32
      %broadcast_in_dim3A_564 = vector.broadcast %jit3A_563 : f32 to vector<16xf32>
      %select_n3A_565 = arith.select %and3A_562, %broadcast_in_dim3A_564, %select_n3A_430 : vector<16xi1>, vector<16xf32>
      %eq3A_566 = vector.broadcast %reduce_min3A_454 : f32 to vector<16xf32>
      %eq3A_567 = arith.cmpf oeq, %select_n3A_438, %eq3A_566 : vector<16xf32>
      %eq3A_568 = vector.broadcast %reduce_min3A_509 : i32 to vector<16xi32>
      %eq3A_569 = arith.cmpi eq, %get3A_164, %eq3A_568 : vector<16xi32>
      %and3A_570 = arith.andi %eq3A_567, %eq3A_569 : vector<16xi1>
      %jit3A_571 = arith.constant 1.000000e+30 : f32
      %broadcast_in_dim3A_572 = vector.broadcast %jit3A_571 : f32 to vector<16xf32>
      %select_n3A_573 = arith.select %and3A_570, %broadcast_in_dim3A_572, %select_n3A_438 : vector<16xi1>, vector<16xf32>
      %eq3A_574 = arith.constant 3 : i32
      %eq3A_575 = vector.broadcast %eq3A_574 : i32 to vector<16xi32>
      %eq3A_576 = arith.cmpi eq, %iota3A, %eq3A_575 : vector<16xi32>
      %broadcast_in_dim3A_577 = vector.broadcast %reduce_min3A_509 : i32 to vector<16xi32>
      %select_n3A_578 = arith.select %eq3A_576, %broadcast_in_dim3A_577, %select_n3A_443 : vector<16xi1>, vector<16xi32>
      %min3A_579 = arith.minimumf %select_n3A_517, %select_n3A_525 : vector<16xf32>
      %min3A_580 = arith.minimumf %min3A_579, %select_n3A_533 : vector<16xf32>
      %min3A_581 = arith.minimumf %min3A_580, %select_n3A_541 : vector<16xf32>
      %min3A_582 = arith.minimumf %min3A_581, %select_n3A_549 : vector<16xf32>
      %min3A_583 = arith.minimumf %min3A_582, %select_n3A_557 : vector<16xf32>
      %min3A_584 = arith.minimumf %min3A_583, %select_n3A_565 : vector<16xf32>
      %min3A_585 = arith.minimumf %min3A_584, %select_n3A_573 : vector<16xf32>
      %reduce_min3A_586 = arith.constant true
      %reduce_min3A_587 = vector.broadcast %reduce_min3A_586 : i1 to vector<16xi1>
      %reduce_min3A_588 = tpu.scan <min>, %min3A_585 masked %reduce_min3A_587 : vector<16xf32>, vector<16xi1> -> vector<16xf32>
      %reduce_min3A_589 = vector.extract %reduce_min3A_588[15] : f32 from vector<16xf32>
      %eq3A_590 = vector.broadcast %reduce_min3A_589 : f32 to vector<16xf32>
      %eq3A_591 = arith.cmpf oeq, %select_n3A_517, %eq3A_590 : vector<16xf32>
      %jit3A_592 = arith.constant 2147483647 : i32
      %broadcast_in_dim3A_593 = vector.broadcast %jit3A_592 : i32 to vector<16xi32>
      %select_n3A_594 = arith.select %eq3A_591, %get3A_136, %broadcast_in_dim3A_593 : vector<16xi1>, vector<16xi32>
      %eq3A_595 = vector.broadcast %reduce_min3A_589 : f32 to vector<16xf32>
      %eq3A_596 = arith.cmpf oeq, %select_n3A_525, %eq3A_595 : vector<16xf32>
      %jit3A_597 = arith.constant 2147483647 : i32
      %broadcast_in_dim3A_598 = vector.broadcast %jit3A_597 : i32 to vector<16xi32>
      %select_n3A_599 = arith.select %eq3A_596, %get3A_140, %broadcast_in_dim3A_598 : vector<16xi1>, vector<16xi32>
      %min3A_600 = arith.minsi %select_n3A_594, %select_n3A_599 : vector<16xi32>
      %eq3A_601 = vector.broadcast %reduce_min3A_589 : f32 to vector<16xf32>
      %eq3A_602 = arith.cmpf oeq, %select_n3A_533, %eq3A_601 : vector<16xf32>
      %jit3A_603 = arith.constant 2147483647 : i32
      %broadcast_in_dim3A_604 = vector.broadcast %jit3A_603 : i32 to vector<16xi32>
      %select_n3A_605 = arith.select %eq3A_602, %get3A_144, %broadcast_in_dim3A_604 : vector<16xi1>, vector<16xi32>
      %min3A_606 = arith.minsi %min3A_600, %select_n3A_605 : vector<16xi32>
      %eq3A_607 = vector.broadcast %reduce_min3A_589 : f32 to vector<16xf32>
      %eq3A_608 = arith.cmpf oeq, %select_n3A_541, %eq3A_607 : vector<16xf32>
      %jit3A_609 = arith.constant 2147483647 : i32
      %broadcast_in_dim3A_610 = vector.broadcast %jit3A_609 : i32 to vector<16xi32>
      %select_n3A_611 = arith.select %eq3A_608, %get3A_148, %broadcast_in_dim3A_610 : vector<16xi1>, vector<16xi32>
      %min3A_612 = arith.minsi %min3A_606, %select_n3A_611 : vector<16xi32>
      %eq3A_613 = vector.broadcast %reduce_min3A_589 : f32 to vector<16xf32>
      %eq3A_614 = arith.cmpf oeq, %select_n3A_549, %eq3A_613 : vector<16xf32>
      %jit3A_615 = arith.constant 2147483647 : i32
      %broadcast_in_dim3A_616 = vector.broadcast %jit3A_615 : i32 to vector<16xi32>
      %select_n3A_617 = arith.select %eq3A_614, %get3A_152, %broadcast_in_dim3A_616 : vector<16xi1>, vector<16xi32>
      %min3A_618 = arith.minsi %min3A_612, %select_n3A_617 : vector<16xi32>
      %eq3A_619 = vector.broadcast %reduce_min3A_589 : f32 to vector<16xf32>
      %eq3A_620 = arith.cmpf oeq, %select_n3A_557, %eq3A_619 : vector<16xf32>
      %jit3A_621 = arith.constant 2147483647 : i32
      %broadcast_in_dim3A_622 = vector.broadcast %jit3A_621 : i32 to vector<16xi32>
      %select_n3A_623 = arith.select %eq3A_620, %get3A_156, %broadcast_in_dim3A_622 : vector<16xi1>, vector<16xi32>
      %min3A_624 = arith.minsi %min3A_618, %select_n3A_623 : vector<16xi32>
      %eq3A_625 = vector.broadcast %reduce_min3A_589 : f32 to vector<16xf32>
      %eq3A_626 = arith.cmpf oeq, %select_n3A_565, %eq3A_625 : vector<16xf32>
      %jit3A_627 = arith.constant 2147483647 : i32
      %broadcast_in_dim3A_628 = vector.broadcast %jit3A_627 : i32 to vector<16xi32>
      %select_n3A_629 = arith.select %eq3A_626, %get3A_160, %broadcast_in_dim3A_628 : vector<16xi1>, vector<16xi32>
      %min3A_630 = arith.minsi %min3A_624, %select_n3A_629 : vector<16xi32>
      %eq3A_631 = vector.broadcast %reduce_min3A_589 : f32 to vector<16xf32>
      %eq3A_632 = arith.cmpf oeq, %select_n3A_573, %eq3A_631 : vector<16xf32>
      %jit3A_633 = arith.constant 2147483647 : i32
      %broadcast_in_dim3A_634 = vector.broadcast %jit3A_633 : i32 to vector<16xi32>
      %select_n3A_635 = arith.select %eq3A_632, %get3A_164, %broadcast_in_dim3A_634 : vector<16xi1>, vector<16xi32>
      %min3A_636 = arith.minsi %min3A_630, %select_n3A_635 : vector<16xi32>
      %reduce_min3A_637 = arith.constant true
      %reduce_min3A_638 = vector.broadcast %reduce_min3A_637 : i1 to vector<16xi1>
      %reduce_min3A_639 = arith.constant -2147483648 : i32
      %reduce_min3A_640 = vector.broadcast %reduce_min3A_639 : i32 to vector<16xi32>
      %reduce_min3A_641 = arith.xori %min3A_636, %reduce_min3A_640 : vector<16xi32>
      %reduce_min3A_642 = tpu.scan <min>, %reduce_min3A_641 masked %reduce_min3A_638 : vector<16xi32>, vector<16xi1> -> vector<16xi32>
      %reduce_min3A_643 = arith.xori %reduce_min3A_642, %reduce_min3A_640 : vector<16xi32>
      %reduce_min3A_644 = vector.extract %reduce_min3A_643[15] : i32 from vector<16xi32>
      %eq3A_645 = vector.broadcast %reduce_min3A_589 : f32 to vector<16xf32>
      %eq3A_646 = arith.cmpf oeq, %select_n3A_517, %eq3A_645 : vector<16xf32>
      %eq3A_647 = vector.broadcast %reduce_min3A_644 : i32 to vector<16xi32>
      %eq3A_648 = arith.cmpi eq, %get3A_136, %eq3A_647 : vector<16xi32>
      %and3A_649 = arith.andi %eq3A_646, %eq3A_648 : vector<16xi1>
      %jit3A_650 = arith.constant 1.000000e+30 : f32
      %broadcast_in_dim3A_651 = vector.broadcast %jit3A_650 : f32 to vector<16xf32>
      %select_n3A_652 = arith.select %and3A_649, %broadcast_in_dim3A_651, %select_n3A_517 : vector<16xi1>, vector<16xf32>
      %eq3A_653 = vector.broadcast %reduce_min3A_589 : f32 to vector<16xf32>
      %eq3A_654 = arith.cmpf oeq, %select_n3A_525, %eq3A_653 : vector<16xf32>
      %eq3A_655 = vector.broadcast %reduce_min3A_644 : i32 to vector<16xi32>
      %eq3A_656 = arith.cmpi eq, %get3A_140, %eq3A_655 : vector<16xi32>
      %and3A_657 = arith.andi %eq3A_654, %eq3A_656 : vector<16xi1>
      %jit3A_658 = arith.constant 1.000000e+30 : f32
      %broadcast_in_dim3A_659 = vector.broadcast %jit3A_658 : f32 to vector<16xf32>
      %select_n3A_660 = arith.select %and3A_657, %broadcast_in_dim3A_659, %select_n3A_525 : vector<16xi1>, vector<16xf32>
      %eq3A_661 = vector.broadcast %reduce_min3A_589 : f32 to vector<16xf32>
      %eq3A_662 = arith.cmpf oeq, %select_n3A_533, %eq3A_661 : vector<16xf32>
      %eq3A_663 = vector.broadcast %reduce_min3A_644 : i32 to vector<16xi32>
      %eq3A_664 = arith.cmpi eq, %get3A_144, %eq3A_663 : vector<16xi32>
      %and3A_665 = arith.andi %eq3A_662, %eq3A_664 : vector<16xi1>
      %jit3A_666 = arith.constant 1.000000e+30 : f32
      %broadcast_in_dim3A_667 = vector.broadcast %jit3A_666 : f32 to vector<16xf32>
      %select_n3A_668 = arith.select %and3A_665, %broadcast_in_dim3A_667, %select_n3A_533 : vector<16xi1>, vector<16xf32>
      %eq3A_669 = vector.broadcast %reduce_min3A_589 : f32 to vector<16xf32>
      %eq3A_670 = arith.cmpf oeq, %select_n3A_541, %eq3A_669 : vector<16xf32>
      %eq3A_671 = vector.broadcast %reduce_min3A_644 : i32 to vector<16xi32>
      %eq3A_672 = arith.cmpi eq, %get3A_148, %eq3A_671 : vector<16xi32>
      %and3A_673 = arith.andi %eq3A_670, %eq3A_672 : vector<16xi1>
      %jit3A_674 = arith.constant 1.000000e+30 : f32
      %broadcast_in_dim3A_675 = vector.broadcast %jit3A_674 : f32 to vector<16xf32>
      %select_n3A_676 = arith.select %and3A_673, %broadcast_in_dim3A_675, %select_n3A_541 : vector<16xi1>, vector<16xf32>
      %eq3A_677 = vector.broadcast %reduce_min3A_589 : f32 to vector<16xf32>
      %eq3A_678 = arith.cmpf oeq, %select_n3A_549, %eq3A_677 : vector<16xf32>
      %eq3A_679 = vector.broadcast %reduce_min3A_644 : i32 to vector<16xi32>
      %eq3A_680 = arith.cmpi eq, %get3A_152, %eq3A_679 : vector<16xi32>
      %and3A_681 = arith.andi %eq3A_678, %eq3A_680 : vector<16xi1>
      %jit3A_682 = arith.constant 1.000000e+30 : f32
      %broadcast_in_dim3A_683 = vector.broadcast %jit3A_682 : f32 to vector<16xf32>
      %select_n3A_684 = arith.select %and3A_681, %broadcast_in_dim3A_683, %select_n3A_549 : vector<16xi1>, vector<16xf32>
      %eq3A_685 = vector.broadcast %reduce_min3A_589 : f32 to vector<16xf32>
      %eq3A_686 = arith.cmpf oeq, %select_n3A_557, %eq3A_685 : vector<16xf32>
      %eq3A_687 = vector.broadcast %reduce_min3A_644 : i32 to vector<16xi32>
      %eq3A_688 = arith.cmpi eq, %get3A_156, %eq3A_687 : vector<16xi32>
      %and3A_689 = arith.andi %eq3A_686, %eq3A_688 : vector<16xi1>
      %jit3A_690 = arith.constant 1.000000e+30 : f32
      %broadcast_in_dim3A_691 = vector.broadcast %jit3A_690 : f32 to vector<16xf32>
      %select_n3A_692 = arith.select %and3A_689, %broadcast_in_dim3A_691, %select_n3A_557 : vector<16xi1>, vector<16xf32>
      %eq3A_693 = vector.broadcast %reduce_min3A_589 : f32 to vector<16xf32>
      %eq3A_694 = arith.cmpf oeq, %select_n3A_565, %eq3A_693 : vector<16xf32>
      %eq3A_695 = vector.broadcast %reduce_min3A_644 : i32 to vector<16xi32>
      %eq3A_696 = arith.cmpi eq, %get3A_160, %eq3A_695 : vector<16xi32>
      %and3A_697 = arith.andi %eq3A_694, %eq3A_696 : vector<16xi1>
      %jit3A_698 = arith.constant 1.000000e+30 : f32
      %broadcast_in_dim3A_699 = vector.broadcast %jit3A_698 : f32 to vector<16xf32>
      %select_n3A_700 = arith.select %and3A_697, %broadcast_in_dim3A_699, %select_n3A_565 : vector<16xi1>, vector<16xf32>
      %eq3A_701 = vector.broadcast %reduce_min3A_589 : f32 to vector<16xf32>
      %eq3A_702 = arith.cmpf oeq, %select_n3A_573, %eq3A_701 : vector<16xf32>
      %eq3A_703 = vector.broadcast %reduce_min3A_644 : i32 to vector<16xi32>
      %eq3A_704 = arith.cmpi eq, %get3A_164, %eq3A_703 : vector<16xi32>
      %and3A_705 = arith.andi %eq3A_702, %eq3A_704 : vector<16xi1>
      %jit3A_706 = arith.constant 1.000000e+30 : f32
      %broadcast_in_dim3A_707 = vector.broadcast %jit3A_706 : f32 to vector<16xf32>
      %select_n3A_708 = arith.select %and3A_705, %broadcast_in_dim3A_707, %select_n3A_573 : vector<16xi1>, vector<16xf32>
      %eq3A_709 = arith.constant 4 : i32
      %eq3A_710 = vector.broadcast %eq3A_709 : i32 to vector<16xi32>
      %eq3A_711 = arith.cmpi eq, %iota3A, %eq3A_710 : vector<16xi32>
      %broadcast_in_dim3A_712 = vector.broadcast %reduce_min3A_644 : i32 to vector<16xi32>
      %select_n3A_713 = arith.select %eq3A_711, %broadcast_in_dim3A_712, %select_n3A_578 : vector<16xi1>, vector<16xi32>
      %min3A_714 = arith.minimumf %select_n3A_652, %select_n3A_660 : vector<16xf32>
      %min3A_715 = arith.minimumf %min3A_714, %select_n3A_668 : vector<16xf32>
      %min3A_716 = arith.minimumf %min3A_715, %select_n3A_676 : vector<16xf32>
      %min3A_717 = arith.minimumf %min3A_716, %select_n3A_684 : vector<16xf32>
      %min3A_718 = arith.minimumf %min3A_717, %select_n3A_692 : vector<16xf32>
      %min3A_719 = arith.minimumf %min3A_718, %select_n3A_700 : vector<16xf32>
      %min3A_720 = arith.minimumf %min3A_719, %select_n3A_708 : vector<16xf32>
      %reduce_min3A_721 = arith.constant true
      %reduce_min3A_722 = vector.broadcast %reduce_min3A_721 : i1 to vector<16xi1>
      %reduce_min3A_723 = tpu.scan <min>, %min3A_720 masked %reduce_min3A_722 : vector<16xf32>, vector<16xi1> -> vector<16xf32>
      %reduce_min3A_724 = vector.extract %reduce_min3A_723[15] : f32 from vector<16xf32>
      %eq3A_725 = vector.broadcast %reduce_min3A_724 : f32 to vector<16xf32>
      %eq3A_726 = arith.cmpf oeq, %select_n3A_652, %eq3A_725 : vector<16xf32>
      %jit3A_727 = arith.constant 2147483647 : i32
      %broadcast_in_dim3A_728 = vector.broadcast %jit3A_727 : i32 to vector<16xi32>
      %select_n3A_729 = arith.select %eq3A_726, %get3A_136, %broadcast_in_dim3A_728 : vector<16xi1>, vector<16xi32>
      %eq3A_730 = vector.broadcast %reduce_min3A_724 : f32 to vector<16xf32>
      %eq3A_731 = arith.cmpf oeq, %select_n3A_660, %eq3A_730 : vector<16xf32>
      %jit3A_732 = arith.constant 2147483647 : i32
      %broadcast_in_dim3A_733 = vector.broadcast %jit3A_732 : i32 to vector<16xi32>
      %select_n3A_734 = arith.select %eq3A_731, %get3A_140, %broadcast_in_dim3A_733 : vector<16xi1>, vector<16xi32>
      %min3A_735 = arith.minsi %select_n3A_729, %select_n3A_734 : vector<16xi32>
      %eq3A_736 = vector.broadcast %reduce_min3A_724 : f32 to vector<16xf32>
      %eq3A_737 = arith.cmpf oeq, %select_n3A_668, %eq3A_736 : vector<16xf32>
      %jit3A_738 = arith.constant 2147483647 : i32
      %broadcast_in_dim3A_739 = vector.broadcast %jit3A_738 : i32 to vector<16xi32>
      %select_n3A_740 = arith.select %eq3A_737, %get3A_144, %broadcast_in_dim3A_739 : vector<16xi1>, vector<16xi32>
      %min3A_741 = arith.minsi %min3A_735, %select_n3A_740 : vector<16xi32>
      %eq3A_742 = vector.broadcast %reduce_min3A_724 : f32 to vector<16xf32>
      %eq3A_743 = arith.cmpf oeq, %select_n3A_676, %eq3A_742 : vector<16xf32>
      %jit3A_744 = arith.constant 2147483647 : i32
      %broadcast_in_dim3A_745 = vector.broadcast %jit3A_744 : i32 to vector<16xi32>
      %select_n3A_746 = arith.select %eq3A_743, %get3A_148, %broadcast_in_dim3A_745 : vector<16xi1>, vector<16xi32>
      %min3A_747 = arith.minsi %min3A_741, %select_n3A_746 : vector<16xi32>
      %eq3A_748 = vector.broadcast %reduce_min3A_724 : f32 to vector<16xf32>
      %eq3A_749 = arith.cmpf oeq, %select_n3A_684, %eq3A_748 : vector<16xf32>
      %jit3A_750 = arith.constant 2147483647 : i32
      %broadcast_in_dim3A_751 = vector.broadcast %jit3A_750 : i32 to vector<16xi32>
      %select_n3A_752 = arith.select %eq3A_749, %get3A_152, %broadcast_in_dim3A_751 : vector<16xi1>, vector<16xi32>
      %min3A_753 = arith.minsi %min3A_747, %select_n3A_752 : vector<16xi32>
      %eq3A_754 = vector.broadcast %reduce_min3A_724 : f32 to vector<16xf32>
      %eq3A_755 = arith.cmpf oeq, %select_n3A_692, %eq3A_754 : vector<16xf32>
      %jit3A_756 = arith.constant 2147483647 : i32
      %broadcast_in_dim3A_757 = vector.broadcast %jit3A_756 : i32 to vector<16xi32>
      %select_n3A_758 = arith.select %eq3A_755, %get3A_156, %broadcast_in_dim3A_757 : vector<16xi1>, vector<16xi32>
      %min3A_759 = arith.minsi %min3A_753, %select_n3A_758 : vector<16xi32>
      %eq3A_760 = vector.broadcast %reduce_min3A_724 : f32 to vector<16xf32>
      %eq3A_761 = arith.cmpf oeq, %select_n3A_700, %eq3A_760 : vector<16xf32>
      %jit3A_762 = arith.constant 2147483647 : i32
      %broadcast_in_dim3A_763 = vector.broadcast %jit3A_762 : i32 to vector<16xi32>
      %select_n3A_764 = arith.select %eq3A_761, %get3A_160, %broadcast_in_dim3A_763 : vector<16xi1>, vector<16xi32>
      %min3A_765 = arith.minsi %min3A_759, %select_n3A_764 : vector<16xi32>
      %eq3A_766 = vector.broadcast %reduce_min3A_724 : f32 to vector<16xf32>
      %eq3A_767 = arith.cmpf oeq, %select_n3A_708, %eq3A_766 : vector<16xf32>
      %jit3A_768 = arith.constant 2147483647 : i32
      %broadcast_in_dim3A_769 = vector.broadcast %jit3A_768 : i32 to vector<16xi32>
      %select_n3A_770 = arith.select %eq3A_767, %get3A_164, %broadcast_in_dim3A_769 : vector<16xi1>, vector<16xi32>
      %min3A_771 = arith.minsi %min3A_765, %select_n3A_770 : vector<16xi32>
      %reduce_min3A_772 = arith.constant true
      %reduce_min3A_773 = vector.broadcast %reduce_min3A_772 : i1 to vector<16xi1>
      %reduce_min3A_774 = arith.constant -2147483648 : i32
      %reduce_min3A_775 = vector.broadcast %reduce_min3A_774 : i32 to vector<16xi32>
      %reduce_min3A_776 = arith.xori %min3A_771, %reduce_min3A_775 : vector<16xi32>
      %reduce_min3A_777 = tpu.scan <min>, %reduce_min3A_776 masked %reduce_min3A_773 : vector<16xi32>, vector<16xi1> -> vector<16xi32>
      %reduce_min3A_778 = arith.xori %reduce_min3A_777, %reduce_min3A_775 : vector<16xi32>
      %reduce_min3A_779 = vector.extract %reduce_min3A_778[15] : i32 from vector<16xi32>
      %eq3A_780 = vector.broadcast %reduce_min3A_724 : f32 to vector<16xf32>
      %eq3A_781 = arith.cmpf oeq, %select_n3A_652, %eq3A_780 : vector<16xf32>
      %eq3A_782 = vector.broadcast %reduce_min3A_779 : i32 to vector<16xi32>
      %eq3A_783 = arith.cmpi eq, %get3A_136, %eq3A_782 : vector<16xi32>
      %and3A_784 = arith.andi %eq3A_781, %eq3A_783 : vector<16xi1>
      %jit3A_785 = arith.constant 1.000000e+30 : f32
      %broadcast_in_dim3A_786 = vector.broadcast %jit3A_785 : f32 to vector<16xf32>
      %select_n3A_787 = arith.select %and3A_784, %broadcast_in_dim3A_786, %select_n3A_652 : vector<16xi1>, vector<16xf32>
      %eq3A_788 = vector.broadcast %reduce_min3A_724 : f32 to vector<16xf32>
      %eq3A_789 = arith.cmpf oeq, %select_n3A_660, %eq3A_788 : vector<16xf32>
      %eq3A_790 = vector.broadcast %reduce_min3A_779 : i32 to vector<16xi32>
      %eq3A_791 = arith.cmpi eq, %get3A_140, %eq3A_790 : vector<16xi32>
      %and3A_792 = arith.andi %eq3A_789, %eq3A_791 : vector<16xi1>
      %jit3A_793 = arith.constant 1.000000e+30 : f32
      %broadcast_in_dim3A_794 = vector.broadcast %jit3A_793 : f32 to vector<16xf32>
      %select_n3A_795 = arith.select %and3A_792, %broadcast_in_dim3A_794, %select_n3A_660 : vector<16xi1>, vector<16xf32>
      %eq3A_796 = vector.broadcast %reduce_min3A_724 : f32 to vector<16xf32>
      %eq3A_797 = arith.cmpf oeq, %select_n3A_668, %eq3A_796 : vector<16xf32>
      %eq3A_798 = vector.broadcast %reduce_min3A_779 : i32 to vector<16xi32>
      %eq3A_799 = arith.cmpi eq, %get3A_144, %eq3A_798 : vector<16xi32>
      %and3A_800 = arith.andi %eq3A_797, %eq3A_799 : vector<16xi1>
      %jit3A_801 = arith.constant 1.000000e+30 : f32
      %broadcast_in_dim3A_802 = vector.broadcast %jit3A_801 : f32 to vector<16xf32>
      %select_n3A_803 = arith.select %and3A_800, %broadcast_in_dim3A_802, %select_n3A_668 : vector<16xi1>, vector<16xf32>
      %eq3A_804 = vector.broadcast %reduce_min3A_724 : f32 to vector<16xf32>
      %eq3A_805 = arith.cmpf oeq, %select_n3A_676, %eq3A_804 : vector<16xf32>
      %eq3A_806 = vector.broadcast %reduce_min3A_779 : i32 to vector<16xi32>
      %eq3A_807 = arith.cmpi eq, %get3A_148, %eq3A_806 : vector<16xi32>
      %and3A_808 = arith.andi %eq3A_805, %eq3A_807 : vector<16xi1>
      %jit3A_809 = arith.constant 1.000000e+30 : f32
      %broadcast_in_dim3A_810 = vector.broadcast %jit3A_809 : f32 to vector<16xf32>
      %select_n3A_811 = arith.select %and3A_808, %broadcast_in_dim3A_810, %select_n3A_676 : vector<16xi1>, vector<16xf32>
      %eq3A_812 = vector.broadcast %reduce_min3A_724 : f32 to vector<16xf32>
      %eq3A_813 = arith.cmpf oeq, %select_n3A_684, %eq3A_812 : vector<16xf32>
      %eq3A_814 = vector.broadcast %reduce_min3A_779 : i32 to vector<16xi32>
      %eq3A_815 = arith.cmpi eq, %get3A_152, %eq3A_814 : vector<16xi32>
      %and3A_816 = arith.andi %eq3A_813, %eq3A_815 : vector<16xi1>
      %jit3A_817 = arith.constant 1.000000e+30 : f32
      %broadcast_in_dim3A_818 = vector.broadcast %jit3A_817 : f32 to vector<16xf32>
      %select_n3A_819 = arith.select %and3A_816, %broadcast_in_dim3A_818, %select_n3A_684 : vector<16xi1>, vector<16xf32>
      %eq3A_820 = vector.broadcast %reduce_min3A_724 : f32 to vector<16xf32>
      %eq3A_821 = arith.cmpf oeq, %select_n3A_692, %eq3A_820 : vector<16xf32>
      %eq3A_822 = vector.broadcast %reduce_min3A_779 : i32 to vector<16xi32>
      %eq3A_823 = arith.cmpi eq, %get3A_156, %eq3A_822 : vector<16xi32>
      %and3A_824 = arith.andi %eq3A_821, %eq3A_823 : vector<16xi1>
      %jit3A_825 = arith.constant 1.000000e+30 : f32
      %broadcast_in_dim3A_826 = vector.broadcast %jit3A_825 : f32 to vector<16xf32>
      %select_n3A_827 = arith.select %and3A_824, %broadcast_in_dim3A_826, %select_n3A_692 : vector<16xi1>, vector<16xf32>
      %eq3A_828 = vector.broadcast %reduce_min3A_724 : f32 to vector<16xf32>
      %eq3A_829 = arith.cmpf oeq, %select_n3A_700, %eq3A_828 : vector<16xf32>
      %eq3A_830 = vector.broadcast %reduce_min3A_779 : i32 to vector<16xi32>
      %eq3A_831 = arith.cmpi eq, %get3A_160, %eq3A_830 : vector<16xi32>
      %and3A_832 = arith.andi %eq3A_829, %eq3A_831 : vector<16xi1>
      %jit3A_833 = arith.constant 1.000000e+30 : f32
      %broadcast_in_dim3A_834 = vector.broadcast %jit3A_833 : f32 to vector<16xf32>
      %select_n3A_835 = arith.select %and3A_832, %broadcast_in_dim3A_834, %select_n3A_700 : vector<16xi1>, vector<16xf32>
      %eq3A_836 = vector.broadcast %reduce_min3A_724 : f32 to vector<16xf32>
      %eq3A_837 = arith.cmpf oeq, %select_n3A_708, %eq3A_836 : vector<16xf32>
      %eq3A_838 = vector.broadcast %reduce_min3A_779 : i32 to vector<16xi32>
      %eq3A_839 = arith.cmpi eq, %get3A_164, %eq3A_838 : vector<16xi32>
      %and3A_840 = arith.andi %eq3A_837, %eq3A_839 : vector<16xi1>
      %jit3A_841 = arith.constant 1.000000e+30 : f32
      %broadcast_in_dim3A_842 = vector.broadcast %jit3A_841 : f32 to vector<16xf32>
      %select_n3A_843 = arith.select %and3A_840, %broadcast_in_dim3A_842, %select_n3A_708 : vector<16xi1>, vector<16xf32>
      %eq3A_844 = arith.constant 5 : i32
      %eq3A_845 = vector.broadcast %eq3A_844 : i32 to vector<16xi32>
      %eq3A_846 = arith.cmpi eq, %iota3A, %eq3A_845 : vector<16xi32>
      %broadcast_in_dim3A_847 = vector.broadcast %reduce_min3A_779 : i32 to vector<16xi32>
      %select_n3A_848 = arith.select %eq3A_846, %broadcast_in_dim3A_847, %select_n3A_713 : vector<16xi1>, vector<16xi32>
      %min3A_849 = arith.minimumf %select_n3A_787, %select_n3A_795 : vector<16xf32>
      %min3A_850 = arith.minimumf %min3A_849, %select_n3A_803 : vector<16xf32>
      %min3A_851 = arith.minimumf %min3A_850, %select_n3A_811 : vector<16xf32>
      %min3A_852 = arith.minimumf %min3A_851, %select_n3A_819 : vector<16xf32>
      %min3A_853 = arith.minimumf %min3A_852, %select_n3A_827 : vector<16xf32>
      %min3A_854 = arith.minimumf %min3A_853, %select_n3A_835 : vector<16xf32>
      %min3A_855 = arith.minimumf %min3A_854, %select_n3A_843 : vector<16xf32>
      %reduce_min3A_856 = arith.constant true
      %reduce_min3A_857 = vector.broadcast %reduce_min3A_856 : i1 to vector<16xi1>
      %reduce_min3A_858 = tpu.scan <min>, %min3A_855 masked %reduce_min3A_857 : vector<16xf32>, vector<16xi1> -> vector<16xf32>
      %reduce_min3A_859 = vector.extract %reduce_min3A_858[15] : f32 from vector<16xf32>
      %eq3A_860 = vector.broadcast %reduce_min3A_859 : f32 to vector<16xf32>
      %eq3A_861 = arith.cmpf oeq, %select_n3A_787, %eq3A_860 : vector<16xf32>
      %jit3A_862 = arith.constant 2147483647 : i32
      %broadcast_in_dim3A_863 = vector.broadcast %jit3A_862 : i32 to vector<16xi32>
      %select_n3A_864 = arith.select %eq3A_861, %get3A_136, %broadcast_in_dim3A_863 : vector<16xi1>, vector<16xi32>
      %eq3A_865 = vector.broadcast %reduce_min3A_859 : f32 to vector<16xf32>
      %eq3A_866 = arith.cmpf oeq, %select_n3A_795, %eq3A_865 : vector<16xf32>
      %jit3A_867 = arith.constant 2147483647 : i32
      %broadcast_in_dim3A_868 = vector.broadcast %jit3A_867 : i32 to vector<16xi32>
      %select_n3A_869 = arith.select %eq3A_866, %get3A_140, %broadcast_in_dim3A_868 : vector<16xi1>, vector<16xi32>
      %min3A_870 = arith.minsi %select_n3A_864, %select_n3A_869 : vector<16xi32>
      %eq3A_871 = vector.broadcast %reduce_min3A_859 : f32 to vector<16xf32>
      %eq3A_872 = arith.cmpf oeq, %select_n3A_803, %eq3A_871 : vector<16xf32>
      %jit3A_873 = arith.constant 2147483647 : i32
      %broadcast_in_dim3A_874 = vector.broadcast %jit3A_873 : i32 to vector<16xi32>
      %select_n3A_875 = arith.select %eq3A_872, %get3A_144, %broadcast_in_dim3A_874 : vector<16xi1>, vector<16xi32>
      %min3A_876 = arith.minsi %min3A_870, %select_n3A_875 : vector<16xi32>
      %eq3A_877 = vector.broadcast %reduce_min3A_859 : f32 to vector<16xf32>
      %eq3A_878 = arith.cmpf oeq, %select_n3A_811, %eq3A_877 : vector<16xf32>
      %jit3A_879 = arith.constant 2147483647 : i32
      %broadcast_in_dim3A_880 = vector.broadcast %jit3A_879 : i32 to vector<16xi32>
      %select_n3A_881 = arith.select %eq3A_878, %get3A_148, %broadcast_in_dim3A_880 : vector<16xi1>, vector<16xi32>
      %min3A_882 = arith.minsi %min3A_876, %select_n3A_881 : vector<16xi32>
      %eq3A_883 = vector.broadcast %reduce_min3A_859 : f32 to vector<16xf32>
      %eq3A_884 = arith.cmpf oeq, %select_n3A_819, %eq3A_883 : vector<16xf32>
      %jit3A_885 = arith.constant 2147483647 : i32
      %broadcast_in_dim3A_886 = vector.broadcast %jit3A_885 : i32 to vector<16xi32>
      %select_n3A_887 = arith.select %eq3A_884, %get3A_152, %broadcast_in_dim3A_886 : vector<16xi1>, vector<16xi32>
      %min3A_888 = arith.minsi %min3A_882, %select_n3A_887 : vector<16xi32>
      %eq3A_889 = vector.broadcast %reduce_min3A_859 : f32 to vector<16xf32>
      %eq3A_890 = arith.cmpf oeq, %select_n3A_827, %eq3A_889 : vector<16xf32>
      %jit3A_891 = arith.constant 2147483647 : i32
      %broadcast_in_dim3A_892 = vector.broadcast %jit3A_891 : i32 to vector<16xi32>
      %select_n3A_893 = arith.select %eq3A_890, %get3A_156, %broadcast_in_dim3A_892 : vector<16xi1>, vector<16xi32>
      %min3A_894 = arith.minsi %min3A_888, %select_n3A_893 : vector<16xi32>
      %eq3A_895 = vector.broadcast %reduce_min3A_859 : f32 to vector<16xf32>
      %eq3A_896 = arith.cmpf oeq, %select_n3A_835, %eq3A_895 : vector<16xf32>
      %jit3A_897 = arith.constant 2147483647 : i32
      %broadcast_in_dim3A_898 = vector.broadcast %jit3A_897 : i32 to vector<16xi32>
      %select_n3A_899 = arith.select %eq3A_896, %get3A_160, %broadcast_in_dim3A_898 : vector<16xi1>, vector<16xi32>
      %min3A_900 = arith.minsi %min3A_894, %select_n3A_899 : vector<16xi32>
      %eq3A_901 = vector.broadcast %reduce_min3A_859 : f32 to vector<16xf32>
      %eq3A_902 = arith.cmpf oeq, %select_n3A_843, %eq3A_901 : vector<16xf32>
      %jit3A_903 = arith.constant 2147483647 : i32
      %broadcast_in_dim3A_904 = vector.broadcast %jit3A_903 : i32 to vector<16xi32>
      %select_n3A_905 = arith.select %eq3A_902, %get3A_164, %broadcast_in_dim3A_904 : vector<16xi1>, vector<16xi32>
      %min3A_906 = arith.minsi %min3A_900, %select_n3A_905 : vector<16xi32>
      %reduce_min3A_907 = arith.constant true
      %reduce_min3A_908 = vector.broadcast %reduce_min3A_907 : i1 to vector<16xi1>
      %reduce_min3A_909 = arith.constant -2147483648 : i32
      %reduce_min3A_910 = vector.broadcast %reduce_min3A_909 : i32 to vector<16xi32>
      %reduce_min3A_911 = arith.xori %min3A_906, %reduce_min3A_910 : vector<16xi32>
      %reduce_min3A_912 = tpu.scan <min>, %reduce_min3A_911 masked %reduce_min3A_908 : vector<16xi32>, vector<16xi1> -> vector<16xi32>
      %reduce_min3A_913 = arith.xori %reduce_min3A_912, %reduce_min3A_910 : vector<16xi32>
      %reduce_min3A_914 = vector.extract %reduce_min3A_913[15] : i32 from vector<16xi32>
      %eq3A_915 = vector.broadcast %reduce_min3A_859 : f32 to vector<16xf32>
      %eq3A_916 = arith.cmpf oeq, %select_n3A_787, %eq3A_915 : vector<16xf32>
      %eq3A_917 = vector.broadcast %reduce_min3A_914 : i32 to vector<16xi32>
      %eq3A_918 = arith.cmpi eq, %get3A_136, %eq3A_917 : vector<16xi32>
      %and3A_919 = arith.andi %eq3A_916, %eq3A_918 : vector<16xi1>
      %jit3A_920 = arith.constant 1.000000e+30 : f32
      %broadcast_in_dim3A_921 = vector.broadcast %jit3A_920 : f32 to vector<16xf32>
      %select_n3A_922 = arith.select %and3A_919, %broadcast_in_dim3A_921, %select_n3A_787 : vector<16xi1>, vector<16xf32>
      %eq3A_923 = vector.broadcast %reduce_min3A_859 : f32 to vector<16xf32>
      %eq3A_924 = arith.cmpf oeq, %select_n3A_795, %eq3A_923 : vector<16xf32>
      %eq3A_925 = vector.broadcast %reduce_min3A_914 : i32 to vector<16xi32>
      %eq3A_926 = arith.cmpi eq, %get3A_140, %eq3A_925 : vector<16xi32>
      %and3A_927 = arith.andi %eq3A_924, %eq3A_926 : vector<16xi1>
      %jit3A_928 = arith.constant 1.000000e+30 : f32
      %broadcast_in_dim3A_929 = vector.broadcast %jit3A_928 : f32 to vector<16xf32>
      %select_n3A_930 = arith.select %and3A_927, %broadcast_in_dim3A_929, %select_n3A_795 : vector<16xi1>, vector<16xf32>
      %eq3A_931 = vector.broadcast %reduce_min3A_859 : f32 to vector<16xf32>
      %eq3A_932 = arith.cmpf oeq, %select_n3A_803, %eq3A_931 : vector<16xf32>
      %eq3A_933 = vector.broadcast %reduce_min3A_914 : i32 to vector<16xi32>
      %eq3A_934 = arith.cmpi eq, %get3A_144, %eq3A_933 : vector<16xi32>
      %and3A_935 = arith.andi %eq3A_932, %eq3A_934 : vector<16xi1>
      %jit3A_936 = arith.constant 1.000000e+30 : f32
      %broadcast_in_dim3A_937 = vector.broadcast %jit3A_936 : f32 to vector<16xf32>
      %select_n3A_938 = arith.select %and3A_935, %broadcast_in_dim3A_937, %select_n3A_803 : vector<16xi1>, vector<16xf32>
      %eq3A_939 = vector.broadcast %reduce_min3A_859 : f32 to vector<16xf32>
      %eq3A_940 = arith.cmpf oeq, %select_n3A_811, %eq3A_939 : vector<16xf32>
      %eq3A_941 = vector.broadcast %reduce_min3A_914 : i32 to vector<16xi32>
      %eq3A_942 = arith.cmpi eq, %get3A_148, %eq3A_941 : vector<16xi32>
      %and3A_943 = arith.andi %eq3A_940, %eq3A_942 : vector<16xi1>
      %jit3A_944 = arith.constant 1.000000e+30 : f32
      %broadcast_in_dim3A_945 = vector.broadcast %jit3A_944 : f32 to vector<16xf32>
      %select_n3A_946 = arith.select %and3A_943, %broadcast_in_dim3A_945, %select_n3A_811 : vector<16xi1>, vector<16xf32>
      %eq3A_947 = vector.broadcast %reduce_min3A_859 : f32 to vector<16xf32>
      %eq3A_948 = arith.cmpf oeq, %select_n3A_819, %eq3A_947 : vector<16xf32>
      %eq3A_949 = vector.broadcast %reduce_min3A_914 : i32 to vector<16xi32>
      %eq3A_950 = arith.cmpi eq, %get3A_152, %eq3A_949 : vector<16xi32>
      %and3A_951 = arith.andi %eq3A_948, %eq3A_950 : vector<16xi1>
      %jit3A_952 = arith.constant 1.000000e+30 : f32
      %broadcast_in_dim3A_953 = vector.broadcast %jit3A_952 : f32 to vector<16xf32>
      %select_n3A_954 = arith.select %and3A_951, %broadcast_in_dim3A_953, %select_n3A_819 : vector<16xi1>, vector<16xf32>
      %eq3A_955 = vector.broadcast %reduce_min3A_859 : f32 to vector<16xf32>
      %eq3A_956 = arith.cmpf oeq, %select_n3A_827, %eq3A_955 : vector<16xf32>
      %eq3A_957 = vector.broadcast %reduce_min3A_914 : i32 to vector<16xi32>
      %eq3A_958 = arith.cmpi eq, %get3A_156, %eq3A_957 : vector<16xi32>
      %and3A_959 = arith.andi %eq3A_956, %eq3A_958 : vector<16xi1>
      %jit3A_960 = arith.constant 1.000000e+30 : f32
      %broadcast_in_dim3A_961 = vector.broadcast %jit3A_960 : f32 to vector<16xf32>
      %select_n3A_962 = arith.select %and3A_959, %broadcast_in_dim3A_961, %select_n3A_827 : vector<16xi1>, vector<16xf32>
      %eq3A_963 = vector.broadcast %reduce_min3A_859 : f32 to vector<16xf32>
      %eq3A_964 = arith.cmpf oeq, %select_n3A_835, %eq3A_963 : vector<16xf32>
      %eq3A_965 = vector.broadcast %reduce_min3A_914 : i32 to vector<16xi32>
      %eq3A_966 = arith.cmpi eq, %get3A_160, %eq3A_965 : vector<16xi32>
      %and3A_967 = arith.andi %eq3A_964, %eq3A_966 : vector<16xi1>
      %jit3A_968 = arith.constant 1.000000e+30 : f32
      %broadcast_in_dim3A_969 = vector.broadcast %jit3A_968 : f32 to vector<16xf32>
      %select_n3A_970 = arith.select %and3A_967, %broadcast_in_dim3A_969, %select_n3A_835 : vector<16xi1>, vector<16xf32>
      %eq3A_971 = vector.broadcast %reduce_min3A_859 : f32 to vector<16xf32>
      %eq3A_972 = arith.cmpf oeq, %select_n3A_843, %eq3A_971 : vector<16xf32>
      %eq3A_973 = vector.broadcast %reduce_min3A_914 : i32 to vector<16xi32>
      %eq3A_974 = arith.cmpi eq, %get3A_164, %eq3A_973 : vector<16xi32>
      %and3A_975 = arith.andi %eq3A_972, %eq3A_974 : vector<16xi1>
      %jit3A_976 = arith.constant 1.000000e+30 : f32
      %broadcast_in_dim3A_977 = vector.broadcast %jit3A_976 : f32 to vector<16xf32>
      %select_n3A_978 = arith.select %and3A_975, %broadcast_in_dim3A_977, %select_n3A_843 : vector<16xi1>, vector<16xf32>
      %eq3A_979 = arith.constant 6 : i32
      %eq3A_980 = vector.broadcast %eq3A_979 : i32 to vector<16xi32>
      %eq3A_981 = arith.cmpi eq, %iota3A, %eq3A_980 : vector<16xi32>
      %broadcast_in_dim3A_982 = vector.broadcast %reduce_min3A_914 : i32 to vector<16xi32>
      %select_n3A_983 = arith.select %eq3A_981, %broadcast_in_dim3A_982, %select_n3A_848 : vector<16xi1>, vector<16xi32>
      %dma_start3A_984 = arith.constant 0 : i32
      %dma_start3A_985 = arith.constant 0 : i32
      %dma_start3A_986 = tpu.memref_slice %arg5[%dma_start3A_984, %dma_start3A_985] : memref<100000x128xf32, #tpu.memory_space<hbm>> -> memref<100000x128xf32, #tpu.memory_space<hbm>>
      tpu.enqueue_indirect_dma source(%dma_start3A_986 : memref<100000x128xf32, #tpu.memory_space<hbm>>) target(%arg10 : memref<16x128xf32, #tpu.memory_space<vmem>>) offsets(%select_n3A_983 : vector<16xi32>) semaphore(%arg16 : memref<!tpu.dma_semaphore, #tpu.memory_space<semaphore_mem>>)
      %dma_wait3A_987 = arith.constant 0 : i32
      %dma_wait3A_988 = arith.constant 0 : i32
      %dma_wait3A_989 = tpu.memref_slice %arg5[%dma_wait3A_987, %dma_wait3A_988] : memref<100000x128xf32, #tpu.memory_space<hbm>> -> memref<100000x128xf32, #tpu.memory_space<hbm>>
      tpu.wait_indirect_dma semaphore(%arg16 : memref<!tpu.dma_semaphore, #tpu.memory_space<semaphore_mem>>) src(%dma_wait3A_989 : memref<100000x128xf32, #tpu.memory_space<hbm>>) dst(%arg10 : memref<16x128xf32, #tpu.memory_space<vmem>>)
      "tpu.region"() ({
        %run_scoped3A = tpu.sem_alloc : memref<!tpu.dma_semaphore, #tpu.memory_space<semaphore_mem>>
        %dma_start3A_991 = arith.constant 0 : i32
        %dma_start3A_992 = arith.constant 0 : i32
        %dma_start3A_993 = tpu.memref_slice %arg10[%dma_start3A_991, %dma_start3A_992] : memref<16x128xf32, #tpu.memory_space<vmem>> -> memref<8x128xf32, #tpu.memory_space<vmem>>
        %dma_start3A_994 = arith.constant 0 : i32
        %dma_start3A_995 = arith.constant 0 : i32
        %dma_start3A_996 = tpu.memref_slice %arg6[%add3A_96, %dma_start3A_994, %dma_start3A_995] : memref<512x8x128xf32, #tpu.memory_space<hbm>> -> memref<1x8x128xf32, #tpu.memory_space<hbm>>
        %dma_start3A_997 = tpu.memref_squeeze %dma_start3A_996 : memref<1x8x128xf32, #tpu.memory_space<hbm>> -> memref<8x128xf32, #tpu.memory_space<hbm>>
        %dma_start3A_998 = arith.constant 0 : i32
        %dma_start3A_999 = arith.constant 0 : i32
        %dma_start3A_1000 = tpu.memref_slice %arg6[%add3A_96, %dma_start3A_998, %dma_start3A_999] : memref<512x8x128xf32, #tpu.memory_space<hbm>> -> memref<1x8x128xf32, #tpu.memory_space<hbm>>
        %dma_start3A_1001 = tpu.memref_squeeze %dma_start3A_1000 : memref<1x8x128xf32, #tpu.memory_space<hbm>> -> memref<8x128xf32, #tpu.memory_space<hbm>>
        %dma_start3A_1002 = arith.constant 0 : i32
        %dma_start3A_1003 = arith.constant 0 : i32
        %dma_start3A_1004 = tpu.memref_slice %arg10[%dma_start3A_1002, %dma_start3A_1003] : memref<16x128xf32, #tpu.memory_space<vmem>> -> memref<8x128xf32, #tpu.memory_space<vmem>>
        tpu.enqueue_dma source(%dma_start3A_1004 : memref<8x128xf32, #tpu.memory_space<vmem>>) target(%dma_start3A_1001 : memref<8x128xf32, #tpu.memory_space<hbm>>) target_semaphore(%run_scoped3A : memref<!tpu.dma_semaphore, #tpu.memory_space<semaphore_mem>>)
        %dma_wait3A_1005 = arith.constant 0 : i32
        %dma_wait3A_1006 = arith.constant 0 : i32
        %dma_wait3A_1007 = tpu.memref_slice %arg10[%dma_wait3A_1005, %dma_wait3A_1006] : memref<16x128xf32, #tpu.memory_space<vmem>> -> memref<8x128xf32, #tpu.memory_space<vmem>>
        %dma_wait3A_1008 = arith.constant 0 : i32
        %dma_wait3A_1009 = arith.constant 0 : i32
        %dma_wait3A_1010 = tpu.memref_slice %arg6[%add3A_96, %dma_wait3A_1008, %dma_wait3A_1009] : memref<512x8x128xf32, #tpu.memory_space<hbm>> -> memref<1x8x128xf32, #tpu.memory_space<hbm>>
        %dma_wait3A_1011 = tpu.memref_squeeze %dma_wait3A_1010 : memref<1x8x128xf32, #tpu.memory_space<hbm>> -> memref<8x128xf32, #tpu.memory_space<hbm>>
        %dma_wait3A_1012 = arith.constant 0 : i32
        %dma_wait3A_1013 = arith.constant 0 : i32
        %dma_wait3A_1014 = tpu.memref_slice %arg6[%add3A_96, %dma_wait3A_1012, %dma_wait3A_1013] : memref<512x8x128xf32, #tpu.memory_space<hbm>> -> memref<1x8x128xf32, #tpu.memory_space<hbm>>
        %dma_wait3A_1015 = tpu.memref_squeeze %dma_wait3A_1014 : memref<1x8x128xf32, #tpu.memory_space<hbm>> -> memref<8x128xf32, #tpu.memory_space<hbm>>
        %dma_wait3A_1016 = arith.constant 0 : i32
        %dma_wait3A_1017 = arith.constant 0 : i32
        %dma_wait3A_1018 = tpu.memref_slice %arg10[%dma_wait3A_1016, %dma_wait3A_1017] : memref<16x128xf32, #tpu.memory_space<vmem>> -> memref<8x128xf32, #tpu.memory_space<vmem>>
        tpu.wait_dma2 semaphore(%run_scoped3A : memref<!tpu.dma_semaphore, #tpu.memory_space<semaphore_mem>>) src(%dma_wait3A_1018 : memref<8x128xf32, #tpu.memory_space<vmem>>) dst(%dma_wait3A_1015 : memref<8x128xf32, #tpu.memory_space<hbm>>)
        tpu.yield
      }) : () -> ()
      %scan3A_990 = arith.constant 0 : i32
      scf.yield %scan3A_990 : i32
    }
    %scan3A_93 = arith.constant 16 : i32
    return
  }
}

module attributes {stable_mosaic.version = 14 : i64} {
  func.func @_main_body(%arg0: i32, %arg1: memref<512x128xf32, #tpu.memory_space<vmem>>, %arg2: memref<2048x128xf32, #tpu.memory_space<vmem>>, %arg3: memref<512x1xf32, #tpu.memory_space<vmem>>, %arg4: memref<512x8xf32, #tpu.memory_space<vmem>>, %arg5: memref<512x8xi32, #tpu.memory_space<vmem>>, %arg6: memref<512x1xf32, #tpu.memory_space<vmem>>, %arg7: memref<512x2048xf32, #tpu.memory_space<vmem>>, %arg8: memref<512x2048xi32, #tpu.memory_space<vmem>>) attributes {dimension_semantics = [#tpu.dimension_semantics<arbitrary>], iteration_bounds = array<i64: 49>, scalar_prefetch = 0 : i64, scratch_operands = 3 : i64, tpu.core_type = #tpu.core_type<tc>, window_params = [{pipeline_mode = #tpu.pipeline_mode<synchronous>, transform_indices = @transform_0, window_bounds = array<i64: 512, 128>}, {transform_indices = @transform_1, window_bounds = array<i64: 2048, 128>}, {pipeline_mode = #tpu.pipeline_mode<synchronous>, transform_indices = @transform_2, window_bounds = array<i64: 512, 1>}, {pipeline_mode = #tpu.pipeline_mode<synchronous>, transform_indices = @transform_3, window_bounds = array<i64: 512, 8>}, {pipeline_mode = #tpu.pipeline_mode<synchronous>, transform_indices = @transform_4, window_bounds = array<i64: 512, 8>}]} {
    %eq3A = arith.constant 0 : i32
    %eq3A_0 = arith.cmpi eq, %arg0, %eq3A : i32
    %convert_element_type3A = arith.extui %eq3A_0 : i1 to i32
    %cond3A = arith.constant 0 : i32
    %cond3A_1 = arith.cmpi ne, %convert_element_type3A, %cond3A : i32
    scf.if %cond3A_1 {
      %iota3A_47 = tpu.iota {dimensions = array<i32: 1>} : vector<512x2048xi32>
      %broadcast_in_dim3A_48 = arith.constant 0.000000e+00 : f32
      %broadcast_in_dim3A_49 = vector.broadcast %broadcast_in_dim3A_48 : f32 to vector<512x1xf32>
      %swap3A_50 = arith.constant 0 : index
      %swap3A_51 = arith.constant 0 : index
      %swap3A_52 = vector.load %arg6[%swap3A_50, %swap3A_51] : memref<512x1xf32, #tpu.memory_space<vmem>>, vector<512x1xf32>
      tpu.vector_store %arg6[%swap3A_50, %swap3A_51], %broadcast_in_dim3A_49 {strides = array<i32>} : memref<512x1xf32, #tpu.memory_space<vmem>>, vector<512x1xf32>,
      %broadcast_in_dim3A_53 = arith.constant -1.000000e+30 : f32
      %broadcast_in_dim3A_54 = vector.broadcast %broadcast_in_dim3A_53 : f32 to vector<512x2048xf32>
      %swap3A_55 = arith.constant 0 : index
      %swap3A_56 = arith.constant 0 : index
      %swap3A_57 = vector.load %arg7[%swap3A_55, %swap3A_56] : memref<512x2048xf32, #tpu.memory_space<vmem>>, vector<512x2048xf32>
      tpu.vector_store %arg7[%swap3A_55, %swap3A_56], %broadcast_in_dim3A_54 {strides = array<i32>} : memref<512x2048xf32, #tpu.memory_space<vmem>>, vector<512x2048xf32>,
      %add3A_58 = arith.constant 1 : i32
      %add3A_59 = vector.broadcast %add3A_58 : i32 to vector<512x2048xi32>
      %add3A_60 = arith.addi %iota3A_47, %add3A_59 : vector<512x2048xi32>
      %neg3A = arith.constant 0 : i32
      %neg3A_61 = vector.broadcast %neg3A : i32 to vector<512x2048xi32>
      %neg3A_62 = arith.subi %neg3A_61, %add3A_60 : vector<512x2048xi32>
      %swap3A_63 = arith.constant 0 : index
      %swap3A_64 = arith.constant 0 : index
      %swap3A_65 = vector.load %arg8[%swap3A_63, %swap3A_64] : memref<512x2048xi32, #tpu.memory_space<vmem>>, vector<512x2048xi32>
      tpu.vector_store %arg8[%swap3A_63, %swap3A_64], %neg3A_62 {strides = array<i32>} : memref<512x2048xi32, #tpu.memory_space<vmem>>, vector<512x2048xi32>,
    } else {
    }
    %get3A = arith.constant 0 : index
    %get3A_2 = arith.constant 0 : index
    %get3A_3 = vector.load %arg1[%get3A, %get3A_2] : memref<512x128xf32, #tpu.memory_space<vmem>>, vector<512x128xf32>
    %mul3A = arith.mulf %get3A_3, %get3A_3 : vector<512x128xf32>
    %reduce_sum3A = arith.constant dense<0.000000e+00> : vector<512xf32>
    %reduce_sum3A_4 = vector.multi_reduction <add>, %mul3A, %reduce_sum3A [1] : vector<512x128xf32> to vector<512xf32>
    %broadcast_in_dim3A = vector.shape_cast %reduce_sum3A_4 : vector<512xf32> to vector<512x1xf32>
    %rsqrt3A = math.rsqrt %broadcast_in_dim3A : vector<512x1xf32>
    %div3A = arith.constant 5.000000e-02 : f32
    %div3A_5 = vector.broadcast %div3A : f32 to vector<512x1xf32>
    %div3A_6 = arith.divf %rsqrt3A, %div3A_5 : vector<512x1xf32>
    %mul3A_7 = vector.broadcast %div3A_6 : vector<512x1xf32> to vector<512x128xf32>
    %mul3A_8 = arith.mulf %get3A_3, %mul3A_7 : vector<512x128xf32>
    %get3A_9 = arith.constant 0 : index
    %get3A_10 = arith.constant 0 : index
    %get3A_11 = vector.load %arg2[%get3A_9, %get3A_10] : memref<2048x128xf32, #tpu.memory_space<vmem>>, vector<2048x128xf32>
    %dot_general3A = arith.constant dense<0.000000e+00> : vector<512x2048xf32>
    %dot_general3A_12 = tpu.matmul %mul3A_8, %get3A_11, %dot_general3A {dimension_numbers = #tpu.dot_dimension_numbers<[1], [1], [0], [0], [0, 0, 1, 0], [], []>, transpose_lhs_hint = false} : vector<512x128xf32>, vector<2048x128xf32>, vector<512x2048xf32> -> vector<512x2048xf32>
    %iota3A = tpu.iota {dimensions = array<i32: 1>} : vector<512x2048xi32>
    %mul3A_13 = arith.constant 2048 : i32
    %mul3A_14 = arith.muli %arg0, %mul3A_13 : i32
    %add3A = vector.broadcast %mul3A_14 : i32 to vector<512x2048xi32>
    %add3A_15 = arith.addi %iota3A, %add3A : vector<512x2048xi32>
    %lt3A = arith.constant 100000 : i32
    %lt3A_16 = vector.broadcast %lt3A : i32 to vector<512x2048xi32>
    %lt3A_17 = arith.cmpi slt, %add3A_15, %lt3A_16 : vector<512x2048xi32>
    %jit3A = arith.constant -1.000000e+30 : f32
    %broadcast_in_dim3A_18 = vector.broadcast %jit3A : f32 to vector<512x2048xf32>
    %select_n3A = arith.select %lt3A_17, %dot_general3A_12, %broadcast_in_dim3A_18 : vector<512x2048xi1>, vector<512x2048xf32>
    %get3A_19 = arith.constant 0 : index
    %get3A_20 = arith.constant 0 : index
    %get3A_21 = vector.load %arg6[%get3A_19, %get3A_20] : memref<512x1xf32, #tpu.memory_space<vmem>>, vector<512x1xf32>
    %exp3A = math.exp %select_n3A : vector<512x2048xf32>
    %reduce_sum3A_22 = arith.constant dense<0.000000e+00> : vector<512xf32>
    %reduce_sum3A_23 = vector.multi_reduction <add>, %exp3A, %reduce_sum3A_22 [1] : vector<512x2048xf32> to vector<512xf32>
    %broadcast_in_dim3A_24 = vector.shape_cast %reduce_sum3A_23 : vector<512xf32> to vector<512x1xf32>
    %add3A_25 = arith.addf %get3A_21, %broadcast_in_dim3A_24 : vector<512x1xf32>
    %swap3A = arith.constant 0 : index
    %swap3A_26 = arith.constant 0 : index
    %swap3A_27 = vector.load %arg6[%swap3A, %swap3A_26] : memref<512x1xf32, #tpu.memory_space<vmem>>, vector<512x1xf32>
    tpu.vector_store %arg6[%swap3A, %swap3A_26], %add3A_25 {strides = array<i32>} : memref<512x1xf32, #tpu.memory_space<vmem>>, vector<512x1xf32>,
    %get3A_28 = arith.constant 0 : index
    %get3A_29 = arith.constant 0 : index
    %get3A_30 = vector.load %arg7[%get3A_28, %get3A_29] : memref<512x2048xf32, #tpu.memory_space<vmem>>, vector<512x2048xf32>
    %gt3A = arith.cmpf ogt, %select_n3A, %get3A_30 : vector<512x2048xf32>
    %select_n3A_31 = arith.select %gt3A, %select_n3A, %get3A_30 : vector<512x2048xi1>, vector<512x2048xf32>
    %swap3A_32 = arith.constant 0 : index
    %swap3A_33 = arith.constant 0 : index
    %swap3A_34 = vector.load %arg7[%swap3A_32, %swap3A_33] : memref<512x2048xf32, #tpu.memory_space<vmem>>, vector<512x2048xf32>
    tpu.vector_store %arg7[%swap3A_32, %swap3A_33], %select_n3A_31 {strides = array<i32>} : memref<512x2048xf32, #tpu.memory_space<vmem>>, vector<512x2048xf32>,
    %get3A_35 = arith.constant 0 : index
    %get3A_36 = arith.constant 0 : index
    %get3A_37 = vector.load %arg8[%get3A_35, %get3A_36] : memref<512x2048xi32, #tpu.memory_space<vmem>>, vector<512x2048xi32>
    %select_n3A_38 = arith.select %gt3A, %add3A_15, %get3A_37 : vector<512x2048xi1>, vector<512x2048xi32>
    %swap3A_39 = arith.constant 0 : index
    %swap3A_40 = arith.constant 0 : index
    %swap3A_41 = vector.load %arg8[%swap3A_39, %swap3A_40] : memref<512x2048xi32, #tpu.memory_space<vmem>>, vector<512x2048xi32>
    tpu.vector_store %arg8[%swap3A_39, %swap3A_40], %select_n3A_38 {strides = array<i32>} : memref<512x2048xi32, #tpu.memory_space<vmem>>, vector<512x2048xi32>,
    %eq3A_42 = arith.constant 48 : i32
    %eq3A_43 = arith.cmpi eq, %arg0, %eq3A_42 : i32
    %convert_element_type3A_44 = arith.extui %eq3A_43 : i1 to i32
    %cond3A_45 = arith.constant 0 : i32
    %cond3A_46 = arith.cmpi ne, %convert_element_type3A_44, %cond3A_45 : i32
    scf.if %cond3A_46 {
      %get3A_47 = arith.constant 0 : index
      %get3A_48 = arith.constant 0 : index
      %get3A_49 = vector.load %arg7[%get3A_47, %get3A_48] : memref<512x2048xf32, #tpu.memory_space<vmem>>, vector<512x2048xf32>
      %get3A_50 = arith.constant 0 : index
      %get3A_51 = arith.constant 0 : index
      %get3A_52 = vector.load %arg8[%get3A_50, %get3A_51] : memref<512x2048xi32, #tpu.memory_space<vmem>>, vector<512x2048xi32>
      %reduce_max3A = arith.constant dense<0xFF800000> : vector<512xf32>
      %reduce_max3A_53 = vector.multi_reduction <maximumf>, %get3A_49, %reduce_max3A [1] : vector<512x2048xf32> to vector<512xf32>
      %broadcast_in_dim3A_54 = vector.shape_cast %reduce_max3A_53 : vector<512xf32> to vector<512x1xf32>
      %eq3A_55 = vector.broadcast %broadcast_in_dim3A_54 : vector<512x1xf32> to vector<512x2048xf32>
      %eq3A_56 = arith.cmpf oeq, %get3A_49, %eq3A_55 : vector<512x2048xf32>
      %jit3A_57 = arith.constant 2147483647 : i32
      %broadcast_in_dim3A_58 = vector.broadcast %jit3A_57 : i32 to vector<512x2048xi32>
      %select_n3A_59 = arith.select %eq3A_56, %get3A_52, %broadcast_in_dim3A_58 : vector<512x2048xi1>, vector<512x2048xi32>
      %reduce_min3A = arith.constant dense<2147483647> : vector<512xi32>
      %reduce_min3A_60 = vector.multi_reduction <minsi>, %select_n3A_59, %reduce_min3A [1] : vector<512x2048xi32> to vector<512xi32>
      %broadcast_in_dim3A_61 = vector.shape_cast %reduce_min3A_60 : vector<512xi32> to vector<512x1xi32>
      %eq3A_62 = vector.broadcast %broadcast_in_dim3A_61 : vector<512x1xi32> to vector<512x2048xi32>
      %eq3A_63 = arith.cmpi eq, %select_n3A_59, %eq3A_62 : vector<512x2048xi32>
      %jit3A_64 = arith.constant -1.000000e+30 : f32
      %broadcast_in_dim3A_65 = vector.broadcast %jit3A_64 : f32 to vector<512x2048xf32>
      %select_n3A_66 = arith.select %eq3A_63, %broadcast_in_dim3A_65, %get3A_49 : vector<512x2048xi1>, vector<512x2048xf32>
      %reduce_max3A_67 = arith.constant dense<0xFF800000> : vector<512xf32>
      %reduce_max3A_68 = vector.multi_reduction <maximumf>, %select_n3A_66, %reduce_max3A_67 [1] : vector<512x2048xf32> to vector<512xf32>
      %broadcast_in_dim3A_69 = vector.shape_cast %reduce_max3A_68 : vector<512xf32> to vector<512x1xf32>
      %eq3A_70 = vector.broadcast %broadcast_in_dim3A_69 : vector<512x1xf32> to vector<512x2048xf32>
      %eq3A_71 = arith.cmpf oeq, %select_n3A_66, %eq3A_70 : vector<512x2048xf32>
      %jit3A_72 = arith.constant 2147483647 : i32
      %broadcast_in_dim3A_73 = vector.broadcast %jit3A_72 : i32 to vector<512x2048xi32>
      %select_n3A_74 = arith.select %eq3A_71, %get3A_52, %broadcast_in_dim3A_73 : vector<512x2048xi1>, vector<512x2048xi32>
      %reduce_min3A_75 = arith.constant dense<2147483647> : vector<512xi32>
      %reduce_min3A_76 = vector.multi_reduction <minsi>, %select_n3A_74, %reduce_min3A_75 [1] : vector<512x2048xi32> to vector<512xi32>
      %broadcast_in_dim3A_77 = vector.shape_cast %reduce_min3A_76 : vector<512xi32> to vector<512x1xi32>
      %eq3A_78 = vector.broadcast %broadcast_in_dim3A_77 : vector<512x1xi32> to vector<512x2048xi32>
      %eq3A_79 = arith.cmpi eq, %select_n3A_74, %eq3A_78 : vector<512x2048xi32>
      %jit3A_80 = arith.constant -1.000000e+30 : f32
      %broadcast_in_dim3A_81 = vector.broadcast %jit3A_80 : f32 to vector<512x2048xf32>
      %select_n3A_82 = arith.select %eq3A_79, %broadcast_in_dim3A_81, %select_n3A_66 : vector<512x2048xi1>, vector<512x2048xf32>
      %reduce_max3A_83 = arith.constant dense<0xFF800000> : vector<512xf32>
      %reduce_max3A_84 = vector.multi_reduction <maximumf>, %select_n3A_82, %reduce_max3A_83 [1] : vector<512x2048xf32> to vector<512xf32>
      %broadcast_in_dim3A_85 = vector.shape_cast %reduce_max3A_84 : vector<512xf32> to vector<512x1xf32>
      %eq3A_86 = vector.broadcast %broadcast_in_dim3A_85 : vector<512x1xf32> to vector<512x2048xf32>
      %eq3A_87 = arith.cmpf oeq, %select_n3A_82, %eq3A_86 : vector<512x2048xf32>
      %jit3A_88 = arith.constant 2147483647 : i32
      %broadcast_in_dim3A_89 = vector.broadcast %jit3A_88 : i32 to vector<512x2048xi32>
      %select_n3A_90 = arith.select %eq3A_87, %get3A_52, %broadcast_in_dim3A_89 : vector<512x2048xi1>, vector<512x2048xi32>
      %reduce_min3A_91 = arith.constant dense<2147483647> : vector<512xi32>
      %reduce_min3A_92 = vector.multi_reduction <minsi>, %select_n3A_90, %reduce_min3A_91 [1] : vector<512x2048xi32> to vector<512xi32>
      %broadcast_in_dim3A_93 = vector.shape_cast %reduce_min3A_92 : vector<512xi32> to vector<512x1xi32>
      %eq3A_94 = vector.broadcast %broadcast_in_dim3A_93 : vector<512x1xi32> to vector<512x2048xi32>
      %eq3A_95 = arith.cmpi eq, %select_n3A_90, %eq3A_94 : vector<512x2048xi32>
      %jit3A_96 = arith.constant -1.000000e+30 : f32
      %broadcast_in_dim3A_97 = vector.broadcast %jit3A_96 : f32 to vector<512x2048xf32>
      %select_n3A_98 = arith.select %eq3A_95, %broadcast_in_dim3A_97, %select_n3A_82 : vector<512x2048xi1>, vector<512x2048xf32>
      %reduce_max3A_99 = arith.constant dense<0xFF800000> : vector<512xf32>
      %reduce_max3A_100 = vector.multi_reduction <maximumf>, %select_n3A_98, %reduce_max3A_99 [1] : vector<512x2048xf32> to vector<512xf32>
      %broadcast_in_dim3A_101 = vector.shape_cast %reduce_max3A_100 : vector<512xf32> to vector<512x1xf32>
      %eq3A_102 = vector.broadcast %broadcast_in_dim3A_101 : vector<512x1xf32> to vector<512x2048xf32>
      %eq3A_103 = arith.cmpf oeq, %select_n3A_98, %eq3A_102 : vector<512x2048xf32>
      %jit3A_104 = arith.constant 2147483647 : i32
      %broadcast_in_dim3A_105 = vector.broadcast %jit3A_104 : i32 to vector<512x2048xi32>
      %select_n3A_106 = arith.select %eq3A_103, %get3A_52, %broadcast_in_dim3A_105 : vector<512x2048xi1>, vector<512x2048xi32>
      %reduce_min3A_107 = arith.constant dense<2147483647> : vector<512xi32>
      %reduce_min3A_108 = vector.multi_reduction <minsi>, %select_n3A_106, %reduce_min3A_107 [1] : vector<512x2048xi32> to vector<512xi32>
      %broadcast_in_dim3A_109 = vector.shape_cast %reduce_min3A_108 : vector<512xi32> to vector<512x1xi32>
      %eq3A_110 = vector.broadcast %broadcast_in_dim3A_109 : vector<512x1xi32> to vector<512x2048xi32>
      %eq3A_111 = arith.cmpi eq, %select_n3A_106, %eq3A_110 : vector<512x2048xi32>
      %jit3A_112 = arith.constant -1.000000e+30 : f32
      %broadcast_in_dim3A_113 = vector.broadcast %jit3A_112 : f32 to vector<512x2048xf32>
      %select_n3A_114 = arith.select %eq3A_111, %broadcast_in_dim3A_113, %select_n3A_98 : vector<512x2048xi1>, vector<512x2048xf32>
      %reduce_max3A_115 = arith.constant dense<0xFF800000> : vector<512xf32>
      %reduce_max3A_116 = vector.multi_reduction <maximumf>, %select_n3A_114, %reduce_max3A_115 [1] : vector<512x2048xf32> to vector<512xf32>
      %broadcast_in_dim3A_117 = vector.shape_cast %reduce_max3A_116 : vector<512xf32> to vector<512x1xf32>
      %eq3A_118 = vector.broadcast %broadcast_in_dim3A_117 : vector<512x1xf32> to vector<512x2048xf32>
      %eq3A_119 = arith.cmpf oeq, %select_n3A_114, %eq3A_118 : vector<512x2048xf32>
      %jit3A_120 = arith.constant 2147483647 : i32
      %broadcast_in_dim3A_121 = vector.broadcast %jit3A_120 : i32 to vector<512x2048xi32>
      %select_n3A_122 = arith.select %eq3A_119, %get3A_52, %broadcast_in_dim3A_121 : vector<512x2048xi1>, vector<512x2048xi32>
      %reduce_min3A_123 = arith.constant dense<2147483647> : vector<512xi32>
      %reduce_min3A_124 = vector.multi_reduction <minsi>, %select_n3A_122, %reduce_min3A_123 [1] : vector<512x2048xi32> to vector<512xi32>
      %broadcast_in_dim3A_125 = vector.shape_cast %reduce_min3A_124 : vector<512xi32> to vector<512x1xi32>
      %eq3A_126 = vector.broadcast %broadcast_in_dim3A_125 : vector<512x1xi32> to vector<512x2048xi32>
      %eq3A_127 = arith.cmpi eq, %select_n3A_122, %eq3A_126 : vector<512x2048xi32>
      %jit3A_128 = arith.constant -1.000000e+30 : f32
      %broadcast_in_dim3A_129 = vector.broadcast %jit3A_128 : f32 to vector<512x2048xf32>
      %select_n3A_130 = arith.select %eq3A_127, %broadcast_in_dim3A_129, %select_n3A_114 : vector<512x2048xi1>, vector<512x2048xf32>
      %reduce_max3A_131 = arith.constant dense<0xFF800000> : vector<512xf32>
      %reduce_max3A_132 = vector.multi_reduction <maximumf>, %select_n3A_130, %reduce_max3A_131 [1] : vector<512x2048xf32> to vector<512xf32>
      %broadcast_in_dim3A_133 = vector.shape_cast %reduce_max3A_132 : vector<512xf32> to vector<512x1xf32>
      %eq3A_134 = vector.broadcast %broadcast_in_dim3A_133 : vector<512x1xf32> to vector<512x2048xf32>
      %eq3A_135 = arith.cmpf oeq, %select_n3A_130, %eq3A_134 : vector<512x2048xf32>
      %jit3A_136 = arith.constant 2147483647 : i32
      %broadcast_in_dim3A_137 = vector.broadcast %jit3A_136 : i32 to vector<512x2048xi32>
      %select_n3A_138 = arith.select %eq3A_135, %get3A_52, %broadcast_in_dim3A_137 : vector<512x2048xi1>, vector<512x2048xi32>
      %reduce_min3A_139 = arith.constant dense<2147483647> : vector<512xi32>
      %reduce_min3A_140 = vector.multi_reduction <minsi>, %select_n3A_138, %reduce_min3A_139 [1] : vector<512x2048xi32> to vector<512xi32>
      %broadcast_in_dim3A_141 = vector.shape_cast %reduce_min3A_140 : vector<512xi32> to vector<512x1xi32>
      %concatenate3A = tpu.concatenate %broadcast_in_dim3A_54, %broadcast_in_dim3A_69, %broadcast_in_dim3A_85, %broadcast_in_dim3A_101, %broadcast_in_dim3A_117, %broadcast_in_dim3A_133 in 1 : vector<512x1xf32>, vector<512x1xf32>, vector<512x1xf32>, vector<512x1xf32>, vector<512x1xf32>, vector<512x1xf32> -> vector<512x6xf32>
      %concatenate3A_142 = tpu.concatenate %broadcast_in_dim3A_61, %broadcast_in_dim3A_77, %broadcast_in_dim3A_93, %broadcast_in_dim3A_109, %broadcast_in_dim3A_125, %broadcast_in_dim3A_141 in 1 : vector<512x1xi32>, vector<512x1xi32>, vector<512x1xi32>, vector<512x1xi32>, vector<512x1xi32>, vector<512x1xi32> -> vector<512x6xi32>
      %get3A_143 = arith.constant 0 : index
      %get3A_144 = arith.constant 0 : index
      %get3A_145 = vector.load %arg6[%get3A_143, %get3A_144] : memref<512x1xf32, #tpu.memory_space<vmem>>, vector<512x1xf32>
      %swap3A_146 = arith.constant 0 : index
      %swap3A_147 = arith.constant 0 : index
      %swap3A_148 = vector.load %arg3[%swap3A_146, %swap3A_147] : memref<512x1xf32, #tpu.memory_space<vmem>>, vector<512x1xf32>
      tpu.vector_store %arg3[%swap3A_146, %swap3A_147], %get3A_145 {strides = array<i32>} : memref<512x1xf32, #tpu.memory_space<vmem>>, vector<512x1xf32>,
      %broadcast_in_dim3A_149 = arith.constant 0.000000e+00 : f32
      %broadcast_in_dim3A_150 = vector.broadcast %broadcast_in_dim3A_149 : f32 to vector<512x2xf32>
      %concatenate3A_151 = tpu.concatenate %concatenate3A, %broadcast_in_dim3A_150 in 1 : vector<512x6xf32>, vector<512x2xf32> -> vector<512x8xf32>
      %swap3A_152 = arith.constant 0 : index
      %swap3A_153 = arith.constant 0 : index
      %swap3A_154 = vector.load %arg4[%swap3A_152, %swap3A_153] : memref<512x8xf32, #tpu.memory_space<vmem>>, vector<512x8xf32>
      tpu.vector_store %arg4[%swap3A_152, %swap3A_153], %concatenate3A_151 {strides = array<i32>} : memref<512x8xf32, #tpu.memory_space<vmem>>, vector<512x8xf32>,
      %broadcast_in_dim3A_155 = arith.constant -1 : i32
      %broadcast_in_dim3A_156 = vector.broadcast %broadcast_in_dim3A_155 : i32 to vector<512x2xi32>
      %concatenate3A_157 = tpu.concatenate %concatenate3A_142, %broadcast_in_dim3A_156 in 1 : vector<512x6xi32>, vector<512x2xi32> -> vector<512x8xi32>
      %swap3A_158 = arith.constant 0 : index
      %swap3A_159 = arith.constant 0 : index
      %swap3A_160 = vector.load %arg5[%swap3A_158, %swap3A_159] : memref<512x8xi32, #tpu.memory_space<vmem>>, vector<512x8xi32>
      tpu.vector_store %arg5[%swap3A_158, %swap3A_159], %concatenate3A_157 {strides = array<i32>} : memref<512x8xi32, #tpu.memory_space<vmem>>, vector<512x8xi32>,
    } else {
    }
    return
  }
  func.func @transform_0(%arg0: i32) -> (i32, i32) {
    %c0_i32 = arith.constant 0 : i32
    %c0_i32_0 = arith.constant 0 : i32
    %c0_i32_1 = arith.constant 0 : i32
    return %c0_i32, %c0_i32_0 : i32, i32
  }
  func.func @transform_1(%arg0: i32) -> (i32, i32) {
    %c0_i32 = arith.constant 0 : i32
    %c0_i32_0 = arith.constant 0 : i32
    return %arg0, %c0_i32 : i32, i32
  }
  func.func @transform_2(%arg0: i32) -> (i32, i32) {
    %c0_i32 = arith.constant 0 : i32
    %c0_i32_0 = arith.constant 0 : i32
    %c0_i32_1 = arith.constant 0 : i32
    return %c0_i32, %c0_i32_0 : i32, i32
  }
  func.func @transform_3(%arg0: i32) -> (i32, i32) {
    %c0_i32 = arith.constant 0 : i32
    %c0_i32_0 = arith.constant 0 : i32
    %c0_i32_1 = arith.constant 0 : i32
    return %c0_i32, %c0_i32_0 : i32, i32
  }
  func.func @transform_4(%arg0: i32) -> (i32, i32) {
    %c0_i32 = arith.constant 0 : i32
    %c0_i32_0 = arith.constant 0 : i32
    %c0_i32_1 = arith.constant 0 : i32
    return %c0_i32, %c0_i32_0 : i32, i32
  }
}

module attributes {stable_mosaic.version = 14 : i64} {
  func.func @_epi_body(%arg0: i32, %arg1: memref<512x128xf32, #tpu.memory_space<vmem>>, %arg2: memref<512x1xi32, #tpu.memory_space<vmem>>, %arg3: memref<512x1xf32, #tpu.memory_space<vmem>>, %arg4: memref<512x8xf32, #tpu.memory_space<vmem>>, %arg5: memref<512x8xi32, #tpu.memory_space<vmem>>, %arg6: memref<512x1024xf32, #tpu.memory_space<vmem>>, %arg7: memref<1x1xf32, #tpu.memory_space<vmem>>, %arg8: memref<1x1xf32, #tpu.memory_space<vmem>>, %arg9: memref<1x1xf32, #tpu.memory_space<vmem>>) attributes {dimension_semantics = [#tpu.dimension_semantics<arbitrary>], iteration_bounds = array<i64: 1>, scalar_prefetch = 0 : i64, scratch_operands = 0 : i64, tpu.core_type = #tpu.core_type<tc>, window_params = [{pipeline_mode = #tpu.pipeline_mode<synchronous>, transform_indices = @transform_0, window_bounds = array<i64: 512, 128>}, {pipeline_mode = #tpu.pipeline_mode<synchronous>, transform_indices = @transform_1, window_bounds = array<i64: 512, 1>}, {pipeline_mode = #tpu.pipeline_mode<synchronous>, transform_indices = @transform_2, window_bounds = array<i64: 512, 1>}, {pipeline_mode = #tpu.pipeline_mode<synchronous>, transform_indices = @transform_3, window_bounds = array<i64: 512, 8>}, {pipeline_mode = #tpu.pipeline_mode<synchronous>, transform_indices = @transform_4, window_bounds = array<i64: 512, 8>}, {pipeline_mode = #tpu.pipeline_mode<synchronous>, transform_indices = @transform_5, window_bounds = array<i64: 512, 1024>}, {pipeline_mode = #tpu.pipeline_mode<synchronous>, transform_indices = @transform_6, window_bounds = array<i64: 1, 1>}, {pipeline_mode = #tpu.pipeline_mode<synchronous>, transform_indices = @transform_7, window_bounds = array<i64: 1, 1>}, {pipeline_mode = #tpu.pipeline_mode<synchronous>, transform_indices = @transform_8, window_bounds = array<i64: 1, 1>}]} {
    %get3A = arith.constant 0 : index
    %get3A_0 = arith.constant 0 : index
    %get3A_1 = vector.load %arg1[%get3A, %get3A_0] : memref<512x128xf32, #tpu.memory_space<vmem>>, vector<512x128xf32>
    %mul3A = arith.mulf %get3A_1, %get3A_1 : vector<512x128xf32>
    %reduce_sum3A = arith.constant dense<0.000000e+00> : vector<512xf32>
    %reduce_sum3A_2 = vector.multi_reduction <add>, %mul3A, %reduce_sum3A [1] : vector<512x128xf32> to vector<512xf32>
    %broadcast_in_dim3A = vector.shape_cast %reduce_sum3A_2 : vector<512xf32> to vector<512x1xf32>
    %rsqrt3A = math.rsqrt %broadcast_in_dim3A : vector<512x1xf32>
    %div3A = arith.constant 5.000000e-02 : f32
    %div3A_3 = vector.broadcast %div3A : f32 to vector<512x1xf32>
    %div3A_4 = arith.divf %rsqrt3A, %div3A_3 : vector<512x1xf32>
    %get3A_5 = arith.constant 0 : index
    %get3A_6 = arith.constant 0 : index
    %get3A_7 = vector.load %arg6[%get3A_5, %get3A_6] : memref<512x1024xf32, #tpu.memory_space<vmem>>, vector<512x1024xf32>
    %slice3A = vector.extract_strided_slice %get3A_7 {offsets = [0, 0], sizes = [512, 128], strides = [1, 1]} : vector<512x1024xf32> to vector<512x128xf32>
    %mul3A_8 = arith.mulf %get3A_1, %slice3A : vector<512x128xf32>
    %reduce_sum3A_9 = arith.constant dense<0.000000e+00> : vector<512xf32>
    %reduce_sum3A_10 = vector.multi_reduction <add>, %mul3A_8, %reduce_sum3A_9 [1] : vector<512x128xf32> to vector<512xf32>
    %broadcast_in_dim3A_11 = vector.shape_cast %reduce_sum3A_10 : vector<512xf32> to vector<512x1xf32>
    %slice3A_12 = vector.extract_strided_slice %get3A_7 {offsets = [0, 128], sizes = [512, 128], strides = [1, 1]} : vector<512x1024xf32> to vector<512x128xf32>
    %mul3A_13 = arith.mulf %get3A_1, %slice3A_12 : vector<512x128xf32>
    %reduce_sum3A_14 = arith.constant dense<0.000000e+00> : vector<512xf32>
    %reduce_sum3A_15 = vector.multi_reduction <add>, %mul3A_13, %reduce_sum3A_14 [1] : vector<512x128xf32> to vector<512xf32>
    %broadcast_in_dim3A_16 = vector.shape_cast %reduce_sum3A_15 : vector<512xf32> to vector<512x1xf32>
    %slice3A_17 = vector.extract_strided_slice %get3A_7 {offsets = [0, 256], sizes = [512, 128], strides = [1, 1]} : vector<512x1024xf32> to vector<512x128xf32>
    %mul3A_18 = arith.mulf %get3A_1, %slice3A_17 : vector<512x128xf32>
    %reduce_sum3A_19 = arith.constant dense<0.000000e+00> : vector<512xf32>
    %reduce_sum3A_20 = vector.multi_reduction <add>, %mul3A_18, %reduce_sum3A_19 [1] : vector<512x128xf32> to vector<512xf32>
    %broadcast_in_dim3A_21 = vector.shape_cast %reduce_sum3A_20 : vector<512xf32> to vector<512x1xf32>
    %slice3A_22 = vector.extract_strided_slice %get3A_7 {offsets = [0, 384], sizes = [512, 128], strides = [1, 1]} : vector<512x1024xf32> to vector<512x128xf32>
    %mul3A_23 = arith.mulf %get3A_1, %slice3A_22 : vector<512x128xf32>
    %reduce_sum3A_24 = arith.constant dense<0.000000e+00> : vector<512xf32>
    %reduce_sum3A_25 = vector.multi_reduction <add>, %mul3A_23, %reduce_sum3A_24 [1] : vector<512x128xf32> to vector<512xf32>
    %broadcast_in_dim3A_26 = vector.shape_cast %reduce_sum3A_25 : vector<512xf32> to vector<512x1xf32>
    %slice3A_27 = vector.extract_strided_slice %get3A_7 {offsets = [0, 512], sizes = [512, 128], strides = [1, 1]} : vector<512x1024xf32> to vector<512x128xf32>
    %mul3A_28 = arith.mulf %get3A_1, %slice3A_27 : vector<512x128xf32>
    %reduce_sum3A_29 = arith.constant dense<0.000000e+00> : vector<512xf32>
    %reduce_sum3A_30 = vector.multi_reduction <add>, %mul3A_28, %reduce_sum3A_29 [1] : vector<512x128xf32> to vector<512xf32>
    %broadcast_in_dim3A_31 = vector.shape_cast %reduce_sum3A_30 : vector<512xf32> to vector<512x1xf32>
    %slice3A_32 = vector.extract_strided_slice %get3A_7 {offsets = [0, 640], sizes = [512, 128], strides = [1, 1]} : vector<512x1024xf32> to vector<512x128xf32>
    %mul3A_33 = arith.mulf %get3A_1, %slice3A_32 : vector<512x128xf32>
    %reduce_sum3A_34 = arith.constant dense<0.000000e+00> : vector<512xf32>
    %reduce_sum3A_35 = vector.multi_reduction <add>, %mul3A_33, %reduce_sum3A_34 [1] : vector<512x128xf32> to vector<512xf32>
    %broadcast_in_dim3A_36 = vector.shape_cast %reduce_sum3A_35 : vector<512xf32> to vector<512x1xf32>
    %slice3A_37 = vector.extract_strided_slice %get3A_7 {offsets = [0, 768], sizes = [512, 128], strides = [1, 1]} : vector<512x1024xf32> to vector<512x128xf32>
    %mul3A_38 = arith.mulf %get3A_1, %slice3A_37 : vector<512x128xf32>
    %reduce_sum3A_39 = arith.constant dense<0.000000e+00> : vector<512xf32>
    %reduce_sum3A_40 = vector.multi_reduction <add>, %mul3A_38, %reduce_sum3A_39 [1] : vector<512x128xf32> to vector<512xf32>
    %broadcast_in_dim3A_41 = vector.shape_cast %reduce_sum3A_40 : vector<512xf32> to vector<512x1xf32>
    %mul3A_42 = arith.mulf %broadcast_in_dim3A_11, %div3A_4 : vector<512x1xf32>
    %add3A = arith.constant 0.000000e+00 : f32
    %add3A_43 = vector.broadcast %add3A : f32 to vector<512x1xf32>
    %add3A_44 = arith.addf %add3A_43, %broadcast_in_dim3A_16 : vector<512x1xf32>
    %add3A_45 = arith.addf %add3A_44, %broadcast_in_dim3A_21 : vector<512x1xf32>
    %add3A_46 = arith.addf %add3A_45, %broadcast_in_dim3A_26 : vector<512x1xf32>
    %add3A_47 = arith.addf %add3A_46, %broadcast_in_dim3A_31 : vector<512x1xf32>
    %add3A_48 = arith.addf %add3A_47, %broadcast_in_dim3A_36 : vector<512x1xf32>
    %add3A_49 = arith.addf %add3A_48, %broadcast_in_dim3A_41 : vector<512x1xf32>
    %mul3A_50 = arith.mulf %add3A_49, %div3A_4 : vector<512x1xf32>
    %get3A_51 = arith.constant 0 : index
    %get3A_52 = arith.constant 0 : index
    %get3A_53 = vector.load %arg3[%get3A_51, %get3A_52] : memref<512x1xf32, #tpu.memory_space<vmem>>, vector<512x1xf32>
    %log3A = math.log %get3A_53 : vector<512x1xf32>
    %get3A_54 = arith.constant 0 : index
    %get3A_55 = arith.constant 0 : index
    %get3A_56 = vector.load %arg2[%get3A_54, %get3A_55] : memref<512x1xi32, #tpu.memory_space<vmem>>, vector<512x1xi32>
    %get3A_57 = arith.constant 0 : index
    %get3A_58 = arith.constant 0 : index
    %get3A_59 = vector.load %arg5[%get3A_57, %get3A_58] : memref<512x8xi32, #tpu.memory_space<vmem>>, vector<512x8xi32>
    %eq3A = vector.broadcast %get3A_56 : vector<512x1xi32> to vector<512x8xi32>
    %eq3A_60 = arith.cmpi eq, %get3A_59, %eq3A : vector<512x8xi32>
    %jit3A = arith.constant 1.000000e+00 : f32
    %jit3A_61 = arith.constant 0.000000e+00 : f32
    %broadcast_in_dim3A_62 = vector.broadcast %jit3A : f32 to vector<512x8xf32>
    %broadcast_in_dim3A_63 = vector.broadcast %jit3A_61 : f32 to vector<512x8xf32>
    %select_n3A = arith.select %eq3A_60, %broadcast_in_dim3A_62, %broadcast_in_dim3A_63 : vector<512x8xi1>, vector<512x8xf32>
    %reduce_sum3A_64 = arith.constant dense<0.000000e+00> : vector<512xf32>
    %reduce_sum3A_65 = vector.multi_reduction <add>, %select_n3A, %reduce_sum3A_64 [1] : vector<512x8xf32> to vector<512xf32>
    %broadcast_in_dim3A_66 = vector.shape_cast %reduce_sum3A_65 : vector<512xf32> to vector<512x1xf32>
    %get3A_67 = arith.constant 0 : index
    %get3A_68 = arith.constant 0 : index
    %get3A_69 = vector.load %arg4[%get3A_67, %get3A_68] : memref<512x8xf32, #tpu.memory_space<vmem>>, vector<512x8xf32>
    %reduce_sum3A_70 = arith.constant dense<0.000000e+00> : vector<512xf32>
    %reduce_sum3A_71 = vector.multi_reduction <add>, %get3A_69, %reduce_sum3A_70 [1] : vector<512x8xf32> to vector<512xf32>
    %broadcast_in_dim3A_72 = vector.shape_cast %reduce_sum3A_71 : vector<512xf32> to vector<512x1xf32>
    %mul3A_73 = arith.mulf %broadcast_in_dim3A_66, %mul3A_42 : vector<512x1xf32>
    %sub3A = arith.subf %broadcast_in_dim3A_72, %mul3A_73 : vector<512x1xf32>
    %mul3A_74 = arith.constant 0.166666672 : f32
    %mul3A_75 = vector.broadcast %mul3A_74 : f32 to vector<512x1xf32>
    %mul3A_76 = arith.mulf %sub3A, %mul3A_75 : vector<512x1xf32>
    %add3A_77 = arith.addf %mul3A_76, %mul3A_42 : vector<512x1xf32>
    %mul3A_78 = arith.constant 0.166666672 : f32
    %mul3A_79 = vector.broadcast %mul3A_78 : f32 to vector<512x1xf32>
    %mul3A_80 = arith.mulf %broadcast_in_dim3A_66, %mul3A_79 : vector<512x1xf32>
    %sub3A_81 = arith.constant 2.000000e+00 : f32
    %sub3A_82 = vector.broadcast %sub3A_81 : f32 to vector<512x1xf32>
    %sub3A_83 = arith.subf %sub3A_82, %mul3A_80 : vector<512x1xf32>
    %mul3A_84 = arith.constant 0.166666672 : f32
    %mul3A_85 = vector.broadcast %mul3A_84 : f32 to vector<512x1xf32>
    %mul3A_86 = arith.mulf %mul3A_50, %mul3A_85 : vector<512x1xf32>
    %add3A_87 = arith.addf %add3A_77, %mul3A_86 : vector<512x1xf32>
    %mul3A_88 = arith.constant 0.166666672 : f32
    %mul3A_89 = vector.broadcast %mul3A_88 : f32 to vector<512x1xf32>
    %mul3A_90 = arith.mulf %broadcast_in_dim3A_66, %mul3A_89 : vector<512x1xf32>
    %sub3A_91 = arith.constant 3.000000e+00 : f32
    %sub3A_92 = vector.broadcast %sub3A_91 : f32 to vector<512x1xf32>
    %sub3A_93 = arith.subf %sub3A_92, %mul3A_90 : vector<512x1xf32>
    %mul3A_94 = arith.mulf %sub3A_93, %log3A : vector<512x1xf32>
    %sub3A_95 = arith.subf %mul3A_94, %add3A_87 : vector<512x1xf32>
    %reduce_sum3A_96 = arith.constant dense<0.000000e+00> : vector<1xf32>
    %reduce_sum3A_97 = vector.multi_reduction <add>, %sub3A_95, %reduce_sum3A_96 [0] : vector<512x1xf32> to vector<1xf32>
    %broadcast_in_dim3A_98 = vector.shape_cast %reduce_sum3A_97 : vector<1xf32> to vector<1x1xf32>
    %div3A_99 = arith.constant 5.120000e+02 : f32
    %div3A_100 = vector.broadcast %div3A_99 : f32 to vector<1x1xf32>
    %div3A_101 = arith.divf %broadcast_in_dim3A_98, %div3A_100 : vector<1x1xf32>
    %swap3A = arith.constant 0 : index
    %swap3A_102 = arith.constant 0 : index
    %swap3A_103 = vector.load %arg7[%swap3A, %swap3A_102] : memref<1x1xf32, #tpu.memory_space<vmem>>, vector<1x1xf32>
    tpu.vector_store %arg7[%swap3A, %swap3A_102], %div3A_101 {strides = array<i32>} : memref<1x1xf32, #tpu.memory_space<vmem>>, vector<1x1xf32>,
    %mul3A_104 = arith.mulf %sub3A_83, %log3A : vector<512x1xf32>
    %sub3A_105 = arith.subf %mul3A_104, %add3A_77 : vector<512x1xf32>
    %reduce_sum3A_106 = arith.constant dense<0.000000e+00> : vector<1xf32>
    %reduce_sum3A_107 = vector.multi_reduction <add>, %sub3A_105, %reduce_sum3A_106 [0] : vector<512x1xf32> to vector<1xf32>
    %broadcast_in_dim3A_108 = vector.shape_cast %reduce_sum3A_107 : vector<1xf32> to vector<1x1xf32>
    %div3A_109 = arith.constant 5.120000e+02 : f32
    %div3A_110 = vector.broadcast %div3A_109 : f32 to vector<1x1xf32>
    %div3A_111 = arith.divf %broadcast_in_dim3A_108, %div3A_110 : vector<1x1xf32>
    %swap3A_112 = arith.constant 0 : index
    %swap3A_113 = arith.constant 0 : index
    %swap3A_114 = vector.load %arg8[%swap3A_112, %swap3A_113] : memref<1x1xf32, #tpu.memory_space<vmem>>, vector<1x1xf32>
    tpu.vector_store %arg8[%swap3A_112, %swap3A_113], %div3A_111 {strides = array<i32>} : memref<1x1xf32, #tpu.memory_space<vmem>>, vector<1x1xf32>,
    %sub3A_115 = arith.subf %log3A, %mul3A_42 : vector<512x1xf32>
    %reduce_sum3A_116 = arith.constant dense<0.000000e+00> : vector<1xf32>
    %reduce_sum3A_117 = vector.multi_reduction <add>, %sub3A_115, %reduce_sum3A_116 [0] : vector<512x1xf32> to vector<1xf32>
    %broadcast_in_dim3A_118 = vector.shape_cast %reduce_sum3A_117 : vector<1xf32> to vector<1x1xf32>
    %div3A_119 = arith.constant 5.120000e+02 : f32
    %div3A_120 = vector.broadcast %div3A_119 : f32 to vector<1x1xf32>
    %div3A_121 = arith.divf %broadcast_in_dim3A_118, %div3A_120 : vector<1x1xf32>
    %swap3A_122 = arith.constant 0 : index
    %swap3A_123 = arith.constant 0 : index
    %swap3A_124 = vector.load %arg9[%swap3A_122, %swap3A_123] : memref<1x1xf32, #tpu.memory_space<vmem>>, vector<1x1xf32>
    tpu.vector_store %arg9[%swap3A_122, %swap3A_123], %div3A_121 {strides = array<i32>} : memref<1x1xf32, #tpu.memory_space<vmem>>, vector<1x1xf32>,
    return
  }
  func.func @transform_0(%arg0: i32) -> (i32, i32) {
    %c0_i32 = arith.constant 0 : i32
    %c0_i32_0 = arith.constant 0 : i32
    %c0_i32_1 = arith.constant 0 : i32
    return %c0_i32, %c0_i32_0 : i32, i32
  }
  func.func @transform_1(%arg0: i32) -> (i32, i32) {
    %c0_i32 = arith.constant 0 : i32
    %c0_i32_0 = arith.constant 0 : i32
    %c0_i32_1 = arith.constant 0 : i32
    return %c0_i32, %c0_i32_0 : i32, i32
  }
  func.func @transform_2(%arg0: i32) -> (i32, i32) {
    %c0_i32 = arith.constant 0 : i32
    %c0_i32_0 = arith.constant 0 : i32
    %c0_i32_1 = arith.constant 0 : i32
    return %c0_i32, %c0_i32_0 : i32, i32
  }
  func.func @transform_3(%arg0: i32) -> (i32, i32) {
    %c0_i32 = arith.constant 0 : i32
    %c0_i32_0 = arith.constant 0 : i32
    %c0_i32_1 = arith.constant 0 : i32
    return %c0_i32, %c0_i32_0 : i32, i32
  }
  func.func @transform_4(%arg0: i32) -> (i32, i32) {
    %c0_i32 = arith.constant 0 : i32
    %c0_i32_0 = arith.constant 0 : i32
    %c0_i32_1 = arith.constant 0 : i32
    return %c0_i32, %c0_i32_0 : i32, i32
  }
  func.func @transform_5(%arg0: i32) -> (i32, i32) {
    %c0_i32 = arith.constant 0 : i32
    %c0_i32_0 = arith.constant 0 : i32
    %c0_i32_1 = arith.constant 0 : i32
    return %c0_i32, %c0_i32_0 : i32, i32
  }
  func.func @transform_6(%arg0: i32) -> (i32, i32) {
    %c0_i32 = arith.constant 0 : i32
    %c0_i32_0 = arith.constant 0 : i32
    %c0_i32_1 = arith.constant 0 : i32
    return %c0_i32, %c0_i32_0 : i32, i32
  }
  func.func @transform_7(%arg0: i32) -> (i32, i32) {
    %c0_i32 = arith.constant 0 : i32
    %c0_i32_0 = arith.constant 0 : i32
    %c0_i32_1 = arith.constant 0 : i32
    return %c0_i32, %c0_i32_0 : i32, i32
  }
  func.func @transform_8(%arg0: i32) -> (i32, i32) {
    %c0_i32 = arith.constant 0 : i32
    %c0_i32_0 = arith.constant 0 : i32
    %c0_i32_1 = arith.constant 0 : i32
    return %c0_i32, %c0_i32_0 : i32, i32
  }
}

</mosaic_0001>

<sc_bundles>
// kernel: kernel.5.cloned.1.call-start
scs
__scs_entry_jumppad:
0x0: {  	(pc) =	sbr.rel $0x88, $3  }
0x1: {  	(tag) =	ssettag $0x0;
	lr =	simm.s32 $0x1  }
0x2: {  	[smem:$0x3F9C] =	sst lr;
	_ =	strace $0xD0000000  }
0x3: {  	_ = 	snop  }
0x4: {  	_ = 	snop  }
0x5: {  	_ = 	snop  }
0x6: {  	_ = 	snop  }
0x7: {  	_ = 	snop  }
__scs_overlays_trampoline_lowered:
0x8: {  	[smem:$0x3FAB] =	sst s0  }
0x9: {  	[smem:$0x3FAC] =	sst s1  }
0xa: {  	[smem:$0x3FAD] =	sst s2  }
0xb: {  	[smem:$0x3FAE] =	sst s3  }
0xc: {  	[smem:$0x3FAF] =	sst s4  }
0xd: {  	[smem:$0x3FB0] =	sst s5  }
0xe: {  	[smem:$0x3FB1] =	sst s6  }
0xf: {  	[smem:$0x3FB2] =	sst s7  }
0x10: {  	[smem:$0x3FB3] =	sst s8  }
0x11: {  	[smem:$0x3FB4] =	sst s9;
	s0 =	simm.s32 @!p0 $0x0  }
0x12: {  	s1 =	sld [smem:$0x3F9A];
	s0 =	simm.s32 @p0 $0x1  }
0x13: {  	[smem:$0x3FB5] =	sst s0;
	s0 =	simm.s32 @!p1 $0x0  }
0x14: {  	s2 =	sld [smem:$0x3F99];
	s0 =	simm.s32 @p1 $0x1  }
0x15: {  	[smem:$0x3FB6] =	sst s0;
	s0 =	simm.s32 @!p2 $0x0  }
0x16: {  	s3 =	sld [smem:$0x3FDB];
	s0 =	simm.s32 @p2 $0x1  }
0x17: {  	s4 =	simm.s32 $0x1BF5;
	[smem:$0x3FB8] =	sst s0  }
0x18: {  	s0 =	sld [smem:$0x3F9B];
	_ =	swait.ge [sflag:s4], $0x0  }
0x19: {  	s7 =	sld [smem:$0x3F9C]  }
0x1a: {  	s8 =	sadd.s32 $0xFFFFE003, lr  }
0x1b: {  	s9 =	sadd.s32 $0xFFFFFEF7, lr;
	s5 =	simm.s32 $0xFFFFFFFF;
	p2 =	slt.u32 s8, $0xFFFFF086  }
0x1c: {  	p1 =	slt.u32 s9, $0xF7A;
	s5 =	simm.s32 @!p2 $0x0  }
0x1d: {  	s5 =	simm.s32 @p1 $0x1;
	p0 =	seq.s32 s7, s2  }
0x1e: {  	s7 =	smul.u32 @!p0 $0xF7A, s2;
	p2 =	seq.s32 @!p0 s5, $0x0  }
0x1f: {  	s9 =	smul.u32 $0xF7A, s1;
	s8 =	simm.s32 @!p0 $0x1BF5;
	p2 =	por !p2, p0  }
0x20: {  	[sflag:s8] =	ssyncset.s32 @!p0 $0xFFFFF086;
	s6 =	sadd.s32 @!p0 s3, s7;
	s7 =	simm.s32 @!p0 $0x108  }
0x21: {  	s3 =	sadd.s32 s3, s9;
	s6 =	sadd.s32 @!p0 $0x88, s6;
	s7 =	simm.s32 @p2 $0x1082  }
0x22: {  	[simem:s7], [sflag:s8] =	dma.local @!p0 [hbm:s6], $0xF7A  }
0x23: {  	s9 =	sor.u32 $0xD0000000, s2;
	s6 =	simm.s32 $0x108;
	_ =	swait.ge @!p0 [sflag:s8], $0x0  }
0x24: {  	s3 =	sadd.s32 $0x88, s3;
	s6 =	simm.s32 @!p1 $0x1082;
	[sflag:s4] =	ssyncset.s32 $0xFFFFF086  }
0x25: {  	[simem:s6], [sflag:s4] =	dma.local [hbm:s3], $0xF7A  }
0x26: {  	[smem:$0x3F9C] =	sst s1;
	(tag) =	ssettag s2;
	_ =	strace s9  }
0x27: {  	s1 =	sld [smem:$0x3FAC]  }
0x28: {  	s2 =	sld [smem:$0x3FAD]  }
0x29: {  	s4 =	sld [smem:$0x3FAF]  }
0x2a: {  	p0 =	seq.s32 s5, $0x0;
	s5 =	sld [smem:$0x3FB0]  }
0x2b: {  	s6 =	sld [smem:$0x3FB1]  }
0x2c: {  	s7 =	sld [smem:$0x3FB2]  }
0x2d: {  	s3 =	simm.s32 $0x108;
	s8 =	sld [smem:$0x3FB3]  }
0x2e: {  	s3 =	simm.s32 @!p0 $0x1082;
	s9 =	sld [smem:$0x3FB4]  }
0x2f: {  	lr =	sadd.s32 s0, s3;
	s0 =	sld [smem:$0x3FAB]  }
0x30: {  	s3 =	sld [smem:$0x3FAE]  }
0x31: {  	[smem:$0x3FB7] =	sst s10  }
0x32: {  	s10 =	sld [smem:$0x3FB5];
	_ =	sdelay $0x3  }
0x33: {  	p0 =	seq.s32 s10, $0x1;
	s10 =	sld [smem:$0x3FB7];
	_ =	sdelay $0x3  }
0x34: {  	[smem:$0x3FB7] =	sst s10  }
0x35: {  	s10 =	sld [smem:$0x3FB6];
	_ =	sdelay $0x3  }
0x36: {  	p1 =	seq.s32 s10, $0x1;
	s10 =	sld [smem:$0x3FB7];
	_ =	sdelay $0x3  }
0x37: {  	[smem:$0x3FB7] =	sst s10  }
0x38: {  	s10 =	sld [smem:$0x3FB8]  }
0x39: {  	_ = 	snop;
	(pc) =	sbr.ind lr, $3  }
0x3a: {  	_ = 	snop  }
0x3b: {  	_ = 	snop  }
0x3c: {  	p2 =	seq.s32 s10, $0x1;
	s10 =	sld [smem:$0x3FB7]  }
0x3d: {  	_ =	shalt  }
0x3e: {  	_ =	shalt  }
0x3f: {  	_ =	shalt  }
0x40: {  	_ =	shalt  }
0x41: {  	_ =	shalt  }
0x42: {  	_ =	shalt  }
0x43: {  	_ =	shalt  }
0x44: {  	_ =	shalt  }
0x45: {  	_ =	shalt  }
0x46: {  	_ =	shalt  }
0x47: {  	_ =	shalt  }
0x48: {  	_ =	shalt  }
0x49: {  	_ =	shalt  }
0x4a: {  	_ =	shalt  }
0x4b: {  	_ =	shalt  }
0x4c: {  	_ =	shalt  }
0x4d: {  	_ =	shalt  }
0x4e: {  	_ =	shalt  }
0x4f: {  	_ =	shalt  }
0x50: {  	_ =	shalt  }
0x51: {  	_ =	shalt  }
0x52: {  	_ =	shalt  }
0x53: {  	_ =	shalt  }
0x54: {  	_ =	shalt  }
0x55: {  	_ =	shalt  }
0x56: {  	_ =	shalt  }
0x57: {  	_ =	shalt  }
0x58: {  	_ =	shalt  }
0x59: {  	_ =	shalt  }
0x5a: {  	_ =	shalt  }
0x5b: {  	_ =	shalt  }
0x5c: {  	_ =	shalt  }
0x5d: {  	_ =	shalt  }
0x5e: {  	_ =	shalt  }
0x5f: {  	_ =	shalt  }
0x60: {  	_ =	shalt  }
0x61: {  	_ =	shalt  }
0x62: {  	_ =	shalt  }
0x63: {  	_ =	shalt  }
0x64: {  	_ =	shalt  }
0x65: {  	_ =	shalt  }
0x66: {  	_ =	shalt  }
0x67: {  	_ =	shalt  }
0x68: {  	_ =	shalt  }
0x69: {  	_ =	shalt  }
0x6a: {  	_ =	shalt  }
0x6b: {  	_ =	shalt  }
0x6c: {  	_ =	shalt  }
0x6d: {  	_ =	shalt  }
0x6e: {  	_ =	shalt  }
0x6f: {  	_ =	shalt  }
0x70: {  	_ =	shalt  }
0x71: {  	_ =	shalt  }
0x72: {  	_ =	shalt  }
0x73: {  	_ =	shalt  }
0x74: {  	_ =	shalt  }
0x75: {  	_ =	shalt  }
0x76: {  	_ =	shalt  }
0x77: {  	_ =	shalt  }
0x78: {  	_ =	shalt  }
0x79: {  	_ =	shalt  }
0x7a: {  	_ =	shalt  }
0x7b: {  	_ =	shalt  }
0x7c: {  	_ =	shalt  }
0x7d: {  	_ =	shalt  }
0x7e: {  	_ =	shalt  }
0x7f: {  	_ =	shalt  }
0x80: {  	_ =	shalt  }
0x81: {  	_ =	shalt  }
0x82: {  	_ =	shalt  }
0x83: {  	_ =	shalt  }
0x84: {  	_ =	shalt  }
0x85: {  	_ =	shalt  }
0x86: {  	_ =	shalt  }
0x87: {  	_ =	shalt  }
.Lfunc_end0:
.L_simem_size_0:
called_computation_lowered:
.L_overlay_start_0:
0x88: {  	s2 =	sld [smem:$0x3FD9]  }
0x89: {  	s3 =	sld [smem:$0x3FFE];
	_ =	sdelay $0x1  }
0x8a: {  	s1 =	srdreg.scid  }
0x8b: {  	s0 =	sand.u32 $0x1, s1  }
0x8c: {  	s17 =	sshll.u32 s0, $0xA;
	s2 =	sadd.s32 s3, s2  }
0x8d: {  	s2 =	sadd.s32 s2, s17  }
0x8e: {  	[smem:$0x3FC3] =	sst s2  }
0x8f: {  	_ = 	snop  }
0x90: {  	s2 =	sld [smem:$0x3FC5];
	(tm) =	ssettm $0x1  }
0x91: {  	s18 =	sld [smem:$0x3FFB];
	_ =	sdelay $0x3  }
0x92: {  	_ =	strace s18  }
0x93: {  	s3 =	sld [smem:$0x3FFC];
	_ =	sdelay $0x3  }
0x94: {  	_ =	strace s3  }
0x95: {  	s3 =	sld [smem:$0x3FFD];
	_ =	sdelay $0x3  }
0x96: {  	_ =	strace s3  }
0x97: {  	_ =	strace $0x8FFFFFFF  }
0x98: {  	s19 =	sld [smem:$0x3FDB];
	_ =	sdelay $0x1  }
0x99: {  	s4 =	simm.s32 $_scs_section_size  }
0x9a: {  	s5 =	simm.s32 $_size__tile_overlayer_lowered;
	s6 =	simm.s32 $_tile_overlayer_lowered  }
0x9b: {  	s22 =	simm.s32 $0x1BFF;
	s21 =	sshll.u32 s6, $0x1;
	s3 =	sadd.s32 s4, s19  }
0x9c: {  	s7 =	simm.s32 $0x0;
	s20 =	sshll.u32 s5, $0x1;
	s5 =	sadd.s32 s21, s3  }
0x9d: {  	[timem:s7], [sflag:s22] =	dma.local [hbm:s5], s20  }
0x9e: {  	_ =	swait.ge [sflag:s22], s20  }
0x9f: {  	s4 =	ssub.s32 $0x0, s20;
	[sflag:s22] =	ssyncset.done $0x0  }
0xa0: {  	[sflag:s22] =	ssyncadd.s32 s4;
	_ =	sdelay $0x1  }
0xa1: {  	s23 =	simm.s32 $0x1B8B  }
0xa2: {  	_ =	swait.ge [sflag:s23], $0x1  }
0xa3: {  	[sflag:s23] =	ssyncset.done $0x0  }
0xa4: {  	s25 =	simm.s32 $0x1B8E;
	s24 =	sld [smem:$0x3FFE];
	[sflag:s23] =	ssyncadd.s32 $0xFFFFFFFF  }
0xa5: {  	s26 =	simm.s32 $execute0_lowered;
	[smem:$0x3FD2] =	sst s25  }
0xa6: {  	s5 =	sshll.u32 s26, $0x1;
	_ =	strace $0x80000046;
	[dreg:$0x1] =	wrdreg $0xFFFFFFFF  }
0xa7: {  	s28 =	simm.s32 $_size_execute0_lowered;
	s3 =	sadd.s32 s3, s5;
	[dreg:$0x0] =	wrdreg $0x0  }
0xa8: {  	s5 =	sshll.u32 s28, $0x1;
	[dreg:$0x2] =	wrdreg s3  }
0xa9: {  	[dreg:$0x3] =	wrdreg s5  }
0xaa: {  	[dreg:$0x4] =	wrdreg $0xC0  }
0xab: {  	_ =	task [dreg:s7], $0x5FFFF  }
0xac: {  	[dreg:$0x1] =	wrdreg $0xFFFFFFFF  }
0xad: {  	[dreg:$0x0] =	wrdreg $0x60  }
0xae: {  	[dreg:$0x2] =	wrdreg s24  }
0xaf: {  	[dreg:$0x3] =	wrdreg s2  }
0xb0: {  	[dreg:$0x4] =	wrdreg $0x9  }
0xb1: {  	_ =	task.clear_ibuf [dreg:s7], $0x5FFFF;
	_ =	strace $0x90000046  }
0xb2: {  	s29 =	simm.s32 $0x9;
	_ =	strace $0x80000048  }
0xb3: {  	_ =	swait.ge [sflag:s29], $0x1  }
0xb4: {  	[sflag:s29] =	ssyncadd.s32 $0xFFFFFFFF  }
0xb5: {  	_ =	strace $0x90000048  }
0xb6: {  	_ =	sfence  }
0xb7: {  	s30 =	sld [smem:$0x0];
	_ =	sdelay $0x2  }
0xb8: {  	s31 =	sshll.u32 s1, $0xD;
	s1 =	sshrl.u32 s1, $0x2  }
0xb9: {  	s3 =	sand.u32 $0x4000, s31;
	s1 =	sadd.s32 s1, s30  }
0xba: {  	s0 =	sor.u32 s3, s0;
	s1 =	sshll.u32 s1, $0x11  }
0xbb: {  	s0 =	sor.u32 s1, s0  }
0xbc: {  	s0 =	sadd.s32 $0x8F2B, s0  }
0xbd: {  	[sflag:s0] =	ssyncadd.remote.s32 $0x1  }
0xbe: {  	_ =	sfence.sel $0xFFFF  }
0xbf: {  	[dreg:$0x0] =	wrdreg $0xFFFFFFFF;
	(pc) =	sbr.abs _section_cstart, $3  }
0xc0: {  	[dreg:$0x1] =	wrdreg $0xFFFFFFFF  }
0xc1: {  	_ =	task.clear_ibuf [dreg:s7], $0x2FFFF;
	_ =	strace $0x9FFFFFFF  }
0xc2: {  	(tm) =	ssettm $0x7FFFFFFF  }
0xc3: {  	_ =	shalt  }
tec
execute0_lowered:
.L_overlay_start_1:
0x0: {  	(tag) =	ssettag $0x1  }
0x1: {  	s0 =	rddreg [dreg:$0x0]  }
0x2: {  	s2 =	rddreg [dreg:$0x1];
	s1 =	srdreg.scid  }
0x3: {  	s6 =	stileid.u32;
	s3 =	simm.s32 $0x0;
	s14 =	simm.s32 $0x4  }
0x4: {  	s15 =	simm.s32 $0x2C00;
	s16 =	simm.s32 $0x1;
	s17 =	simm.s32 $0x2  }
0x5: {  	s19 =	simm.s32 $0x5900;
	s20 =	simm.s32 $0x3;
	s21 =	simm.s32 $0x0  }
0x6: {  	s1 =	sand.u32 $0x1, s1;
	s4 =	sshll.u32 s6, $0x1;
	[smem:$0x7FF] =	sst s3  }
0x7: {  	s7 =	sadd.s32 $0x1200, s0;
	s10 =	sadd.s32 $0x61D400, s0;
	s6 =	sshll.u32 s6, $0xC  }
0x8: {  	s4 =	sor.u32 s1, s4;
	_ =	strace $0x80000047;
	s8 =	ssub.s32 $0x2, s1  }
0x9: {  	s11 =	sadd.s32 s6, s0;
	s1 =	sshll.u32 s1, $0xB;
	s5 =	sshll.u32 s4, $0x1  }
0xa: {  	s9 =	sshll.u32 s4, $0x4;
	s24 =	sshrl.u32 s8, $0x1;
	s25 =	smul.u32 $0x30E00, s4  }
0xb: {  	s4 =	sshll.u32 s4, $0x6;
	s1 =	sadd.s32 s1, s11;
	s5 =	sadd.s32 s5, s0  }
0xc: {  	s12 =	sor.u32 $0x8, s9;
	s13 =	ssub.s32 s8, s24;
	s0 =	sadd.s32 $0x1D00, s0  }
0xd: {  	s4 =	sadd.s32 s10, s4;
	s31 =	sadd.s32 $0x61DC00, s1;
	s26 =	sshrl.u32 s12, $0x3  }
0xe: {  	v0 =	vimm.f32 $1.000000020e+30;
	v1 =	vimm.s32 $0xFFFFFFFF;
	v2 =	vlaneseq.u32;
	s5 =	sadd.s32 $0x61D200, s5;
	s6 =	sadd.s32 s25, s0;
	[dreg:$0x4] =	wrdreg s4  }
0xf: {  	vm0 =	vcmask $0x31C;
	vm1 =	vcmask $0x71C;
	vm2 =	vcmask $0xB1C;
	s29 =	sshll.u32 s12, $0x2;
	[dreg:$0x7] =	wrdreg s31;
	s28 =	smul.u32 $0x18700, s26  }
0x10: {  	vm3 =	vcmask $0xF1C;
	vm4 =	vcmask $0x131C;
	v3 =	vor.u32 $0x10, v2;
	s30 =	smax.u32 s13, $0x1;
	s12 =	simm.s32 $0x5800;
	[dreg:$0x3] =	wrdreg s5  }
0x11: {  	v4 =	vor.u32 $0x20, v2;
	v5 =	vor.u32 $0x30, v2;
	v6 =	vor.u32 $0x40, v2;
	[dreg:$0x6] =	wrdreg s30;
	s9 =	sadd.s32 s28, s0;
	s0 =	sadd.s32 s10, s29  }
0x12: {  	v7 =	vor.u32 $0x50, v2;
	v8 =	vor.u32 $0x60, v2;
	v9 =	vor.u32 $0x70, v2;
	s5 =	sadd.s32 s7, s25;
	s8 =	sadd.s32 s7, s28;
	[dreg:$0x5] =	wrdreg s0  }
.LBB2_1:
0x13: {  	s0 =	rddreg [dreg:$0x3];
	s1 =	simm.s32 $0x6100  }
0x14: {  	[tilespmem:s1], [sflag:$0x4] =	stream.linear.gather [hbm4b:s0+s3], $0x10, $0x38;
	[tilespmem:$0x7180] =	vst v63  }
0x15: {  	_ =	swait.ge [sflag:s14], $0x10  }
0x16: {  	[sflag:s14] =	ssyncset.done $0x0  }
0x17: {  	[sflag:s14] =	ssyncadd.s32 $0xFFFFFFF0  }
0x18: {  	[tilespmem:$0x6180] =	vst v0  }
0x19: {  	[tilespmem:$0x6980] =	vst v1  }
0x1a: {  	[tilespmem:$0x6190] =	vst v0  }
0x1b: {  	[tilespmem:$0x6990] =	vst v1  }
0x1c: {  	[tilespmem:$0x61A0] =	vst v0  }
0x1d: {  	[tilespmem:$0x69A0] =	vst v1  }
0x1e: {  	[tilespmem:$0x61B0] =	vst v0  }
0x1f: {  	[tilespmem:$0x69B0] =	vst v1  }
0x20: {  	[tilespmem:$0x61C0] =	vst v0  }
0x21: {  	[tilespmem:$0x69C0] =	vst v1  }
0x22: {  	[tilespmem:$0x61D0] =	vst v0  }
0x23: {  	[tilespmem:$0x69D0] =	vst v1  }
0x24: {  	[tilespmem:$0x61E0] =	vst v0  }
0x25: {  	[tilespmem:$0x69E0] =	vst v1  }
0x26: {  	[tilespmem:$0x61F0] =	vst v0  }
0x27: {  	[tilespmem:$0x69F0] =	vst v1  }
0x28: {  	[tilespmem:$0x6200] =	vst v0  }
0x29: {  	[tilespmem:$0x6A00] =	vst v1  }
0x2a: {  	[tilespmem:$0x6210] =	vst v0  }
0x2b: {  	[tilespmem:$0x6A10] =	vst v1  }
0x2c: {  	[tilespmem:$0x6220] =	vst v0  }
0x2d: {  	[tilespmem:$0x6A20] =	vst v1  }
0x2e: {  	[tilespmem:$0x6230] =	vst v0  }
0x2f: {  	[tilespmem:$0x6A30] =	vst v1  }
0x30: {  	[tilespmem:$0x6240] =	vst v0  }
0x31: {  	[tilespmem:$0x6A40] =	vst v1  }
0x32: {  	[tilespmem:$0x6250] =	vst v0  }
0x33: {  	[tilespmem:$0x6A50] =	vst v1  }
0x34: {  	[tilespmem:$0x6260] =	vst v0  }
0x35: {  	[tilespmem:$0x6A60] =	vst v1  }
0x36: {  	[tilespmem:$0x6270] =	vst v0  }
0x37: {  	[tilespmem:$0x6A70] =	vst v1  }
0x38: {  	[tilespmem:$0x6280] =	vst v0  }
0x39: {  	[tilespmem:$0x6A80] =	vst v1  }
0x3a: {  	[tilespmem:$0x6290] =	vst v0  }
0x3b: {  	[tilespmem:$0x6A90] =	vst v1  }
0x3c: {  	[tilespmem:$0x62A0] =	vst v0  }
0x3d: {  	[tilespmem:$0x6AA0] =	vst v1  }
0x3e: {  	[tilespmem:$0x62B0] =	vst v0  }
0x3f: {  	[tilespmem:$0x6AB0] =	vst v1  }
0x40: {  	[tilespmem:$0x62C0] =	vst v0  }
0x41: {  	[tilespmem:$0x6AC0] =	vst v1  }
0x42: {  	[tilespmem:$0x62D0] =	vst v0  }
0x43: {  	[tilespmem:$0x6AD0] =	vst v1  }
0x44: {  	[tilespmem:$0x62E0] =	vst v0  }
0x45: {  	[tilespmem:$0x6AE0] =	vst v1  }
0x46: {  	[tilespmem:$0x62F0] =	vst v0  }
0x47: {  	[tilespmem:$0x6AF0] =	vst v1  }
0x48: {  	[tilespmem:$0x6300] =	vst v0  }
0x49: {  	[tilespmem:$0x6B00] =	vst v1  }
0x4a: {  	[tilespmem:$0x6310] =	vst v0  }
0x4b: {  	[tilespmem:$0x6B10] =	vst v1  }
0x4c: {  	[tilespmem:$0x6320] =	vst v0  }
0x4d: {  	[tilespmem:$0x6B20] =	vst v1  }
0x4e: {  	[tilespmem:$0x6330] =	vst v0  }
0x4f: {  	[tilespmem:$0x6B30] =	vst v1  }
0x50: {  	[tilespmem:$0x6340] =	vst v0  }
0x51: {  	[tilespmem:$0x6B40] =	vst v1  }
0x52: {  	[tilespmem:$0x6350] =	vst v0  }
0x53: {  	[tilespmem:$0x6B50] =	vst v1  }
0x54: {  	[tilespmem:$0x6360] =	vst v0  }
0x55: {  	[tilespmem:$0x6B60] =	vst v1  }
0x56: {  	[tilespmem:$0x6370] =	vst v0  }
0x57: {  	[tilespmem:$0x6B70] =	vst v1  }
0x58: {  	[tilespmem:$0x6380] =	vst v0  }
0x59: {  	[tilespmem:$0x6B80] =	vst v1  }
0x5a: {  	[tilespmem:$0x6390] =	vst v0  }
0x5b: {  	[tilespmem:$0x6B90] =	vst v1  }
0x5c: {  	[tilespmem:$0x63A0] =	vst v0  }
0x5d: {  	[tilespmem:$0x6BA0] =	vst v1  }
0x5e: {  	[tilespmem:$0x63B0] =	vst v0  }
0x5f: {  	[tilespmem:$0x6BB0] =	vst v1  }
0x60: {  	[tilespmem:$0x63C0] =	vst v0  }
0x61: {  	[tilespmem:$0x6BC0] =	vst v1  }
0x62: {  	[tilespmem:$0x63D0] =	vst v0  }
0x63: {  	[tilespmem:$0x6BD0] =	vst v1  }
0x64: {  	[tilespmem:$0x63E0] =	vst v0  }
0x65: {  	[tilespmem:$0x6BE0] =	vst v1  }
0x66: {  	[tilespmem:$0x63F0] =	vst v0  }
0x67: {  	[tilespmem:$0x6BF0] =	vst v1  }
0x68: {  	[tilespmem:$0x6400] =	vst v0  }
0x69: {  	[tilespmem:$0x6C00] =	vst v1  }
0x6a: {  	[tilespmem:$0x6410] =	vst v0  }
0x6b: {  	[tilespmem:$0x6C10] =	vst v1  }
0x6c: {  	[tilespmem:$0x6420] =	vst v0  }
0x6d: {  	[tilespmem:$0x6C20] =	vst v1  }
0x6e: {  	[tilespmem:$0x6430] =	vst v0  }
0x6f: {  	[tilespmem:$0x6C30] =	vst v1  }
0x70: {  	[tilespmem:$0x6440] =	vst v0  }
0x71: {  	[tilespmem:$0x6C40] =	vst v1  }
0x72: {  	[tilespmem:$0x6450] =	vst v0  }
0x73: {  	[tilespmem:$0x6C50] =	vst v1  }
0x74: {  	[tilespmem:$0x6460] =	vst v0  }
0x75: {  	[tilespmem:$0x6C60] =	vst v1  }
0x76: {  	[tilespmem:$0x6470] =	vst v0  }
0x77: {  	[tilespmem:$0x6C70] =	vst v1  }
0x78: {  	[tilespmem:$0x6480] =	vst v0  }
0x79: {  	[tilespmem:$0x6C80] =	vst v1  }
0x7a: {  	[tilespmem:$0x6490] =	vst v0  }
0x7b: {  	[tilespmem:$0x6C90] =	vst v1  }
0x7c: {  	[tilespmem:$0x64A0] =	vst v0  }
0x7d: {  	[tilespmem:$0x6CA0] =	vst v1  }
0x7e: {  	[tilespmem:$0x64B0] =	vst v0  }
0x7f: {  	[tilespmem:$0x6CB0] =	vst v1  }
0x80: {  	[tilespmem:$0x64C0] =	vst v0  }
0x81: {  	[tilespmem:$0x6CC0] =	vst v1  }
0x82: {  	[tilespmem:$0x64D0] =	vst v0  }
0x83: {  	[tilespmem:$0x6CD0] =	vst v1  }
0x84: {  	[tilespmem:$0x64E0] =	vst v0  }
0x85: {  	[tilespmem:$0x6CE0] =	vst v1  }
0x86: {  	[tilespmem:$0x64F0] =	vst v0  }
0x87: {  	[tilespmem:$0x6CF0] =	vst v1  }
0x88: {  	[tilespmem:$0x6500] =	vst v0  }
0x89: {  	[tilespmem:$0x6D00] =	vst v1  }
0x8a: {  	[tilespmem:$0x6510] =	vst v0  }
0x8b: {  	[tilespmem:$0x6D10] =	vst v1  }
0x8c: {  	[tilespmem:$0x6520] =	vst v0  }
0x8d: {  	[tilespmem:$0x6D20] =	vst v1  }
0x8e: {  	[tilespmem:$0x6530] =	vst v0  }
0x8f: {  	[tilespmem:$0x6D30] =	vst v1  }
0x90: {  	[tilespmem:$0x6540] =	vst v0  }
0x91: {  	[tilespmem:$0x6D40] =	vst v1  }
0x92: {  	[tilespmem:$0x6550] =	vst v0  }
0x93: {  	[tilespmem:$0x6D50] =	vst v1  }
0x94: {  	[tilespmem:$0x6560] =	vst v0  }
0x95: {  	[tilespmem:$0x6D60] =	vst v1  }
0x96: {  	[tilespmem:$0x6570] =	vst v0  }
0x97: {  	s22 =	simm.s32 $0x580;
	s23 =	simm.s32 $0x0;
	s24 =	simm.s32 $0x0;
	[tilespmem:$0x6D70] =	vst v1  }
0x98: {  	v10 =	vld [tilespmem:$0x6100];
	[tilespmem:s3], [sflag:$0x1] =	stream.linear.gather [hbm4b:s5+s3], $0x2C00, $0x38  }
.LBB2_2:
0x99: {  	s25 =	smul.u32 $0xB00, s24;
	_ =	sdelay $0x1  }
0x9a: {  	s0 =	sadd.s32 s5, s25  }
0x9b: {  	s26 =	simm.s32 $0x0;
	s0 =	sadd.s32 $0x580, s0  }
0x9c: {  	[tilespmem:s15], [sflag:$0x2] =	stream.linear.gather [hbm4b:s0+s26], $0x2C00, $0x38;
	[tilespmem:$0x7180] =	vst v63  }
0x9d: {  	_ =	swait.ge [sflag:s16], $0x2C00  }
0x9e: {  	[sflag:s16] =	ssyncset.done $0x0  }
0x9f: {  	s28 =	simm.s32 $0x40;
	[sflag:s16] =	ssyncadd.s32 $0xFFFFD400  }
.LBB2_3:
0xa0: {  	v34 =	vld [tilespmem:s28+$0xFFFFFFC0]  }
0xa1: {  	v35 =	vld [tilespmem:s28+$0xFFFFFFD0]  }
0xa2: {  	v28 =	vld [tilespmem:s28+$0xFFFFFFE0]  }
0xa3: {  	v29 =	vld [tilespmem:s28+$0xFFFFFFF0]  }
0xa4: {  	v31 =	vld [tilespmem:s28+$0x0]  }
0xa5: {  	v27 =	vld [tilespmem:s28+$0x10]  }
0xa6: {  	v33 =	vld [tilespmem:s28+$0x20]  }
0xa7: {  	s30 =	sshll.u32 s26, $0x7;
	v37 =	vld [tilespmem:s28+$0x30]  }
0xa8: {  	v24 =	vld [tilespmem:s30+$0x6180]  }
0xa9: {  	v22 =	vld [tilespmem:s30+$0x6190]  }
0xaa: {  	v20 =	vld [tilespmem:s30+$0x61A0]  }
0xab: {  	v18 =	vld [tilespmem:s30+$0x61B0]  }
0xac: {  	v16 =	vld [tilespmem:s30+$0x61C0]  }
0xad: {  	v14 =	vld [tilespmem:s30+$0x61D0]  }
0xae: {  	v12 =	vld [tilespmem:s30+$0x61E0]  }
0xaf: {  	v11 =	vld [tilespmem:s30+$0x61F0]  }
0xb0: {  	v26 =	vld [tilespmem:s30+$0x6980]  }
0xb1: {  	v25 =	vld [tilespmem:s30+$0x6990]  }
0xb2: {  	v23 =	vld [tilespmem:s30+$0x69A0]  }
0xb3: {  	v21 =	vld [tilespmem:s30+$0x69B0]  }
0xb4: {  	s7 =	sadd.s32 $0x0, s23;
	v19 =	vld [tilespmem:s30+$0x69C0]  }
0xb5: {  	s10 =	simm.s32 $0x80;
	s11 =	smov.u32 s28;
	v17 =	vld [tilespmem:s30+$0x69D0];
	s4 =	sor.u32 $0x10, s30;
	v41 =	vor.u32 s7, v2  }
0xb6: {  	v15 =	vld [tilespmem:s30+$0x69E0];
	s18 =	sor.u32 $0x20, s30;
	s13 =	sor.u32 $0x30, s30;
	s1 =	sor.u32 $0x40, s30;
	v40 =	vor.u32 s7, v3;
	v39 =	vor.u32 s7, v4;
	v38 =	vor.u32 s7, v5  }
0xb7: {  	v13 =	vld [tilespmem:s30+$0x69F0];
	s0 =	sor.u32 $0x50, s30;
	s31 =	sor.u32 $0x60, s30;
	s29 =	sor.u32 $0x70, s30;
	v36 =	vor.u32 s7, v6;
	v32 =	vor.u32 s7, v7;
	v30 =	vor.u32 s7, v8  }
.LBB2_4:
0xb8: {  	p0 =	sne.s32 s10, $0x500;
	vm5 =	vlt.f32 v34, v24;
	vm6 =	vlt.f32 v35, v22;
	v42 =	vor.u32 s7, v9  }
0xb9: {  	v24 =	vsel vm5, v34, v24;
	v26 =	vsel vm5, v41, v26;
	v22 =	vsel vm6, v35, v22  }
0xba: {  	vm7 =	vlt.f32 v29, v18;
	s11 =	sadd.s32 $0x400, s11;
	vm5 =	vlt.f32 v28, v20;
	vm8 =	vlt.f32 v31, v16  }
0xbb: {  	v18 =	vsel vm7, v29, v18;
	v20 =	vsel vm5, v28, v20;
	v16 =	vsel vm8, v31, v16;
	v34 =	vld [tilespmem:s11+$0xFFFFFFC0]  }
0xbc: {  	vm9 =	vlt.f32 v27, v14;
	vm10 =	vlt.f32 v33, v12;
	v35 =	vld [tilespmem:s11+$0xFFFFFFD0];
	vm11 =	vlt.f32 v37, v11  }
0xbd: {  	v14 =	vsel vm9, v27, v14;
	v12 =	vsel vm10, v33, v12;
	v28 =	vld [tilespmem:s11+$0xFFFFFFE0];
	v11 =	vsel vm11, v37, v11  }
.Ltmp0:
0xbe: {  	v25 =	vsel vm6, v40, v25;
	v21 =	vsel vm7, v38, v21;
	v23 =	vsel vm5, v39, v23;
	v29 =	vld [tilespmem:s11+$0xFFFFFFF0];
	(pc) =	sbr.rel @p0 .LBB2_4-.Ltmp0, $4  }
0xbf: {  	s7 =	sadd.s32 s10, s23;
	v19 =	vsel vm8, v36, v19;
	v17 =	vsel vm9, v32, v17;
	v15 =	vsel vm10, v30, v15;
	v31 =	vld [tilespmem:s11+$0x0]  }
0xc0: {  	v41 =	vor.u32 s7, v2;
	v13 =	vsel vm11, v42, v13;
	v27 =	vld [tilespmem:s11+$0x10]  }
0xc1: {  	v40 =	vor.u32 s7, v3;
	v38 =	vor.u32 s7, v5;
	v39 =	vor.u32 s7, v4;
	v33 =	vld [tilespmem:s11+$0x20]  }
0xc2: {  	s10 =	sadd.s32 $0x80, s10;
	v36 =	vor.u32 s7, v6;
	v32 =	vor.u32 s7, v7;
	v30 =	vor.u32 s7, v8;
	v37 =	vld [tilespmem:s11+$0x30]  }
0xc3: {  	vm5 =	vlt.f32 v34, v24  }
0xc4: {  	v24 =	vsel vm5, v34, v24  }
0xc5: {  	vm6 =	vlt.f32 v35, v22;
	v26 =	vsel vm5, v41, v26;
	[tilespmem:s30+$0x6180] =	vst v24  }
0xc6: {  	v22 =	vsel vm6, v35, v22;
	[tilespmem:s30+$0x6980] =	vst v26  }
0xc7: {  	vm5 =	vlt.f32 v28, v20;
	v57 =	vsel vm6, v40, v25;
	[tilespmem:s4+$0x6180] =	vst v22  }
0xc8: {  	v20 =	vsel vm5, v28, v20;
	[tilespmem:s4+$0x6980] =	vst v57  }
0xc9: {  	vm6 =	vlt.f32 v29, v18;
	v58 =	vsel vm5, v39, v23;
	[tilespmem:s18+$0x6180] =	vst v20  }
0xca: {  	v18 =	vsel vm6, v29, v18;
	[tilespmem:s18+$0x6980] =	vst v58  }
0xcb: {  	vm5 =	vlt.f32 v31, v16;
	v59 =	vsel vm6, v38, v21;
	[tilespmem:s13+$0x6180] =	vst v18  }
0xcc: {  	v16 =	vsel vm5, v31, v16;
	[tilespmem:s13+$0x6980] =	vst v59  }
0xcd: {  	vm6 =	vlt.f32 v27, v14;
	v60 =	vsel vm5, v36, v19;
	[tilespmem:s1+$0x6180] =	vst v16  }
0xce: {  	s26 =	sadd.s32 $0x1, s26;
	v14 =	vsel vm6, v27, v14;
	[tilespmem:s1+$0x6980] =	vst v60  }
0xcf: {  	p0 =	sne.s32 s26, $0x8;
	vm5 =	vlt.f32 v33, v12;
	v61 =	vsel vm6, v32, v17;
	[tilespmem:s0+$0x6180] =	vst v14  }
.Ltmp1:
0xd0: {  	v12 =	vsel vm5, v33, v12;
	[tilespmem:s0+$0x6980] =	vst v61;
	(pc) =	sbr.rel @p0 .LBB2_3-.Ltmp1, $4  }
0xd1: {  	vm6 =	vlt.f32 v37, v11;
	v62 =	vsel vm5, v30, v15;
	[tilespmem:s31+$0x6180] =	vst v12  }
0xd2: {  	v63 =	vor.u32 s7, v9;
	v11 =	vsel vm6, v37, v11;
	[tilespmem:s31+$0x6980] =	vst v62  }
0xd3: {  	v12 =	vsel vm6, v63, v13;
	[tilespmem:s29+$0x6180] =	vst v11  }
0xd4: {  	s28 =	sadd.s32 $0x80, s28;
	[tilespmem:s29+$0x6980] =	vst v12  }
0xd5: {  	s0 =	sadd.s32 s25, s6;
	s25 =	simm.s32 $0x0  }
0xd6: {  	[tilespmem:s25], [sflag:$0x1] =	stream.linear.gather [hbm4b:s0+s25], $0x2C00, $0x38;
	[tilespmem:$0x7180] =	vst v63  }
0xd7: {  	_ =	swait.ge [sflag:s17], $0x2C00  }
0xd8: {  	[sflag:s17] =	ssyncset.done $0x0  }
0xd9: {  	s26 =	simm.s32 $0x2C40;
	[sflag:s17] =	ssyncadd.s32 $0xFFFFD400  }
.LBB2_7:
0xda: {  	v34 =	vld [tilespmem:s26+$0xFFFFFFC0]  }
0xdb: {  	v35 =	vld [tilespmem:s26+$0xFFFFFFD0]  }
0xdc: {  	v28 =	vld [tilespmem:s26+$0xFFFFFFE0]  }
0xdd: {  	v29 =	vld [tilespmem:s26+$0xFFFFFFF0]  }
0xde: {  	v31 =	vld [tilespmem:s26+$0x0]  }
0xdf: {  	v27 =	vld [tilespmem:s26+$0x10]  }
0xe0: {  	v33 =	vld [tilespmem:s26+$0x20]  }
0xe1: {  	s29 =	sshll.u32 s25, $0x7;
	v37 =	vld [tilespmem:s26+$0x30]  }
0xe2: {  	v24 =	vld [tilespmem:s29+$0x6180]  }
0xe3: {  	v22 =	vld [tilespmem:s29+$0x6190]  }
0xe4: {  	v20 =	vld [tilespmem:s29+$0x61A0]  }
0xe5: {  	v18 =	vld [tilespmem:s29+$0x61B0]  }
0xe6: {  	v16 =	vld [tilespmem:s29+$0x61C0]  }
0xe7: {  	v14 =	vld [tilespmem:s29+$0x61D0]  }
0xe8: {  	v12 =	vld [tilespmem:s29+$0x61E0]  }
0xe9: {  	v11 =	vld [tilespmem:s29+$0x61F0]  }
0xea: {  	v26 =	vld [tilespmem:s29+$0x6980]  }
0xeb: {  	v25 =	vld [tilespmem:s29+$0x6990]  }
0xec: {  	v23 =	vld [tilespmem:s29+$0x69A0]  }
0xed: {  	v21 =	vld [tilespmem:s29+$0x69B0]  }
0xee: {  	s7 =	sadd.s32 $0x0, s22;
	v19 =	vld [tilespmem:s29+$0x69C0]  }
0xef: {  	s10 =	simm.s32 $0x80;
	s11 =	smov.u32 s26;
	v17 =	vld [tilespmem:s29+$0x69D0];
	s4 =	sor.u32 $0x10, s29;
	v41 =	vor.u32 s7, v2  }
0xf0: {  	v15 =	vld [tilespmem:s29+$0x69E0];
	s18 =	sor.u32 $0x20, s29;
	s13 =	sor.u32 $0x30, s29;
	s1 =	sor.u32 $0x40, s29;
	v40 =	vor.u32 s7, v3;
	v39 =	vor.u32 s7, v4;
	v38 =	vor.u32 s7, v5  }
0xf1: {  	v13 =	vld [tilespmem:s29+$0x69F0];
	s0 =	sor.u32 $0x50, s29;
	s30 =	sor.u32 $0x60, s29;
	s28 =	sor.u32 $0x70, s29;
	v36 =	vor.u32 s7, v6;
	v32 =	vor.u32 s7, v7;
	v30 =	vor.u32 s7, v8  }
.LBB2_8:
0xf2: {  	p0 =	sne.s32 s10, $0x500;
	vm5 =	vlt.f32 v34, v24;
	vm6 =	vlt.f32 v35, v22;
	v42 =	vor.u32 s7, v9  }
0xf3: {  	v24 =	vsel vm5, v34, v24;
	v26 =	vsel vm5, v41, v26;
	v22 =	vsel vm6, v35, v22  }
0xf4: {  	vm7 =	vlt.f32 v29, v18;
	s11 =	sadd.s32 $0x400, s11;
	vm5 =	vlt.f32 v28, v20;
	vm8 =	vlt.f32 v31, v16  }
0xf5: {  	v18 =	vsel vm7, v29, v18;
	v20 =	vsel vm5, v28, v20;
	v16 =	vsel vm8, v31, v16;
	v34 =	vld [tilespmem:s11+$0xFFFFFFC0]  }
0xf6: {  	vm9 =	vlt.f32 v27, v14;
	vm10 =	vlt.f32 v33, v12;
	v35 =	vld [tilespmem:s11+$0xFFFFFFD0];
	vm11 =	vlt.f32 v37, v11  }
0xf7: {  	v14 =	vsel vm9, v27, v14;
	v12 =	vsel vm10, v33, v12;
	v28 =	vld [tilespmem:s11+$0xFFFFFFE0];
	v11 =	vsel vm11, v37, v11  }
.Ltmp2:
0xf8: {  	v25 =	vsel vm6, v40, v25;
	v21 =	vsel vm7, v38, v21;
	v23 =	vsel vm5, v39, v23;
	v29 =	vld [tilespmem:s11+$0xFFFFFFF0];
	(pc) =	sbr.rel @p0 .LBB2_8-.Ltmp2, $4  }
0xf9: {  	s7 =	sadd.s32 s10, s22;
	v19 =	vsel vm8, v36, v19;
	v17 =	vsel vm9, v32, v17;
	v15 =	vsel vm10, v30, v15;
	v31 =	vld [tilespmem:s11+$0x0]  }
0xfa: {  	v41 =	vor.u32 s7, v2;
	v13 =	vsel vm11, v42, v13;
	v27 =	vld [tilespmem:s11+$0x10]  }
0xfb: {  	v40 =	vor.u32 s7, v3;
	v38 =	vor.u32 s7, v5;
	v39 =	vor.u32 s7, v4;
	v33 =	vld [tilespmem:s11+$0x20]  }
0xfc: {  	s10 =	sadd.s32 $0x80, s10;
	v36 =	vor.u32 s7, v6;
	v32 =	vor.u32 s7, v7;
	v30 =	vor.u32 s7, v8;
	v37 =	vld [tilespmem:s11+$0x30]  }
0xfd: {  	vm5 =	vlt.f32 v34, v24  }
0xfe: {  	v24 =	vsel vm5, v34, v24  }
0xff: {  	vm6 =	vlt.f32 v35, v22;
	v26 =	vsel vm5, v41, v26;
	[tilespmem:s29+$0x6180] =	vst v24  }
0x100: {  	v22 =	vsel vm6, v35, v22;
	[tilespmem:s29+$0x6980] =	vst v26  }
0x101: {  	vm5 =	vlt.f32 v28, v20;
	v57 =	vsel vm6, v40, v25;
	[tilespmem:s4+$0x6180] =	vst v22  }
0x102: {  	v20 =	vsel vm5, v28, v20;
	[tilespmem:s4+$0x6980] =	vst v57  }
0x103: {  	vm6 =	vlt.f32 v29, v18;
	v58 =	vsel vm5, v39, v23;
	[tilespmem:s18+$0x6180] =	vst v20  }
0x104: {  	v18 =	vsel vm6, v29, v18;
	[tilespmem:s18+$0x6980] =	vst v58  }
0x105: {  	vm5 =	vlt.f32 v31, v16;
	v59 =	vsel vm6, v38, v21;
	[tilespmem:s13+$0x6180] =	vst v18  }
0x106: {  	v16 =	vsel vm5, v31, v16;
	[tilespmem:s13+$0x6980] =	vst v59  }
0x107: {  	vm6 =	vlt.f32 v27, v14;
	v60 =	vsel vm5, v36, v19;
	[tilespmem:s1+$0x6180] =	vst v16  }
0x108: {  	s25 =	sadd.s32 $0x1, s25;
	v14 =	vsel vm6, v27, v14;
	[tilespmem:s1+$0x6980] =	vst v60  }
0x109: {  	p0 =	sne.s32 s25, $0x8;
	vm5 =	vlt.f32 v33, v12;
	v61 =	vsel vm6, v32, v17;
	[tilespmem:s0+$0x6180] =	vst v14  }
.Ltmp3:
0x10a: {  	v12 =	vsel vm5, v33, v12;
	[tilespmem:s0+$0x6980] =	vst v61;
	(pc) =	sbr.rel @p0 .LBB2_7-.Ltmp3, $4  }
0x10b: {  	vm6 =	vlt.f32 v37, v11;
	v62 =	vsel vm5, v30, v15;
	[tilespmem:s30+$0x6180] =	vst v12  }
0x10c: {  	v63 =	vor.u32 s7, v9;
	v11 =	vsel vm6, v37, v11;
	[tilespmem:s30+$0x6980] =	vst v62  }
0x10d: {  	v12 =	vsel vm6, v63, v13;
	[tilespmem:s28+$0x6180] =	vst v11  }
0x10e: {  	s26 =	sadd.s32 $0x80, s26;
	[tilespmem:s28+$0x6980] =	vst v12  }
0x10f: {  	s24 =	sadd.s32 $0x1, s24  }
0x110: {  	p0 =	sne.s32 s24, $0x23  }
.Ltmp4:
0x111: {  	_ = 	snop;
	(pc) =	sbr.rel @p0 .LBB2_2-.Ltmp4, $2  }
0x112: {  	_ =	sdelay $0x2  }
0x113: {  	s23 =	sadd.s32 $0xB00, s23;
	s22 =	sadd.s32 $0xB00, s22  }
0x114: {  	_ =	swait.ge [sflag:s16], $0x2C00  }
0x115: {  	[sflag:s16] =	ssyncset.done $0x0  }
0x116: {  	s22 =	simm.s32 $0x0;
	s23 =	simm.s32 $0x40;
	[sflag:s16] =	ssyncadd.s32 $0xFFFFD400  }
.LBB2_12:
0x117: {  	v34 =	vld [tilespmem:s23+$0xFFFFFFC0]  }
0x118: {  	v35 =	vld [tilespmem:s23+$0xFFFFFFD0]  }
0x119: {  	v28 =	vld [tilespmem:s23+$0xFFFFFFE0]  }
0x11a: {  	v29 =	vld [tilespmem:s23+$0xFFFFFFF0]  }
0x11b: {  	v31 =	vld [tilespmem:s23+$0x0]  }
0x11c: {  	v27 =	vld [tilespmem:s23+$0x10]  }
0x11d: {  	v33 =	vld [tilespmem:s23+$0x20]  }
0x11e: {  	s26 =	sshll.u32 s22, $0x7;
	v37 =	vld [tilespmem:s23+$0x30]  }
0x11f: {  	v24 =	vld [tilespmem:s26+$0x6180]  }
0x120: {  	v22 =	vld [tilespmem:s26+$0x6190]  }
0x121: {  	v20 =	vld [tilespmem:s26+$0x61A0]  }
0x122: {  	v18 =	vld [tilespmem:s26+$0x61B0]  }
0x123: {  	v16 =	vld [tilespmem:s26+$0x61C0]  }
0x124: {  	v14 =	vld [tilespmem:s26+$0x61D0]  }
0x125: {  	v12 =	vld [tilespmem:s26+$0x61E0]  }
0x126: {  	v11 =	vld [tilespmem:s26+$0x61F0]  }
0x127: {  	v26 =	vld [tilespmem:s26+$0x6980]  }
0x128: {  	v25 =	vld [tilespmem:s26+$0x6990]  }
0x129: {  	v23 =	vld [tilespmem:s26+$0x69A0]  }
0x12a: {  	v21 =	vld [tilespmem:s26+$0x69B0]  }
0x12b: {  	s24 =	simm.s32 $0x18100;
	v19 =	vld [tilespmem:s26+$0x69C0]  }
0x12c: {  	s7 =	simm.s32 $0x18180;
	s10 =	smov.u32 s23;
	v17 =	vld [tilespmem:s26+$0x69D0];
	s4 =	sor.u32 $0x10, s26;
	v41 =	vor.u32 s24, v2  }
0x12d: {  	v15 =	vld [tilespmem:s26+$0x69E0];
	s18 =	sor.u32 $0x20, s26;
	s13 =	sor.u32 $0x30, s26;
	s1 =	sor.u32 $0x40, s26;
	v40 =	vor.u32 s24, v3;
	v39 =	vor.u32 s24, v4;
	v38 =	vor.u32 s24, v5  }
0x12e: {  	v13 =	vld [tilespmem:s26+$0x69F0];
	s0 =	sor.u32 $0x50, s26;
	s28 =	sor.u32 $0x60, s26;
	s25 =	sor.u32 $0x70, s26;
	v36 =	vor.u32 s24, v6;
	v32 =	vor.u32 s24, v7;
	v30 =	vor.u32 s24, v8  }
.LBB2_13:
0x12f: {  	p0 =	sne.s32 s7, $0x18600;
	vm5 =	vlt.f32 v34, v24;
	vm6 =	vlt.f32 v35, v22;
	v42 =	vor.u32 s24, v9;
	s24 =	smov.u32 s7  }
0x130: {  	v24 =	vsel vm5, v34, v24;
	v26 =	vsel vm5, v41, v26;
	v22 =	vsel vm6, v35, v22  }
0x131: {  	vm7 =	vlt.f32 v29, v18;
	s10 =	sadd.s32 $0x400, s10;
	vm5 =	vlt.f32 v28, v20;
	vm8 =	vlt.f32 v31, v16  }
0x132: {  	v18 =	vsel vm7, v29, v18;
	v20 =	vsel vm5, v28, v20;
	v16 =	vsel vm8, v31, v16;
	v34 =	vld [tilespmem:s10+$0xFFFFFFC0]  }
0x133: {  	vm9 =	vlt.f32 v27, v14;
	vm10 =	vlt.f32 v33, v12;
	v35 =	vld [tilespmem:s10+$0xFFFFFFD0];
	vm11 =	vlt.f32 v37, v11  }
0x134: {  	v14 =	vsel vm9, v27, v14;
	v12 =	vsel vm10, v33, v12;
	v28 =	vld [tilespmem:s10+$0xFFFFFFE0];
	v11 =	vsel vm11, v37, v11  }
.Ltmp5:
0x135: {  	v25 =	vsel vm6, v40, v25;
	v21 =	vsel vm7, v38, v21;
	v23 =	vsel vm5, v39, v23;
	v29 =	vld [tilespmem:s10+$0xFFFFFFF0];
	(pc) =	sbr.rel @p0 .LBB2_13-.Ltmp5, $4  }
0x136: {  	v19 =	vsel vm8, v36, v19;
	v17 =	vsel vm9, v32, v17;
	v15 =	vsel vm10, v30, v15;
	v31 =	vld [tilespmem:s10+$0x0]  }
0x137: {  	v41 =	vor.u32 s7, v2;
	v13 =	vsel vm11, v42, v13;
	v27 =	vld [tilespmem:s10+$0x10]  }
0x138: {  	v40 =	vor.u32 s7, v3;
	v38 =	vor.u32 s7, v5;
	v39 =	vor.u32 s7, v4;
	v33 =	vld [tilespmem:s10+$0x20]  }
0x139: {  	v36 =	vor.u32 s24, v6;
	s7 =	sadd.s32 $0x80, s7;
	v32 =	vor.u32 s24, v7;
	v30 =	vor.u32 s24, v8;
	v37 =	vld [tilespmem:s10+$0x30]  }
0x13a: {  	vm5 =	vlt.f32 v34, v24  }
0x13b: {  	v24 =	vsel vm5, v34, v24  }
0x13c: {  	vm6 =	vlt.f32 v35, v22;
	v26 =	vsel vm5, v41, v26;
	[tilespmem:s26+$0x6180] =	vst v24  }
0x13d: {  	v22 =	vsel vm6, v35, v22;
	[tilespmem:s26+$0x6980] =	vst v26  }
0x13e: {  	vm5 =	vlt.f32 v28, v20;
	v57 =	vsel vm6, v40, v25;
	[tilespmem:s4+$0x6180] =	vst v22  }
0x13f: {  	v20 =	vsel vm5, v28, v20;
	[tilespmem:s4+$0x6980] =	vst v57  }
0x140: {  	vm6 =	vlt.f32 v29, v18;
	v58 =	vsel vm5, v39, v23;
	[tilespmem:s18+$0x6180] =	vst v20  }
0x141: {  	v18 =	vsel vm6, v29, v18;
	[tilespmem:s18+$0x6980] =	vst v58  }
0x142: {  	vm5 =	vlt.f32 v31, v16;
	v59 =	vsel vm6, v38, v21;
	[tilespmem:s13+$0x6180] =	vst v18  }
0x143: {  	v16 =	vsel vm5, v31, v16;
	[tilespmem:s13+$0x6980] =	vst v59  }
0x144: {  	vm6 =	vlt.f32 v27, v14;
	v60 =	vsel vm5, v36, v19;
	[tilespmem:s1+$0x6180] =	vst v16  }
0x145: {  	s22 =	sadd.s32 $0x1, s22;
	v14 =	vsel vm6, v27, v14;
	[tilespmem:s1+$0x6980] =	vst v60  }
0x146: {  	p0 =	sne.s32 s22, $0x8;
	vm5 =	vlt.f32 v33, v12;
	v61 =	vsel vm6, v32, v17;
	[tilespmem:s0+$0x6180] =	vst v14  }
.Ltmp6:
0x147: {  	v12 =	vsel vm5, v33, v12;
	[tilespmem:s0+$0x6980] =	vst v61;
	(pc) =	sbr.rel @p0 .LBB2_12-.Ltmp6, $4  }
0x148: {  	vm6 =	vlt.f32 v37, v11;
	v62 =	vsel vm5, v30, v15;
	[tilespmem:s28+$0x6180] =	vst v12  }
0x149: {  	v63 =	vor.u32 s24, v9;
	v11 =	vsel vm6, v37, v11;
	[tilespmem:s28+$0x6980] =	vst v62  }
0x14a: {  	v12 =	vsel vm6, v63, v13;
	[tilespmem:s25+$0x6180] =	vst v11  }
0x14b: {  	s23 =	sadd.s32 $0x80, s23;
	[tilespmem:s25+$0x6980] =	vst v12  }
0x14c: {  	s0 =	simm.s32 $0x0;
	s1 =	rddreg [dreg:$0x4]  }
0x14d: {  	[tilespmem:s12], [sflag:$0x4] =	stream.linear.gather [hbm4b:s1+s0], $0x100, $0x38;
	[tilespmem:$0x7180] =	vst v63  }
0x14e: {  	_ =	swait.ge [sflag:s14], $0x100  }
0x14f: {  	[sflag:s14] =	ssyncset.done $0x0  }
0x150: {  	s22 =	simm.s32 $0x0;
	[sflag:s14] =	ssyncadd.s32 $0xFFFFFF00  }
0x151: {  	v11 =	vld [tilespmem:s22+$0x61A0]  }
0x152: {  	v12 =	vld [tilespmem:s22+$0x69F0]  }
0x153: {  	v14 =	vld [tilespmem:s22+$0x69E0]  }
0x154: {  	v13 =	vld [tilespmem:s22+$0x69D0]  }
0x155: {  	v18 =	vld [tilespmem:s22+$0x6190]  }
0x156: {  	v21 =	vld [tilespmem:s22+$0x6180]  }
0x157: {  	s0 =	simm.s32 $0x5810;
	v23 =	vld [tilespmem:s22+$0x6980]  }
0x158: {  	v24 =	vld [tilespmem:s0+$0x0]  }
0x159: {  	v15 =	vld [tilespmem:s22+$0x61D0]  }
0x15a: {  	v22 =	vld [tilespmem:s22+$0x61E0]  }
0x15b: {  	v25 =	vld [tilespmem:s0+$0xFFFFFFF0]  }
0x15c: {  	v20 =	vld [tilespmem:s22+$0x61F0];
	[tilespmem:s22+$0x61A0] =	vst v11  }
0x15d: {  	v16 =	vld [tilespmem:s22+$0x69A0];
	[tilespmem:s22+$0x69E0] =	vst v14;
	vm5 =	vlt.f32 v24, v18  }
0x15e: {  	v19 =	vld [tilespmem:s22+$0x6990];
	[tilespmem:s22+$0x61D0] =	vst v15;
	v14 =	vsel vm5, v24, v18  }
0x15f: {  	v17 =	vld [tilespmem:s22+$0x69B0];
	[tilespmem:s22+$0x61E0] =	vst v22  }
0x160: {  	v15 =	vld [tilespmem:s22+$0x69C0];
	v11 =	vor.u32 $0x18690, v2;
	[tilespmem:s22+$0x69F0] =	vst v12;
	vm6 =	vlt.f32 v25, v21;
	v12 =	vor.u32 $0x18680, v2  }
0x161: {  	s1 =	simm.s32 $0x200;
	v18 =	vld [tilespmem:s22+$0x61B0];
	v22 =	vsel vm6, v25, v21;
	v21 =	vsel vm6, v12, v23;
	[tilespmem:s22+$0x6190] =	vst v14;
	v14 =	vmov v11  }
.LBB2_16:
0x162: {  	s7 =	smov.u32 s1  }
0x163: {  	s4 =	sshra.s32 s1, $0x2;
	v23 =	vld [tilespmem:s22+$0x61C0];
	[tilespmem:s22+$0x61F0] =	vst v20;
	s0 =	sadd.s32 $0x20, s0;
	s7 =	sadd.s32 $0x200, s1  }
0x164: {  	p0 =	sne.s32 s1, $0xE00;
	v19 =	vsel vm5, v14, v19;
	v14 =	vmov v11;
	v24 =	vld [tilespmem:s4+$0x61A0];
	[tilespmem:s22+$0x69D0] =	vst v13  }
0x165: {  	v25 =	vld [tilespmem:s4+$0x69F0];
	[tilespmem:s22+$0x69A0] =	vst v16  }
0x166: {  	v26 =	vld [tilespmem:s4+$0x69E0];
	[tilespmem:s22+$0x6180] =	vst v22  }
0x167: {  	v13 =	vld [tilespmem:s4+$0x69D0];
	[tilespmem:s22+$0x69B0] =	vst v17  }
0x168: {  	v22 =	vld [tilespmem:s4+$0x6190];
	[tilespmem:s22+$0x6990] =	vst v19  }
0x169: {  	v27 =	vld [tilespmem:s4+$0x6180];
	[tilespmem:s22+$0x6980] =	vst v21  }
0x16a: {  	v21 =	vld [tilespmem:s4+$0x6980];
	[tilespmem:s22+$0x61B0] =	vst v18  }
0x16b: {  	v17 =	vld [tilespmem:s4+$0x61D0];
	[tilespmem:s22+$0x61C0] =	vst v23  }
0x16c: {  	v18 =	vld [tilespmem:s4+$0x61E0];
	[tilespmem:s22+$0x69C0] =	vst v15;
	s22 =	smov.u32 s4  }
0x16d: {  	v23 =	vld [tilespmem:s0+$0x0]  }
0x16e: {  	v28 =	vld [tilespmem:s0+$0xFFFFFFF0]  }
0x16f: {  	v20 =	vld [tilespmem:s22+$0x61F0];
	[tilespmem:s22+$0x61A0] =	vst v24  }
.Ltmp7:
0x170: {  	v16 =	vld [tilespmem:s22+$0x69A0];
	[tilespmem:s22+$0x69E0] =	vst v26;
	(pc) =	sbr.rel @p0 .LBB2_16-.Ltmp7, $4  }
0x171: {  	v19 =	vld [tilespmem:s22+$0x6990];
	[tilespmem:s22+$0x61D0] =	vst v17  }
0x172: {  	v17 =	vld [tilespmem:s22+$0x69B0];
	vm5 =	vlt.f32 v23, v22;
	[tilespmem:s22+$0x61E0] =	vst v18  }
0x173: {  	v15 =	vld [tilespmem:s22+$0x69C0];
	vm6 =	vlt.f32 v28, v27;
	v23 =	vsel vm5, v23, v22;
	[tilespmem:s22+$0x69F0] =	vst v25  }
0x174: {  	s1 =	smov.u32 s7;
	v18 =	vld [tilespmem:s22+$0x61B0];
	v22 =	vsel vm6, v28, v27;
	v21 =	vsel vm6, v12, v21;
	[tilespmem:s22+$0x6190] =	vst v23  }
0x175: {  	[tilespmem:s22+$0x61F0] =	vst v20  }
0x176: {  	[tilespmem:s22+$0x69D0] =	vst v13  }
0x177: {  	[tilespmem:s22+$0x69A0] =	vst v16  }
0x178: {  	[tilespmem:s22+$0x6180] =	vst v22  }
0x179: {  	v23 =	vld [tilespmem:s22+$0x61C0];
	[tilespmem:s22+$0x6980] =	vst v21  }
0x17a: {  	v13 =	vsel vm5, v14, v19;
	[tilespmem:s22+$0x69B0] =	vst v17  }
0x17b: {  	[tilespmem:s22+$0x6990] =	vst v13  }
0x17c: {  	[tilespmem:s22+$0x69C0] =	vst v15  }
0x17d: {  	[tilespmem:s22+$0x61B0] =	vst v18  }
0x17e: {  	[tilespmem:s22+$0x61C0] =	vst v23  }
0x17f: {  	[tilespmem:$0x6580] =	vst v0  }
0x180: {  	[tilespmem:$0x6D80] =	vst v1  }
0x181: {  	[tilespmem:$0x6590] =	vst v0  }
0x182: {  	[tilespmem:$0x6D90] =	vst v1  }
0x183: {  	[tilespmem:$0x65A0] =	vst v0  }
0x184: {  	[tilespmem:$0x6DA0] =	vst v1  }
0x185: {  	[tilespmem:$0x65B0] =	vst v0  }
0x186: {  	[tilespmem:$0x6DB0] =	vst v1  }
0x187: {  	[tilespmem:$0x65C0] =	vst v0  }
0x188: {  	[tilespmem:$0x6DC0] =	vst v1  }
0x189: {  	[tilespmem:$0x65D0] =	vst v0  }
0x18a: {  	[tilespmem:$0x6DD0] =	vst v1  }
0x18b: {  	[tilespmem:$0x65E0] =	vst v0  }
0x18c: {  	[tilespmem:$0x6DE0] =	vst v1  }
0x18d: {  	[tilespmem:$0x65F0] =	vst v0  }
0x18e: {  	[tilespmem:$0x6DF0] =	vst v1  }
0x18f: {  	[tilespmem:$0x6600] =	vst v0  }
0x190: {  	[tilespmem:$0x6E00] =	vst v1  }
0x191: {  	[tilespmem:$0x6610] =	vst v0  }
0x192: {  	[tilespmem:$0x6E10] =	vst v1  }
0x193: {  	[tilespmem:$0x6620] =	vst v0  }
0x194: {  	[tilespmem:$0x6E20] =	vst v1  }
0x195: {  	[tilespmem:$0x6630] =	vst v0  }
0x196: {  	[tilespmem:$0x6E30] =	vst v1  }
0x197: {  	[tilespmem:$0x6640] =	vst v0  }
0x198: {  	[tilespmem:$0x6E40] =	vst v1  }
0x199: {  	[tilespmem:$0x6650] =	vst v0  }
0x19a: {  	[tilespmem:$0x6E50] =	vst v1  }
0x19b: {  	[tilespmem:$0x6660] =	vst v0  }
0x19c: {  	[tilespmem:$0x6E60] =	vst v1  }
0x19d: {  	[tilespmem:$0x6670] =	vst v0  }
0x19e: {  	[tilespmem:$0x6E70] =	vst v1  }
0x19f: {  	[tilespmem:$0x6680] =	vst v0  }
0x1a0: {  	[tilespmem:$0x6E80] =	vst v1  }
0x1a1: {  	[tilespmem:$0x6690] =	vst v0  }
0x1a2: {  	[tilespmem:$0x6E90] =	vst v1  }
0x1a3: {  	[tilespmem:$0x66A0] =	vst v0  }
0x1a4: {  	[tilespmem:$0x6EA0] =	vst v1  }
0x1a5: {  	[tilespmem:$0x66B0] =	vst v0  }
0x1a6: {  	[tilespmem:$0x6EB0] =	vst v1  }
0x1a7: {  	[tilespmem:$0x66C0] =	vst v0  }
0x1a8: {  	[tilespmem:$0x6EC0] =	vst v1  }
0x1a9: {  	[tilespmem:$0x66D0] =	vst v0  }
0x1aa: {  	[tilespmem:$0x6ED0] =	vst v1  }
0x1ab: {  	[tilespmem:$0x66E0] =	vst v0  }
0x1ac: {  	[tilespmem:$0x6EE0] =	vst v1  }
0x1ad: {  	[tilespmem:$0x66F0] =	vst v0  }
0x1ae: {  	[tilespmem:$0x6EF0] =	vst v1  }
0x1af: {  	[tilespmem:$0x6700] =	vst v0  }
0x1b0: {  	[tilespmem:$0x6F00] =	vst v1  }
0x1b1: {  	[tilespmem:$0x6710] =	vst v0  }
0x1b2: {  	[tilespmem:$0x6F10] =	vst v1  }
0x1b3: {  	[tilespmem:$0x6720] =	vst v0  }
0x1b4: {  	[tilespmem:$0x6F20] =	vst v1  }
0x1b5: {  	[tilespmem:$0x6730] =	vst v0  }
0x1b6: {  	[tilespmem:$0x6F30] =	vst v1  }
0x1b7: {  	[tilespmem:$0x6740] =	vst v0  }
0x1b8: {  	[tilespmem:$0x6F40] =	vst v1  }
0x1b9: {  	[tilespmem:$0x6750] =	vst v0  }
0x1ba: {  	[tilespmem:$0x6F50] =	vst v1  }
0x1bb: {  	[tilespmem:$0x6760] =	vst v0  }
0x1bc: {  	[tilespmem:$0x6F60] =	vst v1  }
0x1bd: {  	[tilespmem:$0x6770] =	vst v0  }
0x1be: {  	[tilespmem:$0x6F70] =	vst v1  }
0x1bf: {  	[tilespmem:$0x6780] =	vst v0  }
0x1c0: {  	[tilespmem:$0x6F80] =	vst v1  }
0x1c1: {  	[tilespmem:$0x6790] =	vst v0  }
0x1c2: {  	[tilespmem:$0x6F90] =	vst v1  }
0x1c3: {  	[tilespmem:$0x67A0] =	vst v0  }
0x1c4: {  	[tilespmem:$0x6FA0] =	vst v1  }
0x1c5: {  	[tilespmem:$0x67B0] =	vst v0  }
0x1c6: {  	[tilespmem:$0x6FB0] =	vst v1  }
0x1c7: {  	[tilespmem:$0x67C0] =	vst v0  }
0x1c8: {  	[tilespmem:$0x6FC0] =	vst v1  }
0x1c9: {  	[tilespmem:$0x67D0] =	vst v0  }
0x1ca: {  	[tilespmem:$0x6FD0] =	vst v1  }
0x1cb: {  	[tilespmem:$0x67E0] =	vst v0  }
0x1cc: {  	[tilespmem:$0x6FE0] =	vst v1  }
0x1cd: {  	[tilespmem:$0x67F0] =	vst v0  }
0x1ce: {  	[tilespmem:$0x6FF0] =	vst v1  }
0x1cf: {  	[tilespmem:$0x6800] =	vst v0  }
0x1d0: {  	[tilespmem:$0x7000] =	vst v1  }
0x1d1: {  	[tilespmem:$0x6810] =	vst v0  }
0x1d2: {  	[tilespmem:$0x7010] =	vst v1  }
0x1d3: {  	[tilespmem:$0x6820] =	vst v0  }
0x1d4: {  	[tilespmem:$0x7020] =	vst v1  }
0x1d5: {  	[tilespmem:$0x6830] =	vst v0  }
0x1d6: {  	[tilespmem:$0x7030] =	vst v1  }
0x1d7: {  	[tilespmem:$0x6840] =	vst v0  }
0x1d8: {  	[tilespmem:$0x7040] =	vst v1  }
0x1d9: {  	[tilespmem:$0x6850] =	vst v0  }
0x1da: {  	[tilespmem:$0x7050] =	vst v1  }
0x1db: {  	[tilespmem:$0x6860] =	vst v0  }
0x1dc: {  	[tilespmem:$0x7060] =	vst v1  }
0x1dd: {  	[tilespmem:$0x6870] =	vst v0  }
0x1de: {  	[tilespmem:$0x7070] =	vst v1  }
0x1df: {  	[tilespmem:$0x6880] =	vst v0  }
0x1e0: {  	[tilespmem:$0x7080] =	vst v1  }
0x1e1: {  	[tilespmem:$0x6890] =	vst v0  }
0x1e2: {  	[tilespmem:$0x7090] =	vst v1  }
0x1e3: {  	[tilespmem:$0x68A0] =	vst v0  }
0x1e4: {  	[tilespmem:$0x70A0] =	vst v1  }
0x1e5: {  	[tilespmem:$0x68B0] =	vst v0  }
0x1e6: {  	[tilespmem:$0x70B0] =	vst v1  }
0x1e7: {  	[tilespmem:$0x68C0] =	vst v0  }
0x1e8: {  	[tilespmem:$0x70C0] =	vst v1  }
0x1e9: {  	[tilespmem:$0x68D0] =	vst v0  }
0x1ea: {  	[tilespmem:$0x70D0] =	vst v1  }
0x1eb: {  	[tilespmem:$0x68E0] =	vst v0  }
0x1ec: {  	[tilespmem:$0x70E0] =	vst v1  }
0x1ed: {  	[tilespmem:$0x68F0] =	vst v0  }
0x1ee: {  	[tilespmem:$0x70F0] =	vst v1  }
0x1ef: {  	[tilespmem:$0x6900] =	vst v0  }
0x1f0: {  	[tilespmem:$0x7100] =	vst v1  }
0x1f1: {  	[tilespmem:$0x6910] =	vst v0  }
0x1f2: {  	[tilespmem:$0x7110] =	vst v1  }
0x1f3: {  	[tilespmem:$0x6920] =	vst v0  }
0x1f4: {  	[tilespmem:$0x7120] =	vst v1  }
0x1f5: {  	[tilespmem:$0x6930] =	vst v0  }
0x1f6: {  	[tilespmem:$0x7130] =	vst v1  }
0x1f7: {  	[tilespmem:$0x6940] =	vst v0  }
0x1f8: {  	[tilespmem:$0x7140] =	vst v1  }
0x1f9: {  	[tilespmem:$0x6950] =	vst v0  }
0x1fa: {  	[tilespmem:$0x7150] =	vst v1  }
0x1fb: {  	[tilespmem:$0x6960] =	vst v0  }
0x1fc: {  	[tilespmem:$0x7160] =	vst v1  }
0x1fd: {  	s23 =	simm.s32 $0x580;
	[tilespmem:$0x6970] =	vst v0  }
0x1fe: {  	s24 =	simm.s32 $0x0;
	s25 =	simm.s32 $0x0;
	s22 =	simm.s32 $0x0;
	[tilespmem:$0x7170] =	vst v1  }
0x1ff: {  	[tilespmem:s22], [sflag:$0x1] =	stream.linear.gather [hbm4b:s8+s22], $0x2C00, $0x38;
	[tilespmem:$0x7180] =	vst v63  }
.LBB2_18:
0x200: {  	s26 =	smul.u32 $0xB00, s25;
	_ =	sdelay $0x1  }
0x201: {  	s0 =	sadd.s32 s8, s26  }
0x202: {  	s0 =	sadd.s32 $0x580, s0  }
0x203: {  	[tilespmem:s15], [sflag:$0x2] =	stream.linear.gather [hbm4b:s0+s22], $0x2C00, $0x38;
	[tilespmem:$0x7180] =	vst v63  }
0x204: {  	_ =	swait.ge [sflag:s16], $0x2C00  }
0x205: {  	[sflag:s16] =	ssyncset.done $0x0  }
0x206: {  	s12 =	simm.s32 $0x40;
	s29 =	simm.s32 $0x0;
	[sflag:s16] =	ssyncadd.s32 $0xFFFFD400  }
.LBB2_19:
0x207: {  	v35 =	vld [tilespmem:s12+$0xFFFFFFC0]  }
0x208: {  	v36 =	vld [tilespmem:s12+$0xFFFFFFD0]  }
0x209: {  	v29 =	vld [tilespmem:s12+$0xFFFFFFE0]  }
0x20a: {  	v30 =	vld [tilespmem:s12+$0xFFFFFFF0]  }
0x20b: {  	v33 =	vld [tilespmem:s12+$0x0]  }
0x20c: {  	v31 =	vld [tilespmem:s12+$0x10]  }
0x20d: {  	v37 =	vld [tilespmem:s12+$0x20]  }
0x20e: {  	s11 =	sshll.u32 s29, $0x7;
	v39 =	vld [tilespmem:s12+$0x30]  }
0x20f: {  	v26 =	vld [tilespmem:s11+$0x6580]  }
0x210: {  	v24 =	vld [tilespmem:s11+$0x6590]  }
0x211: {  	v22 =	vld [tilespmem:s11+$0x65A0]  }
0x212: {  	v20 =	vld [tilespmem:s11+$0x65B0]  }
0x213: {  	v18 =	vld [tilespmem:s11+$0x65C0]  }
0x214: {  	v16 =	vld [tilespmem:s11+$0x65D0]  }
0x215: {  	v14 =	vld [tilespmem:s11+$0x65E0]  }
0x216: {  	v13 =	vld [tilespmem:s11+$0x65F0]  }
0x217: {  	v28 =	vld [tilespmem:s11+$0x6D80]  }
0x218: {  	v27 =	vld [tilespmem:s11+$0x6D90]  }
0x219: {  	v25 =	vld [tilespmem:s11+$0x6DA0]  }
0x21a: {  	v23 =	vld [tilespmem:s11+$0x6DB0]  }
0x21b: {  	s10 =	sadd.s32 $0x0, s24;
	s28 =	smov.u32 s12;
	v21 =	vld [tilespmem:s11+$0x6DC0]  }
0x21c: {  	v19 =	vld [tilespmem:s11+$0x6DD0];
	s7 =	sor.u32 $0x400, s11;
	s4 =	sor.u32 $0x410, s11;
	s18 =	sor.u32 $0x420, s11;
	v43 =	vor.u32 s10, v2  }
0x21d: {  	v17 =	vld [tilespmem:s11+$0x6DE0];
	s13 =	sor.u32 $0x430, s11;
	s1 =	sor.u32 $0x440, s11;
	s0 =	sor.u32 $0x450, s11;
	v42 =	vor.u32 s10, v3;
	v41 =	vor.u32 s10, v4;
	v40 =	vor.u32 s10, v5  }
0x21e: {  	v15 =	vld [tilespmem:s11+$0x6DF0];
	s31 =	sor.u32 $0x460, s11;
	s30 =	sor.u32 $0x470, s11;
	v38 =	vor.u32 s10, v6;
	v34 =	vor.u32 s10, v7;
	v32 =	vor.u32 s10, v8;
	s11 =	simm.s32 $0x80  }
.LBB2_20:
0x21f: {  	p0 =	sne.s32 s11, $0x500;
	vm5 =	vlt.f32 v35, v26;
	vm6 =	vlt.f32 v36, v24;
	v44 =	vor.u32 s10, v9  }
0x220: {  	v26 =	vsel vm5, v35, v26;
	v28 =	vsel vm5, v43, v28;
	v24 =	vsel vm6, v36, v24  }
0x221: {  	vm7 =	vlt.f32 v30, v20;
	s28 =	sadd.s32 $0x400, s28;
	vm5 =	vlt.f32 v29, v22;
	vm8 =	vlt.f32 v33, v18  }
0x222: {  	v20 =	vsel vm7, v30, v20;
	v22 =	vsel vm5, v29, v22;
	v18 =	vsel vm8, v33, v18;
	v35 =	vld [tilespmem:s28+$0xFFFFFFC0]  }
0x223: {  	vm9 =	vlt.f32 v31, v16;
	vm10 =	vlt.f32 v37, v14;
	v36 =	vld [tilespmem:s28+$0xFFFFFFD0];
	vm11 =	vlt.f32 v39, v13  }
0x224: {  	v16 =	vsel vm9, v31, v16;
	v14 =	vsel vm10, v37, v14;
	v29 =	vld [tilespmem:s28+$0xFFFFFFE0];
	v13 =	vsel vm11, v39, v13  }
.Ltmp8:
0x225: {  	v27 =	vsel vm6, v42, v27;
	v23 =	vsel vm7, v40, v23;
	v25 =	vsel vm5, v41, v25;
	v30 =	vld [tilespmem:s28+$0xFFFFFFF0];
	(pc) =	sbr.rel @p0 .LBB2_20-.Ltmp8, $4  }
0x226: {  	s10 =	sadd.s32 s11, s24;
	v21 =	vsel vm8, v38, v21;
	v19 =	vsel vm9, v34, v19;
	v17 =	vsel vm10, v32, v17;
	v33 =	vld [tilespmem:s28+$0x0]  }
0x227: {  	v43 =	vor.u32 s10, v2;
	v15 =	vsel vm11, v44, v15;
	v31 =	vld [tilespmem:s28+$0x10]  }
0x228: {  	v42 =	vor.u32 s10, v3;
	v40 =	vor.u32 s10, v5;
	v41 =	vor.u32 s10, v4;
	v37 =	vld [tilespmem:s28+$0x20]  }
0x229: {  	s11 =	sadd.s32 $0x80, s11;
	v38 =	vor.u32 s10, v6;
	v34 =	vor.u32 s10, v7;
	v32 =	vor.u32 s10, v8;
	v39 =	vld [tilespmem:s28+$0x30]  }
0x22a: {  	vm5 =	vlt.f32 v35, v26  }
0x22b: {  	v26 =	vsel vm5, v35, v26  }
0x22c: {  	vm6 =	vlt.f32 v36, v24;
	v28 =	vsel vm5, v43, v28;
	[tilespmem:s7+$0x6180] =	vst v26  }
0x22d: {  	v24 =	vsel vm6, v36, v24;
	[tilespmem:s7+$0x6980] =	vst v28  }
0x22e: {  	vm5 =	vlt.f32 v29, v22;
	v58 =	vsel vm6, v42, v27;
	[tilespmem:s4+$0x6180] =	vst v24  }
0x22f: {  	v22 =	vsel vm5, v29, v22;
	[tilespmem:s4+$0x6980] =	vst v58  }
0x230: {  	vm6 =	vlt.f32 v30, v20;
	v59 =	vsel vm5, v41, v25;
	[tilespmem:s18+$0x6180] =	vst v22  }
0x231: {  	v20 =	vsel vm6, v30, v20;
	[tilespmem:s18+$0x6980] =	vst v59  }
0x232: {  	vm5 =	vlt.f32 v33, v18;
	v60 =	vsel vm6, v40, v23;
	[tilespmem:s13+$0x6180] =	vst v20  }
0x233: {  	v18 =	vsel vm5, v33, v18;
	[tilespmem:s13+$0x6980] =	vst v60  }
0x234: {  	vm6 =	vlt.f32 v31, v16;
	v61 =	vsel vm5, v38, v21;
	[tilespmem:s1+$0x6180] =	vst v18  }
0x235: {  	s29 =	sadd.s32 $0x1, s29;
	v16 =	vsel vm6, v31, v16;
	[tilespmem:s1+$0x6980] =	vst v61  }
0x236: {  	p0 =	sne.s32 s29, $0x8;
	vm5 =	vlt.f32 v37, v14;
	v62 =	vsel vm6, v34, v19;
	[tilespmem:s0+$0x6180] =	vst v16  }
.Ltmp9:
0x237: {  	v14 =	vsel vm5, v37, v14;
	[tilespmem:s0+$0x6980] =	vst v62;
	(pc) =	sbr.rel @p0 .LBB2_19-.Ltmp9, $4  }
0x238: {  	vm6 =	vlt.f32 v39, v13;
	v63 =	vsel vm5, v32, v17;
	[tilespmem:s31+$0x6180] =	vst v14  }
0x239: {  	v13 =	vsel vm6, v39, v13;
	v14 =	vor.u32 s10, v9;
	[tilespmem:s31+$0x6980] =	vst v63  }
0x23a: {  	v14 =	vsel vm6, v14, v15;
	[tilespmem:s30+$0x6180] =	vst v13  }
0x23b: {  	s12 =	sadd.s32 $0x80, s12;
	[tilespmem:s30+$0x6980] =	vst v14  }
0x23c: {  	s0 =	sadd.s32 s26, s9;
	s26 =	simm.s32 $0x0  }
0x23d: {  	[tilespmem:s26], [sflag:$0x1] =	stream.linear.gather [hbm4b:s0+s26], $0x2C00, $0x38;
	[tilespmem:$0x7180] =	vst v63  }
0x23e: {  	_ =	swait.ge [sflag:s17], $0x2C00  }
0x23f: {  	[sflag:s17] =	ssyncset.done $0x0  }
0x240: {  	s28 =	simm.s32 $0x2C40;
	[sflag:s17] =	ssyncadd.s32 $0xFFFFD400  }
.LBB2_23:
0x241: {  	v35 =	vld [tilespmem:s28+$0xFFFFFFC0]  }
0x242: {  	v36 =	vld [tilespmem:s28+$0xFFFFFFD0]  }
0x243: {  	v29 =	vld [tilespmem:s28+$0xFFFFFFE0]  }
0x244: {  	v30 =	vld [tilespmem:s28+$0xFFFFFFF0]  }
0x245: {  	v33 =	vld [tilespmem:s28+$0x0]  }
0x246: {  	v31 =	vld [tilespmem:s28+$0x10]  }
0x247: {  	v37 =	vld [tilespmem:s28+$0x20]  }
0x248: {  	s11 =	sshll.u32 s26, $0x7;
	v39 =	vld [tilespmem:s28+$0x30]  }
0x249: {  	v26 =	vld [tilespmem:s11+$0x6580]  }
0x24a: {  	v24 =	vld [tilespmem:s11+$0x6590]  }
0x24b: {  	v22 =	vld [tilespmem:s11+$0x65A0]  }
0x24c: {  	v20 =	vld [tilespmem:s11+$0x65B0]  }
0x24d: {  	v18 =	vld [tilespmem:s11+$0x65C0]  }
0x24e: {  	v16 =	vld [tilespmem:s11+$0x65D0]  }
0x24f: {  	v14 =	vld [tilespmem:s11+$0x65E0]  }
0x250: {  	v13 =	vld [tilespmem:s11+$0x65F0]  }
0x251: {  	v28 =	vld [tilespmem:s11+$0x6D80]  }
0x252: {  	v27 =	vld [tilespmem:s11+$0x6D90]  }
0x253: {  	v25 =	vld [tilespmem:s11+$0x6DA0]  }
0x254: {  	v23 =	vld [tilespmem:s11+$0x6DB0]  }
0x255: {  	s10 =	sadd.s32 $0x0, s23;
	s12 =	smov.u32 s28;
	v21 =	vld [tilespmem:s11+$0x6DC0]  }
0x256: {  	v19 =	vld [tilespmem:s11+$0x6DD0];
	s7 =	sor.u32 $0x400, s11;
	s4 =	sor.u32 $0x410, s11;
	s18 =	sor.u32 $0x420, s11;
	v43 =	vor.u32 s10, v2  }
0x257: {  	v17 =	vld [tilespmem:s11+$0x6DE0];
	s13 =	sor.u32 $0x430, s11;
	s1 =	sor.u32 $0x440, s11;
	s0 =	sor.u32 $0x450, s11;
	v42 =	vor.u32 s10, v3;
	v41 =	vor.u32 s10, v4;
	v40 =	vor.u32 s10, v5  }
0x258: {  	v15 =	vld [tilespmem:s11+$0x6DF0];
	s30 =	sor.u32 $0x460, s11;
	s29 =	sor.u32 $0x470, s11;
	v38 =	vor.u32 s10, v6;
	v34 =	vor.u32 s10, v7;
	v32 =	vor.u32 s10, v8;
	s11 =	simm.s32 $0x80  }
.LBB2_24:
0x259: {  	p0 =	sne.s32 s11, $0x500;
	vm5 =	vlt.f32 v35, v26;
	vm6 =	vlt.f32 v36, v24;
	v44 =	vor.u32 s10, v9  }
0x25a: {  	v26 =	vsel vm5, v35, v26;
	v28 =	vsel vm5, v43, v28;
	v24 =	vsel vm6, v36, v24  }
0x25b: {  	vm7 =	vlt.f32 v30, v20;
	s12 =	sadd.s32 $0x400, s12;
	vm5 =	vlt.f32 v29, v22;
	vm8 =	vlt.f32 v33, v18  }
0x25c: {  	v20 =	vsel vm7, v30, v20;
	v22 =	vsel vm5, v29, v22;
	v18 =	vsel vm8, v33, v18;
	v35 =	vld [tilespmem:s12+$0xFFFFFFC0]  }
0x25d: {  	vm9 =	vlt.f32 v31, v16;
	vm10 =	vlt.f32 v37, v14;
	v36 =	vld [tilespmem:s12+$0xFFFFFFD0];
	vm11 =	vlt.f32 v39, v13  }
0x25e: {  	v16 =	vsel vm9, v31, v16;
	v14 =	vsel vm10, v37, v14;
	v29 =	vld [tilespmem:s12+$0xFFFFFFE0];
	v13 =	vsel vm11, v39, v13  }
.Ltmp10:
0x25f: {  	v27 =	vsel vm6, v42, v27;
	v23 =	vsel vm7, v40, v23;
	v25 =	vsel vm5, v41, v25;
	v30 =	vld [tilespmem:s12+$0xFFFFFFF0];
	(pc) =	sbr.rel @p0 .LBB2_24-.Ltmp10, $4  }
0x260: {  	s10 =	sadd.s32 s11, s23;
	v21 =	vsel vm8, v38, v21;
	v19 =	vsel vm9, v34, v19;
	v17 =	vsel vm10, v32, v17;
	v33 =	vld [tilespmem:s12+$0x0]  }
0x261: {  	v43 =	vor.u32 s10, v2;
	v15 =	vsel vm11, v44, v15;
	v31 =	vld [tilespmem:s12+$0x10]  }
0x262: {  	v42 =	vor.u32 s10, v3;
	v40 =	vor.u32 s10, v5;
	v41 =	vor.u32 s10, v4;
	v37 =	vld [tilespmem:s12+$0x20]  }
0x263: {  	s11 =	sadd.s32 $0x80, s11;
	v38 =	vor.u32 s10, v6;
	v34 =	vor.u32 s10, v7;
	v32 =	vor.u32 s10, v8;
	v39 =	vld [tilespmem:s12+$0x30]  }
0x264: {  	vm5 =	vlt.f32 v35, v26  }
0x265: {  	v26 =	vsel vm5, v35, v26  }
0x266: {  	vm6 =	vlt.f32 v36, v24;
	v28 =	vsel vm5, v43, v28;
	[tilespmem:s7+$0x6180] =	vst v26  }
0x267: {  	v24 =	vsel vm6, v36, v24;
	[tilespmem:s7+$0x6980] =	vst v28  }
0x268: {  	vm5 =	vlt.f32 v29, v22;
	v58 =	vsel vm6, v42, v27;
	[tilespmem:s4+$0x6180] =	vst v24  }
0x269: {  	v22 =	vsel vm5, v29, v22;
	[tilespmem:s4+$0x6980] =	vst v58  }
0x26a: {  	vm6 =	vlt.f32 v30, v20;
	v59 =	vsel vm5, v41, v25;
	[tilespmem:s18+$0x6180] =	vst v22  }
0x26b: {  	v20 =	vsel vm6, v30, v20;
	[tilespmem:s18+$0x6980] =	vst v59  }
0x26c: {  	vm5 =	vlt.f32 v33, v18;
	v60 =	vsel vm6, v40, v23;
	[tilespmem:s13+$0x6180] =	vst v20  }
0x26d: {  	v18 =	vsel vm5, v33, v18;
	[tilespmem:s13+$0x6980] =	vst v60  }
0x26e: {  	vm6 =	vlt.f32 v31, v16;
	v61 =	vsel vm5, v38, v21;
	[tilespmem:s1+$0x6180] =	vst v18  }
0x26f: {  	s26 =	sadd.s32 $0x1, s26;
	v16 =	vsel vm6, v31, v16;
	[tilespmem:s1+$0x6980] =	vst v61  }
0x270: {  	p0 =	sne.s32 s26, $0x8;
	vm5 =	vlt.f32 v37, v14;
	v62 =	vsel vm6, v34, v19;
	[tilespmem:s0+$0x6180] =	vst v16  }
.Ltmp11:
0x271: {  	v14 =	vsel vm5, v37, v14;
	[tilespmem:s0+$0x6980] =	vst v62;
	(pc) =	sbr.rel @p0 .LBB2_23-.Ltmp11, $4  }
0x272: {  	vm6 =	vlt.f32 v39, v13;
	v63 =	vsel vm5, v32, v17;
	[tilespmem:s30+$0x6180] =	vst v14  }
0x273: {  	v13 =	vsel vm6, v39, v13;
	v14 =	vor.u32 s10, v9;
	[tilespmem:s30+$0x6980] =	vst v63  }
0x274: {  	v14 =	vsel vm6, v14, v15;
	[tilespmem:s29+$0x6180] =	vst v13  }
0x275: {  	s28 =	sadd.s32 $0x80, s28;
	[tilespmem:s29+$0x6980] =	vst v14  }
0x276: {  	s25 =	sadd.s32 $0x1, s25  }
0x277: {  	p0 =	sne.s32 s25, $0x23  }
.Ltmp12:
0x278: {  	_ = 	snop;
	(pc) =	sbr.rel @p0 .LBB2_18-.Ltmp12, $2  }
0x279: {  	_ =	sdelay $0x2  }
0x27a: {  	s24 =	sadd.s32 $0xB00, s24;
	s23 =	sadd.s32 $0xB00, s23  }
0x27b: {  	_ =	swait.ge [sflag:s16], $0x2C00  }
0x27c: {  	s22 =	simm.s32 $0x0;
	[sflag:s16] =	ssyncset.done $0x0  }
0x27d: {  	s23 =	simm.s32 $0x40;
	s12 =	simm.s32 $0x5800;
	[sflag:s16] =	ssyncadd.s32 $0xFFFFD400  }
.LBB2_28:
0x27e: {  	v36 =	vld [tilespmem:s23+$0xFFFFFFC0]  }
0x27f: {  	v37 =	vld [tilespmem:s23+$0xFFFFFFD0]  }
0x280: {  	v30 =	vld [tilespmem:s23+$0xFFFFFFE0]  }
0x281: {  	v31 =	vld [tilespmem:s23+$0xFFFFFFF0]  }
0x282: {  	v32 =	vld [tilespmem:s23+$0x0]  }
0x283: {  	v29 =	vld [tilespmem:s23+$0x10]  }
0x284: {  	v35 =	vld [tilespmem:s23+$0x20]  }
0x285: {  	s10 =	sshll.u32 s22, $0x7;
	v39 =	vld [tilespmem:s23+$0x30]  }
0x286: {  	v26 =	vld [tilespmem:s10+$0x6580]  }
0x287: {  	v24 =	vld [tilespmem:s10+$0x6590]  }
0x288: {  	v22 =	vld [tilespmem:s10+$0x65A0]  }
0x289: {  	v20 =	vld [tilespmem:s10+$0x65B0]  }
0x28a: {  	v18 =	vld [tilespmem:s10+$0x65C0]  }
0x28b: {  	v16 =	vld [tilespmem:s10+$0x65D0]  }
0x28c: {  	v14 =	vld [tilespmem:s10+$0x65E0]  }
0x28d: {  	v13 =	vld [tilespmem:s10+$0x65F0]  }
0x28e: {  	v28 =	vld [tilespmem:s10+$0x6D80]  }
0x28f: {  	v27 =	vld [tilespmem:s10+$0x6D90]  }
0x290: {  	v25 =	vld [tilespmem:s10+$0x6DA0]  }
0x291: {  	v23 =	vld [tilespmem:s10+$0x6DB0]  }
0x292: {  	s24 =	simm.s32 $0x18100;
	s11 =	smov.u32 s23;
	v21 =	vld [tilespmem:s10+$0x6DC0]  }
0x293: {  	v19 =	vld [tilespmem:s10+$0x6DD0];
	s7 =	sor.u32 $0x400, s10;
	s4 =	sor.u32 $0x410, s10;
	s18 =	sor.u32 $0x420, s10;
	v43 =	vor.u32 s24, v2  }
0x294: {  	v17 =	vld [tilespmem:s10+$0x6DE0];
	s13 =	sor.u32 $0x430, s10;
	s1 =	sor.u32 $0x440, s10;
	s0 =	sor.u32 $0x450, s10;
	v42 =	vor.u32 s24, v3;
	v41 =	vor.u32 s24, v4;
	v40 =	vor.u32 s24, v5  }
0x295: {  	v15 =	vld [tilespmem:s10+$0x6DF0];
	s26 =	sor.u32 $0x460, s10;
	s25 =	sor.u32 $0x470, s10;
	v38 =	vor.u32 s24, v6;
	v34 =	vor.u32 s24, v7;
	v33 =	vor.u32 s24, v8;
	s10 =	simm.s32 $0x18180  }
.LBB2_29:
0x296: {  	p0 =	sne.s32 s10, $0x18600;
	vm5 =	vlt.f32 v36, v26;
	vm6 =	vlt.f32 v37, v24;
	v44 =	vor.u32 s24, v9;
	s24 =	smov.u32 s10  }
0x297: {  	v26 =	vsel vm5, v36, v26;
	v28 =	vsel vm5, v43, v28;
	v24 =	vsel vm6, v37, v24  }
0x298: {  	vm7 =	vlt.f32 v31, v20;
	s11 =	sadd.s32 $0x400, s11;
	vm5 =	vlt.f32 v30, v22;
	vm8 =	vlt.f32 v32, v18  }
0x299: {  	v20 =	vsel vm7, v31, v20;
	v22 =	vsel vm5, v30, v22;
	v18 =	vsel vm8, v32, v18;
	v36 =	vld [tilespmem:s11+$0xFFFFFFC0]  }
0x29a: {  	vm9 =	vlt.f32 v29, v16;
	vm10 =	vlt.f32 v35, v14;
	v37 =	vld [tilespmem:s11+$0xFFFFFFD0];
	vm11 =	vlt.f32 v39, v13  }
0x29b: {  	v16 =	vsel vm9, v29, v16;
	v14 =	vsel vm10, v35, v14;
	v30 =	vld [tilespmem:s11+$0xFFFFFFE0];
	v13 =	vsel vm11, v39, v13  }
.Ltmp13:
0x29c: {  	v27 =	vsel vm6, v42, v27;
	v23 =	vsel vm7, v40, v23;
	v25 =	vsel vm5, v41, v25;
	v31 =	vld [tilespmem:s11+$0xFFFFFFF0];
	(pc) =	sbr.rel @p0 .LBB2_29-.Ltmp13, $4  }
0x29d: {  	v21 =	vsel vm8, v38, v21;
	v19 =	vsel vm9, v34, v19;
	v17 =	vsel vm10, v33, v17;
	v32 =	vld [tilespmem:s11+$0x0]  }
0x29e: {  	v43 =	vor.u32 s10, v2;
	v15 =	vsel vm11, v44, v15;
	v29 =	vld [tilespmem:s11+$0x10]  }
0x29f: {  	v42 =	vor.u32 s10, v3;
	v40 =	vor.u32 s10, v5;
	v41 =	vor.u32 s10, v4;
	v35 =	vld [tilespmem:s11+$0x20]  }
0x2a0: {  	v38 =	vor.u32 s24, v6;
	s10 =	sadd.s32 $0x80, s10;
	v34 =	vor.u32 s24, v7;
	v33 =	vor.u32 s24, v8;
	v39 =	vld [tilespmem:s11+$0x30]  }
0x2a1: {  	vm5 =	vlt.f32 v36, v26  }
0x2a2: {  	v26 =	vsel vm5, v36, v26  }
0x2a3: {  	vm6 =	vlt.f32 v37, v24;
	v28 =	vsel vm5, v43, v28;
	[tilespmem:s7+$0x6180] =	vst v26  }
0x2a4: {  	v24 =	vsel vm6, v37, v24;
	[tilespmem:s7+$0x6980] =	vst v28  }
0x2a5: {  	vm5 =	vlt.f32 v30, v22;
	v58 =	vsel vm6, v42, v27;
	[tilespmem:s4+$0x6180] =	vst v24  }
0x2a6: {  	v22 =	vsel vm5, v30, v22;
	[tilespmem:s4+$0x6980] =	vst v58  }
0x2a7: {  	vm6 =	vlt.f32 v31, v20;
	v59 =	vsel vm5, v41, v25;
	[tilespmem:s18+$0x6180] =	vst v22  }
0x2a8: {  	v20 =	vsel vm6, v31, v20;
	[tilespmem:s18+$0x6980] =	vst v59  }
0x2a9: {  	vm5 =	vlt.f32 v32, v18;
	v60 =	vsel vm6, v40, v23;
	[tilespmem:s13+$0x6180] =	vst v20  }
0x2aa: {  	v18 =	vsel vm5, v32, v18;
	[tilespmem:s13+$0x6980] =	vst v60  }
0x2ab: {  	vm6 =	vlt.f32 v29, v16;
	v61 =	vsel vm5, v38, v21;
	[tilespmem:s1+$0x6180] =	vst v18  }
0x2ac: {  	s22 =	sadd.s32 $0x1, s22;
	v16 =	vsel vm6, v29, v16;
	[tilespmem:s1+$0x6980] =	vst v61  }
0x2ad: {  	p0 =	sne.s32 s22, $0x8;
	vm5 =	vlt.f32 v35, v14;
	v62 =	vsel vm6, v34, v19;
	[tilespmem:s0+$0x6180] =	vst v16  }
.Ltmp14:
0x2ae: {  	v14 =	vsel vm5, v35, v14;
	[tilespmem:s0+$0x6980] =	vst v62;
	(pc) =	sbr.rel @p0 .LBB2_28-.Ltmp14, $4  }
0x2af: {  	vm6 =	vlt.f32 v39, v13;
	v63 =	vsel vm5, v33, v17;
	[tilespmem:s26+$0x6180] =	vst v14  }
0x2b0: {  	v13 =	vsel vm6, v39, v13;
	v14 =	vor.u32 s24, v9;
	[tilespmem:s26+$0x6980] =	vst v63  }
0x2b1: {  	v14 =	vsel vm6, v14, v15;
	[tilespmem:s25+$0x6180] =	vst v13  }
0x2b2: {  	s23 =	sadd.s32 $0x80, s23;
	[tilespmem:s25+$0x6980] =	vst v14  }
0x2b3: {  	s0 =	simm.s32 $0x0;
	s1 =	rddreg [dreg:$0x5]  }
0x2b4: {  	[tilespmem:s12], [sflag:$0x4] =	stream.linear.gather [hbm4b:s1+s0], $0x100, $0x38;
	[tilespmem:$0x7180] =	vst v63  }
0x2b5: {  	_ =	swait.ge [sflag:s14], $0x100  }
0x2b6: {  	[sflag:s14] =	ssyncset.done $0x0  }
0x2b7: {  	s22 =	simm.s32 $0x0;
	[sflag:s14] =	ssyncadd.s32 $0xFFFFFF00  }
0x2b8: {  	v13 =	vld [tilespmem:s22+$0x65E0]  }
0x2b9: {  	v15 =	vld [tilespmem:s22+$0x65B0]  }
0x2ba: {  	v17 =	vld [tilespmem:s22+$0x6DF0]  }
0x2bb: {  	v16 =	vld [tilespmem:s22+$0x6DD0]  }
0x2bc: {  	v14 =	vld [tilespmem:s22+$0x6590]  }
0x2bd: {  	v20 =	vld [tilespmem:s22+$0x6DB0]  }
0x2be: {  	v21 =	vld [tilespmem:s22+$0x6DE0]  }
0x2bf: {  	v22 =	vld [tilespmem:s22+$0x6580]  }
0x2c0: {  	s0 =	simm.s32 $0x5810;
	v23 =	vld [tilespmem:s22+$0x6D80]  }
0x2c1: {  	v18 =	vld [tilespmem:s0+$0x0]  }
0x2c2: {  	v24 =	vld [tilespmem:s0+$0xFFFFFFF0]  }
0x2c3: {  	v25 =	vld [tilespmem:s22+$0x65F0];
	[tilespmem:s22+$0x6DD0] =	vst v16  }
0x2c4: {  	v19 =	vld [tilespmem:s22+$0x6DA0];
	[tilespmem:s22+$0x6DB0] =	vst v20  }
0x2c5: {  	v20 =	vld [tilespmem:s22+$0x6D90];
	[tilespmem:s22+$0x65B0] =	vst v15  }
0x2c6: {  	v16 =	vld [tilespmem:s22+$0x65A0];
	[tilespmem:s22+$0x6DF0] =	vst v17  }
0x2c7: {  	v15 =	vld [tilespmem:s22+$0x65C0];
	[tilespmem:s22+$0x6DE0] =	vst v21;
	vm5 =	vlt.f32 v24, v22  }
0x2c8: {  	s1 =	simm.s32 $0x200;
	v21 =	vld [tilespmem:s22+$0x65D0];
	[tilespmem:s22+$0x65F0] =	vst v25;
	v22 =	vsel vm5, v24, v22;
	v17 =	vsel vm5, v12, v23;
	vm5 =	vlt.f32 v18, v14  }
.LBB2_32:
0x2c9: {  	s7 =	smov.u32 s1  }
0x2ca: {  	s4 =	sshra.s32 s1, $0x2;
	v23 =	vld [tilespmem:s22+$0x6DC0];
	v14 =	vsel vm5, v18, v14;
	[tilespmem:s22+$0x65E0] =	vst v13;
	s0 =	sadd.s32 $0x20, s0;
	s7 =	sadd.s32 $0x200, s1  }
0x2cb: {  	p0 =	seq.s32 s1, $0xE00;
	v18 =	vsel vm5, v11, v20;
	v13 =	vld [tilespmem:s4+$0x65E0];
	[tilespmem:s22+$0x6DA0] =	vst v19  }
0x2cc: {  	v24 =	vld [tilespmem:s4+$0x65B0];
	[tilespmem:s22+$0x6590] =	vst v14  }
0x2cd: {  	v25 =	vld [tilespmem:s4+$0x6DF0];
	[tilespmem:s22+$0x6580] =	vst v22  }
0x2ce: {  	v19 =	vld [tilespmem:s4+$0x6DD0];
	[tilespmem:s22+$0x65A0] =	vst v16  }
0x2cf: {  	v14 =	vld [tilespmem:s4+$0x6590];
	[tilespmem:s22+$0x65D0] =	vst v21  }
0x2d0: {  	v16 =	vld [tilespmem:s4+$0x6DB0];
	[tilespmem:s22+$0x6DC0] =	vst v23  }
0x2d1: {  	v21 =	vld [tilespmem:s4+$0x6DE0];
	[tilespmem:s22+$0x6D90] =	vst v18  }
0x2d2: {  	v22 =	vld [tilespmem:s4+$0x6580];
	[tilespmem:s22+$0x6D80] =	vst v17  }
0x2d3: {  	v17 =	vld [tilespmem:s4+$0x6D80];
	[tilespmem:s22+$0x65C0] =	vst v15;
	s22 =	smov.u32 s4  }
0x2d4: {  	v18 =	vld [tilespmem:s0+$0x0]  }
0x2d5: {  	v23 =	vld [tilespmem:s0+$0xFFFFFFF0]  }
0x2d6: {  	v26 =	vld [tilespmem:s22+$0x65F0];
	[tilespmem:s22+$0x6DD0] =	vst v19  }
.Ltmp15:
0x2d7: {  	v19 =	vld [tilespmem:s22+$0x6DA0];
	[tilespmem:s22+$0x6DB0] =	vst v16;
	(pc) =	sbr.rel @!p0 .LBB2_32-.Ltmp15, $4  }
0x2d8: {  	v20 =	vld [tilespmem:s22+$0x6D90];
	[tilespmem:s22+$0x65B0] =	vst v24  }
0x2d9: {  	v16 =	vld [tilespmem:s22+$0x65A0];
	[tilespmem:s22+$0x6DF0] =	vst v25  }
0x2da: {  	v15 =	vld [tilespmem:s22+$0x65C0];
	vm5 =	vlt.f32 v23, v22;
	[tilespmem:s22+$0x6DE0] =	vst v21  }
0x2db: {  	s1 =	smov.u32 s7;
	v21 =	vld [tilespmem:s22+$0x65D0];
	v22 =	vsel vm5, v23, v22;
	v17 =	vsel vm5, v12, v17;
	vm5 =	vlt.f32 v18, v14;
	[tilespmem:s22+$0x65F0] =	vst v26  }
0x2dc: {  	[tilespmem:s22+$0x65E0] =	vst v13  }
0x2dd: {  	[tilespmem:s22+$0x6DA0] =	vst v19  }
0x2de: {  	[tilespmem:s22+$0x6580] =	vst v22  }
0x2df: {  	v63 =	vsel vm5, v18, v14;
	[tilespmem:s22+$0x6D80] =	vst v17  }
0x2e0: {  	v12 =	vld [tilespmem:s22+$0x6DC0];
	[tilespmem:s22+$0x6590] =	vst v63  }
0x2e1: {  	v11 =	vsel vm5, v11, v20;
	[tilespmem:s22+$0x65A0] =	vst v16  }
0x2e2: {  	[tilespmem:s22+$0x6D90] =	vst v11  }
0x2e3: {  	[tilespmem:s22+$0x65C0] =	vst v15  }
0x2e4: {  	s23 =	simm.s32 $0x69C0;
	[tilespmem:s22+$0x65D0] =	vst v21  }
0x2e5: {  	v10 =	vxor.u32 $0x80000000, v10;
	s24 =	simm.s32 $0x61C0;
	s25 =	rddreg [dreg:$0x7];
	[tilespmem:s22+$0x6DC0] =	vst v12;
	s22 =	simm.s32 $0x0  }
.LBB2_34:
0x2e6: {  	v19 =	vld [tilespmem:s24+$0xFFFFFFC0]  }
0x2e7: {  	v20 =	vld [tilespmem:s24+$0xFFFFFFD0]  }
0x2e8: {  	v21 =	vld [tilespmem:s24+$0xFFFFFFE0]  }
0x2e9: {  	v22 =	vld [tilespmem:s24+$0xFFFFFFF0]  }
0x2ea: {  	v23 =	vld [tilespmem:s24+$0x0]  }
0x2eb: {  	v24 =	vld [tilespmem:s24+$0x10]  }
0x2ec: {  	v25 =	vld [tilespmem:s24+$0x20];
	v11 =	vmin.f32 v19, v20  }
0x2ed: {  	v26 =	vld [tilespmem:s24+$0x30];
	v11 =	vmin.f32 v11, v21  }
0x2ee: {  	v11 =	vmin.f32 v11, v22  }
0x2ef: {  	v12 =	vmov s22;
	v11 =	vmin.f32 v11, v23  }
0x2f0: {  	vm5 =	veq.s32 v12, v2;
	v11 =	vmin.f32 v11, v24  }
0x2f1: {  	v12 =	vnsel vm5, $0x80000000, v10;
	v11 =	vmin.f32 v11, v25  }
0x2f2: {  	(xrf0) =	vmax.scan.msk.u32 $0xffff, v12;
	v11 =	vmin.f32 v11, v26  }
0x2f3: {  	(xrf0) =	vmin.scan.msk.f32 $0xffff, v11;
	_ =	sdelay $0x4  }
0x2f4: {  	v16 =	vld [tilespmem:s23+$0xFFFFFFD0];
	v27, _, _ =	vpop (xrf0)  }
0x2f5: {  	v13 =	vld [tilespmem:s23+$0xFFFFFFC0];
	v11, _, _ =	vpop (xrf0)  }
0x2f6: {  	v28 =	vbroadcast v11, $0xF;
	_ =	sdelay $0x1  }
0x2f7: {  	v11 =	vld [tilespmem:s23+$0xFFFFFFE0];
	vm5 =	veq.f32 v20, v28  }
0x2f8: {  	v14 =	vnsel vm5, $0x7FFFFFFF, v16  }
0x2f9: {  	vm6 =	vlt.s32 v13, v14  }
0x2fa: {  	v40 =	vld [tilespmem:s23+$0xFFFFFFF0];
	vm7 =	veq.f32 v19, v28;
	v15 =	vsel vm6, v13, v14  }
0x2fb: {  	v15 =	vsel vm7, v15, v14  }
0x2fc: {  	vm8 =	vlt.s32 v15, v11  }
0x2fd: {  	v41 =	vld [tilespmem:s23+$0x0];
	vm6 =	veq.f32 v21, v28;
	v17 =	vsel vm8, v15, v11  }
0x2fe: {  	v17 =	vsel vm6, v17, v15  }
0x2ff: {  	vm9 =	vlt.s32 v17, v40  }
0x300: {  	v42 =	vld [tilespmem:s23+$0x10];
	vm8 =	veq.f32 v22, v28;
	v18 =	vsel vm9, v17, v40  }
0x301: {  	v18 =	vsel vm8, v18, v17  }
0x302: {  	vm10 =	vlt.s32 v18, v41  }
0x303: {  	v43 =	vld [tilespmem:s23+$0x20];
	vm9 =	veq.f32 v23, v28;
	v29 =	vsel vm10, v18, v41  }
0x304: {  	v29 =	vsel vm9, v29, v18  }
0x305: {  	vm10 =	vlt.s32 v29, v42  }
0x306: {  	v44 =	vld [tilespmem:s23+$0x30];
	vm12 =	veq.f32 v24, v28;
	v30 =	vsel vm10, v29, v42  }
0x307: {  	v29 =	vsel vm12, v30, v29  }
0x308: {  	vm11 =	vlt.s32 v29, v43  }
0x309: {  	vm10 =	veq.f32 v25, v28;
	v30 =	vsel vm11, v29, v43  }
0x30a: {  	v29 =	vsel vm10, v30, v29  }
0x30b: {  	vm13 =	vlt.s32 v29, v44  }
0x30c: {  	vm11 =	veq.f32 v26, v28;
	v45 =	vsel vm13, v29, v44  }
0x30d: {  	v28 =	vsel vm11, v45, v29  }
0x30e: {  	v28 =	vxor.u32 $0x80000000, v28  }
0x30f: {  	(xrf0) =	vmin.scan.msk.u32 $0xffff, v28;
	_ =	sdelay $0x5  }
0x310: {  	(v2sf) =	vpush v27, $0xF;
	v46, _, _ =	vpop (xrf0)  }
0x311: {  	(v2sf) =	vpush v46, $0xF;
	_ =	sdelay $0xd  }
0x312: {  	s26 =	spop (v2sf)  }
0x313: {  	s0 =	spop (v2sf)  }
0x314: {  	s28 =	sxor.u32 $0x80000000, s0  }
0x315: {  	vm13 =	veq.s32 v13, s28  }
0x316: {  	vm7 =	vmand vm7, vm13  }
0x317: {  	v19 =	vsel vm7, $0x7149F2CA, v19;
	vm7 =	veq.s32 v16, s28  }
0x318: {  	vm13 =	veq.s32 v40, s28;
	vm5 =	vmand vm5, vm7;
	vm7 =	veq.s32 v11, s28  }
0x319: {  	v20 =	vsel vm5, $0x7149F2CA, v20;
	vm5 =	vmand vm6, vm7;
	vm6 =	vmand vm8, vm13  }
0x31a: {  	v21 =	vsel vm5, $0x7149F2CA, v21;
	v22 =	vsel vm6, $0x7149F2CA, v22;
	vm5 =	veq.s32 v41, s28  }
0x31b: {  	vm6 =	veq.s32 v42, s28;
	v47 =	vmin.f32 v19, v20;
	vm5 =	vmand vm9, vm5  }
0x31c: {  	v27 =	vmin.f32 v47, v21;
	v23 =	vsel vm5, $0x7149F2CA, v23;
	vm5 =	vmand vm12, vm6  }
0x31d: {  	v27 =	vmin.f32 v27, v22;
	v24 =	vsel vm5, $0x7149F2CA, v24;
	vm5 =	veq.s32 v43, s28  }
0x31e: {  	vm6 =	veq.s32 v44, s28;
	v27 =	vmin.f32 v27, v23;
	vm5 =	vmand vm10, vm5  }
0x31f: {  	v27 =	vmin.f32 v27, v24;
	v25 =	vsel vm5, $0x7149F2CA, v25;
	vm5 =	vmand vm11, vm6  }
0x320: {  	v26 =	vsel vm5, $0x7149F2CA, v26;
	v27 =	vmin.f32 v27, v25  }
0x321: {  	v27 =	vmin.f32 v27, v26  }
0x322: {  	(xrf0) =	vmin.scan.msk.f32 $0xffff, v27;
	_ =	sdelay $0x5  }
0x323: {  	v27, _, _ =	vpop (xrf0)  }
0x324: {  	v27 =	vbroadcast v27, $0xF;
	_ =	sdelay $0x1  }
0x325: {  	vm5 =	veq.f32 v20, v27  }
0x326: {  	v48 =	vnsel vm5, $0x7FFFFFFF, v16  }
0x327: {  	vm6 =	vlt.s32 v13, v48  }
0x328: {  	vm9 =	veq.f32 v19, v27;
	v49 =	vsel vm6, v13, v48  }
0x329: {  	v28 =	vsel vm9, v49, v48  }
0x32a: {  	vm7 =	vlt.s32 v28, v11  }
0x32b: {  	vm6 =	veq.f32 v21, v27;
	v29 =	vsel vm7, v28, v11  }
0x32c: {  	v28 =	vsel vm6, v29, v28  }
0x32d: {  	vm7 =	vlt.s32 v28, v40  }
0x32e: {  	vm10 =	veq.f32 v22, v27;
	v29 =	vsel vm7, v28, v40  }
0x32f: {  	v28 =	vsel vm10, v29, v28  }
0x330: {  	vm7 =	vlt.s32 v28, v41  }
0x331: {  	vm11 =	veq.f32 v23, v27;
	v29 =	vsel vm7, v28, v41  }
0x332: {  	v28 =	vsel vm11, v29, v28  }
0x333: {  	vm7 =	vlt.s32 v28, v42  }
0x334: {  	vm12 =	veq.f32 v24, v27;
	v29 =	vsel vm7, v28, v42  }
0x335: {  	v28 =	vsel vm12, v29, v28  }
0x336: {  	vm14 =	vlt.s32 v28, v43  }
0x337: {  	vm7 =	veq.f32 v25, v27;
	v29 =	vsel vm14, v28, v43  }
0x338: {  	v28 =	vsel vm7, v29, v28  }
0x339: {  	vm13 =	vlt.s32 v28, v44  }
0x33a: {  	vm8 =	veq.f32 v26, v27;
	v50 =	vsel vm13, v28, v44  }
0x33b: {  	v27 =	vsel vm8, v50, v28  }
0x33c: {  	v27 =	vxor.u32 $0x80000000, v27  }
0x33d: {  	(xrf0) =	vmin.scan.msk.u32 $0xffff, v27;
	_ =	sdelay $0x5  }
0x33e: {  	v27, _, _ =	vpop (xrf0)  }
0x33f: {  	(v2sf) =	vpush v27, $0xF;
	_ =	sdelay $0xe  }
0x340: {  	s10 =	spop (v2sf)  }
0x341: {  	s29 =	sxor.u32 $0x80000000, s10  }
0x342: {  	vm13 =	veq.s32 v13, s29;
	vm15 =	veq.s32 v16, s29  }
0x343: {  	vm9 =	vmand vm9, vm13;
	vm5 =	vmand vm5, vm15  }
0x344: {  	vm13 =	veq.s32 v40, s29;
	v19 =	vsel vm9, $0x7149F2CA, v19;
	vm9 =	veq.s32 v11, s29  }
0x345: {  	v20 =	vsel vm5, $0x7149F2CA, v20;
	vm5 =	vmand vm6, vm9;
	vm6 =	vmand vm10, vm13  }
0x346: {  	v51 =	vmin.f32 v19, v20;
	v21 =	vsel vm5, $0x7149F2CA, v21;
	vm5 =	veq.s32 v41, s29  }
0x347: {  	v22 =	vsel vm6, $0x7149F2CA, v22;
	vm6 =	veq.s32 v42, s29;
	vm5 =	vmand vm11, vm5  }
0x348: {  	v27 =	vmin.f32 v51, v21;
	v23 =	vsel vm5, $0x7149F2CA, v23;
	vm5 =	vmand vm12, vm6  }
0x349: {  	v27 =	vmin.f32 v27, v22;
	v24 =	vsel vm5, $0x7149F2CA, v24;
	vm5 =	veq.s32 v43, s29  }
0x34a: {  	vm6 =	veq.s32 v44, s29;
	v27 =	vmin.f32 v27, v23;
	vm5 =	vmand vm7, vm5  }
0x34b: {  	v27 =	vmin.f32 v27, v24;
	v25 =	vsel vm5, $0x7149F2CA, v25;
	vm5 =	vmand vm8, vm6  }
0x34c: {  	v26 =	vsel vm5, $0x7149F2CA, v26;
	v27 =	vmin.f32 v27, v25  }
0x34d: {  	v27 =	vmin.f32 v27, v26  }
0x34e: {  	(xrf0) =	vmin.scan.msk.f32 $0xffff, v27;
	_ =	sdelay $0x5  }
0x34f: {  	v27, _, _ =	vpop (xrf0)  }
0x350: {  	v27 =	vbroadcast v27, $0xF;
	_ =	sdelay $0x1  }
0x351: {  	vm5 =	veq.f32 v20, v27  }
0x352: {  	v52 =	vnsel vm5, $0x7FFFFFFF, v16  }
0x353: {  	vm6 =	vlt.s32 v13, v52  }
0x354: {  	vm9 =	veq.f32 v19, v27;
	v53 =	vsel vm6, v13, v52  }
0x355: {  	v28 =	vsel vm9, v53, v52  }
0x356: {  	vm7 =	vlt.s32 v28, v11  }
0x357: {  	vm6 =	veq.f32 v21, v27;
	v29 =	vsel vm7, v28, v11  }
0x358: {  	v28 =	vsel vm6, v29, v28  }
0x359: {  	vm7 =	vlt.s32 v28, v40  }
0x35a: {  	vm10 =	veq.f32 v22, v27;
	v29 =	vsel vm7, v28, v40  }
0x35b: {  	v28 =	vsel vm10, v29, v28  }
0x35c: {  	vm7 =	vlt.s32 v28, v41  }
0x35d: {  	vm11 =	veq.f32 v23, v27;
	v29 =	vsel vm7, v28, v41  }
0x35e: {  	v28 =	vsel vm11, v29, v28  }
0x35f: {  	vm7 =	vlt.s32 v28, v42  }
0x360: {  	vm12 =	veq.f32 v24, v27;
	v29 =	vsel vm7, v28, v42  }
0x361: {  	v28 =	vsel vm12, v29, v28  }
0x362: {  	vm13 =	vlt.s32 v28, v43  }
0x363: {  	vm7 =	veq.f32 v25, v27;
	v29 =	vsel vm13, v28, v43  }
0x364: {  	v28 =	vsel vm7, v29, v28  }
0x365: {  	vm13 =	vlt.s32 v28, v44  }
0x366: {  	vm8 =	veq.f32 v26, v27;
	v54 =	vsel vm13, v28, v44  }
0x367: {  	v27 =	vsel vm8, v54, v28  }
0x368: {  	v27 =	vxor.u32 $0x80000000, v27  }
0x369: {  	(xrf0) =	vmin.scan.msk.u32 $0xffff, v27;
	_ =	sdelay $0x5  }
0x36a: {  	v27, _, _ =	vpop (xrf0)  }
0x36b: {  	(v2sf) =	vpush v27, $0xF;
	_ =	sdelay $0xe  }
0x36c: {  	s11 =	spop (v2sf)  }
0x36d: {  	s30 =	sxor.u32 $0x80000000, s11  }
0x36e: {  	vm13 =	veq.s32 v13, s30;
	vm14 =	veq.s32 v16, s30  }
0x36f: {  	vm9 =	vmand vm9, vm13;
	vm5 =	vmand vm5, vm14  }
0x370: {  	vm13 =	veq.s32 v40, s30;
	v19 =	vsel vm9, $0x7149F2CA, v19;
	vm9 =	veq.s32 v11, s30  }
0x371: {  	v20 =	vsel vm5, $0x7149F2CA, v20;
	vm5 =	vmand vm6, vm9;
	vm6 =	vmand vm10, vm13  }
0x372: {  	v55 =	vmin.f32 v19, v20;
	v21 =	vsel vm5, $0x7149F2CA, v21;
	vm5 =	veq.s32 v41, s30  }
0x373: {  	v22 =	vsel vm6, $0x7149F2CA, v22;
	vm6 =	veq.s32 v42, s30;
	vm5 =	vmand vm11, vm5  }
0x374: {  	v27 =	vmin.f32 v55, v21;
	v23 =	vsel vm5, $0x7149F2CA, v23;
	vm5 =	vmand vm12, vm6  }
0x375: {  	v27 =	vmin.f32 v27, v22;
	v24 =	vsel vm5, $0x7149F2CA, v24;
	vm5 =	veq.s32 v43, s30  }
0x376: {  	vm6 =	veq.s32 v44, s30;
	v27 =	vmin.f32 v27, v23;
	vm5 =	vmand vm7, vm5  }
0x377: {  	v27 =	vmin.f32 v27, v24;
	v25 =	vsel vm5, $0x7149F2CA, v25;
	vm5 =	vmand vm8, vm6  }
0x378: {  	v26 =	vsel vm5, $0x7149F2CA, v26;
	v27 =	vmin.f32 v27, v25  }
0x379: {  	v27 =	vmin.f32 v27, v26  }
0x37a: {  	(xrf0) =	vmin.scan.msk.f32 $0xffff, v27;
	_ =	sdelay $0x5  }
0x37b: {  	v27, _, _ =	vpop (xrf0)  }
0x37c: {  	v27 =	vbroadcast v27, $0xF;
	_ =	sdelay $0x1  }
0x37d: {  	vm5 =	veq.f32 v20, v27  }
0x37e: {  	v56 =	vnsel vm5, $0x7FFFFFFF, v16  }
0x37f: {  	vm6 =	vlt.s32 v13, v56  }
0x380: {  	vm9 =	veq.f32 v19, v27;
	v57 =	vsel vm6, v13, v56  }
0x381: {  	v28 =	vsel vm9, v57, v56  }
0x382: {  	vm7 =	vlt.s32 v28, v11  }
0x383: {  	vm6 =	veq.f32 v21, v27;
	v29 =	vsel vm7, v28, v11  }
0x384: {  	v28 =	vsel vm6, v29, v28  }
0x385: {  	vm7 =	vlt.s32 v28, v40  }
0x386: {  	vm10 =	veq.f32 v22, v27;
	v29 =	vsel vm7, v28, v40  }
0x387: {  	v28 =	vsel vm10, v29, v28  }
0x388: {  	vm7 =	vlt.s32 v28, v41  }
0x389: {  	vm11 =	veq.f32 v23, v27;
	v29 =	vsel vm7, v28, v41  }
0x38a: {  	v28 =	vsel vm11, v29, v28  }
0x38b: {  	vm7 =	vlt.s32 v28, v42  }
0x38c: {  	vm12 =	veq.f32 v24, v27;
	v29 =	vsel vm7, v28, v42  }
0x38d: {  	v28 =	vsel vm12, v29, v28  }
0x38e: {  	vm15 =	vlt.s32 v28, v43  }
0x38f: {  	vm7 =	veq.f32 v25, v27;
	v29 =	vsel vm15, v28, v43  }
0x390: {  	v28 =	vsel vm7, v29, v28  }
0x391: {  	vm13 =	vlt.s32 v28, v44  }
0x392: {  	vm8 =	veq.f32 v26, v27;
	v58 =	vsel vm13, v28, v44  }
0x393: {  	v27 =	vsel vm8, v58, v28  }
0x394: {  	v27 =	vxor.u32 $0x80000000, v27  }
0x395: {  	(xrf0) =	vmin.scan.msk.u32 $0xffff, v27;
	_ =	sdelay $0x5  }
0x396: {  	v27, _, _ =	vpop (xrf0)  }
0x397: {  	(v2sf) =	vpush v27, $0xF;
	_ =	sdelay $0xe  }
0x398: {  	s13 =	spop (v2sf)  }
0x399: {  	s31 =	sxor.u32 $0x80000000, s13  }
0x39a: {  	vm13 =	veq.s32 v13, s31  }
0x39b: {  	vm9 =	vmand vm9, vm13  }
0x39c: {  	vm13 =	veq.s32 v16, s31;
	v19 =	vsel vm9, $0x7149F2CA, v19  }
0x39d: {  	vm5 =	vmand vm5, vm13;
	vm9 =	veq.s32 v11, s31;
	vm13 =	veq.s32 v40, s31  }
0x39e: {  	v20 =	vsel vm5, $0x7149F2CA, v20;
	vm5 =	vmand vm6, vm9;
	vm6 =	vmand vm10, vm13  }
0x39f: {  	v21 =	vsel vm5, $0x7149F2CA, v21;
	v22 =	vsel vm6, $0x7149F2CA, v22;
	vm5 =	veq.s32 v41, s31  }
0x3a0: {  	vm6 =	veq.s32 v42, s31;
	v59 =	vmin.f32 v19, v20;
	vm5 =	vmand vm11, vm5  }
0x3a1: {  	v27 =	vmin.f32 v59, v21;
	v23 =	vsel vm5, $0x7149F2CA, v23;
	vm5 =	vmand vm12, vm6  }
0x3a2: {  	v27 =	vmin.f32 v27, v22;
	v24 =	vsel vm5, $0x7149F2CA, v24;
	vm5 =	veq.s32 v43, s31  }
0x3a3: {  	vm6 =	veq.s32 v44, s31;
	v27 =	vmin.f32 v27, v23;
	vm5 =	vmand vm7, vm5  }
0x3a4: {  	v27 =	vmin.f32 v27, v24;
	v25 =	vsel vm5, $0x7149F2CA, v25;
	vm5 =	vmand vm8, vm6  }
0x3a5: {  	v26 =	vsel vm5, $0x7149F2CA, v26;
	v27 =	vmin.f32 v27, v25  }
0x3a6: {  	v27 =	vmin.f32 v27, v26  }
0x3a7: {  	(xrf0) =	vmin.scan.msk.f32 $0xffff, v27;
	_ =	sdelay $0x5  }
0x3a8: {  	v27, _, _ =	vpop (xrf0)  }
0x3a9: {  	v27 =	vbroadcast v27, $0xF;
	_ =	sdelay $0x1  }
0x3aa: {  	vm5 =	veq.f32 v20, v27  }
0x3ab: {  	v60 =	vnsel vm5, $0x7FFFFFFF, v16  }
0x3ac: {  	vm6 =	vlt.s32 v13, v60  }
0x3ad: {  	vm9 =	veq.f32 v19, v27;
	v61 =	vsel vm6, v13, v60  }
0x3ae: {  	v28 =	vsel vm9, v61, v60  }
0x3af: {  	vm7 =	vlt.s32 v28, v11  }
0x3b0: {  	vm6 =	veq.f32 v21, v27;
	v29 =	vsel vm7, v28, v11  }
0x3b1: {  	v28 =	vsel vm6, v29, v28  }
0x3b2: {  	vm7 =	vlt.s32 v28, v40  }
0x3b3: {  	vm10 =	veq.f32 v22, v27;
	v29 =	vsel vm7, v28, v40  }
0x3b4: {  	v28 =	vsel vm10, v29, v28  }
0x3b5: {  	vm7 =	vlt.s32 v28, v41  }
0x3b6: {  	vm11 =	veq.f32 v23, v27;
	v29 =	vsel vm7, v28, v41  }
0x3b7: {  	v28 =	vsel vm11, v29, v28  }
0x3b8: {  	vm7 =	vlt.s32 v28, v42  }
0x3b9: {  	vm12 =	veq.f32 v24, v27;
	v29 =	vsel vm7, v28, v42  }
0x3ba: {  	v28 =	vsel vm12, v29, v28  }
0x3bb: {  	vm14 =	vlt.s32 v28, v43  }
0x3bc: {  	vm7 =	veq.f32 v25, v27;
	v29 =	vsel vm14, v28, v43  }
0x3bd: {  	v28 =	vsel vm7, v29, v28  }
0x3be: {  	vm13 =	vlt.s32 v28, v44  }
0x3bf: {  	vm8 =	veq.f32 v26, v27;
	v62 =	vsel vm13, v28, v44  }
0x3c0: {  	v27 =	vsel vm8, v62, v28  }
0x3c1: {  	v27 =	vxor.u32 $0x80000000, v27  }
0x3c2: {  	(xrf0) =	vmin.scan.msk.u32 $0xffff, v27;
	_ =	sdelay $0x5  }
0x3c3: {  	v27, _, _ =	vpop (xrf0)  }
0x3c4: {  	(v2sf) =	vpush v27, $0xF;
	_ =	sdelay $0xe  }
0x3c5: {  	s18 =	spop (v2sf)  }
0x3c6: {  	s0 =	sxor.u32 $0x80000000, s18  }
0x3c7: {  	vm13 =	veq.s32 v13, s0;
	vm15 =	veq.s32 v16, s0  }
0x3c8: {  	vm9 =	vmand vm9, vm13;
	vm5 =	vmand vm5, vm15  }
0x3c9: {  	vm13 =	veq.s32 v40, s0;
	v19 =	vsel vm9, $0x7149F2CA, v19;
	vm9 =	veq.s32 v11, s0  }
0x3ca: {  	v20 =	vsel vm5, $0x7149F2CA, v20;
	vm5 =	vmand vm6, vm9;
	vm6 =	vmand vm10, vm13  }
0x3cb: {  	v63 =	vmin.f32 v19, v20;
	v21 =	vsel vm5, $0x7149F2CA, v21;
	vm5 =	veq.s32 v41, s0  }
0x3cc: {  	v22 =	vsel vm6, $0x7149F2CA, v22;
	vm6 =	veq.s32 v42, s0;
	vm5 =	vmand vm11, vm5  }
0x3cd: {  	v27 =	vmin.f32 v63, v21;
	v23 =	vsel vm5, $0x7149F2CA, v23;
	vm5 =	vmand vm12, vm6  }
0x3ce: {  	v27 =	vmin.f32 v27, v22;
	v24 =	vsel vm5, $0x7149F2CA, v24;
	vm5 =	veq.s32 v43, s0  }
0x3cf: {  	vm6 =	veq.s32 v44, s0;
	v27 =	vmin.f32 v27, v23;
	vm5 =	vmand vm7, vm5  }
0x3d0: {  	v27 =	vmin.f32 v27, v24;
	v25 =	vsel vm5, $0x7149F2CA, v25;
	vm5 =	vmand vm8, vm6  }
0x3d1: {  	v26 =	vsel vm5, $0x7149F2CA, v26;
	v27 =	vmin.f32 v27, v25  }
0x3d2: {  	v27 =	vmin.f32 v27, v26  }
0x3d3: {  	(xrf0) =	vmin.scan.msk.f32 $0xffff, v27;
	_ =	sdelay $0x5  }
0x3d4: {  	v27, _, _ =	vpop (xrf0)  }
0x3d5: {  	v27 =	vbroadcast v27, $0xF;
	_ =	sdelay $0x1  }
0x3d6: {  	vm5 =	veq.f32 v20, v27  }
0x3d7: {  	v16 =	vnsel vm5, $0x7FFFFFFF, v16  }
0x3d8: {  	vm5 =	vlt.s32 v13, v16  }
0x3d9: {  	vm6 =	veq.f32 v19, v27;
	v13 =	vsel vm5, v13, v16  }
0x3da: {  	v13 =	vsel vm6, v13, v16  }
0x3db: {  	vm5 =	vlt.s32 v13, v11  }
0x3dc: {  	vm6 =	veq.f32 v21, v27;
	v11 =	vsel vm5, v13, v11  }
0x3dd: {  	v11 =	vsel vm6, v11, v13  }
0x3de: {  	vm5 =	vlt.s32 v11, v40  }
0x3df: {  	vm6 =	veq.f32 v22, v27;
	v12 =	vsel vm5, v11, v40  }
0x3e0: {  	v11 =	vsel vm6, v12, v11  }
0x3e1: {  	vm5 =	vlt.s32 v11, v41  }
0x3e2: {  	vm6 =	veq.f32 v23, v27;
	v12 =	vsel vm5, v11, v41  }
0x3e3: {  	v11 =	vsel vm6, v12, v11  }
0x3e4: {  	vm5 =	vlt.s32 v11, v42  }
0x3e5: {  	vm6 =	veq.f32 v24, v27;
	v12 =	vsel vm5, v11, v42  }
0x3e6: {  	v11 =	vsel vm6, v12, v11  }
0x3e7: {  	vm5 =	vlt.s32 v11, v43  }
0x3e8: {  	vm6 =	veq.f32 v25, v27;
	v12 =	vsel vm5, v11, v43  }
0x3e9: {  	v11 =	vsel vm6, v12, v11  }
0x3ea: {  	vm5 =	vlt.s32 v11, v44  }
0x3eb: {  	vm6 =	veq.f32 v26, v27;
	v12 =	vsel vm5, v11, v44  }
0x3ec: {  	v11 =	vsel vm6, v12, v11  }
0x3ed: {  	v11 =	vxor.u32 $0x80000000, v11  }
0x3ee: {  	(xrf0) =	vmin.scan.msk.u32 $0xffff, v11;
	_ =	sdelay $0x5  }
0x3ef: {  	v11, _, _ =	vpop (xrf0)  }
0x3f0: {  	(v2sf) =	vpush v11, $0xF;
	_ =	sdelay $0xa  }
0x3f1: {  	s1 =	sxor.u32 $0x80000000, s26;
	v11 =	vmov s28  }
0x3f2: {  	v11 =	vsel vm0, s1, v11  }
0x3f3: {  	v11 =	vnsel vm1, s29, v11  }
0x3f4: {  	v11 =	vnsel vm2, s30, v11  }
0x3f5: {  	v11 =	vnsel vm3, s31, v11;
	s30 =	spop (v2sf)  }
0x3f6: {  	vm5 =	veq.s32 v2, $0x6;
	v11 =	vnsel vm4, s0, v11;
	s31 =	sxor.u32 $0x80000000, s30  }
0x3f7: {  	v11 =	vsel vm5, s31, v11;
	_ =	sdelay $0x3  }
0x3f8: {  	vm5 =	vmmov $0xffff  }
0x3f9: {  	[tilespmem:s19], [sflag:$0x3] =	stream.indirect_vreg.gather [hbm4b:s2+s3], $0x80, v11, vm5, $0xb8;
	[tilespmem:$0x7180] =	vst v63  }
0x3fa: {  	_ =	swait.ge [sflag:s20], $0x800  }
0x3fb: {  	p0 =	sne.s32 s22, $0xF;
	[sflag:s20] =	ssyncset.done $0x0  }
.Ltmp16:
0x3fc: {  	[sflag:s20] =	ssyncadd.s32 $0xFFFFF800;
	(pc) =	sbr.rel @p0 .LBB2_34-.Ltmp16, $4  }
0x3fd: {  	[hbm4b:s25+s3] =	stream.linear.scatter [tilespmem:s19], [sflag:$0x4], $0x400, $0x38;
	[tilespmem:$0x7180] =	vst v63  }
0x3fe: {  	_ =	swait.ge [sflag:s14], $0x400  }
0x3ff: {  	s24 =	sadd.s32 $0x80, s24;
	s22 =	sadd.s32 $0x1, s22;
	[sflag:s14] =	ssyncset.done $0x0  }
0x400: {  	s23 =	sadd.s32 $0x80, s23;
	s25 =	sadd.s32 $0x80, s25;
	[sflag:s14] =	ssyncadd.s32 $0xFFFFFC00  }
0x401: {  	s21 =	sadd.s32 $0x1, s21;
	s0 =	rddreg [dreg:$0x6]  }
0x402: {  	p0 =	sne.s32 s21, s0  }
.Ltmp17:
0x403: {  	_ = 	snop;
	(pc) =	sbr.rel @p0 .LBB2_1-.Ltmp17, $1  }
0x404: {  	_ =	sdelay $0x3  }
0x405: {  	_ =	sfence.sel $0x180000  }
0x406: {  	[bflag:$0x0] =	sbarrier.arrive $0xFFFF  }
0x407: {  	_ =	strace $0x90000047  }
0x408: {  	s0 =	stileid.u32;
	[bflag:$0x2] =	sbarrier.arrive $0xFFFF  }
0x409: {  	p0 =	sne.s32 s0, $0x0;
	s0 =	rddreg [dreg:$0x2]  }
0x40a: {  	s0 =	sadd.s32 @!p0 $0x100000, s0  }
0x40b: {  	[sflag:s0] =	ssyncadd.tile.s32 @!p0 $0x1;
	_ =	shalt  }
.Lfunc_end2:
_tile_overlayer_lowered:
.L_overlay_start_2:
0x40c: {  	(tag) =	ssettag $0x2  }
0x40d: {  	s0 =	rddreg [dreg:$0x0];
	s2 =	stileid.u32  }
0x40e: {  	s1 =	rddreg [dreg:$0x1];
	p0 =	sne.s32 s2, $0x0  }
0x40f: {  	s3 =	rddreg [dreg:$0x2];
	[bflag:$0x3] =	sbarrier.arrive $0xFFFF;
	s2 =	simm.s32 @!p0 $0x1C04  }
0x410: {  	[timem:s3], [sflag:s2] =	dma.local @!p0 [hbm:s0], s1  }
0x411: {  	s0 =	simm.s32 @!p0 $0x4  }
0x412: {  	_ =	swait.ge @!p0 [sflag:s0], s1  }
0x413: {  	s1 =	ssub.s32 @!p0 $0x0, s1;
	[sflag:s0] =	ssyncset.done @!p0 $0x0  }
0x414: {  	[sflag:s0] =	ssyncadd.s32 @!p0 s1  }
0x415: {  	[bflag:$0x3] =	sbarrier.arrive $0xFFFF  }
0x416: {  	_ =	shalt  }

</sc_bundles>
